<compile_context>
chip_gen: v7x
topology: tpu7x:2x2x1
jax: 0.10.2.dev20260603
libtpu: 0.0.44.dev20260713+nightly
codegen_flags: <defaults>
</compile_context>

<pallas_src>
import functools

import jax
import jax.numpy as jnp
from jax import lax
from jax.experimental import pallas as pl
from jax.experimental.pallas import tpu as pltpu
from jax.experimental.pallas import tpu_sc as plsc

L_COORD = 5.0
L_NOOBJ = 0.5
BS = 64
GRIDS = 14
NCELL = GRIDS * GRIDS
CPAD = 208
NCHUNK = CPAD // 16
MAXOBJ = 16
NCLS = 20

PRED_W = NCELL * 30
TGT_W = MAXOBJ * 5
CONF_W = 10 * CPAD
CLC_W = NCLS * CPAD
NSLOT = 8


def _nsqrt(x):
    i = plsc.bitcast(x, jnp.int32)
    i = 0x5F3759DF - lax.shift_right_logical(i, 1)
    y = plsc.bitcast(i, jnp.float32)
    xh = x * 0.5
    for _ in range(3):
        y = y * (1.5 - ((xh * y) * y))
    return x * y


def _sc_body(pred_hbm, tgt_hbm, out_hbm, pred_v0, pred_v1, tgt_v0, tgt_v1,
             conf_v, clc_v, cellid_v, out_v, sem0, sem1, sem2, sem3):
    cid = lax.axis_index("c")
    sid = lax.axis_index("s")
    wid = sid * 2 + cid
    lanes = lax.iota(jnp.int32, 16)
    zeros16 = jnp.zeros((16,), jnp.float32)
    ones16 = jnp.ones((16,), jnp.float32)

    acc = [zeros16] * NSLOT

    preds = (pred_v0, pred_v1)
    tgts = (tgt_v0, tgt_v1)
    sems = ((sem0, sem1), (sem2, sem3))
    handles = []
    for s in range(2):
        b = wid * 2 + s
        handles.append((
            pltpu.async_copy(pred_hbm.at[b], preds[s], sems[s][0]),
            pltpu.async_copy(tgt_hbm.at[b], tgts[s], sems[s][1]),
        ))

    def zero_conf(i, _):
        conf_v[pl.ds(i * 16, 16)] = zeros16
        return 0

    def zero_clc(i, _):
        clc_v[pl.ds(i * 16, 16)] = zeros16
        return 0

    lax.fori_loop(0, CONF_W // 16, zero_conf, 0, unroll=8)
    lax.fori_loop(0, CLC_W // 16, zero_clc, 0, unroll=8)

    for s in range(2):
        pred_v = preds[s]
        tgt_v = tgts[s]
        handles[s][0].wait()
        handles[s][1].wait()

        def tcol(c):
            return plsc.load_gather(tgt_v, [lanes * 5 + c])

        x1, y1, x2, y2, clsf = tcol(0), tcol(1), tcol(2), tcol(3), tcol(4)
        valid = (x1 + y1 + x2 + y2 + clsf) != 0.0
        cx = (x1 + x2) * 0.5
        cy = (y1 + y2) * 0.5
        w = x2 - x1
        h = y2 - y1
        cxg = cx * float(GRIDS)
        cyg = cy * float(GRIDS)
        gx = cxg.astype(jnp.int32)
        gy = cyg.astype(jnp.int32)
        offx = cxg - gx.astype(jnp.float32)
        offy = cyg - gy.astype(jnp.float32)
        cell = gy * GRIDS + gx

        def grow(c):
            return plsc.load_gather(pred_v, [cell * 30 + c])

        tx1 = offx / float(GRIDS) - 0.5 * w
        ty1 = offy / float(GRIDS) - 0.5 * h
        tx2 = offx / float(GRIDS) + 0.5 * w
        ty2 = offy / float(GRIDS) + 0.5 * h
        area2 = (tx2 - tx1) * (ty2 - ty1)
        ious = []
        for a in (0, 1):
            px = grow(1 + 5 * a)
            py = grow(2 + 5 * a)
            pw = grow(3 + 5 * a)
            ph = grow(4 + 5 * a)
            bx1 = px / float(GRIDS) - 0.5 * pw
            by1 = py / float(GRIDS) - 0.5 * ph
            bx2 = px / float(GRIDS) + 0.5 * pw
            by2 = py / float(GRIDS) + 0.5 * ph
            ltx = jnp.maximum(bx1, tx1)
            lty = jnp.maximum(by1, ty1)
            rbx = jnp.minimum(bx2, tx2)
            rby = jnp.minimum(by2, ty2)
            iw = jnp.maximum(rbx - ltx, 0.0)
            ih = jnp.maximum(rby - lty, 0.0)
            inter = iw * ih
            area1 = (bx2 - bx1) * (by2 - by1)
            ious.append(inter / (area1 + area2 - inter))
        mi = (ious[1] > ious[0]).astype(jnp.int32)
        chbase = mi * 5
        clsi = clsf.astype(jnp.int32)
        vals = (ones16, offx, offy, w, h)
        for j in range(MAXOBJ):
            mj = valid & (lanes == j)
            for c in range(5):
                plsc.store_scatter(conf_v, [(chbase + c) * CPAD + cell],
                                   vals[c], mask=mj)
            plsc.store_scatter(clc_v, [clsi * CPAD + cell], ones16, mask=mj)
            plsc.store_scatter(cellid_v, [cell], lanes, mask=mj)

        def chunk(k, carry):
            a_noobj, a_nsum = carry
            cells = k * 16 + lanes
            cmask = (cells < NCELL).astype(jnp.float32)
            pc30 = jnp.minimum(cells, NCELL - 1) * 30
            off = k * 16
            g0 = conf_v[pl.ds(off, 16)]
            g5 = conf_v[pl.ds(5 * CPAD + off, 16)]
            nmask = ((g0 + g5) == 0.0).astype(jnp.float32) * cmask
            d0 = plsc.load_gather(pred_v, [pc30]) - g0
            d5 = plsc.load_gather(pred_v, [pc30 + 5]) - g5
            a_nsum = a_nsum + nmask
            a_noobj = a_noobj + nmask * (d0 * d0 + d5 * d5)
            return (a_noobj, a_nsum)

        acc[0], acc[5] = lax.fori_loop(0, NCHUNK, chunk, (acc[0], acc[5]),
                                       unroll=13)

        cell30 = cell * 30
        wlast = plsc.load_gather(cellid_v, [cell])
        uniq = valid & (wlast == lanes)
        g = [plsc.load_gather(conf_v, [r * CPAD + cell]) for r in range(10)]
        omf = (uniq & ((g[0] + g[5]) == 1.0)).astype(jnp.float32)
        acc[6] = acc[6] + omf

        def p(c):
            return plsc.load_gather(pred_v, [cell30 + c])

        csum = zeros16
        for r in range(NCLS):
            cr = plsc.load_gather(clc_v, [r * CPAD + cell])
            d = p(10 + r) - cr
            csum = csum + d * d
        acc[1] = acc[1] + omf * csum
        asum0 = g[0] + g[1] + g[2] + g[3] + g[4]
        asum1 = g[5] + g[6] + g[7] + g[8] + g[9]
        sel0 = omf * (asum0 != 0.0).astype(jnp.float32)
        sel1 = omf * (asum1 != 0.0).astype(jnp.float32)
        acc[7] = acc[7] + sel0 + sel1
        d0 = p(0) - g[0]
        d5 = p(5) - g[5]
        acc[2] = acc[2] + sel0 * (d0 * d0) + sel1 * (d5 * d5)
        dx0 = p(1) - g[1]
        dy0 = p(2) - g[2]
        dx1 = p(6) - g[6]
        dy1 = p(7) - g[7]
        acc[3] = (acc[3] + sel0 * (dx0 * dx0 + dy0 * dy0)
                  + sel1 * (dx1 * dx1 + dy1 * dy1))
        pw0, ph0, pw1, ph1 = p(3), p(4), p(8), p(9)
        acc[4] = (acc[4]
                  + sel0 * (pw0 + g[3] - 2.0 * _nsqrt(pw0 * g[3])
                            + ph0 + g[4] - 2.0 * _nsqrt(ph0 * g[4]))
                  + sel1 * (pw1 + g[8] - 2.0 * _nsqrt(pw1 * g[8])
                            + ph1 + g[9] - 2.0 * _nsqrt(ph1 * g[9])))

        if s == 0:
            for c in range(5):
                plsc.store_scatter(conf_v, [(chbase + c) * CPAD + cell],
                                   zeros16, mask=valid)
            plsc.store_scatter(clc_v, [clsi * CPAD + cell], zeros16,
                               mask=valid)

    for r in range(NSLOT):
        out_v[pl.ds(r * 16, 16)] = acc[r]
    pltpu.sync_copy(out_v, out_hbm.at[wid])


_sc_call = functools.partial(
    pl.kernel,
    mesh=plsc.VectorSubcoreMesh(core_axis_name="c", subcore_axis_name="s"),
    compiler_params=pltpu.CompilerParams(needs_layout_passes=False),
    out_type=[jax.ShapeDtypeStruct((32, NSLOT * 16), jnp.float32)],
    scratch_types=[
        pltpu.VMEM((PRED_W,), jnp.float32),
        pltpu.VMEM((PRED_W,), jnp.float32),
        pltpu.VMEM((TGT_W,), jnp.float32),
        pltpu.VMEM((TGT_W,), jnp.float32),
        pltpu.VMEM((CONF_W,), jnp.float32),
        pltpu.VMEM((CLC_W,), jnp.float32),
        pltpu.VMEM((CPAD,), jnp.int32),
        pltpu.VMEM((NSLOT * 16,), jnp.float32),
        pltpu.SemaphoreType.DMA,
        pltpu.SemaphoreType.DMA,
        pltpu.SemaphoreType.DMA,
        pltpu.SemaphoreType.DMA,
    ],
)(_sc_body)


def _final_body(part_ref, out_ref):
    x = part_ref[...]
    n = [jnp.sum(x[:, i, :]) for i in range(NSLOT)]
    noobj, clc, objconf, xy, wh, nsum, osum, ssum = n
    loss = (L_COORD * (xy / (ssum * 2.0) + wh / (ssum * 2.0))
            + objconf / ssum + L_NOOBJ * (noobj / (nsum * 2.0))
            + clc / (osum * float(NCLS)))
    out_ref[...] = jnp.full((1, 1), loss, jnp.float32)


_final_call = pl.pallas_call(
    _final_body,
    out_shape=jax.ShapeDtypeStruct((1, 1), jnp.float32),
)


def kernel(pred, target):
    pred = jnp.asarray(pred, jnp.float32)
    target = jnp.asarray(target, jnp.float32)
    pred_flat = pred.reshape(BS, PRED_W)
    tgt_flat = target.reshape(BS, TGT_W)
    (part,) = _sc_call(pred_flat, tgt_flat)
    out = _final_call(part.reshape(32, NSLOT, 16))
    return out[0, 0]

# --- scband reference (transcript-rebuilt; emitter-appended) ---
"""Pipeline reference for scband-yolo-loss-16930761081398 (READ-ONLY COPY).

The authoritative reference and input builder live on the scoring server;
editing this copy changes nothing except your own understanding.
"""

import jax, jax.numpy as jnp
import numpy as np

L_COORD = 5.0
L_NOOBJ = 0.5
BS = 64
GRIDS = 14
MAXOBJ = 16


def _batch_iou(box1, box2):
    lt = jnp.maximum(box1[:, None, :2], box2[None, :, :2])
    rb = jnp.minimum(box1[:, None, 2:], box2[None, :, 2:])
    wh = jnp.maximum(rb - lt, 0.0)
    inter = wh[:, :, 0] * wh[:, :, 1]
    area1 = (box1[:, 2] - box1[:, 0]) * (box1[:, 3] - box1[:, 1])
    area2 = (box2[:, 2] - box2[:, 0]) * (box2[:, 3] - box2[:, 1])
    return inter / (area1[:, None] + area2[None, :] - inter)


def _build_target(target, predc_in, grids):
    bs = target.shape[0]
    nobj = target.shape[1]
    confxywh0 = jnp.zeros((bs, 2, grids, grids, 5), jnp.float32)
    clcgt0 = jnp.zeros((bs, grids, grids, 20), jnp.float32)
    predc = predc_in.reshape(bs, grids, grids, 2, 5).transpose(0, 3, 1, 2, 4)

    def body(i, carry):
        confxywh, clcgt = carry
        b = i // nobj
        j = i % nobj
        gt = target[b, j]
        valid = gt.sum() != 0
        x1, y1, x2, y2, cls = gt[0], gt[1], gt[2], gt[3], gt[4]
        cx = (x1 + x2) / 2.0
        cy = (y1 + y2) / 2.0
        w = x2 - x1
        h = y2 - y1
        cxg = grids * cx
        cyg = grids * cy
        gx = jnp.floor(cxg).astype(jnp.int32)
        gy = jnp.floor(cyg).astype(jnp.int32)
        offx = cxg - gx
        offy = cyg - gy
        pred_box = predc[b, :, gy, gx][:, 1:]
        pxy = jnp.concatenate(
            [
                pred_box[:, :2] / float(grids) - 0.5 * pred_box[:, 2:4],
                pred_box[:, :2] / float(grids) + 0.5 * pred_box[:, 2:4],
            ],
            axis=1,
        )
        txy = jnp.stack(
            [
                offx / float(grids) - 0.5 * w,
                offy / float(grids) - 0.5 * h,
                offx / float(grids) + 0.5 * w,
                offy / float(grids) + 0.5 * h,
            ]
        )[None, :].astype(jnp.float32)
        iou = _batch_iou(pxy, txy)[:, 0]
        mi = jnp.argmax(iou).astype(jnp.int32)
        vec = jnp.stack([jnp.asarray(1.0, jnp.float32), offx, offy, w, h]).astype(jnp.float32)
        cls_i = cls.astype(jnp.int32)
        conf_new = confxywh.at[b, mi, gy, gx].set(vec)
        clc_new = clcgt.at[b, gy, gx, cls_i].set(1.0)
        confxywh = jnp.where(valid, conf_new, confxywh)
        clcgt = jnp.where(valid, clc_new, clcgt)
        return confxywh, clcgt

    confxywh, clcgt = jax.lax.fori_loop(0, bs * nobj, body, (confxywh0, clcgt0))
    return confxywh, clcgt


def setup_inputs(seed: int = 0):
    key = jax.random.key(seed)
    k1, k2, k3, k4, k5 = jax.random.split(key, 5)
    pred = jax.random.uniform(k1, (BS, GRIDS, GRIDS, 30), dtype=jnp.float32, minval=0.05, maxval=0.95)
    cx = jax.random.uniform(k2, (BS, MAXOBJ), dtype=jnp.float32, minval=0.2, maxval=0.8)
    cy = jax.random.uniform(k3, (BS, MAXOBJ), dtype=jnp.float32, minval=0.2, maxval=0.8)
    w = jax.random.uniform(k4, (BS, MAXOBJ), dtype=jnp.float32, minval=0.05, maxval=0.3)
    h = jax.random.uniform(k5, (BS, MAXOBJ), dtype=jnp.float32, minval=0.05, maxval=0.3)
    cls = jax.random.randint(jax.random.fold_in(key, 7), (BS, MAXOBJ), 0, 20).astype(jnp.float32)
    x1 = cx - w / 2
    y1 = cy - h / 2
    x2 = cx + w / 2
    y2 = cy + h / 2
    tgt = jnp.stack([x1, y1, x2, y2, cls], axis=-1)
    nobj = jax.random.randint(jax.random.fold_in(key, 11), (BS,), 1, MAXOBJ + 1)
    valid = (jnp.arange(MAXOBJ)[None, :] < nobj[:, None]).astype(jnp.float32)[..., None]
    target = tgt * valid
    return {"pred": pred, "target": target}


def reference(pred, target):
    pred = jnp.asarray(pred)
    target = jnp.asarray(target)
    bs = pred.shape[0]
    grids = pred.shape[2]
    confxywh, clcgt = _build_target(target, pred[..., :10], grids)

    pred_cxywh = pred[..., :10].reshape(bs, grids, grids, 2, 5).transpose(0, 3, 1, 2, 4)
    pred_cls = pred[..., 10:]
    ncls = pred_cls.shape[-1]

    conf_sum = confxywh[:, 0, :, :, 0] + confxywh[:, 1, :, :, 0]
    objMask = conf_sum == 1
    noobjMask = conf_sum == 0
    noobjMask2 = jnp.repeat(noobjMask[:, None], 2, axis=1)
    objMask2 = jnp.repeat(objMask[:, None], 2, axis=1)

    nmask = noobjMask2.astype(jnp.float32)
    ncount = nmask.sum()
    noobj_loss = (nmask * (pred_cxywh[..., 0] - confxywh[..., 0]) ** 2).sum() / ncount

    omask = objMask.astype(jnp.float32)
    ocount = omask.sum()
    loss_clc = (omask[..., None] * (pred_cls - clcgt) ** 2).sum() / (ocount * ncls)

    sel_mask = (objMask2 & (confxywh.sum(axis=-1) != 0)).astype(jnp.float32)
    scount = sel_mask.sum()
    objconf_loss = (sel_mask * (pred_cxywh[..., 0] - confxywh[..., 0]) ** 2).sum() / scount
    loss_xy = (sel_mask[..., None] * (pred_cxywh[..., 1:3] - confxywh[..., 1:3]) ** 2).sum() / (scount * 2)
    loss_wh = (sel_mask[..., None] * (jnp.sqrt(pred_cxywh[..., 3:5]) - jnp.sqrt(confxywh[..., 3:5])) ** 2).sum() / (scount * 2)

    loss = L_COORD * (loss_xy + loss_wh) + objconf_loss + L_NOOBJ * noobj_loss + loss_clc
    return loss

if __name__ == "__main__":
    import jax
    _d = setup_inputs()
    print(jax.jit(kernel)(*tuple(_d.values())))

</pallas_src>

<mosaic_0001>
#map = affine_map<(d0, d1) -> (0, 0)>
module attributes {stable_mosaic.version = 14 : i64} {
  func.func @_sc_body(%arg0: i32, %arg1: i32, %arg2: memref<64x5880xf32, #tpu.memory_space<hbm>>, %arg3: memref<64x80xf32, #tpu.memory_space<hbm>>, %arg4: memref<32x128xf32, #tpu.memory_space<hbm>>, %arg5: memref<5880xf32, #tpu.memory_space<vmem>>, %arg6: memref<5880xf32, #tpu.memory_space<vmem>>, %arg7: memref<80xf32, #tpu.memory_space<vmem>>, %arg8: memref<80xf32, #tpu.memory_space<vmem>>, %arg9: memref<2080xf32, #tpu.memory_space<vmem>>, %arg10: memref<4160xf32, #tpu.memory_space<vmem>>, %arg11: memref<208xi32, #tpu.memory_space<vmem>>, %arg12: memref<128xf32, #tpu.memory_space<vmem>>, %arg13: memref<!tpu.dma_semaphore, #tpu.memory_space<semaphore_mem>>, %arg14: memref<!tpu.dma_semaphore, #tpu.memory_space<semaphore_mem>>, %arg15: memref<!tpu.dma_semaphore, #tpu.memory_space<semaphore_mem>>, %arg16: memref<!tpu.dma_semaphore, #tpu.memory_space<semaphore_mem>>) attributes {dimension_semantics = [#tpu.dimension_semantics<core_parallel>, #tpu.dimension_semantics<subcore_parallel>], iteration_bounds = array<i64: 2, 16>, scalar_prefetch = 0 : i64, scratch_operands = 12 : i64, tpu.core_type = #tpu.core_type<sc_vector_subcore>, window_params = [{transform_indices = #map}, {transform_indices = #map}, {transform_indices = #map}]} {
    %mul3A = arith.constant 2 : i32
    %mul3A_0 = arith.muli %arg1, %mul3A : i32
    %add3A = arith.addi %mul3A_0, %arg0 : i32
    %iota3A = tpu.iota {dimensions = array<i32: 0>} : vector<16xi32>
    %broadcast_in_dim3A = arith.constant 0.000000e+00 : f32
    %broadcast_in_dim3A_1 = vector.broadcast %broadcast_in_dim3A : f32 to vector<16xf32>
    %broadcast_in_dim3A_2 = arith.constant 1.000000e+00 : f32
    %broadcast_in_dim3A_3 = vector.broadcast %broadcast_in_dim3A_2 : f32 to vector<16xf32>
    %mul3A_4 = arith.constant 2 : i32
    %mul3A_5 = arith.muli %add3A, %mul3A_4 : i32
    %add3A_6 = arith.constant 0 : i32
    %add3A_7 = arith.addi %mul3A_5, %add3A_6 : i32
    %dma_start3A = arith.constant 0 : i32
    %dma_start3A_8 = tpu.memref_slice %arg2[%add3A_7, %dma_start3A] : memref<64x5880xf32, #tpu.memory_space<hbm>> -> memref<1x5880xf32, #tpu.memory_space<hbm>>
    %dma_start3A_9 = tpu.memref_squeeze %dma_start3A_8 : memref<1x5880xf32, #tpu.memory_space<hbm>> -> memref<5880xf32, #tpu.memory_space<hbm>>
    %dma_start3A_10 = arith.constant 0 : i32
    %dma_start3A_11 = tpu.memref_slice %arg2[%add3A_7, %dma_start3A_10] : memref<64x5880xf32, #tpu.memory_space<hbm>> -> memref<1x5880xf32, #tpu.memory_space<hbm>>
    %dma_start3A_12 = tpu.memref_squeeze %dma_start3A_11 : memref<1x5880xf32, #tpu.memory_space<hbm>> -> memref<5880xf32, #tpu.memory_space<hbm>>
    tpu.enqueue_dma source(%dma_start3A_12 : memref<5880xf32, #tpu.memory_space<hbm>>) target(%arg5 : memref<5880xf32, #tpu.memory_space<vmem>>) target_semaphore(%arg13 : memref<!tpu.dma_semaphore, #tpu.memory_space<semaphore_mem>>)
    %dma_start3A_13 = arith.constant 0 : i32
    %dma_start3A_14 = tpu.memref_slice %arg3[%add3A_7, %dma_start3A_13] : memref<64x80xf32, #tpu.memory_space<hbm>> -> memref<1x80xf32, #tpu.memory_space<hbm>>
    %dma_start3A_15 = tpu.memref_squeeze %dma_start3A_14 : memref<1x80xf32, #tpu.memory_space<hbm>> -> memref<80xf32, #tpu.memory_space<hbm>>
    %dma_start3A_16 = arith.constant 0 : i32
    %dma_start3A_17 = tpu.memref_slice %arg3[%add3A_7, %dma_start3A_16] : memref<64x80xf32, #tpu.memory_space<hbm>> -> memref<1x80xf32, #tpu.memory_space<hbm>>
    %dma_start3A_18 = tpu.memref_squeeze %dma_start3A_17 : memref<1x80xf32, #tpu.memory_space<hbm>> -> memref<80xf32, #tpu.memory_space<hbm>>
    tpu.enqueue_dma source(%dma_start3A_18 : memref<80xf32, #tpu.memory_space<hbm>>) target(%arg7 : memref<80xf32, #tpu.memory_space<vmem>>) target_semaphore(%arg14 : memref<!tpu.dma_semaphore, #tpu.memory_space<semaphore_mem>>)
    %mul3A_19 = arith.constant 2 : i32
    %mul3A_20 = arith.muli %add3A, %mul3A_19 : i32
    %add3A_21 = arith.constant 1 : i32
    %add3A_22 = arith.addi %mul3A_20, %add3A_21 : i32
    %dma_start3A_23 = arith.constant 0 : i32
    %dma_start3A_24 = tpu.memref_slice %arg2[%add3A_22, %dma_start3A_23] : memref<64x5880xf32, #tpu.memory_space<hbm>> -> memref<1x5880xf32, #tpu.memory_space<hbm>>
    %dma_start3A_25 = tpu.memref_squeeze %dma_start3A_24 : memref<1x5880xf32, #tpu.memory_space<hbm>> -> memref<5880xf32, #tpu.memory_space<hbm>>
    %dma_start3A_26 = arith.constant 0 : i32
    %dma_start3A_27 = tpu.memref_slice %arg2[%add3A_22, %dma_start3A_26] : memref<64x5880xf32, #tpu.memory_space<hbm>> -> memref<1x5880xf32, #tpu.memory_space<hbm>>
    %dma_start3A_28 = tpu.memref_squeeze %dma_start3A_27 : memref<1x5880xf32, #tpu.memory_space<hbm>> -> memref<5880xf32, #tpu.memory_space<hbm>>
    tpu.enqueue_dma source(%dma_start3A_28 : memref<5880xf32, #tpu.memory_space<hbm>>) target(%arg6 : memref<5880xf32, #tpu.memory_space<vmem>>) target_semaphore(%arg15 : memref<!tpu.dma_semaphore, #tpu.memory_space<semaphore_mem>>)
    %dma_start3A_29 = arith.constant 0 : i32
    %dma_start3A_30 = tpu.memref_slice %arg3[%add3A_22, %dma_start3A_29] : memref<64x80xf32, #tpu.memory_space<hbm>> -> memref<1x80xf32, #tpu.memory_space<hbm>>
    %dma_start3A_31 = tpu.memref_squeeze %dma_start3A_30 : memref<1x80xf32, #tpu.memory_space<hbm>> -> memref<80xf32, #tpu.memory_space<hbm>>
    %dma_start3A_32 = arith.constant 0 : i32
    %dma_start3A_33 = tpu.memref_slice %arg3[%add3A_22, %dma_start3A_32] : memref<64x80xf32, #tpu.memory_space<hbm>> -> memref<1x80xf32, #tpu.memory_space<hbm>>
    %dma_start3A_34 = tpu.memref_squeeze %dma_start3A_33 : memref<1x80xf32, #tpu.memory_space<hbm>> -> memref<80xf32, #tpu.memory_space<hbm>>
    tpu.enqueue_dma source(%dma_start3A_34 : memref<80xf32, #tpu.memory_space<hbm>>) target(%arg8 : memref<80xf32, #tpu.memory_space<vmem>>) target_semaphore(%arg16 : memref<!tpu.dma_semaphore, #tpu.memory_space<semaphore_mem>>)
    %scan3A = arith.constant 0 : i32
    %scan3A_35 = arith.constant 0 : i32
    %scan3A_36 = arith.constant 128 : i32
    %scan3A_37 = arith.addi %scan3A_35, %scan3A_36 : i32
    %scan3A_38 = arith.constant 8 : i32
    %scan3A_39 = scf.for %scan3A_4205 = %scan3A_35 to %scan3A_37 step %scan3A_38 iter_args(%scan3A_4206 = %scan3A) -> (i32)  : i32 {
      %mul3A_4207 = arith.constant 16 : i32
      %mul3A_4208 = arith.muli %scan3A_4205, %mul3A_4207 : i32
      %swap3A_4209 = arith.index_cast %mul3A_4208 : i32 to index
      %swap3A_4210 = tpu.vector_load %arg9[%swap3A_4209] {strides = array<i32>} : memref<2080xf32, #tpu.memory_space<vmem>>, vector<16xf32>,
      tpu.vector_store %arg9[%swap3A_4209], %broadcast_in_dim3A_1 {strides = array<i32>} : memref<2080xf32, #tpu.memory_space<vmem>>, vector<16xf32>,
      %scan3A_4211 = arith.constant 0 : i32
      %scan3A_4212 = arith.constant 1 : i32
      %scan3A_4213 = arith.addi %scan3A_4205, %scan3A_4212 : i32
      %mul3A_4214 = arith.constant 16 : i32
      %mul3A_4215 = arith.muli %scan3A_4213, %mul3A_4214 : i32
      %swap3A_4216 = arith.index_cast %mul3A_4215 : i32 to index
      %swap3A_4217 = tpu.vector_load %arg9[%swap3A_4216] {strides = array<i32>} : memref<2080xf32, #tpu.memory_space<vmem>>, vector<16xf32>,
      tpu.vector_store %arg9[%swap3A_4216], %broadcast_in_dim3A_1 {strides = array<i32>} : memref<2080xf32, #tpu.memory_space<vmem>>, vector<16xf32>,
      %scan3A_4218 = arith.constant 0 : i32
      %scan3A_4219 = arith.constant 2 : i32
      %scan3A_4220 = arith.addi %scan3A_4205, %scan3A_4219 : i32
      %mul3A_4221 = arith.constant 16 : i32
      %mul3A_4222 = arith.muli %scan3A_4220, %mul3A_4221 : i32
      %swap3A_4223 = arith.index_cast %mul3A_4222 : i32 to index
      %swap3A_4224 = tpu.vector_load %arg9[%swap3A_4223] {strides = array<i32>} : memref<2080xf32, #tpu.memory_space<vmem>>, vector<16xf32>,
      tpu.vector_store %arg9[%swap3A_4223], %broadcast_in_dim3A_1 {strides = array<i32>} : memref<2080xf32, #tpu.memory_space<vmem>>, vector<16xf32>,
      %scan3A_4225 = arith.constant 0 : i32
      %scan3A_4226 = arith.constant 3 : i32
      %scan3A_4227 = arith.addi %scan3A_4205, %scan3A_4226 : i32
      %mul3A_4228 = arith.constant 16 : i32
      %mul3A_4229 = arith.muli %scan3A_4227, %mul3A_4228 : i32
      %swap3A_4230 = arith.index_cast %mul3A_4229 : i32 to index
      %swap3A_4231 = tpu.vector_load %arg9[%swap3A_4230] {strides = array<i32>} : memref<2080xf32, #tpu.memory_space<vmem>>, vector<16xf32>,
      tpu.vector_store %arg9[%swap3A_4230], %broadcast_in_dim3A_1 {strides = array<i32>} : memref<2080xf32, #tpu.memory_space<vmem>>, vector<16xf32>,
      %scan3A_4232 = arith.constant 0 : i32
      %scan3A_4233 = arith.constant 4 : i32
      %scan3A_4234 = arith.addi %scan3A_4205, %scan3A_4233 : i32
      %mul3A_4235 = arith.constant 16 : i32
      %mul3A_4236 = arith.muli %scan3A_4234, %mul3A_4235 : i32
      %swap3A_4237 = arith.index_cast %mul3A_4236 : i32 to index
      %swap3A_4238 = tpu.vector_load %arg9[%swap3A_4237] {strides = array<i32>} : memref<2080xf32, #tpu.memory_space<vmem>>, vector<16xf32>,
      tpu.vector_store %arg9[%swap3A_4237], %broadcast_in_dim3A_1 {strides = array<i32>} : memref<2080xf32, #tpu.memory_space<vmem>>, vector<16xf32>,
      %scan3A_4239 = arith.constant 0 : i32
      %scan3A_4240 = arith.constant 5 : i32
      %scan3A_4241 = arith.addi %scan3A_4205, %scan3A_4240 : i32
      %mul3A_4242 = arith.constant 16 : i32
      %mul3A_4243 = arith.muli %scan3A_4241, %mul3A_4242 : i32
      %swap3A_4244 = arith.index_cast %mul3A_4243 : i32 to index
      %swap3A_4245 = tpu.vector_load %arg9[%swap3A_4244] {strides = array<i32>} : memref<2080xf32, #tpu.memory_space<vmem>>, vector<16xf32>,
      tpu.vector_store %arg9[%swap3A_4244], %broadcast_in_dim3A_1 {strides = array<i32>} : memref<2080xf32, #tpu.memory_space<vmem>>, vector<16xf32>,
      %scan3A_4246 = arith.constant 0 : i32
      %scan3A_4247 = arith.constant 6 : i32
      %scan3A_4248 = arith.addi %scan3A_4205, %scan3A_4247 : i32
      %mul3A_4249 = arith.constant 16 : i32
      %mul3A_4250 = arith.muli %scan3A_4248, %mul3A_4249 : i32
      %swap3A_4251 = arith.index_cast %mul3A_4250 : i32 to index
      %swap3A_4252 = tpu.vector_load %arg9[%swap3A_4251] {strides = array<i32>} : memref<2080xf32, #tpu.memory_space<vmem>>, vector<16xf32>,
      tpu.vector_store %arg9[%swap3A_4251], %broadcast_in_dim3A_1 {strides = array<i32>} : memref<2080xf32, #tpu.memory_space<vmem>>, vector<16xf32>,
      %scan3A_4253 = arith.constant 0 : i32
      %scan3A_4254 = arith.constant 7 : i32
      %scan3A_4255 = arith.addi %scan3A_4205, %scan3A_4254 : i32
      %mul3A_4256 = arith.constant 16 : i32
      %mul3A_4257 = arith.muli %scan3A_4255, %mul3A_4256 : i32
      %swap3A_4258 = arith.index_cast %mul3A_4257 : i32 to index
      %swap3A_4259 = tpu.vector_load %arg9[%swap3A_4258] {strides = array<i32>} : memref<2080xf32, #tpu.memory_space<vmem>>, vector<16xf32>,
      tpu.vector_store %arg9[%swap3A_4258], %broadcast_in_dim3A_1 {strides = array<i32>} : memref<2080xf32, #tpu.memory_space<vmem>>, vector<16xf32>,
      %scan3A_4260 = arith.constant 0 : i32
      scf.yield %scan3A_4260 : i32
    }
    %scan3A_40 = arith.constant 128 : i32
    %scan3A_41 = arith.addi %scan3A_35, %scan3A_40 : i32
    %mul3A_42 = arith.constant 16 : i32
    %mul3A_43 = arith.muli %scan3A_41, %mul3A_42 : i32
    %swap3A = arith.index_cast %mul3A_43 : i32 to index
    %swap3A_44 = tpu.vector_load %arg9[%swap3A] {strides = array<i32>} : memref<2080xf32, #tpu.memory_space<vmem>>, vector<16xf32>,
    tpu.vector_store %arg9[%swap3A], %broadcast_in_dim3A_1 {strides = array<i32>} : memref<2080xf32, #tpu.memory_space<vmem>>, vector<16xf32>,
    %scan3A_45 = arith.constant 0 : i32
    %scan3A_46 = arith.constant 129 : i32
    %scan3A_47 = arith.addi %scan3A_35, %scan3A_46 : i32
    %mul3A_48 = arith.constant 16 : i32
    %mul3A_49 = arith.muli %scan3A_47, %mul3A_48 : i32
    %swap3A_50 = arith.index_cast %mul3A_49 : i32 to index
    %swap3A_51 = tpu.vector_load %arg9[%swap3A_50] {strides = array<i32>} : memref<2080xf32, #tpu.memory_space<vmem>>, vector<16xf32>,
    tpu.vector_store %arg9[%swap3A_50], %broadcast_in_dim3A_1 {strides = array<i32>} : memref<2080xf32, #tpu.memory_space<vmem>>, vector<16xf32>,
    %scan3A_52 = arith.constant 0 : i32
    %scan3A_53 = arith.constant 130 : i32
    %scan3A_54 = arith.constant 0 : i32
    %scan3A_55 = arith.constant 0 : i32
    %scan3A_56 = arith.constant 256 : i32
    %scan3A_57 = arith.addi %scan3A_55, %scan3A_56 : i32
    %scan3A_58 = arith.constant 8 : i32
    %scan3A_59 = scf.for %scan3A_4205 = %scan3A_55 to %scan3A_57 step %scan3A_58 iter_args(%scan3A_4206 = %scan3A_54) -> (i32)  : i32 {
      %mul3A_4207 = arith.constant 16 : i32
      %mul3A_4208 = arith.muli %scan3A_4205, %mul3A_4207 : i32
      %swap3A_4209 = arith.index_cast %mul3A_4208 : i32 to index
      %swap3A_4210 = tpu.vector_load %arg10[%swap3A_4209] {strides = array<i32>} : memref<4160xf32, #tpu.memory_space<vmem>>, vector<16xf32>,
      tpu.vector_store %arg10[%swap3A_4209], %broadcast_in_dim3A_1 {strides = array<i32>} : memref<4160xf32, #tpu.memory_space<vmem>>, vector<16xf32>,
      %scan3A_4211 = arith.constant 0 : i32
      %scan3A_4212 = arith.constant 1 : i32
      %scan3A_4213 = arith.addi %scan3A_4205, %scan3A_4212 : i32
      %mul3A_4214 = arith.constant 16 : i32
      %mul3A_4215 = arith.muli %scan3A_4213, %mul3A_4214 : i32
      %swap3A_4216 = arith.index_cast %mul3A_4215 : i32 to index
      %swap3A_4217 = tpu.vector_load %arg10[%swap3A_4216] {strides = array<i32>} : memref<4160xf32, #tpu.memory_space<vmem>>, vector<16xf32>,
      tpu.vector_store %arg10[%swap3A_4216], %broadcast_in_dim3A_1 {strides = array<i32>} : memref<4160xf32, #tpu.memory_space<vmem>>, vector<16xf32>,
      %scan3A_4218 = arith.constant 0 : i32
      %scan3A_4219 = arith.constant 2 : i32
      %scan3A_4220 = arith.addi %scan3A_4205, %scan3A_4219 : i32
      %mul3A_4221 = arith.constant 16 : i32
      %mul3A_4222 = arith.muli %scan3A_4220, %mul3A_4221 : i32
      %swap3A_4223 = arith.index_cast %mul3A_4222 : i32 to index
      %swap3A_4224 = tpu.vector_load %arg10[%swap3A_4223] {strides = array<i32>} : memref<4160xf32, #tpu.memory_space<vmem>>, vector<16xf32>,
      tpu.vector_store %arg10[%swap3A_4223], %broadcast_in_dim3A_1 {strides = array<i32>} : memref<4160xf32, #tpu.memory_space<vmem>>, vector<16xf32>,
      %scan3A_4225 = arith.constant 0 : i32
      %scan3A_4226 = arith.constant 3 : i32
      %scan3A_4227 = arith.addi %scan3A_4205, %scan3A_4226 : i32
      %mul3A_4228 = arith.constant 16 : i32
      %mul3A_4229 = arith.muli %scan3A_4227, %mul3A_4228 : i32
      %swap3A_4230 = arith.index_cast %mul3A_4229 : i32 to index
      %swap3A_4231 = tpu.vector_load %arg10[%swap3A_4230] {strides = array<i32>} : memref<4160xf32, #tpu.memory_space<vmem>>, vector<16xf32>,
      tpu.vector_store %arg10[%swap3A_4230], %broadcast_in_dim3A_1 {strides = array<i32>} : memref<4160xf32, #tpu.memory_space<vmem>>, vector<16xf32>,
      %scan3A_4232 = arith.constant 0 : i32
      %scan3A_4233 = arith.constant 4 : i32
      %scan3A_4234 = arith.addi %scan3A_4205, %scan3A_4233 : i32
      %mul3A_4235 = arith.constant 16 : i32
      %mul3A_4236 = arith.muli %scan3A_4234, %mul3A_4235 : i32
      %swap3A_4237 = arith.index_cast %mul3A_4236 : i32 to index
      %swap3A_4238 = tpu.vector_load %arg10[%swap3A_4237] {strides = array<i32>} : memref<4160xf32, #tpu.memory_space<vmem>>, vector<16xf32>,
      tpu.vector_store %arg10[%swap3A_4237], %broadcast_in_dim3A_1 {strides = array<i32>} : memref<4160xf32, #tpu.memory_space<vmem>>, vector<16xf32>,
      %scan3A_4239 = arith.constant 0 : i32
      %scan3A_4240 = arith.constant 5 : i32
      %scan3A_4241 = arith.addi %scan3A_4205, %scan3A_4240 : i32
      %mul3A_4242 = arith.constant 16 : i32
      %mul3A_4243 = arith.muli %scan3A_4241, %mul3A_4242 : i32
      %swap3A_4244 = arith.index_cast %mul3A_4243 : i32 to index
      %swap3A_4245 = tpu.vector_load %arg10[%swap3A_4244] {strides = array<i32>} : memref<4160xf32, #tpu.memory_space<vmem>>, vector<16xf32>,
      tpu.vector_store %arg10[%swap3A_4244], %broadcast_in_dim3A_1 {strides = array<i32>} : memref<4160xf32, #tpu.memory_space<vmem>>, vector<16xf32>,
      %scan3A_4246 = arith.constant 0 : i32
      %scan3A_4247 = arith.constant 6 : i32
      %scan3A_4248 = arith.addi %scan3A_4205, %scan3A_4247 : i32
      %mul3A_4249 = arith.constant 16 : i32
      %mul3A_4250 = arith.muli %scan3A_4248, %mul3A_4249 : i32
      %swap3A_4251 = arith.index_cast %mul3A_4250 : i32 to index
      %swap3A_4252 = tpu.vector_load %arg10[%swap3A_4251] {strides = array<i32>} : memref<4160xf32, #tpu.memory_space<vmem>>, vector<16xf32>,
      tpu.vector_store %arg10[%swap3A_4251], %broadcast_in_dim3A_1 {strides = array<i32>} : memref<4160xf32, #tpu.memory_space<vmem>>, vector<16xf32>,
      %scan3A_4253 = arith.constant 0 : i32
      %scan3A_4254 = arith.constant 7 : i32
      %scan3A_4255 = arith.addi %scan3A_4205, %scan3A_4254 : i32
      %mul3A_4256 = arith.constant 16 : i32
      %mul3A_4257 = arith.muli %scan3A_4255, %mul3A_4256 : i32
      %swap3A_4258 = arith.index_cast %mul3A_4257 : i32 to index
      %swap3A_4259 = tpu.vector_load %arg10[%swap3A_4258] {strides = array<i32>} : memref<4160xf32, #tpu.memory_space<vmem>>, vector<16xf32>,
      tpu.vector_store %arg10[%swap3A_4258], %broadcast_in_dim3A_1 {strides = array<i32>} : memref<4160xf32, #tpu.memory_space<vmem>>, vector<16xf32>,
      %scan3A_4260 = arith.constant 0 : i32
      scf.yield %scan3A_4260 : i32
    }
    %scan3A_60 = arith.constant 256 : i32
    %scan3A_61 = arith.addi %scan3A_55, %scan3A_60 : i32
    %mul3A_62 = arith.constant 16 : i32
    %mul3A_63 = arith.muli %scan3A_61, %mul3A_62 : i32
    %swap3A_64 = arith.index_cast %mul3A_63 : i32 to index
    %swap3A_65 = tpu.vector_load %arg10[%swap3A_64] {strides = array<i32>} : memref<4160xf32, #tpu.memory_space<vmem>>, vector<16xf32>,
    tpu.vector_store %arg10[%swap3A_64], %broadcast_in_dim3A_1 {strides = array<i32>} : memref<4160xf32, #tpu.memory_space<vmem>>, vector<16xf32>,
    %scan3A_66 = arith.constant 0 : i32
    %scan3A_67 = arith.constant 257 : i32
    %scan3A_68 = arith.addi %scan3A_55, %scan3A_67 : i32
    %mul3A_69 = arith.constant 16 : i32
    %mul3A_70 = arith.muli %scan3A_68, %mul3A_69 : i32
    %swap3A_71 = arith.index_cast %mul3A_70 : i32 to index
    %swap3A_72 = tpu.vector_load %arg10[%swap3A_71] {strides = array<i32>} : memref<4160xf32, #tpu.memory_space<vmem>>, vector<16xf32>,
    tpu.vector_store %arg10[%swap3A_71], %broadcast_in_dim3A_1 {strides = array<i32>} : memref<4160xf32, #tpu.memory_space<vmem>>, vector<16xf32>,
    %scan3A_73 = arith.constant 0 : i32
    %scan3A_74 = arith.constant 258 : i32
    %scan3A_75 = arith.addi %scan3A_55, %scan3A_74 : i32
    %mul3A_76 = arith.constant 16 : i32
    %mul3A_77 = arith.muli %scan3A_75, %mul3A_76 : i32
    %swap3A_78 = arith.index_cast %mul3A_77 : i32 to index
    %swap3A_79 = tpu.vector_load %arg10[%swap3A_78] {strides = array<i32>} : memref<4160xf32, #tpu.memory_space<vmem>>, vector<16xf32>,
    tpu.vector_store %arg10[%swap3A_78], %broadcast_in_dim3A_1 {strides = array<i32>} : memref<4160xf32, #tpu.memory_space<vmem>>, vector<16xf32>,
    %scan3A_80 = arith.constant 0 : i32
    %scan3A_81 = arith.constant 259 : i32
    %scan3A_82 = arith.addi %scan3A_55, %scan3A_81 : i32
    %mul3A_83 = arith.constant 16 : i32
    %mul3A_84 = arith.muli %scan3A_82, %mul3A_83 : i32
    %swap3A_85 = arith.index_cast %mul3A_84 : i32 to index
    %swap3A_86 = tpu.vector_load %arg10[%swap3A_85] {strides = array<i32>} : memref<4160xf32, #tpu.memory_space<vmem>>, vector<16xf32>,
    tpu.vector_store %arg10[%swap3A_85], %broadcast_in_dim3A_1 {strides = array<i32>} : memref<4160xf32, #tpu.memory_space<vmem>>, vector<16xf32>,
    %scan3A_87 = arith.constant 0 : i32
    %scan3A_88 = arith.constant 260 : i32
    %dma_wait3A = arith.constant 0 : i32
    %dma_wait3A_89 = tpu.memref_slice %arg2[%add3A_7, %dma_wait3A] : memref<64x5880xf32, #tpu.memory_space<hbm>> -> memref<1x5880xf32, #tpu.memory_space<hbm>>
    %dma_wait3A_90 = tpu.memref_squeeze %dma_wait3A_89 : memref<1x5880xf32, #tpu.memory_space<hbm>> -> memref<5880xf32, #tpu.memory_space<hbm>>
    %dma_wait3A_91 = arith.constant 0 : i32
    %dma_wait3A_92 = tpu.memref_slice %arg2[%add3A_7, %dma_wait3A_91] : memref<64x5880xf32, #tpu.memory_space<hbm>> -> memref<1x5880xf32, #tpu.memory_space<hbm>>
    %dma_wait3A_93 = tpu.memref_squeeze %dma_wait3A_92 : memref<1x5880xf32, #tpu.memory_space<hbm>> -> memref<5880xf32, #tpu.memory_space<hbm>>
    tpu.wait_dma2 semaphore(%arg13 : memref<!tpu.dma_semaphore, #tpu.memory_space<semaphore_mem>>) src(%dma_wait3A_93 : memref<5880xf32, #tpu.memory_space<hbm>>) dst(%arg5 : memref<5880xf32, #tpu.memory_space<vmem>>)
    %dma_wait3A_94 = arith.constant 0 : i32
    %dma_wait3A_95 = tpu.memref_slice %arg3[%add3A_7, %dma_wait3A_94] : memref<64x80xf32, #tpu.memory_space<hbm>> -> memref<1x80xf32, #tpu.memory_space<hbm>>
    %dma_wait3A_96 = tpu.memref_squeeze %dma_wait3A_95 : memref<1x80xf32, #tpu.memory_space<hbm>> -> memref<80xf32, #tpu.memory_space<hbm>>
    %dma_wait3A_97 = arith.constant 0 : i32
    %dma_wait3A_98 = tpu.memref_slice %arg3[%add3A_7, %dma_wait3A_97] : memref<64x80xf32, #tpu.memory_space<hbm>> -> memref<1x80xf32, #tpu.memory_space<hbm>>
    %dma_wait3A_99 = tpu.memref_squeeze %dma_wait3A_98 : memref<1x80xf32, #tpu.memory_space<hbm>> -> memref<80xf32, #tpu.memory_space<hbm>>
    tpu.wait_dma2 semaphore(%arg14 : memref<!tpu.dma_semaphore, #tpu.memory_space<semaphore_mem>>) src(%dma_wait3A_99 : memref<80xf32, #tpu.memory_space<hbm>>) dst(%arg7 : memref<80xf32, #tpu.memory_space<vmem>>)
    %mul3A_100 = arith.constant 5 : i32
    %mul3A_101 = vector.broadcast %mul3A_100 : i32 to vector<16xi32>
    %mul3A_102 = arith.muli %iota3A, %mul3A_101 : vector<16xi32>
    %add3A_103 = arith.constant 0 : i32
    %add3A_104 = vector.broadcast %add3A_103 : i32 to vector<16xi32>
    %add3A_105 = arith.addi %mul3A_102, %add3A_104 : vector<16xi32>
    %gather3A = tpu.vector_load_idx %arg7[%add3A_105] : memref<80xf32, #tpu.memory_space<vmem>>[vector<16xi32>], vector<16xf32>,
    %mul3A_106 = arith.constant 5 : i32
    %mul3A_107 = vector.broadcast %mul3A_106 : i32 to vector<16xi32>
    %mul3A_108 = arith.muli %iota3A, %mul3A_107 : vector<16xi32>
    %add3A_109 = arith.constant 1 : i32
    %add3A_110 = vector.broadcast %add3A_109 : i32 to vector<16xi32>
    %add3A_111 = arith.addi %mul3A_108, %add3A_110 : vector<16xi32>
    %gather3A_112 = tpu.vector_load_idx %arg7[%add3A_111] : memref<80xf32, #tpu.memory_space<vmem>>[vector<16xi32>], vector<16xf32>,
    %mul3A_113 = arith.constant 5 : i32
    %mul3A_114 = vector.broadcast %mul3A_113 : i32 to vector<16xi32>
    %mul3A_115 = arith.muli %iota3A, %mul3A_114 : vector<16xi32>
    %add3A_116 = arith.constant 2 : i32
    %add3A_117 = vector.broadcast %add3A_116 : i32 to vector<16xi32>
    %add3A_118 = arith.addi %mul3A_115, %add3A_117 : vector<16xi32>
    %gather3A_119 = tpu.vector_load_idx %arg7[%add3A_118] : memref<80xf32, #tpu.memory_space<vmem>>[vector<16xi32>], vector<16xf32>,
    %mul3A_120 = arith.constant 5 : i32
    %mul3A_121 = vector.broadcast %mul3A_120 : i32 to vector<16xi32>
    %mul3A_122 = arith.muli %iota3A, %mul3A_121 : vector<16xi32>
    %add3A_123 = arith.constant 3 : i32
    %add3A_124 = vector.broadcast %add3A_123 : i32 to vector<16xi32>
    %add3A_125 = arith.addi %mul3A_122, %add3A_124 : vector<16xi32>
    %gather3A_126 = tpu.vector_load_idx %arg7[%add3A_125] : memref<80xf32, #tpu.memory_space<vmem>>[vector<16xi32>], vector<16xf32>,
    %mul3A_127 = arith.constant 5 : i32
    %mul3A_128 = vector.broadcast %mul3A_127 : i32 to vector<16xi32>
    %mul3A_129 = arith.muli %iota3A, %mul3A_128 : vector<16xi32>
    %add3A_130 = arith.constant 4 : i32
    %add3A_131 = vector.broadcast %add3A_130 : i32 to vector<16xi32>
    %add3A_132 = arith.addi %mul3A_129, %add3A_131 : vector<16xi32>
    %gather3A_133 = tpu.vector_load_idx %arg7[%add3A_132] : memref<80xf32, #tpu.memory_space<vmem>>[vector<16xi32>], vector<16xf32>,
    %add3A_134 = arith.addf %gather3A, %gather3A_112 : vector<16xf32>
    %add3A_135 = arith.addf %add3A_134, %gather3A_119 : vector<16xf32>
    %add3A_136 = arith.addf %add3A_135, %gather3A_126 : vector<16xf32>
    %add3A_137 = arith.addf %add3A_136, %gather3A_133 : vector<16xf32>
    %ne3A = arith.constant 0.000000e+00 : f32
    %ne3A_138 = vector.broadcast %ne3A : f32 to vector<16xf32>
    %ne3A_139 = arith.cmpf one, %add3A_137, %ne3A_138 : vector<16xf32>
    %add3A_140 = arith.addf %gather3A, %gather3A_119 : vector<16xf32>
    %mul3A_141 = arith.constant 5.000000e-01 : f32
    %mul3A_142 = vector.broadcast %mul3A_141 : f32 to vector<16xf32>
    %mul3A_143 = arith.mulf %add3A_140, %mul3A_142 : vector<16xf32>
    %add3A_144 = arith.addf %gather3A_112, %gather3A_126 : vector<16xf32>
    %mul3A_145 = arith.constant 5.000000e-01 : f32
    %mul3A_146 = vector.broadcast %mul3A_145 : f32 to vector<16xf32>
    %mul3A_147 = arith.mulf %add3A_144, %mul3A_146 : vector<16xf32>
    %sub3A = arith.subf %gather3A_119, %gather3A : vector<16xf32>
    %sub3A_148 = arith.subf %gather3A_126, %gather3A_112 : vector<16xf32>
    %mul3A_149 = arith.constant 1.400000e+01 : f32
    %mul3A_150 = vector.broadcast %mul3A_149 : f32 to vector<16xf32>
    %mul3A_151 = arith.mulf %mul3A_143, %mul3A_150 : vector<16xf32>
    %mul3A_152 = arith.constant 1.400000e+01 : f32
    %mul3A_153 = vector.broadcast %mul3A_152 : f32 to vector<16xf32>
    %mul3A_154 = arith.mulf %mul3A_147, %mul3A_153 : vector<16xf32>
    %convert_element_type3A = arith.fptosi %mul3A_151 : vector<16xf32> to vector<16xi32>
    %convert_element_type3A_155 = arith.fptosi %mul3A_154 : vector<16xf32> to vector<16xi32>
    %convert_element_type3A_156 = arith.sitofp %convert_element_type3A : vector<16xi32> to vector<16xf32>
    %sub3A_157 = arith.subf %mul3A_151, %convert_element_type3A_156 : vector<16xf32>
    %convert_element_type3A_158 = arith.sitofp %convert_element_type3A_155 : vector<16xi32> to vector<16xf32>
    %sub3A_159 = arith.subf %mul3A_154, %convert_element_type3A_158 : vector<16xf32>
    %mul3A_160 = arith.constant 14 : i32
    %mul3A_161 = vector.broadcast %mul3A_160 : i32 to vector<16xi32>
    %mul3A_162 = arith.muli %convert_element_type3A_155, %mul3A_161 : vector<16xi32>
    %add3A_163 = arith.addi %mul3A_162, %convert_element_type3A : vector<16xi32>
    %div3A = arith.constant 1.400000e+01 : f32
    %div3A_164 = vector.broadcast %div3A : f32 to vector<16xf32>
    %div3A_165 = arith.divf %sub3A_157, %div3A_164 : vector<16xf32>
    %mul3A_166 = arith.constant 5.000000e-01 : f32
    %mul3A_167 = vector.broadcast %mul3A_166 : f32 to vector<16xf32>
    %mul3A_168 = arith.mulf %mul3A_167, %sub3A : vector<16xf32>
    %sub3A_169 = arith.subf %div3A_165, %mul3A_168 : vector<16xf32>
    %div3A_170 = arith.constant 1.400000e+01 : f32
    %div3A_171 = vector.broadcast %div3A_170 : f32 to vector<16xf32>
    %div3A_172 = arith.divf %sub3A_159, %div3A_171 : vector<16xf32>
    %mul3A_173 = arith.constant 5.000000e-01 : f32
    %mul3A_174 = vector.broadcast %mul3A_173 : f32 to vector<16xf32>
    %mul3A_175 = arith.mulf %mul3A_174, %sub3A_148 : vector<16xf32>
    %sub3A_176 = arith.subf %div3A_172, %mul3A_175 : vector<16xf32>
    %div3A_177 = arith.constant 1.400000e+01 : f32
    %div3A_178 = vector.broadcast %div3A_177 : f32 to vector<16xf32>
    %div3A_179 = arith.divf %sub3A_157, %div3A_178 : vector<16xf32>
    %mul3A_180 = arith.constant 5.000000e-01 : f32
    %mul3A_181 = vector.broadcast %mul3A_180 : f32 to vector<16xf32>
    %mul3A_182 = arith.mulf %mul3A_181, %sub3A : vector<16xf32>
    %add3A_183 = arith.addf %div3A_179, %mul3A_182 : vector<16xf32>
    %div3A_184 = arith.constant 1.400000e+01 : f32
    %div3A_185 = vector.broadcast %div3A_184 : f32 to vector<16xf32>
    %div3A_186 = arith.divf %sub3A_159, %div3A_185 : vector<16xf32>
    %mul3A_187 = arith.constant 5.000000e-01 : f32
    %mul3A_188 = vector.broadcast %mul3A_187 : f32 to vector<16xf32>
    %mul3A_189 = arith.mulf %mul3A_188, %sub3A_148 : vector<16xf32>
    %add3A_190 = arith.addf %div3A_186, %mul3A_189 : vector<16xf32>
    %sub3A_191 = arith.subf %add3A_183, %sub3A_169 : vector<16xf32>
    %sub3A_192 = arith.subf %add3A_190, %sub3A_176 : vector<16xf32>
    %mul3A_193 = arith.mulf %sub3A_191, %sub3A_192 : vector<16xf32>
    %mul3A_194 = arith.constant 30 : i32
    %mul3A_195 = vector.broadcast %mul3A_194 : i32 to vector<16xi32>
    %mul3A_196 = arith.muli %add3A_163, %mul3A_195 : vector<16xi32>
    %add3A_197 = arith.constant 1 : i32
    %add3A_198 = vector.broadcast %add3A_197 : i32 to vector<16xi32>
    %add3A_199 = arith.addi %mul3A_196, %add3A_198 : vector<16xi32>
    %gather3A_200 = tpu.vector_load_idx %arg5[%add3A_199] : memref<5880xf32, #tpu.memory_space<vmem>>[vector<16xi32>], vector<16xf32>,
    %mul3A_201 = arith.constant 30 : i32
    %mul3A_202 = vector.broadcast %mul3A_201 : i32 to vector<16xi32>
    %mul3A_203 = arith.muli %add3A_163, %mul3A_202 : vector<16xi32>
    %add3A_204 = arith.constant 2 : i32
    %add3A_205 = vector.broadcast %add3A_204 : i32 to vector<16xi32>
    %add3A_206 = arith.addi %mul3A_203, %add3A_205 : vector<16xi32>
    %gather3A_207 = tpu.vector_load_idx %arg5[%add3A_206] : memref<5880xf32, #tpu.memory_space<vmem>>[vector<16xi32>], vector<16xf32>,
    %mul3A_208 = arith.constant 30 : i32
    %mul3A_209 = vector.broadcast %mul3A_208 : i32 to vector<16xi32>
    %mul3A_210 = arith.muli %add3A_163, %mul3A_209 : vector<16xi32>
    %add3A_211 = arith.constant 3 : i32
    %add3A_212 = vector.broadcast %add3A_211 : i32 to vector<16xi32>
    %add3A_213 = arith.addi %mul3A_210, %add3A_212 : vector<16xi32>
    %gather3A_214 = tpu.vector_load_idx %arg5[%add3A_213] : memref<5880xf32, #tpu.memory_space<vmem>>[vector<16xi32>], vector<16xf32>,
    %mul3A_215 = arith.constant 30 : i32
    %mul3A_216 = vector.broadcast %mul3A_215 : i32 to vector<16xi32>
    %mul3A_217 = arith.muli %add3A_163, %mul3A_216 : vector<16xi32>
    %add3A_218 = arith.constant 4 : i32
    %add3A_219 = vector.broadcast %add3A_218 : i32 to vector<16xi32>
    %add3A_220 = arith.addi %mul3A_217, %add3A_219 : vector<16xi32>
    %gather3A_221 = tpu.vector_load_idx %arg5[%add3A_220] : memref<5880xf32, #tpu.memory_space<vmem>>[vector<16xi32>], vector<16xf32>,
    %div3A_222 = arith.constant 1.400000e+01 : f32
    %div3A_223 = vector.broadcast %div3A_222 : f32 to vector<16xf32>
    %div3A_224 = arith.divf %gather3A_200, %div3A_223 : vector<16xf32>
    %mul3A_225 = arith.constant 5.000000e-01 : f32
    %mul3A_226 = vector.broadcast %mul3A_225 : f32 to vector<16xf32>
    %mul3A_227 = arith.mulf %mul3A_226, %gather3A_214 : vector<16xf32>
    %sub3A_228 = arith.subf %div3A_224, %mul3A_227 : vector<16xf32>
    %div3A_229 = arith.constant 1.400000e+01 : f32
    %div3A_230 = vector.broadcast %div3A_229 : f32 to vector<16xf32>
    %div3A_231 = arith.divf %gather3A_207, %div3A_230 : vector<16xf32>
    %mul3A_232 = arith.constant 5.000000e-01 : f32
    %mul3A_233 = vector.broadcast %mul3A_232 : f32 to vector<16xf32>
    %mul3A_234 = arith.mulf %mul3A_233, %gather3A_221 : vector<16xf32>
    %sub3A_235 = arith.subf %div3A_231, %mul3A_234 : vector<16xf32>
    %div3A_236 = arith.constant 1.400000e+01 : f32
    %div3A_237 = vector.broadcast %div3A_236 : f32 to vector<16xf32>
    %div3A_238 = arith.divf %gather3A_200, %div3A_237 : vector<16xf32>
    %mul3A_239 = arith.constant 5.000000e-01 : f32
    %mul3A_240 = vector.broadcast %mul3A_239 : f32 to vector<16xf32>
    %mul3A_241 = arith.mulf %mul3A_240, %gather3A_214 : vector<16xf32>
    %add3A_242 = arith.addf %div3A_238, %mul3A_241 : vector<16xf32>
    %div3A_243 = arith.constant 1.400000e+01 : f32
    %div3A_244 = vector.broadcast %div3A_243 : f32 to vector<16xf32>
    %div3A_245 = arith.divf %gather3A_207, %div3A_244 : vector<16xf32>
    %mul3A_246 = arith.constant 5.000000e-01 : f32
    %mul3A_247 = vector.broadcast %mul3A_246 : f32 to vector<16xf32>
    %mul3A_248 = arith.mulf %mul3A_247, %gather3A_221 : vector<16xf32>
    %add3A_249 = arith.addf %div3A_245, %mul3A_248 : vector<16xf32>
    %max3A = arith.maximumf %sub3A_228, %sub3A_169 : vector<16xf32>
    %max3A_250 = arith.maximumf %sub3A_235, %sub3A_176 : vector<16xf32>
    %min3A = arith.minimumf %add3A_242, %add3A_183 : vector<16xf32>
    %min3A_251 = arith.minimumf %add3A_249, %add3A_190 : vector<16xf32>
    %sub3A_252 = arith.subf %min3A, %max3A : vector<16xf32>
    %max3A_253 = arith.constant 0.000000e+00 : f32
    %max3A_254 = vector.broadcast %max3A_253 : f32 to vector<16xf32>
    %max3A_255 = arith.maximumf %sub3A_252, %max3A_254 : vector<16xf32>
    %sub3A_256 = arith.subf %min3A_251, %max3A_250 : vector<16xf32>
    %max3A_257 = arith.constant 0.000000e+00 : f32
    %max3A_258 = vector.broadcast %max3A_257 : f32 to vector<16xf32>
    %max3A_259 = arith.maximumf %sub3A_256, %max3A_258 : vector<16xf32>
    %mul3A_260 = arith.mulf %max3A_255, %max3A_259 : vector<16xf32>
    %sub3A_261 = arith.subf %add3A_242, %sub3A_228 : vector<16xf32>
    %sub3A_262 = arith.subf %add3A_249, %sub3A_235 : vector<16xf32>
    %mul3A_263 = arith.mulf %sub3A_261, %sub3A_262 : vector<16xf32>
    %add3A_264 = arith.addf %mul3A_263, %mul3A_193 : vector<16xf32>
    %sub3A_265 = arith.subf %add3A_264, %mul3A_260 : vector<16xf32>
    %div3A_266 = arith.divf %mul3A_260, %sub3A_265 : vector<16xf32>
    %mul3A_267 = arith.constant 30 : i32
    %mul3A_268 = vector.broadcast %mul3A_267 : i32 to vector<16xi32>
    %mul3A_269 = arith.muli %add3A_163, %mul3A_268 : vector<16xi32>
    %add3A_270 = arith.constant 6 : i32
    %add3A_271 = vector.broadcast %add3A_270 : i32 to vector<16xi32>
    %add3A_272 = arith.addi %mul3A_269, %add3A_271 : vector<16xi32>
    %gather3A_273 = tpu.vector_load_idx %arg5[%add3A_272] : memref<5880xf32, #tpu.memory_space<vmem>>[vector<16xi32>], vector<16xf32>,
    %mul3A_274 = arith.constant 30 : i32
    %mul3A_275 = vector.broadcast %mul3A_274 : i32 to vector<16xi32>
    %mul3A_276 = arith.muli %add3A_163, %mul3A_275 : vector<16xi32>
    %add3A_277 = arith.constant 7 : i32
    %add3A_278 = vector.broadcast %add3A_277 : i32 to vector<16xi32>
    %add3A_279 = arith.addi %mul3A_276, %add3A_278 : vector<16xi32>
    %gather3A_280 = tpu.vector_load_idx %arg5[%add3A_279] : memref<5880xf32, #tpu.memory_space<vmem>>[vector<16xi32>], vector<16xf32>,
    %mul3A_281 = arith.constant 30 : i32
    %mul3A_282 = vector.broadcast %mul3A_281 : i32 to vector<16xi32>
    %mul3A_283 = arith.muli %add3A_163, %mul3A_282 : vector<16xi32>
    %add3A_284 = arith.constant 8 : i32
    %add3A_285 = vector.broadcast %add3A_284 : i32 to vector<16xi32>
    %add3A_286 = arith.addi %mul3A_283, %add3A_285 : vector<16xi32>
    %gather3A_287 = tpu.vector_load_idx %arg5[%add3A_286] : memref<5880xf32, #tpu.memory_space<vmem>>[vector<16xi32>], vector<16xf32>,
    %mul3A_288 = arith.constant 30 : i32
    %mul3A_289 = vector.broadcast %mul3A_288 : i32 to vector<16xi32>
    %mul3A_290 = arith.muli %add3A_163, %mul3A_289 : vector<16xi32>
    %add3A_291 = arith.constant 9 : i32
    %add3A_292 = vector.broadcast %add3A_291 : i32 to vector<16xi32>
    %add3A_293 = arith.addi %mul3A_290, %add3A_292 : vector<16xi32>
    %gather3A_294 = tpu.vector_load_idx %arg5[%add3A_293] : memref<5880xf32, #tpu.memory_space<vmem>>[vector<16xi32>], vector<16xf32>,
    %div3A_295 = arith.constant 1.400000e+01 : f32
    %div3A_296 = vector.broadcast %div3A_295 : f32 to vector<16xf32>
    %div3A_297 = arith.divf %gather3A_273, %div3A_296 : vector<16xf32>
    %mul3A_298 = arith.constant 5.000000e-01 : f32
    %mul3A_299 = vector.broadcast %mul3A_298 : f32 to vector<16xf32>
    %mul3A_300 = arith.mulf %mul3A_299, %gather3A_287 : vector<16xf32>
    %sub3A_301 = arith.subf %div3A_297, %mul3A_300 : vector<16xf32>
    %div3A_302 = arith.constant 1.400000e+01 : f32
    %div3A_303 = vector.broadcast %div3A_302 : f32 to vector<16xf32>
    %div3A_304 = arith.divf %gather3A_280, %div3A_303 : vector<16xf32>
    %mul3A_305 = arith.constant 5.000000e-01 : f32
    %mul3A_306 = vector.broadcast %mul3A_305 : f32 to vector<16xf32>
    %mul3A_307 = arith.mulf %mul3A_306, %gather3A_294 : vector<16xf32>
    %sub3A_308 = arith.subf %div3A_304, %mul3A_307 : vector<16xf32>
    %div3A_309 = arith.constant 1.400000e+01 : f32
    %div3A_310 = vector.broadcast %div3A_309 : f32 to vector<16xf32>
    %div3A_311 = arith.divf %gather3A_273, %div3A_310 : vector<16xf32>
    %mul3A_312 = arith.constant 5.000000e-01 : f32
    %mul3A_313 = vector.broadcast %mul3A_312 : f32 to vector<16xf32>
    %mul3A_314 = arith.mulf %mul3A_313, %gather3A_287 : vector<16xf32>
    %add3A_315 = arith.addf %div3A_311, %mul3A_314 : vector<16xf32>
    %div3A_316 = arith.constant 1.400000e+01 : f32
    %div3A_317 = vector.broadcast %div3A_316 : f32 to vector<16xf32>
    %div3A_318 = arith.divf %gather3A_280, %div3A_317 : vector<16xf32>
    %mul3A_319 = arith.constant 5.000000e-01 : f32
    %mul3A_320 = vector.broadcast %mul3A_319 : f32 to vector<16xf32>
    %mul3A_321 = arith.mulf %mul3A_320, %gather3A_294 : vector<16xf32>
    %add3A_322 = arith.addf %div3A_318, %mul3A_321 : vector<16xf32>
    %max3A_323 = arith.maximumf %sub3A_301, %sub3A_169 : vector<16xf32>
    %max3A_324 = arith.maximumf %sub3A_308, %sub3A_176 : vector<16xf32>
    %min3A_325 = arith.minimumf %add3A_315, %add3A_183 : vector<16xf32>
    %min3A_326 = arith.minimumf %add3A_322, %add3A_190 : vector<16xf32>
    %sub3A_327 = arith.subf %min3A_325, %max3A_323 : vector<16xf32>
    %max3A_328 = arith.constant 0.000000e+00 : f32
    %max3A_329 = vector.broadcast %max3A_328 : f32 to vector<16xf32>
    %max3A_330 = arith.maximumf %sub3A_327, %max3A_329 : vector<16xf32>
    %sub3A_331 = arith.subf %min3A_326, %max3A_324 : vector<16xf32>
    %max3A_332 = arith.constant 0.000000e+00 : f32
    %max3A_333 = vector.broadcast %max3A_332 : f32 to vector<16xf32>
    %max3A_334 = arith.maximumf %sub3A_331, %max3A_333 : vector<16xf32>
    %mul3A_335 = arith.mulf %max3A_330, %max3A_334 : vector<16xf32>
    %sub3A_336 = arith.subf %add3A_315, %sub3A_301 : vector<16xf32>
    %sub3A_337 = arith.subf %add3A_322, %sub3A_308 : vector<16xf32>
    %mul3A_338 = arith.mulf %sub3A_336, %sub3A_337 : vector<16xf32>
    %add3A_339 = arith.addf %mul3A_338, %mul3A_193 : vector<16xf32>
    %sub3A_340 = arith.subf %add3A_339, %mul3A_335 : vector<16xf32>
    %div3A_341 = arith.divf %mul3A_335, %sub3A_340 : vector<16xf32>
    %gt3A = arith.cmpf ogt, %div3A_341, %div3A_266 : vector<16xf32>
    %convert_element_type3A_342 = arith.extui %gt3A : vector<16xi1> to vector<16xi32>
    %mul3A_343 = arith.constant 5 : i32
    %mul3A_344 = vector.broadcast %mul3A_343 : i32 to vector<16xi32>
    %mul3A_345 = arith.muli %convert_element_type3A_342, %mul3A_344 : vector<16xi32>
    %convert_element_type3A_346 = arith.fptosi %gather3A_133 : vector<16xf32> to vector<16xi32>
    %eq3A = arith.constant 0 : i32
    %eq3A_347 = vector.broadcast %eq3A : i32 to vector<16xi32>
    %eq3A_348 = arith.cmpi eq, %iota3A, %eq3A_347 : vector<16xi32>
    %and3A = arith.andi %ne3A_139, %eq3A_348 : vector<16xi1>
    %add3A_349 = arith.constant 0 : i32
    %add3A_350 = vector.broadcast %add3A_349 : i32 to vector<16xi32>
    %add3A_351 = arith.addi %mul3A_345, %add3A_350 : vector<16xi32>
    %mul3A_352 = arith.constant 208 : i32
    %mul3A_353 = vector.broadcast %mul3A_352 : i32 to vector<16xi32>
    %mul3A_354 = arith.muli %add3A_351, %mul3A_353 : vector<16xi32>
    %add3A_355 = arith.addi %mul3A_354, %add3A_163 : vector<16xi32>
    tpu.vector_store_idx %arg9[%add3A_355], %broadcast_in_dim3A_3 masked %and3A : memref<2080xf32, #tpu.memory_space<vmem>>[vector<16xi32>], vector<16xf32>, vector<16xi1>
    %add3A_356 = arith.constant 1 : i32
    %add3A_357 = vector.broadcast %add3A_356 : i32 to vector<16xi32>
    %add3A_358 = arith.addi %mul3A_345, %add3A_357 : vector<16xi32>
    %mul3A_359 = arith.constant 208 : i32
    %mul3A_360 = vector.broadcast %mul3A_359 : i32 to vector<16xi32>
    %mul3A_361 = arith.muli %add3A_358, %mul3A_360 : vector<16xi32>
    %add3A_362 = arith.addi %mul3A_361, %add3A_163 : vector<16xi32>
    tpu.vector_store_idx %arg9[%add3A_362], %sub3A_157 masked %and3A : memref<2080xf32, #tpu.memory_space<vmem>>[vector<16xi32>], vector<16xf32>, vector<16xi1>
    %add3A_363 = arith.constant 2 : i32
    %add3A_364 = vector.broadcast %add3A_363 : i32 to vector<16xi32>
    %add3A_365 = arith.addi %mul3A_345, %add3A_364 : vector<16xi32>
    %mul3A_366 = arith.constant 208 : i32
    %mul3A_367 = vector.broadcast %mul3A_366 : i32 to vector<16xi32>
    %mul3A_368 = arith.muli %add3A_365, %mul3A_367 : vector<16xi32>
    %add3A_369 = arith.addi %mul3A_368, %add3A_163 : vector<16xi32>
    tpu.vector_store_idx %arg9[%add3A_369], %sub3A_159 masked %and3A : memref<2080xf32, #tpu.memory_space<vmem>>[vector<16xi32>], vector<16xf32>, vector<16xi1>
    %add3A_370 = arith.constant 3 : i32
    %add3A_371 = vector.broadcast %add3A_370 : i32 to vector<16xi32>
    %add3A_372 = arith.addi %mul3A_345, %add3A_371 : vector<16xi32>
    %mul3A_373 = arith.constant 208 : i32
    %mul3A_374 = vector.broadcast %mul3A_373 : i32 to vector<16xi32>
    %mul3A_375 = arith.muli %add3A_372, %mul3A_374 : vector<16xi32>
    %add3A_376 = arith.addi %mul3A_375, %add3A_163 : vector<16xi32>
    tpu.vector_store_idx %arg9[%add3A_376], %sub3A masked %and3A : memref<2080xf32, #tpu.memory_space<vmem>>[vector<16xi32>], vector<16xf32>, vector<16xi1>
    %add3A_377 = arith.constant 4 : i32
    %add3A_378 = vector.broadcast %add3A_377 : i32 to vector<16xi32>
    %add3A_379 = arith.addi %mul3A_345, %add3A_378 : vector<16xi32>
    %mul3A_380 = arith.constant 208 : i32
    %mul3A_381 = vector.broadcast %mul3A_380 : i32 to vector<16xi32>
    %mul3A_382 = arith.muli %add3A_379, %mul3A_381 : vector<16xi32>
    %add3A_383 = arith.addi %mul3A_382, %add3A_163 : vector<16xi32>
    tpu.vector_store_idx %arg9[%add3A_383], %sub3A_148 masked %and3A : memref<2080xf32, #tpu.memory_space<vmem>>[vector<16xi32>], vector<16xf32>, vector<16xi1>
    %mul3A_384 = arith.constant 208 : i32
    %mul3A_385 = vector.broadcast %mul3A_384 : i32 to vector<16xi32>
    %mul3A_386 = arith.muli %convert_element_type3A_346, %mul3A_385 : vector<16xi32>
    %add3A_387 = arith.addi %mul3A_386, %add3A_163 : vector<16xi32>
    tpu.vector_store_idx %arg10[%add3A_387], %broadcast_in_dim3A_3 masked %and3A : memref<4160xf32, #tpu.memory_space<vmem>>[vector<16xi32>], vector<16xf32>, vector<16xi1>
    tpu.vector_store_idx %arg11[%add3A_163], %iota3A masked %and3A : memref<208xi32, #tpu.memory_space<vmem>>[vector<16xi32>], vector<16xi32>, vector<16xi1>
    %eq3A_388 = arith.constant 1 : i32
    %eq3A_389 = vector.broadcast %eq3A_388 : i32 to vector<16xi32>
    %eq3A_390 = arith.cmpi eq, %iota3A, %eq3A_389 : vector<16xi32>
    %and3A_391 = arith.andi %ne3A_139, %eq3A_390 : vector<16xi1>
    %add3A_392 = arith.constant 0 : i32
    %add3A_393 = vector.broadcast %add3A_392 : i32 to vector<16xi32>
    %add3A_394 = arith.addi %mul3A_345, %add3A_393 : vector<16xi32>
    %mul3A_395 = arith.constant 208 : i32
    %mul3A_396 = vector.broadcast %mul3A_395 : i32 to vector<16xi32>
    %mul3A_397 = arith.muli %add3A_394, %mul3A_396 : vector<16xi32>
    %add3A_398 = arith.addi %mul3A_397, %add3A_163 : vector<16xi32>
    tpu.vector_store_idx %arg9[%add3A_398], %broadcast_in_dim3A_3 masked %and3A_391 : memref<2080xf32, #tpu.memory_space<vmem>>[vector<16xi32>], vector<16xf32>, vector<16xi1>
    %add3A_399 = arith.constant 1 : i32
    %add3A_400 = vector.broadcast %add3A_399 : i32 to vector<16xi32>
    %add3A_401 = arith.addi %mul3A_345, %add3A_400 : vector<16xi32>
    %mul3A_402 = arith.constant 208 : i32
    %mul3A_403 = vector.broadcast %mul3A_402 : i32 to vector<16xi32>
    %mul3A_404 = arith.muli %add3A_401, %mul3A_403 : vector<16xi32>
    %add3A_405 = arith.addi %mul3A_404, %add3A_163 : vector<16xi32>
    tpu.vector_store_idx %arg9[%add3A_405], %sub3A_157 masked %and3A_391 : memref<2080xf32, #tpu.memory_space<vmem>>[vector<16xi32>], vector<16xf32>, vector<16xi1>
    %add3A_406 = arith.constant 2 : i32
    %add3A_407 = vector.broadcast %add3A_406 : i32 to vector<16xi32>
    %add3A_408 = arith.addi %mul3A_345, %add3A_407 : vector<16xi32>
    %mul3A_409 = arith.constant 208 : i32
    %mul3A_410 = vector.broadcast %mul3A_409 : i32 to vector<16xi32>
    %mul3A_411 = arith.muli %add3A_408, %mul3A_410 : vector<16xi32>
    %add3A_412 = arith.addi %mul3A_411, %add3A_163 : vector<16xi32>
    tpu.vector_store_idx %arg9[%add3A_412], %sub3A_159 masked %and3A_391 : memref<2080xf32, #tpu.memory_space<vmem>>[vector<16xi32>], vector<16xf32>, vector<16xi1>
    %add3A_413 = arith.constant 3 : i32
    %add3A_414 = vector.broadcast %add3A_413 : i32 to vector<16xi32>
    %add3A_415 = arith.addi %mul3A_345, %add3A_414 : vector<16xi32>
    %mul3A_416 = arith.constant 208 : i32
    %mul3A_417 = vector.broadcast %mul3A_416 : i32 to vector<16xi32>
    %mul3A_418 = arith.muli %add3A_415, %mul3A_417 : vector<16xi32>
    %add3A_419 = arith.addi %mul3A_418, %add3A_163 : vector<16xi32>
    tpu.vector_store_idx %arg9[%add3A_419], %sub3A masked %and3A_391 : memref<2080xf32, #tpu.memory_space<vmem>>[vector<16xi32>], vector<16xf32>, vector<16xi1>
    %add3A_420 = arith.constant 4 : i32
    %add3A_421 = vector.broadcast %add3A_420 : i32 to vector<16xi32>
    %add3A_422 = arith.addi %mul3A_345, %add3A_421 : vector<16xi32>
    %mul3A_423 = arith.constant 208 : i32
    %mul3A_424 = vector.broadcast %mul3A_423 : i32 to vector<16xi32>
    %mul3A_425 = arith.muli %add3A_422, %mul3A_424 : vector<16xi32>
    %add3A_426 = arith.addi %mul3A_425, %add3A_163 : vector<16xi32>
    tpu.vector_store_idx %arg9[%add3A_426], %sub3A_148 masked %and3A_391 : memref<2080xf32, #tpu.memory_space<vmem>>[vector<16xi32>], vector<16xf32>, vector<16xi1>
    %mul3A_427 = arith.constant 208 : i32
    %mul3A_428 = vector.broadcast %mul3A_427 : i32 to vector<16xi32>
    %mul3A_429 = arith.muli %convert_element_type3A_346, %mul3A_428 : vector<16xi32>
    %add3A_430 = arith.addi %mul3A_429, %add3A_163 : vector<16xi32>
    tpu.vector_store_idx %arg10[%add3A_430], %broadcast_in_dim3A_3 masked %and3A_391 : memref<4160xf32, #tpu.memory_space<vmem>>[vector<16xi32>], vector<16xf32>, vector<16xi1>
    tpu.vector_store_idx %arg11[%add3A_163], %iota3A masked %and3A_391 : memref<208xi32, #tpu.memory_space<vmem>>[vector<16xi32>], vector<16xi32>, vector<16xi1>
    %eq3A_431 = arith.constant 2 : i32
    %eq3A_432 = vector.broadcast %eq3A_431 : i32 to vector<16xi32>
    %eq3A_433 = arith.cmpi eq, %iota3A, %eq3A_432 : vector<16xi32>
    %and3A_434 = arith.andi %ne3A_139, %eq3A_433 : vector<16xi1>
    %add3A_435 = arith.constant 0 : i32
    %add3A_436 = vector.broadcast %add3A_435 : i32 to vector<16xi32>
    %add3A_437 = arith.addi %mul3A_345, %add3A_436 : vector<16xi32>
    %mul3A_438 = arith.constant 208 : i32
    %mul3A_439 = vector.broadcast %mul3A_438 : i32 to vector<16xi32>
    %mul3A_440 = arith.muli %add3A_437, %mul3A_439 : vector<16xi32>
    %add3A_441 = arith.addi %mul3A_440, %add3A_163 : vector<16xi32>
    tpu.vector_store_idx %arg9[%add3A_441], %broadcast_in_dim3A_3 masked %and3A_434 : memref<2080xf32, #tpu.memory_space<vmem>>[vector<16xi32>], vector<16xf32>, vector<16xi1>
    %add3A_442 = arith.constant 1 : i32
    %add3A_443 = vector.broadcast %add3A_442 : i32 to vector<16xi32>
    %add3A_444 = arith.addi %mul3A_345, %add3A_443 : vector<16xi32>
    %mul3A_445 = arith.constant 208 : i32
    %mul3A_446 = vector.broadcast %mul3A_445 : i32 to vector<16xi32>
    %mul3A_447 = arith.muli %add3A_444, %mul3A_446 : vector<16xi32>
    %add3A_448 = arith.addi %mul3A_447, %add3A_163 : vector<16xi32>
    tpu.vector_store_idx %arg9[%add3A_448], %sub3A_157 masked %and3A_434 : memref<2080xf32, #tpu.memory_space<vmem>>[vector<16xi32>], vector<16xf32>, vector<16xi1>
    %add3A_449 = arith.constant 2 : i32
    %add3A_450 = vector.broadcast %add3A_449 : i32 to vector<16xi32>
    %add3A_451 = arith.addi %mul3A_345, %add3A_450 : vector<16xi32>
    %mul3A_452 = arith.constant 208 : i32
    %mul3A_453 = vector.broadcast %mul3A_452 : i32 to vector<16xi32>
    %mul3A_454 = arith.muli %add3A_451, %mul3A_453 : vector<16xi32>
    %add3A_455 = arith.addi %mul3A_454, %add3A_163 : vector<16xi32>
    tpu.vector_store_idx %arg9[%add3A_455], %sub3A_159 masked %and3A_434 : memref<2080xf32, #tpu.memory_space<vmem>>[vector<16xi32>], vector<16xf32>, vector<16xi1>
    %add3A_456 = arith.constant 3 : i32
    %add3A_457 = vector.broadcast %add3A_456 : i32 to vector<16xi32>
    %add3A_458 = arith.addi %mul3A_345, %add3A_457 : vector<16xi32>
    %mul3A_459 = arith.constant 208 : i32
    %mul3A_460 = vector.broadcast %mul3A_459 : i32 to vector<16xi32>
    %mul3A_461 = arith.muli %add3A_458, %mul3A_460 : vector<16xi32>
    %add3A_462 = arith.addi %mul3A_461, %add3A_163 : vector<16xi32>
    tpu.vector_store_idx %arg9[%add3A_462], %sub3A masked %and3A_434 : memref<2080xf32, #tpu.memory_space<vmem>>[vector<16xi32>], vector<16xf32>, vector<16xi1>
    %add3A_463 = arith.constant 4 : i32
    %add3A_464 = vector.broadcast %add3A_463 : i32 to vector<16xi32>
    %add3A_465 = arith.addi %mul3A_345, %add3A_464 : vector<16xi32>
    %mul3A_466 = arith.constant 208 : i32
    %mul3A_467 = vector.broadcast %mul3A_466 : i32 to vector<16xi32>
    %mul3A_468 = arith.muli %add3A_465, %mul3A_467 : vector<16xi32>
    %add3A_469 = arith.addi %mul3A_468, %add3A_163 : vector<16xi32>
    tpu.vector_store_idx %arg9[%add3A_469], %sub3A_148 masked %and3A_434 : memref<2080xf32, #tpu.memory_space<vmem>>[vector<16xi32>], vector<16xf32>, vector<16xi1>
    %mul3A_470 = arith.constant 208 : i32
    %mul3A_471 = vector.broadcast %mul3A_470 : i32 to vector<16xi32>
    %mul3A_472 = arith.muli %convert_element_type3A_346, %mul3A_471 : vector<16xi32>
    %add3A_473 = arith.addi %mul3A_472, %add3A_163 : vector<16xi32>
    tpu.vector_store_idx %arg10[%add3A_473], %broadcast_in_dim3A_3 masked %and3A_434 : memref<4160xf32, #tpu.memory_space<vmem>>[vector<16xi32>], vector<16xf32>, vector<16xi1>
    tpu.vector_store_idx %arg11[%add3A_163], %iota3A masked %and3A_434 : memref<208xi32, #tpu.memory_space<vmem>>[vector<16xi32>], vector<16xi32>, vector<16xi1>
    %eq3A_474 = arith.constant 3 : i32
    %eq3A_475 = vector.broadcast %eq3A_474 : i32 to vector<16xi32>
    %eq3A_476 = arith.cmpi eq, %iota3A, %eq3A_475 : vector<16xi32>
    %and3A_477 = arith.andi %ne3A_139, %eq3A_476 : vector<16xi1>
    %add3A_478 = arith.constant 0 : i32
    %add3A_479 = vector.broadcast %add3A_478 : i32 to vector<16xi32>
    %add3A_480 = arith.addi %mul3A_345, %add3A_479 : vector<16xi32>
    %mul3A_481 = arith.constant 208 : i32
    %mul3A_482 = vector.broadcast %mul3A_481 : i32 to vector<16xi32>
    %mul3A_483 = arith.muli %add3A_480, %mul3A_482 : vector<16xi32>
    %add3A_484 = arith.addi %mul3A_483, %add3A_163 : vector<16xi32>
    tpu.vector_store_idx %arg9[%add3A_484], %broadcast_in_dim3A_3 masked %and3A_477 : memref<2080xf32, #tpu.memory_space<vmem>>[vector<16xi32>], vector<16xf32>, vector<16xi1>
    %add3A_485 = arith.constant 1 : i32
    %add3A_486 = vector.broadcast %add3A_485 : i32 to vector<16xi32>
    %add3A_487 = arith.addi %mul3A_345, %add3A_486 : vector<16xi32>
    %mul3A_488 = arith.constant 208 : i32
    %mul3A_489 = vector.broadcast %mul3A_488 : i32 to vector<16xi32>
    %mul3A_490 = arith.muli %add3A_487, %mul3A_489 : vector<16xi32>
    %add3A_491 = arith.addi %mul3A_490, %add3A_163 : vector<16xi32>
    tpu.vector_store_idx %arg9[%add3A_491], %sub3A_157 masked %and3A_477 : memref<2080xf32, #tpu.memory_space<vmem>>[vector<16xi32>], vector<16xf32>, vector<16xi1>
    %add3A_492 = arith.constant 2 : i32
    %add3A_493 = vector.broadcast %add3A_492 : i32 to vector<16xi32>
    %add3A_494 = arith.addi %mul3A_345, %add3A_493 : vector<16xi32>
    %mul3A_495 = arith.constant 208 : i32
    %mul3A_496 = vector.broadcast %mul3A_495 : i32 to vector<16xi32>
    %mul3A_497 = arith.muli %add3A_494, %mul3A_496 : vector<16xi32>
    %add3A_498 = arith.addi %mul3A_497, %add3A_163 : vector<16xi32>
    tpu.vector_store_idx %arg9[%add3A_498], %sub3A_159 masked %and3A_477 : memref<2080xf32, #tpu.memory_space<vmem>>[vector<16xi32>], vector<16xf32>, vector<16xi1>
    %add3A_499 = arith.constant 3 : i32
    %add3A_500 = vector.broadcast %add3A_499 : i32 to vector<16xi32>
    %add3A_501 = arith.addi %mul3A_345, %add3A_500 : vector<16xi32>
    %mul3A_502 = arith.constant 208 : i32
    %mul3A_503 = vector.broadcast %mul3A_502 : i32 to vector<16xi32>
    %mul3A_504 = arith.muli %add3A_501, %mul3A_503 : vector<16xi32>
    %add3A_505 = arith.addi %mul3A_504, %add3A_163 : vector<16xi32>
    tpu.vector_store_idx %arg9[%add3A_505], %sub3A masked %and3A_477 : memref<2080xf32, #tpu.memory_space<vmem>>[vector<16xi32>], vector<16xf32>, vector<16xi1>
    %add3A_506 = arith.constant 4 : i32
    %add3A_507 = vector.broadcast %add3A_506 : i32 to vector<16xi32>
    %add3A_508 = arith.addi %mul3A_345, %add3A_507 : vector<16xi32>
    %mul3A_509 = arith.constant 208 : i32
    %mul3A_510 = vector.broadcast %mul3A_509 : i32 to vector<16xi32>
    %mul3A_511 = arith.muli %add3A_508, %mul3A_510 : vector<16xi32>
    %add3A_512 = arith.addi %mul3A_511, %add3A_163 : vector<16xi32>
    tpu.vector_store_idx %arg9[%add3A_512], %sub3A_148 masked %and3A_477 : memref<2080xf32, #tpu.memory_space<vmem>>[vector<16xi32>], vector<16xf32>, vector<16xi1>
    %mul3A_513 = arith.constant 208 : i32
    %mul3A_514 = vector.broadcast %mul3A_513 : i32 to vector<16xi32>
    %mul3A_515 = arith.muli %convert_element_type3A_346, %mul3A_514 : vector<16xi32>
    %add3A_516 = arith.addi %mul3A_515, %add3A_163 : vector<16xi32>
    tpu.vector_store_idx %arg10[%add3A_516], %broadcast_in_dim3A_3 masked %and3A_477 : memref<4160xf32, #tpu.memory_space<vmem>>[vector<16xi32>], vector<16xf32>, vector<16xi1>
    tpu.vector_store_idx %arg11[%add3A_163], %iota3A masked %and3A_477 : memref<208xi32, #tpu.memory_space<vmem>>[vector<16xi32>], vector<16xi32>, vector<16xi1>
    %eq3A_517 = arith.constant 4 : i32
    %eq3A_518 = vector.broadcast %eq3A_517 : i32 to vector<16xi32>
    %eq3A_519 = arith.cmpi eq, %iota3A, %eq3A_518 : vector<16xi32>
    %and3A_520 = arith.andi %ne3A_139, %eq3A_519 : vector<16xi1>
    %add3A_521 = arith.constant 0 : i32
    %add3A_522 = vector.broadcast %add3A_521 : i32 to vector<16xi32>
    %add3A_523 = arith.addi %mul3A_345, %add3A_522 : vector<16xi32>
    %mul3A_524 = arith.constant 208 : i32
    %mul3A_525 = vector.broadcast %mul3A_524 : i32 to vector<16xi32>
    %mul3A_526 = arith.muli %add3A_523, %mul3A_525 : vector<16xi32>
    %add3A_527 = arith.addi %mul3A_526, %add3A_163 : vector<16xi32>
    tpu.vector_store_idx %arg9[%add3A_527], %broadcast_in_dim3A_3 masked %and3A_520 : memref<2080xf32, #tpu.memory_space<vmem>>[vector<16xi32>], vector<16xf32>, vector<16xi1>
    %add3A_528 = arith.constant 1 : i32
    %add3A_529 = vector.broadcast %add3A_528 : i32 to vector<16xi32>
    %add3A_530 = arith.addi %mul3A_345, %add3A_529 : vector<16xi32>
    %mul3A_531 = arith.constant 208 : i32
    %mul3A_532 = vector.broadcast %mul3A_531 : i32 to vector<16xi32>
    %mul3A_533 = arith.muli %add3A_530, %mul3A_532 : vector<16xi32>
    %add3A_534 = arith.addi %mul3A_533, %add3A_163 : vector<16xi32>
    tpu.vector_store_idx %arg9[%add3A_534], %sub3A_157 masked %and3A_520 : memref<2080xf32, #tpu.memory_space<vmem>>[vector<16xi32>], vector<16xf32>, vector<16xi1>
    %add3A_535 = arith.constant 2 : i32
    %add3A_536 = vector.broadcast %add3A_535 : i32 to vector<16xi32>
    %add3A_537 = arith.addi %mul3A_345, %add3A_536 : vector<16xi32>
    %mul3A_538 = arith.constant 208 : i32
    %mul3A_539 = vector.broadcast %mul3A_538 : i32 to vector<16xi32>
    %mul3A_540 = arith.muli %add3A_537, %mul3A_539 : vector<16xi32>
    %add3A_541 = arith.addi %mul3A_540, %add3A_163 : vector<16xi32>
    tpu.vector_store_idx %arg9[%add3A_541], %sub3A_159 masked %and3A_520 : memref<2080xf32, #tpu.memory_space<vmem>>[vector<16xi32>], vector<16xf32>, vector<16xi1>
    %add3A_542 = arith.constant 3 : i32
    %add3A_543 = vector.broadcast %add3A_542 : i32 to vector<16xi32>
    %add3A_544 = arith.addi %mul3A_345, %add3A_543 : vector<16xi32>
    %mul3A_545 = arith.constant 208 : i32
    %mul3A_546 = vector.broadcast %mul3A_545 : i32 to vector<16xi32>
    %mul3A_547 = arith.muli %add3A_544, %mul3A_546 : vector<16xi32>
    %add3A_548 = arith.addi %mul3A_547, %add3A_163 : vector<16xi32>
    tpu.vector_store_idx %arg9[%add3A_548], %sub3A masked %and3A_520 : memref<2080xf32, #tpu.memory_space<vmem>>[vector<16xi32>], vector<16xf32>, vector<16xi1>
    %add3A_549 = arith.constant 4 : i32
    %add3A_550 = vector.broadcast %add3A_549 : i32 to vector<16xi32>
    %add3A_551 = arith.addi %mul3A_345, %add3A_550 : vector<16xi32>
    %mul3A_552 = arith.constant 208 : i32
    %mul3A_553 = vector.broadcast %mul3A_552 : i32 to vector<16xi32>
    %mul3A_554 = arith.muli %add3A_551, %mul3A_553 : vector<16xi32>
    %add3A_555 = arith.addi %mul3A_554, %add3A_163 : vector<16xi32>
    tpu.vector_store_idx %arg9[%add3A_555], %sub3A_148 masked %and3A_520 : memref<2080xf32, #tpu.memory_space<vmem>>[vector<16xi32>], vector<16xf32>, vector<16xi1>
    %mul3A_556 = arith.constant 208 : i32
    %mul3A_557 = vector.broadcast %mul3A_556 : i32 to vector<16xi32>
    %mul3A_558 = arith.muli %convert_element_type3A_346, %mul3A_557 : vector<16xi32>
    %add3A_559 = arith.addi %mul3A_558, %add3A_163 : vector<16xi32>
    tpu.vector_store_idx %arg10[%add3A_559], %broadcast_in_dim3A_3 masked %and3A_520 : memref<4160xf32, #tpu.memory_space<vmem>>[vector<16xi32>], vector<16xf32>, vector<16xi1>
    tpu.vector_store_idx %arg11[%add3A_163], %iota3A masked %and3A_520 : memref<208xi32, #tpu.memory_space<vmem>>[vector<16xi32>], vector<16xi32>, vector<16xi1>
    %eq3A_560 = arith.constant 5 : i32
    %eq3A_561 = vector.broadcast %eq3A_560 : i32 to vector<16xi32>
    %eq3A_562 = arith.cmpi eq, %iota3A, %eq3A_561 : vector<16xi32>
    %and3A_563 = arith.andi %ne3A_139, %eq3A_562 : vector<16xi1>
    %add3A_564 = arith.constant 0 : i32
    %add3A_565 = vector.broadcast %add3A_564 : i32 to vector<16xi32>
    %add3A_566 = arith.addi %mul3A_345, %add3A_565 : vector<16xi32>
    %mul3A_567 = arith.constant 208 : i32
    %mul3A_568 = vector.broadcast %mul3A_567 : i32 to vector<16xi32>
    %mul3A_569 = arith.muli %add3A_566, %mul3A_568 : vector<16xi32>
    %add3A_570 = arith.addi %mul3A_569, %add3A_163 : vector<16xi32>
    tpu.vector_store_idx %arg9[%add3A_570], %broadcast_in_dim3A_3 masked %and3A_563 : memref<2080xf32, #tpu.memory_space<vmem>>[vector<16xi32>], vector<16xf32>, vector<16xi1>
    %add3A_571 = arith.constant 1 : i32
    %add3A_572 = vector.broadcast %add3A_571 : i32 to vector<16xi32>
    %add3A_573 = arith.addi %mul3A_345, %add3A_572 : vector<16xi32>
    %mul3A_574 = arith.constant 208 : i32
    %mul3A_575 = vector.broadcast %mul3A_574 : i32 to vector<16xi32>
    %mul3A_576 = arith.muli %add3A_573, %mul3A_575 : vector<16xi32>
    %add3A_577 = arith.addi %mul3A_576, %add3A_163 : vector<16xi32>
    tpu.vector_store_idx %arg9[%add3A_577], %sub3A_157 masked %and3A_563 : memref<2080xf32, #tpu.memory_space<vmem>>[vector<16xi32>], vector<16xf32>, vector<16xi1>
    %add3A_578 = arith.constant 2 : i32
    %add3A_579 = vector.broadcast %add3A_578 : i32 to vector<16xi32>
    %add3A_580 = arith.addi %mul3A_345, %add3A_579 : vector<16xi32>
    %mul3A_581 = arith.constant 208 : i32
    %mul3A_582 = vector.broadcast %mul3A_581 : i32 to vector<16xi32>
    %mul3A_583 = arith.muli %add3A_580, %mul3A_582 : vector<16xi32>
    %add3A_584 = arith.addi %mul3A_583, %add3A_163 : vector<16xi32>
    tpu.vector_store_idx %arg9[%add3A_584], %sub3A_159 masked %and3A_563 : memref<2080xf32, #tpu.memory_space<vmem>>[vector<16xi32>], vector<16xf32>, vector<16xi1>
    %add3A_585 = arith.constant 3 : i32
    %add3A_586 = vector.broadcast %add3A_585 : i32 to vector<16xi32>
    %add3A_587 = arith.addi %mul3A_345, %add3A_586 : vector<16xi32>
    %mul3A_588 = arith.constant 208 : i32
    %mul3A_589 = vector.broadcast %mul3A_588 : i32 to vector<16xi32>
    %mul3A_590 = arith.muli %add3A_587, %mul3A_589 : vector<16xi32>
    %add3A_591 = arith.addi %mul3A_590, %add3A_163 : vector<16xi32>
    tpu.vector_store_idx %arg9[%add3A_591], %sub3A masked %and3A_563 : memref<2080xf32, #tpu.memory_space<vmem>>[vector<16xi32>], vector<16xf32>, vector<16xi1>
    %add3A_592 = arith.constant 4 : i32
    %add3A_593 = vector.broadcast %add3A_592 : i32 to vector<16xi32>
    %add3A_594 = arith.addi %mul3A_345, %add3A_593 : vector<16xi32>
    %mul3A_595 = arith.constant 208 : i32
    %mul3A_596 = vector.broadcast %mul3A_595 : i32 to vector<16xi32>
    %mul3A_597 = arith.muli %add3A_594, %mul3A_596 : vector<16xi32>
    %add3A_598 = arith.addi %mul3A_597, %add3A_163 : vector<16xi32>
    tpu.vector_store_idx %arg9[%add3A_598], %sub3A_148 masked %and3A_563 : memref<2080xf32, #tpu.memory_space<vmem>>[vector<16xi32>], vector<16xf32>, vector<16xi1>
    %mul3A_599 = arith.constant 208 : i32
    %mul3A_600 = vector.broadcast %mul3A_599 : i32 to vector<16xi32>
    %mul3A_601 = arith.muli %convert_element_type3A_346, %mul3A_600 : vector<16xi32>
    %add3A_602 = arith.addi %mul3A_601, %add3A_163 : vector<16xi32>
    tpu.vector_store_idx %arg10[%add3A_602], %broadcast_in_dim3A_3 masked %and3A_563 : memref<4160xf32, #tpu.memory_space<vmem>>[vector<16xi32>], vector<16xf32>, vector<16xi1>
    tpu.vector_store_idx %arg11[%add3A_163], %iota3A masked %and3A_563 : memref<208xi32, #tpu.memory_space<vmem>>[vector<16xi32>], vector<16xi32>, vector<16xi1>
    %eq3A_603 = arith.constant 6 : i32
    %eq3A_604 = vector.broadcast %eq3A_603 : i32 to vector<16xi32>
    %eq3A_605 = arith.cmpi eq, %iota3A, %eq3A_604 : vector<16xi32>
    %and3A_606 = arith.andi %ne3A_139, %eq3A_605 : vector<16xi1>
    %add3A_607 = arith.constant 0 : i32
    %add3A_608 = vector.broadcast %add3A_607 : i32 to vector<16xi32>
    %add3A_609 = arith.addi %mul3A_345, %add3A_608 : vector<16xi32>
    %mul3A_610 = arith.constant 208 : i32
    %mul3A_611 = vector.broadcast %mul3A_610 : i32 to vector<16xi32>
    %mul3A_612 = arith.muli %add3A_609, %mul3A_611 : vector<16xi32>
    %add3A_613 = arith.addi %mul3A_612, %add3A_163 : vector<16xi32>
    tpu.vector_store_idx %arg9[%add3A_613], %broadcast_in_dim3A_3 masked %and3A_606 : memref<2080xf32, #tpu.memory_space<vmem>>[vector<16xi32>], vector<16xf32>, vector<16xi1>
    %add3A_614 = arith.constant 1 : i32
    %add3A_615 = vector.broadcast %add3A_614 : i32 to vector<16xi32>
    %add3A_616 = arith.addi %mul3A_345, %add3A_615 : vector<16xi32>
    %mul3A_617 = arith.constant 208 : i32
    %mul3A_618 = vector.broadcast %mul3A_617 : i32 to vector<16xi32>
    %mul3A_619 = arith.muli %add3A_616, %mul3A_618 : vector<16xi32>
    %add3A_620 = arith.addi %mul3A_619, %add3A_163 : vector<16xi32>
    tpu.vector_store_idx %arg9[%add3A_620], %sub3A_157 masked %and3A_606 : memref<2080xf32, #tpu.memory_space<vmem>>[vector<16xi32>], vector<16xf32>, vector<16xi1>
    %add3A_621 = arith.constant 2 : i32
    %add3A_622 = vector.broadcast %add3A_621 : i32 to vector<16xi32>
    %add3A_623 = arith.addi %mul3A_345, %add3A_622 : vector<16xi32>
    %mul3A_624 = arith.constant 208 : i32
    %mul3A_625 = vector.broadcast %mul3A_624 : i32 to vector<16xi32>
    %mul3A_626 = arith.muli %add3A_623, %mul3A_625 : vector<16xi32>
    %add3A_627 = arith.addi %mul3A_626, %add3A_163 : vector<16xi32>
    tpu.vector_store_idx %arg9[%add3A_627], %sub3A_159 masked %and3A_606 : memref<2080xf32, #tpu.memory_space<vmem>>[vector<16xi32>], vector<16xf32>, vector<16xi1>
    %add3A_628 = arith.constant 3 : i32
    %add3A_629 = vector.broadcast %add3A_628 : i32 to vector<16xi32>
    %add3A_630 = arith.addi %mul3A_345, %add3A_629 : vector<16xi32>
    %mul3A_631 = arith.constant 208 : i32
    %mul3A_632 = vector.broadcast %mul3A_631 : i32 to vector<16xi32>
    %mul3A_633 = arith.muli %add3A_630, %mul3A_632 : vector<16xi32>
    %add3A_634 = arith.addi %mul3A_633, %add3A_163 : vector<16xi32>
    tpu.vector_store_idx %arg9[%add3A_634], %sub3A masked %and3A_606 : memref<2080xf32, #tpu.memory_space<vmem>>[vector<16xi32>], vector<16xf32>, vector<16xi1>
    %add3A_635 = arith.constant 4 : i32
    %add3A_636 = vector.broadcast %add3A_635 : i32 to vector<16xi32>
    %add3A_637 = arith.addi %mul3A_345, %add3A_636 : vector<16xi32>
    %mul3A_638 = arith.constant 208 : i32
    %mul3A_639 = vector.broadcast %mul3A_638 : i32 to vector<16xi32>
    %mul3A_640 = arith.muli %add3A_637, %mul3A_639 : vector<16xi32>
    %add3A_641 = arith.addi %mul3A_640, %add3A_163 : vector<16xi32>
    tpu.vector_store_idx %arg9[%add3A_641], %sub3A_148 masked %and3A_606 : memref<2080xf32, #tpu.memory_space<vmem>>[vector<16xi32>], vector<16xf32>, vector<16xi1>
    %mul3A_642 = arith.constant 208 : i32
    %mul3A_643 = vector.broadcast %mul3A_642 : i32 to vector<16xi32>
    %mul3A_644 = arith.muli %convert_element_type3A_346, %mul3A_643 : vector<16xi32>
    %add3A_645 = arith.addi %mul3A_644, %add3A_163 : vector<16xi32>
    tpu.vector_store_idx %arg10[%add3A_645], %broadcast_in_dim3A_3 masked %and3A_606 : memref<4160xf32, #tpu.memory_space<vmem>>[vector<16xi32>], vector<16xf32>, vector<16xi1>
    tpu.vector_store_idx %arg11[%add3A_163], %iota3A masked %and3A_606 : memref<208xi32, #tpu.memory_space<vmem>>[vector<16xi32>], vector<16xi32>, vector<16xi1>
    %eq3A_646 = arith.constant 7 : i32
    %eq3A_647 = vector.broadcast %eq3A_646 : i32 to vector<16xi32>
    %eq3A_648 = arith.cmpi eq, %iota3A, %eq3A_647 : vector<16xi32>
    %and3A_649 = arith.andi %ne3A_139, %eq3A_648 : vector<16xi1>
    %add3A_650 = arith.constant 0 : i32
    %add3A_651 = vector.broadcast %add3A_650 : i32 to vector<16xi32>
    %add3A_652 = arith.addi %mul3A_345, %add3A_651 : vector<16xi32>
    %mul3A_653 = arith.constant 208 : i32
    %mul3A_654 = vector.broadcast %mul3A_653 : i32 to vector<16xi32>
    %mul3A_655 = arith.muli %add3A_652, %mul3A_654 : vector<16xi32>
    %add3A_656 = arith.addi %mul3A_655, %add3A_163 : vector<16xi32>
    tpu.vector_store_idx %arg9[%add3A_656], %broadcast_in_dim3A_3 masked %and3A_649 : memref<2080xf32, #tpu.memory_space<vmem>>[vector<16xi32>], vector<16xf32>, vector<16xi1>
    %add3A_657 = arith.constant 1 : i32
    %add3A_658 = vector.broadcast %add3A_657 : i32 to vector<16xi32>
    %add3A_659 = arith.addi %mul3A_345, %add3A_658 : vector<16xi32>
    %mul3A_660 = arith.constant 208 : i32
    %mul3A_661 = vector.broadcast %mul3A_660 : i32 to vector<16xi32>
    %mul3A_662 = arith.muli %add3A_659, %mul3A_661 : vector<16xi32>
    %add3A_663 = arith.addi %mul3A_662, %add3A_163 : vector<16xi32>
    tpu.vector_store_idx %arg9[%add3A_663], %sub3A_157 masked %and3A_649 : memref<2080xf32, #tpu.memory_space<vmem>>[vector<16xi32>], vector<16xf32>, vector<16xi1>
    %add3A_664 = arith.constant 2 : i32
    %add3A_665 = vector.broadcast %add3A_664 : i32 to vector<16xi32>
    %add3A_666 = arith.addi %mul3A_345, %add3A_665 : vector<16xi32>
    %mul3A_667 = arith.constant 208 : i32
    %mul3A_668 = vector.broadcast %mul3A_667 : i32 to vector<16xi32>
    %mul3A_669 = arith.muli %add3A_666, %mul3A_668 : vector<16xi32>
    %add3A_670 = arith.addi %mul3A_669, %add3A_163 : vector<16xi32>
    tpu.vector_store_idx %arg9[%add3A_670], %sub3A_159 masked %and3A_649 : memref<2080xf32, #tpu.memory_space<vmem>>[vector<16xi32>], vector<16xf32>, vector<16xi1>
    %add3A_671 = arith.constant 3 : i32
    %add3A_672 = vector.broadcast %add3A_671 : i32 to vector<16xi32>
    %add3A_673 = arith.addi %mul3A_345, %add3A_672 : vector<16xi32>
    %mul3A_674 = arith.constant 208 : i32
    %mul3A_675 = vector.broadcast %mul3A_674 : i32 to vector<16xi32>
    %mul3A_676 = arith.muli %add3A_673, %mul3A_675 : vector<16xi32>
    %add3A_677 = arith.addi %mul3A_676, %add3A_163 : vector<16xi32>
    tpu.vector_store_idx %arg9[%add3A_677], %sub3A masked %and3A_649 : memref<2080xf32, #tpu.memory_space<vmem>>[vector<16xi32>], vector<16xf32>, vector<16xi1>
    %add3A_678 = arith.constant 4 : i32
    %add3A_679 = vector.broadcast %add3A_678 : i32 to vector<16xi32>
    %add3A_680 = arith.addi %mul3A_345, %add3A_679 : vector<16xi32>
    %mul3A_681 = arith.constant 208 : i32
    %mul3A_682 = vector.broadcast %mul3A_681 : i32 to vector<16xi32>
    %mul3A_683 = arith.muli %add3A_680, %mul3A_682 : vector<16xi32>
    %add3A_684 = arith.addi %mul3A_683, %add3A_163 : vector<16xi32>
    tpu.vector_store_idx %arg9[%add3A_684], %sub3A_148 masked %and3A_649 : memref<2080xf32, #tpu.memory_space<vmem>>[vector<16xi32>], vector<16xf32>, vector<16xi1>
    %mul3A_685 = arith.constant 208 : i32
    %mul3A_686 = vector.broadcast %mul3A_685 : i32 to vector<16xi32>
    %mul3A_687 = arith.muli %convert_element_type3A_346, %mul3A_686 : vector<16xi32>
    %add3A_688 = arith.addi %mul3A_687, %add3A_163 : vector<16xi32>
    tpu.vector_store_idx %arg10[%add3A_688], %broadcast_in_dim3A_3 masked %and3A_649 : memref<4160xf32, #tpu.memory_space<vmem>>[vector<16xi32>], vector<16xf32>, vector<16xi1>
    tpu.vector_store_idx %arg11[%add3A_163], %iota3A masked %and3A_649 : memref<208xi32, #tpu.memory_space<vmem>>[vector<16xi32>], vector<16xi32>, vector<16xi1>
    %eq3A_689 = arith.constant 8 : i32
    %eq3A_690 = vector.broadcast %eq3A_689 : i32 to vector<16xi32>
    %eq3A_691 = arith.cmpi eq, %iota3A, %eq3A_690 : vector<16xi32>
    %and3A_692 = arith.andi %ne3A_139, %eq3A_691 : vector<16xi1>
    %add3A_693 = arith.constant 0 : i32
    %add3A_694 = vector.broadcast %add3A_693 : i32 to vector<16xi32>
    %add3A_695 = arith.addi %mul3A_345, %add3A_694 : vector<16xi32>
    %mul3A_696 = arith.constant 208 : i32
    %mul3A_697 = vector.broadcast %mul3A_696 : i32 to vector<16xi32>
    %mul3A_698 = arith.muli %add3A_695, %mul3A_697 : vector<16xi32>
    %add3A_699 = arith.addi %mul3A_698, %add3A_163 : vector<16xi32>
    tpu.vector_store_idx %arg9[%add3A_699], %broadcast_in_dim3A_3 masked %and3A_692 : memref<2080xf32, #tpu.memory_space<vmem>>[vector<16xi32>], vector<16xf32>, vector<16xi1>
    %add3A_700 = arith.constant 1 : i32
    %add3A_701 = vector.broadcast %add3A_700 : i32 to vector<16xi32>
    %add3A_702 = arith.addi %mul3A_345, %add3A_701 : vector<16xi32>
    %mul3A_703 = arith.constant 208 : i32
    %mul3A_704 = vector.broadcast %mul3A_703 : i32 to vector<16xi32>
    %mul3A_705 = arith.muli %add3A_702, %mul3A_704 : vector<16xi32>
    %add3A_706 = arith.addi %mul3A_705, %add3A_163 : vector<16xi32>
    tpu.vector_store_idx %arg9[%add3A_706], %sub3A_157 masked %and3A_692 : memref<2080xf32, #tpu.memory_space<vmem>>[vector<16xi32>], vector<16xf32>, vector<16xi1>
    %add3A_707 = arith.constant 2 : i32
    %add3A_708 = vector.broadcast %add3A_707 : i32 to vector<16xi32>
    %add3A_709 = arith.addi %mul3A_345, %add3A_708 : vector<16xi32>
    %mul3A_710 = arith.constant 208 : i32
    %mul3A_711 = vector.broadcast %mul3A_710 : i32 to vector<16xi32>
    %mul3A_712 = arith.muli %add3A_709, %mul3A_711 : vector<16xi32>
    %add3A_713 = arith.addi %mul3A_712, %add3A_163 : vector<16xi32>
    tpu.vector_store_idx %arg9[%add3A_713], %sub3A_159 masked %and3A_692 : memref<2080xf32, #tpu.memory_space<vmem>>[vector<16xi32>], vector<16xf32>, vector<16xi1>
    %add3A_714 = arith.constant 3 : i32
    %add3A_715 = vector.broadcast %add3A_714 : i32 to vector<16xi32>
    %add3A_716 = arith.addi %mul3A_345, %add3A_715 : vector<16xi32>
    %mul3A_717 = arith.constant 208 : i32
    %mul3A_718 = vector.broadcast %mul3A_717 : i32 to vector<16xi32>
    %mul3A_719 = arith.muli %add3A_716, %mul3A_718 : vector<16xi32>
    %add3A_720 = arith.addi %mul3A_719, %add3A_163 : vector<16xi32>
    tpu.vector_store_idx %arg9[%add3A_720], %sub3A masked %and3A_692 : memref<2080xf32, #tpu.memory_space<vmem>>[vector<16xi32>], vector<16xf32>, vector<16xi1>
    %add3A_721 = arith.constant 4 : i32
    %add3A_722 = vector.broadcast %add3A_721 : i32 to vector<16xi32>
    %add3A_723 = arith.addi %mul3A_345, %add3A_722 : vector<16xi32>
    %mul3A_724 = arith.constant 208 : i32
    %mul3A_725 = vector.broadcast %mul3A_724 : i32 to vector<16xi32>
    %mul3A_726 = arith.muli %add3A_723, %mul3A_725 : vector<16xi32>
    %add3A_727 = arith.addi %mul3A_726, %add3A_163 : vector<16xi32>
    tpu.vector_store_idx %arg9[%add3A_727], %sub3A_148 masked %and3A_692 : memref<2080xf32, #tpu.memory_space<vmem>>[vector<16xi32>], vector<16xf32>, vector<16xi1>
    %mul3A_728 = arith.constant 208 : i32
    %mul3A_729 = vector.broadcast %mul3A_728 : i32 to vector<16xi32>
    %mul3A_730 = arith.muli %convert_element_type3A_346, %mul3A_729 : vector<16xi32>
    %add3A_731 = arith.addi %mul3A_730, %add3A_163 : vector<16xi32>
    tpu.vector_store_idx %arg10[%add3A_731], %broadcast_in_dim3A_3 masked %and3A_692 : memref<4160xf32, #tpu.memory_space<vmem>>[vector<16xi32>], vector<16xf32>, vector<16xi1>
    tpu.vector_store_idx %arg11[%add3A_163], %iota3A masked %and3A_692 : memref<208xi32, #tpu.memory_space<vmem>>[vector<16xi32>], vector<16xi32>, vector<16xi1>
    %eq3A_732 = arith.constant 9 : i32
    %eq3A_733 = vector.broadcast %eq3A_732 : i32 to vector<16xi32>
    %eq3A_734 = arith.cmpi eq, %iota3A, %eq3A_733 : vector<16xi32>
    %and3A_735 = arith.andi %ne3A_139, %eq3A_734 : vector<16xi1>
    %add3A_736 = arith.constant 0 : i32
    %add3A_737 = vector.broadcast %add3A_736 : i32 to vector<16xi32>
    %add3A_738 = arith.addi %mul3A_345, %add3A_737 : vector<16xi32>
    %mul3A_739 = arith.constant 208 : i32
    %mul3A_740 = vector.broadcast %mul3A_739 : i32 to vector<16xi32>
    %mul3A_741 = arith.muli %add3A_738, %mul3A_740 : vector<16xi32>
    %add3A_742 = arith.addi %mul3A_741, %add3A_163 : vector<16xi32>
    tpu.vector_store_idx %arg9[%add3A_742], %broadcast_in_dim3A_3 masked %and3A_735 : memref<2080xf32, #tpu.memory_space<vmem>>[vector<16xi32>], vector<16xf32>, vector<16xi1>
    %add3A_743 = arith.constant 1 : i32
    %add3A_744 = vector.broadcast %add3A_743 : i32 to vector<16xi32>
    %add3A_745 = arith.addi %mul3A_345, %add3A_744 : vector<16xi32>
    %mul3A_746 = arith.constant 208 : i32
    %mul3A_747 = vector.broadcast %mul3A_746 : i32 to vector<16xi32>
    %mul3A_748 = arith.muli %add3A_745, %mul3A_747 : vector<16xi32>
    %add3A_749 = arith.addi %mul3A_748, %add3A_163 : vector<16xi32>
    tpu.vector_store_idx %arg9[%add3A_749], %sub3A_157 masked %and3A_735 : memref<2080xf32, #tpu.memory_space<vmem>>[vector<16xi32>], vector<16xf32>, vector<16xi1>
    %add3A_750 = arith.constant 2 : i32
    %add3A_751 = vector.broadcast %add3A_750 : i32 to vector<16xi32>
    %add3A_752 = arith.addi %mul3A_345, %add3A_751 : vector<16xi32>
    %mul3A_753 = arith.constant 208 : i32
    %mul3A_754 = vector.broadcast %mul3A_753 : i32 to vector<16xi32>
    %mul3A_755 = arith.muli %add3A_752, %mul3A_754 : vector<16xi32>
    %add3A_756 = arith.addi %mul3A_755, %add3A_163 : vector<16xi32>
    tpu.vector_store_idx %arg9[%add3A_756], %sub3A_159 masked %and3A_735 : memref<2080xf32, #tpu.memory_space<vmem>>[vector<16xi32>], vector<16xf32>, vector<16xi1>
    %add3A_757 = arith.constant 3 : i32
    %add3A_758 = vector.broadcast %add3A_757 : i32 to vector<16xi32>
    %add3A_759 = arith.addi %mul3A_345, %add3A_758 : vector<16xi32>
    %mul3A_760 = arith.constant 208 : i32
    %mul3A_761 = vector.broadcast %mul3A_760 : i32 to vector<16xi32>
    %mul3A_762 = arith.muli %add3A_759, %mul3A_761 : vector<16xi32>
    %add3A_763 = arith.addi %mul3A_762, %add3A_163 : vector<16xi32>
    tpu.vector_store_idx %arg9[%add3A_763], %sub3A masked %and3A_735 : memref<2080xf32, #tpu.memory_space<vmem>>[vector<16xi32>], vector<16xf32>, vector<16xi1>
    %add3A_764 = arith.constant 4 : i32
    %add3A_765 = vector.broadcast %add3A_764 : i32 to vector<16xi32>
    %add3A_766 = arith.addi %mul3A_345, %add3A_765 : vector<16xi32>
    %mul3A_767 = arith.constant 208 : i32
    %mul3A_768 = vector.broadcast %mul3A_767 : i32 to vector<16xi32>
    %mul3A_769 = arith.muli %add3A_766, %mul3A_768 : vector<16xi32>
    %add3A_770 = arith.addi %mul3A_769, %add3A_163 : vector<16xi32>
    tpu.vector_store_idx %arg9[%add3A_770], %sub3A_148 masked %and3A_735 : memref<2080xf32, #tpu.memory_space<vmem>>[vector<16xi32>], vector<16xf32>, vector<16xi1>
    %mul3A_771 = arith.constant 208 : i32
    %mul3A_772 = vector.broadcast %mul3A_771 : i32 to vector<16xi32>
    %mul3A_773 = arith.muli %convert_element_type3A_346, %mul3A_772 : vector<16xi32>
    %add3A_774 = arith.addi %mul3A_773, %add3A_163 : vector<16xi32>
    tpu.vector_store_idx %arg10[%add3A_774], %broadcast_in_dim3A_3 masked %and3A_735 : memref<4160xf32, #tpu.memory_space<vmem>>[vector<16xi32>], vector<16xf32>, vector<16xi1>
    tpu.vector_store_idx %arg11[%add3A_163], %iota3A masked %and3A_735 : memref<208xi32, #tpu.memory_space<vmem>>[vector<16xi32>], vector<16xi32>, vector<16xi1>
    %eq3A_775 = arith.constant 10 : i32
    %eq3A_776 = vector.broadcast %eq3A_775 : i32 to vector<16xi32>
    %eq3A_777 = arith.cmpi eq, %iota3A, %eq3A_776 : vector<16xi32>
    %and3A_778 = arith.andi %ne3A_139, %eq3A_777 : vector<16xi1>
    %add3A_779 = arith.constant 0 : i32
    %add3A_780 = vector.broadcast %add3A_779 : i32 to vector<16xi32>
    %add3A_781 = arith.addi %mul3A_345, %add3A_780 : vector<16xi32>
    %mul3A_782 = arith.constant 208 : i32
    %mul3A_783 = vector.broadcast %mul3A_782 : i32 to vector<16xi32>
    %mul3A_784 = arith.muli %add3A_781, %mul3A_783 : vector<16xi32>
    %add3A_785 = arith.addi %mul3A_784, %add3A_163 : vector<16xi32>
    tpu.vector_store_idx %arg9[%add3A_785], %broadcast_in_dim3A_3 masked %and3A_778 : memref<2080xf32, #tpu.memory_space<vmem>>[vector<16xi32>], vector<16xf32>, vector<16xi1>
    %add3A_786 = arith.constant 1 : i32
    %add3A_787 = vector.broadcast %add3A_786 : i32 to vector<16xi32>
    %add3A_788 = arith.addi %mul3A_345, %add3A_787 : vector<16xi32>
    %mul3A_789 = arith.constant 208 : i32
    %mul3A_790 = vector.broadcast %mul3A_789 : i32 to vector<16xi32>
    %mul3A_791 = arith.muli %add3A_788, %mul3A_790 : vector<16xi32>
    %add3A_792 = arith.addi %mul3A_791, %add3A_163 : vector<16xi32>
    tpu.vector_store_idx %arg9[%add3A_792], %sub3A_157 masked %and3A_778 : memref<2080xf32, #tpu.memory_space<vmem>>[vector<16xi32>], vector<16xf32>, vector<16xi1>
    %add3A_793 = arith.constant 2 : i32
    %add3A_794 = vector.broadcast %add3A_793 : i32 to vector<16xi32>
    %add3A_795 = arith.addi %mul3A_345, %add3A_794 : vector<16xi32>
    %mul3A_796 = arith.constant 208 : i32
    %mul3A_797 = vector.broadcast %mul3A_796 : i32 to vector<16xi32>
    %mul3A_798 = arith.muli %add3A_795, %mul3A_797 : vector<16xi32>
    %add3A_799 = arith.addi %mul3A_798, %add3A_163 : vector<16xi32>
    tpu.vector_store_idx %arg9[%add3A_799], %sub3A_159 masked %and3A_778 : memref<2080xf32, #tpu.memory_space<vmem>>[vector<16xi32>], vector<16xf32>, vector<16xi1>
    %add3A_800 = arith.constant 3 : i32
    %add3A_801 = vector.broadcast %add3A_800 : i32 to vector<16xi32>
    %add3A_802 = arith.addi %mul3A_345, %add3A_801 : vector<16xi32>
    %mul3A_803 = arith.constant 208 : i32
    %mul3A_804 = vector.broadcast %mul3A_803 : i32 to vector<16xi32>
    %mul3A_805 = arith.muli %add3A_802, %mul3A_804 : vector<16xi32>
    %add3A_806 = arith.addi %mul3A_805, %add3A_163 : vector<16xi32>
    tpu.vector_store_idx %arg9[%add3A_806], %sub3A masked %and3A_778 : memref<2080xf32, #tpu.memory_space<vmem>>[vector<16xi32>], vector<16xf32>, vector<16xi1>
    %add3A_807 = arith.constant 4 : i32
    %add3A_808 = vector.broadcast %add3A_807 : i32 to vector<16xi32>
    %add3A_809 = arith.addi %mul3A_345, %add3A_808 : vector<16xi32>
    %mul3A_810 = arith.constant 208 : i32
    %mul3A_811 = vector.broadcast %mul3A_810 : i32 to vector<16xi32>
    %mul3A_812 = arith.muli %add3A_809, %mul3A_811 : vector<16xi32>
    %add3A_813 = arith.addi %mul3A_812, %add3A_163 : vector<16xi32>
    tpu.vector_store_idx %arg9[%add3A_813], %sub3A_148 masked %and3A_778 : memref<2080xf32, #tpu.memory_space<vmem>>[vector<16xi32>], vector<16xf32>, vector<16xi1>
    %mul3A_814 = arith.constant 208 : i32
    %mul3A_815 = vector.broadcast %mul3A_814 : i32 to vector<16xi32>
    %mul3A_816 = arith.muli %convert_element_type3A_346, %mul3A_815 : vector<16xi32>
    %add3A_817 = arith.addi %mul3A_816, %add3A_163 : vector<16xi32>
    tpu.vector_store_idx %arg10[%add3A_817], %broadcast_in_dim3A_3 masked %and3A_778 : memref<4160xf32, #tpu.memory_space<vmem>>[vector<16xi32>], vector<16xf32>, vector<16xi1>
    tpu.vector_store_idx %arg11[%add3A_163], %iota3A masked %and3A_778 : memref<208xi32, #tpu.memory_space<vmem>>[vector<16xi32>], vector<16xi32>, vector<16xi1>
    %eq3A_818 = arith.constant 11 : i32
    %eq3A_819 = vector.broadcast %eq3A_818 : i32 to vector<16xi32>
    %eq3A_820 = arith.cmpi eq, %iota3A, %eq3A_819 : vector<16xi32>
    %and3A_821 = arith.andi %ne3A_139, %eq3A_820 : vector<16xi1>
    %add3A_822 = arith.constant 0 : i32
    %add3A_823 = vector.broadcast %add3A_822 : i32 to vector<16xi32>
    %add3A_824 = arith.addi %mul3A_345, %add3A_823 : vector<16xi32>
    %mul3A_825 = arith.constant 208 : i32
    %mul3A_826 = vector.broadcast %mul3A_825 : i32 to vector<16xi32>
    %mul3A_827 = arith.muli %add3A_824, %mul3A_826 : vector<16xi32>
    %add3A_828 = arith.addi %mul3A_827, %add3A_163 : vector<16xi32>
    tpu.vector_store_idx %arg9[%add3A_828], %broadcast_in_dim3A_3 masked %and3A_821 : memref<2080xf32, #tpu.memory_space<vmem>>[vector<16xi32>], vector<16xf32>, vector<16xi1>
    %add3A_829 = arith.constant 1 : i32
    %add3A_830 = vector.broadcast %add3A_829 : i32 to vector<16xi32>
    %add3A_831 = arith.addi %mul3A_345, %add3A_830 : vector<16xi32>
    %mul3A_832 = arith.constant 208 : i32
    %mul3A_833 = vector.broadcast %mul3A_832 : i32 to vector<16xi32>
    %mul3A_834 = arith.muli %add3A_831, %mul3A_833 : vector<16xi32>
    %add3A_835 = arith.addi %mul3A_834, %add3A_163 : vector<16xi32>
    tpu.vector_store_idx %arg9[%add3A_835], %sub3A_157 masked %and3A_821 : memref<2080xf32, #tpu.memory_space<vmem>>[vector<16xi32>], vector<16xf32>, vector<16xi1>
    %add3A_836 = arith.constant 2 : i32
    %add3A_837 = vector.broadcast %add3A_836 : i32 to vector<16xi32>
    %add3A_838 = arith.addi %mul3A_345, %add3A_837 : vector<16xi32>
    %mul3A_839 = arith.constant 208 : i32
    %mul3A_840 = vector.broadcast %mul3A_839 : i32 to vector<16xi32>
    %mul3A_841 = arith.muli %add3A_838, %mul3A_840 : vector<16xi32>
    %add3A_842 = arith.addi %mul3A_841, %add3A_163 : vector<16xi32>
    tpu.vector_store_idx %arg9[%add3A_842], %sub3A_159 masked %and3A_821 : memref<2080xf32, #tpu.memory_space<vmem>>[vector<16xi32>], vector<16xf32>, vector<16xi1>
    %add3A_843 = arith.constant 3 : i32
    %add3A_844 = vector.broadcast %add3A_843 : i32 to vector<16xi32>
    %add3A_845 = arith.addi %mul3A_345, %add3A_844 : vector<16xi32>
    %mul3A_846 = arith.constant 208 : i32
    %mul3A_847 = vector.broadcast %mul3A_846 : i32 to vector<16xi32>
    %mul3A_848 = arith.muli %add3A_845, %mul3A_847 : vector<16xi32>
    %add3A_849 = arith.addi %mul3A_848, %add3A_163 : vector<16xi32>
    tpu.vector_store_idx %arg9[%add3A_849], %sub3A masked %and3A_821 : memref<2080xf32, #tpu.memory_space<vmem>>[vector<16xi32>], vector<16xf32>, vector<16xi1>
    %add3A_850 = arith.constant 4 : i32
    %add3A_851 = vector.broadcast %add3A_850 : i32 to vector<16xi32>
    %add3A_852 = arith.addi %mul3A_345, %add3A_851 : vector<16xi32>
    %mul3A_853 = arith.constant 208 : i32
    %mul3A_854 = vector.broadcast %mul3A_853 : i32 to vector<16xi32>
    %mul3A_855 = arith.muli %add3A_852, %mul3A_854 : vector<16xi32>
    %add3A_856 = arith.addi %mul3A_855, %add3A_163 : vector<16xi32>
    tpu.vector_store_idx %arg9[%add3A_856], %sub3A_148 masked %and3A_821 : memref<2080xf32, #tpu.memory_space<vmem>>[vector<16xi32>], vector<16xf32>, vector<16xi1>
    %mul3A_857 = arith.constant 208 : i32
    %mul3A_858 = vector.broadcast %mul3A_857 : i32 to vector<16xi32>
    %mul3A_859 = arith.muli %convert_element_type3A_346, %mul3A_858 : vector<16xi32>
    %add3A_860 = arith.addi %mul3A_859, %add3A_163 : vector<16xi32>
    tpu.vector_store_idx %arg10[%add3A_860], %broadcast_in_dim3A_3 masked %and3A_821 : memref<4160xf32, #tpu.memory_space<vmem>>[vector<16xi32>], vector<16xf32>, vector<16xi1>
    tpu.vector_store_idx %arg11[%add3A_163], %iota3A masked %and3A_821 : memref<208xi32, #tpu.memory_space<vmem>>[vector<16xi32>], vector<16xi32>, vector<16xi1>
    %eq3A_861 = arith.constant 12 : i32
    %eq3A_862 = vector.broadcast %eq3A_861 : i32 to vector<16xi32>
    %eq3A_863 = arith.cmpi eq, %iota3A, %eq3A_862 : vector<16xi32>
    %and3A_864 = arith.andi %ne3A_139, %eq3A_863 : vector<16xi1>
    %add3A_865 = arith.constant 0 : i32
    %add3A_866 = vector.broadcast %add3A_865 : i32 to vector<16xi32>
    %add3A_867 = arith.addi %mul3A_345, %add3A_866 : vector<16xi32>
    %mul3A_868 = arith.constant 208 : i32
    %mul3A_869 = vector.broadcast %mul3A_868 : i32 to vector<16xi32>
    %mul3A_870 = arith.muli %add3A_867, %mul3A_869 : vector<16xi32>
    %add3A_871 = arith.addi %mul3A_870, %add3A_163 : vector<16xi32>
    tpu.vector_store_idx %arg9[%add3A_871], %broadcast_in_dim3A_3 masked %and3A_864 : memref<2080xf32, #tpu.memory_space<vmem>>[vector<16xi32>], vector<16xf32>, vector<16xi1>
    %add3A_872 = arith.constant 1 : i32
    %add3A_873 = vector.broadcast %add3A_872 : i32 to vector<16xi32>
    %add3A_874 = arith.addi %mul3A_345, %add3A_873 : vector<16xi32>
    %mul3A_875 = arith.constant 208 : i32
    %mul3A_876 = vector.broadcast %mul3A_875 : i32 to vector<16xi32>
    %mul3A_877 = arith.muli %add3A_874, %mul3A_876 : vector<16xi32>
    %add3A_878 = arith.addi %mul3A_877, %add3A_163 : vector<16xi32>
    tpu.vector_store_idx %arg9[%add3A_878], %sub3A_157 masked %and3A_864 : memref<2080xf32, #tpu.memory_space<vmem>>[vector<16xi32>], vector<16xf32>, vector<16xi1>
    %add3A_879 = arith.constant 2 : i32
    %add3A_880 = vector.broadcast %add3A_879 : i32 to vector<16xi32>
    %add3A_881 = arith.addi %mul3A_345, %add3A_880 : vector<16xi32>
    %mul3A_882 = arith.constant 208 : i32
    %mul3A_883 = vector.broadcast %mul3A_882 : i32 to vector<16xi32>
    %mul3A_884 = arith.muli %add3A_881, %mul3A_883 : vector<16xi32>
    %add3A_885 = arith.addi %mul3A_884, %add3A_163 : vector<16xi32>
    tpu.vector_store_idx %arg9[%add3A_885], %sub3A_159 masked %and3A_864 : memref<2080xf32, #tpu.memory_space<vmem>>[vector<16xi32>], vector<16xf32>, vector<16xi1>
    %add3A_886 = arith.constant 3 : i32
    %add3A_887 = vector.broadcast %add3A_886 : i32 to vector<16xi32>
    %add3A_888 = arith.addi %mul3A_345, %add3A_887 : vector<16xi32>
    %mul3A_889 = arith.constant 208 : i32
    %mul3A_890 = vector.broadcast %mul3A_889 : i32 to vector<16xi32>
    %mul3A_891 = arith.muli %add3A_888, %mul3A_890 : vector<16xi32>
    %add3A_892 = arith.addi %mul3A_891, %add3A_163 : vector<16xi32>
    tpu.vector_store_idx %arg9[%add3A_892], %sub3A masked %and3A_864 : memref<2080xf32, #tpu.memory_space<vmem>>[vector<16xi32>], vector<16xf32>, vector<16xi1>
    %add3A_893 = arith.constant 4 : i32
    %add3A_894 = vector.broadcast %add3A_893 : i32 to vector<16xi32>
    %add3A_895 = arith.addi %mul3A_345, %add3A_894 : vector<16xi32>
    %mul3A_896 = arith.constant 208 : i32
    %mul3A_897 = vector.broadcast %mul3A_896 : i32 to vector<16xi32>
    %mul3A_898 = arith.muli %add3A_895, %mul3A_897 : vector<16xi32>
    %add3A_899 = arith.addi %mul3A_898, %add3A_163 : vector<16xi32>
    tpu.vector_store_idx %arg9[%add3A_899], %sub3A_148 masked %and3A_864 : memref<2080xf32, #tpu.memory_space<vmem>>[vector<16xi32>], vector<16xf32>, vector<16xi1>
    %mul3A_900 = arith.constant 208 : i32
    %mul3A_901 = vector.broadcast %mul3A_900 : i32 to vector<16xi32>
    %mul3A_902 = arith.muli %convert_element_type3A_346, %mul3A_901 : vector<16xi32>
    %add3A_903 = arith.addi %mul3A_902, %add3A_163 : vector<16xi32>
    tpu.vector_store_idx %arg10[%add3A_903], %broadcast_in_dim3A_3 masked %and3A_864 : memref<4160xf32, #tpu.memory_space<vmem>>[vector<16xi32>], vector<16xf32>, vector<16xi1>
    tpu.vector_store_idx %arg11[%add3A_163], %iota3A masked %and3A_864 : memref<208xi32, #tpu.memory_space<vmem>>[vector<16xi32>], vector<16xi32>, vector<16xi1>
    %eq3A_904 = arith.constant 13 : i32
    %eq3A_905 = vector.broadcast %eq3A_904 : i32 to vector<16xi32>
    %eq3A_906 = arith.cmpi eq, %iota3A, %eq3A_905 : vector<16xi32>
    %and3A_907 = arith.andi %ne3A_139, %eq3A_906 : vector<16xi1>
    %add3A_908 = arith.constant 0 : i32
    %add3A_909 = vector.broadcast %add3A_908 : i32 to vector<16xi32>
    %add3A_910 = arith.addi %mul3A_345, %add3A_909 : vector<16xi32>
    %mul3A_911 = arith.constant 208 : i32
    %mul3A_912 = vector.broadcast %mul3A_911 : i32 to vector<16xi32>
    %mul3A_913 = arith.muli %add3A_910, %mul3A_912 : vector<16xi32>
    %add3A_914 = arith.addi %mul3A_913, %add3A_163 : vector<16xi32>
    tpu.vector_store_idx %arg9[%add3A_914], %broadcast_in_dim3A_3 masked %and3A_907 : memref<2080xf32, #tpu.memory_space<vmem>>[vector<16xi32>], vector<16xf32>, vector<16xi1>
    %add3A_915 = arith.constant 1 : i32
    %add3A_916 = vector.broadcast %add3A_915 : i32 to vector<16xi32>
    %add3A_917 = arith.addi %mul3A_345, %add3A_916 : vector<16xi32>
    %mul3A_918 = arith.constant 208 : i32
    %mul3A_919 = vector.broadcast %mul3A_918 : i32 to vector<16xi32>
    %mul3A_920 = arith.muli %add3A_917, %mul3A_919 : vector<16xi32>
    %add3A_921 = arith.addi %mul3A_920, %add3A_163 : vector<16xi32>
    tpu.vector_store_idx %arg9[%add3A_921], %sub3A_157 masked %and3A_907 : memref<2080xf32, #tpu.memory_space<vmem>>[vector<16xi32>], vector<16xf32>, vector<16xi1>
    %add3A_922 = arith.constant 2 : i32
    %add3A_923 = vector.broadcast %add3A_922 : i32 to vector<16xi32>
    %add3A_924 = arith.addi %mul3A_345, %add3A_923 : vector<16xi32>
    %mul3A_925 = arith.constant 208 : i32
    %mul3A_926 = vector.broadcast %mul3A_925 : i32 to vector<16xi32>
    %mul3A_927 = arith.muli %add3A_924, %mul3A_926 : vector<16xi32>
    %add3A_928 = arith.addi %mul3A_927, %add3A_163 : vector<16xi32>
    tpu.vector_store_idx %arg9[%add3A_928], %sub3A_159 masked %and3A_907 : memref<2080xf32, #tpu.memory_space<vmem>>[vector<16xi32>], vector<16xf32>, vector<16xi1>
    %add3A_929 = arith.constant 3 : i32
    %add3A_930 = vector.broadcast %add3A_929 : i32 to vector<16xi32>
    %add3A_931 = arith.addi %mul3A_345, %add3A_930 : vector<16xi32>
    %mul3A_932 = arith.constant 208 : i32
    %mul3A_933 = vector.broadcast %mul3A_932 : i32 to vector<16xi32>
    %mul3A_934 = arith.muli %add3A_931, %mul3A_933 : vector<16xi32>
    %add3A_935 = arith.addi %mul3A_934, %add3A_163 : vector<16xi32>
    tpu.vector_store_idx %arg9[%add3A_935], %sub3A masked %and3A_907 : memref<2080xf32, #tpu.memory_space<vmem>>[vector<16xi32>], vector<16xf32>, vector<16xi1>
    %add3A_936 = arith.constant 4 : i32
    %add3A_937 = vector.broadcast %add3A_936 : i32 to vector<16xi32>
    %add3A_938 = arith.addi %mul3A_345, %add3A_937 : vector<16xi32>
    %mul3A_939 = arith.constant 208 : i32
    %mul3A_940 = vector.broadcast %mul3A_939 : i32 to vector<16xi32>
    %mul3A_941 = arith.muli %add3A_938, %mul3A_940 : vector<16xi32>
    %add3A_942 = arith.addi %mul3A_941, %add3A_163 : vector<16xi32>
    tpu.vector_store_idx %arg9[%add3A_942], %sub3A_148 masked %and3A_907 : memref<2080xf32, #tpu.memory_space<vmem>>[vector<16xi32>], vector<16xf32>, vector<16xi1>
    %mul3A_943 = arith.constant 208 : i32
    %mul3A_944 = vector.broadcast %mul3A_943 : i32 to vector<16xi32>
    %mul3A_945 = arith.muli %convert_element_type3A_346, %mul3A_944 : vector<16xi32>
    %add3A_946 = arith.addi %mul3A_945, %add3A_163 : vector<16xi32>
    tpu.vector_store_idx %arg10[%add3A_946], %broadcast_in_dim3A_3 masked %and3A_907 : memref<4160xf32, #tpu.memory_space<vmem>>[vector<16xi32>], vector<16xf32>, vector<16xi1>
    tpu.vector_store_idx %arg11[%add3A_163], %iota3A masked %and3A_907 : memref<208xi32, #tpu.memory_space<vmem>>[vector<16xi32>], vector<16xi32>, vector<16xi1>
    %eq3A_947 = arith.constant 14 : i32
    %eq3A_948 = vector.broadcast %eq3A_947 : i32 to vector<16xi32>
    %eq3A_949 = arith.cmpi eq, %iota3A, %eq3A_948 : vector<16xi32>
    %and3A_950 = arith.andi %ne3A_139, %eq3A_949 : vector<16xi1>
    %add3A_951 = arith.constant 0 : i32
    %add3A_952 = vector.broadcast %add3A_951 : i32 to vector<16xi32>
    %add3A_953 = arith.addi %mul3A_345, %add3A_952 : vector<16xi32>
    %mul3A_954 = arith.constant 208 : i32
    %mul3A_955 = vector.broadcast %mul3A_954 : i32 to vector<16xi32>
    %mul3A_956 = arith.muli %add3A_953, %mul3A_955 : vector<16xi32>
    %add3A_957 = arith.addi %mul3A_956, %add3A_163 : vector<16xi32>
    tpu.vector_store_idx %arg9[%add3A_957], %broadcast_in_dim3A_3 masked %and3A_950 : memref<2080xf32, #tpu.memory_space<vmem>>[vector<16xi32>], vector<16xf32>, vector<16xi1>
    %add3A_958 = arith.constant 1 : i32
    %add3A_959 = vector.broadcast %add3A_958 : i32 to vector<16xi32>
    %add3A_960 = arith.addi %mul3A_345, %add3A_959 : vector<16xi32>
    %mul3A_961 = arith.constant 208 : i32
    %mul3A_962 = vector.broadcast %mul3A_961 : i32 to vector<16xi32>
    %mul3A_963 = arith.muli %add3A_960, %mul3A_962 : vector<16xi32>
    %add3A_964 = arith.addi %mul3A_963, %add3A_163 : vector<16xi32>
    tpu.vector_store_idx %arg9[%add3A_964], %sub3A_157 masked %and3A_950 : memref<2080xf32, #tpu.memory_space<vmem>>[vector<16xi32>], vector<16xf32>, vector<16xi1>
    %add3A_965 = arith.constant 2 : i32
    %add3A_966 = vector.broadcast %add3A_965 : i32 to vector<16xi32>
    %add3A_967 = arith.addi %mul3A_345, %add3A_966 : vector<16xi32>
    %mul3A_968 = arith.constant 208 : i32
    %mul3A_969 = vector.broadcast %mul3A_968 : i32 to vector<16xi32>
    %mul3A_970 = arith.muli %add3A_967, %mul3A_969 : vector<16xi32>
    %add3A_971 = arith.addi %mul3A_970, %add3A_163 : vector<16xi32>
    tpu.vector_store_idx %arg9[%add3A_971], %sub3A_159 masked %and3A_950 : memref<2080xf32, #tpu.memory_space<vmem>>[vector<16xi32>], vector<16xf32>, vector<16xi1>
    %add3A_972 = arith.constant 3 : i32
    %add3A_973 = vector.broadcast %add3A_972 : i32 to vector<16xi32>
    %add3A_974 = arith.addi %mul3A_345, %add3A_973 : vector<16xi32>
    %mul3A_975 = arith.constant 208 : i32
    %mul3A_976 = vector.broadcast %mul3A_975 : i32 to vector<16xi32>
    %mul3A_977 = arith.muli %add3A_974, %mul3A_976 : vector<16xi32>
    %add3A_978 = arith.addi %mul3A_977, %add3A_163 : vector<16xi32>
    tpu.vector_store_idx %arg9[%add3A_978], %sub3A masked %and3A_950 : memref<2080xf32, #tpu.memory_space<vmem>>[vector<16xi32>], vector<16xf32>, vector<16xi1>
    %add3A_979 = arith.constant 4 : i32
    %add3A_980 = vector.broadcast %add3A_979 : i32 to vector<16xi32>
    %add3A_981 = arith.addi %mul3A_345, %add3A_980 : vector<16xi32>
    %mul3A_982 = arith.constant 208 : i32
    %mul3A_983 = vector.broadcast %mul3A_982 : i32 to vector<16xi32>
    %mul3A_984 = arith.muli %add3A_981, %mul3A_983 : vector<16xi32>
    %add3A_985 = arith.addi %mul3A_984, %add3A_163 : vector<16xi32>
    tpu.vector_store_idx %arg9[%add3A_985], %sub3A_148 masked %and3A_950 : memref<2080xf32, #tpu.memory_space<vmem>>[vector<16xi32>], vector<16xf32>, vector<16xi1>
    %mul3A_986 = arith.constant 208 : i32
    %mul3A_987 = vector.broadcast %mul3A_986 : i32 to vector<16xi32>
    %mul3A_988 = arith.muli %convert_element_type3A_346, %mul3A_987 : vector<16xi32>
    %add3A_989 = arith.addi %mul3A_988, %add3A_163 : vector<16xi32>
    tpu.vector_store_idx %arg10[%add3A_989], %broadcast_in_dim3A_3 masked %and3A_950 : memref<4160xf32, #tpu.memory_space<vmem>>[vector<16xi32>], vector<16xf32>, vector<16xi1>
    tpu.vector_store_idx %arg11[%add3A_163], %iota3A masked %and3A_950 : memref<208xi32, #tpu.memory_space<vmem>>[vector<16xi32>], vector<16xi32>, vector<16xi1>
    %eq3A_990 = arith.constant 15 : i32
    %eq3A_991 = vector.broadcast %eq3A_990 : i32 to vector<16xi32>
    %eq3A_992 = arith.cmpi eq, %iota3A, %eq3A_991 : vector<16xi32>
    %and3A_993 = arith.andi %ne3A_139, %eq3A_992 : vector<16xi1>
    %add3A_994 = arith.constant 0 : i32
    %add3A_995 = vector.broadcast %add3A_994 : i32 to vector<16xi32>
    %add3A_996 = arith.addi %mul3A_345, %add3A_995 : vector<16xi32>
    %mul3A_997 = arith.constant 208 : i32
    %mul3A_998 = vector.broadcast %mul3A_997 : i32 to vector<16xi32>
    %mul3A_999 = arith.muli %add3A_996, %mul3A_998 : vector<16xi32>
    %add3A_1000 = arith.addi %mul3A_999, %add3A_163 : vector<16xi32>
    tpu.vector_store_idx %arg9[%add3A_1000], %broadcast_in_dim3A_3 masked %and3A_993 : memref<2080xf32, #tpu.memory_space<vmem>>[vector<16xi32>], vector<16xf32>, vector<16xi1>
    %add3A_1001 = arith.constant 1 : i32
    %add3A_1002 = vector.broadcast %add3A_1001 : i32 to vector<16xi32>
    %add3A_1003 = arith.addi %mul3A_345, %add3A_1002 : vector<16xi32>
    %mul3A_1004 = arith.constant 208 : i32
    %mul3A_1005 = vector.broadcast %mul3A_1004 : i32 to vector<16xi32>
    %mul3A_1006 = arith.muli %add3A_1003, %mul3A_1005 : vector<16xi32>
    %add3A_1007 = arith.addi %mul3A_1006, %add3A_163 : vector<16xi32>
    tpu.vector_store_idx %arg9[%add3A_1007], %sub3A_157 masked %and3A_993 : memref<2080xf32, #tpu.memory_space<vmem>>[vector<16xi32>], vector<16xf32>, vector<16xi1>
    %add3A_1008 = arith.constant 2 : i32
    %add3A_1009 = vector.broadcast %add3A_1008 : i32 to vector<16xi32>
    %add3A_1010 = arith.addi %mul3A_345, %add3A_1009 : vector<16xi32>
    %mul3A_1011 = arith.constant 208 : i32
    %mul3A_1012 = vector.broadcast %mul3A_1011 : i32 to vector<16xi32>
    %mul3A_1013 = arith.muli %add3A_1010, %mul3A_1012 : vector<16xi32>
    %add3A_1014 = arith.addi %mul3A_1013, %add3A_163 : vector<16xi32>
    tpu.vector_store_idx %arg9[%add3A_1014], %sub3A_159 masked %and3A_993 : memref<2080xf32, #tpu.memory_space<vmem>>[vector<16xi32>], vector<16xf32>, vector<16xi1>
    %add3A_1015 = arith.constant 3 : i32
    %add3A_1016 = vector.broadcast %add3A_1015 : i32 to vector<16xi32>
    %add3A_1017 = arith.addi %mul3A_345, %add3A_1016 : vector<16xi32>
    %mul3A_1018 = arith.constant 208 : i32
    %mul3A_1019 = vector.broadcast %mul3A_1018 : i32 to vector<16xi32>
    %mul3A_1020 = arith.muli %add3A_1017, %mul3A_1019 : vector<16xi32>
    %add3A_1021 = arith.addi %mul3A_1020, %add3A_163 : vector<16xi32>
    tpu.vector_store_idx %arg9[%add3A_1021], %sub3A masked %and3A_993 : memref<2080xf32, #tpu.memory_space<vmem>>[vector<16xi32>], vector<16xf32>, vector<16xi1>
    %add3A_1022 = arith.constant 4 : i32
    %add3A_1023 = vector.broadcast %add3A_1022 : i32 to vector<16xi32>
    %add3A_1024 = arith.addi %mul3A_345, %add3A_1023 : vector<16xi32>
    %mul3A_1025 = arith.constant 208 : i32
    %mul3A_1026 = vector.broadcast %mul3A_1025 : i32 to vector<16xi32>
    %mul3A_1027 = arith.muli %add3A_1024, %mul3A_1026 : vector<16xi32>
    %add3A_1028 = arith.addi %mul3A_1027, %add3A_163 : vector<16xi32>
    tpu.vector_store_idx %arg9[%add3A_1028], %sub3A_148 masked %and3A_993 : memref<2080xf32, #tpu.memory_space<vmem>>[vector<16xi32>], vector<16xf32>, vector<16xi1>
    %mul3A_1029 = arith.constant 208 : i32
    %mul3A_1030 = vector.broadcast %mul3A_1029 : i32 to vector<16xi32>
    %mul3A_1031 = arith.muli %convert_element_type3A_346, %mul3A_1030 : vector<16xi32>
    %add3A_1032 = arith.addi %mul3A_1031, %add3A_163 : vector<16xi32>
    tpu.vector_store_idx %arg10[%add3A_1032], %broadcast_in_dim3A_3 masked %and3A_993 : memref<4160xf32, #tpu.memory_space<vmem>>[vector<16xi32>], vector<16xf32>, vector<16xi1>
    tpu.vector_store_idx %arg11[%add3A_163], %iota3A masked %and3A_993 : memref<208xi32, #tpu.memory_space<vmem>>[vector<16xi32>], vector<16xi32>, vector<16xi1>
    %scan3A_1033 = arith.constant 0 : i32
    %mul3A_1034 = arith.constant 16 : i32
    %mul3A_1035 = arith.muli %scan3A_1033, %mul3A_1034 : i32
    %add3A_1036 = vector.broadcast %mul3A_1035 : i32 to vector<16xi32>
    %add3A_1037 = arith.addi %add3A_1036, %iota3A : vector<16xi32>
    %lt3A = arith.constant 196 : i32
    %lt3A_1038 = vector.broadcast %lt3A : i32 to vector<16xi32>
    %lt3A_1039 = arith.cmpi slt, %add3A_1037, %lt3A_1038 : vector<16xi32>
    %convert_element_type3A_1040 = arith.extui %lt3A_1039 : vector<16xi1> to vector<16xi32>
    %convert_element_type3A_1041 = arith.sitofp %convert_element_type3A_1040 : vector<16xi32> to vector<16xf32>
    %min3A_1042 = arith.constant 195 : i32
    %min3A_1043 = vector.broadcast %min3A_1042 : i32 to vector<16xi32>
    %min3A_1044 = arith.minsi %add3A_1037, %min3A_1043 : vector<16xi32>
    %mul3A_1045 = arith.constant 30 : i32
    %mul3A_1046 = vector.broadcast %mul3A_1045 : i32 to vector<16xi32>
    %mul3A_1047 = arith.muli %min3A_1044, %mul3A_1046 : vector<16xi32>
    %mul3A_1048 = arith.constant 16 : i32
    %mul3A_1049 = arith.muli %scan3A_1033, %mul3A_1048 : i32
    %get3A = arith.index_cast %mul3A_1049 : i32 to index
    %get3A_1050 = tpu.vector_load %arg9[%get3A] {strides = array<i32>} : memref<2080xf32, #tpu.memory_space<vmem>>, vector<16xf32>,
    %add3A_1051 = arith.constant 1040 : i32
    %add3A_1052 = arith.addi %add3A_1051, %mul3A_1049 : i32
    %get3A_1053 = arith.index_cast %add3A_1052 : i32 to index
    %get3A_1054 = tpu.vector_load %arg9[%get3A_1053] {strides = array<i32>} : memref<2080xf32, #tpu.memory_space<vmem>>, vector<16xf32>,
    %add3A_1055 = arith.addf %get3A_1050, %get3A_1054 : vector<16xf32>
    %eq3A_1056 = arith.constant 0.000000e+00 : f32
    %eq3A_1057 = vector.broadcast %eq3A_1056 : f32 to vector<16xf32>
    %eq3A_1058 = arith.cmpf oeq, %add3A_1055, %eq3A_1057 : vector<16xf32>
    %convert_element_type3A_1059 = arith.extui %eq3A_1058 : vector<16xi1> to vector<16xi32>
    %convert_element_type3A_1060 = arith.sitofp %convert_element_type3A_1059 : vector<16xi32> to vector<16xf32>
    %mul3A_1061 = arith.mulf %convert_element_type3A_1060, %convert_element_type3A_1041 : vector<16xf32>
    %gather3A_1062 = tpu.vector_load_idx %arg5[%mul3A_1047] : memref<5880xf32, #tpu.memory_space<vmem>>[vector<16xi32>], vector<16xf32>,
    %sub3A_1063 = arith.subf %gather3A_1062, %get3A_1050 : vector<16xf32>
    %add3A_1064 = arith.constant 5 : i32
    %add3A_1065 = vector.broadcast %add3A_1064 : i32 to vector<16xi32>
    %add3A_1066 = arith.addi %mul3A_1047, %add3A_1065 : vector<16xi32>
    %gather3A_1067 = tpu.vector_load_idx %arg5[%add3A_1066] : memref<5880xf32, #tpu.memory_space<vmem>>[vector<16xi32>], vector<16xf32>,
    %sub3A_1068 = arith.subf %gather3A_1067, %get3A_1054 : vector<16xf32>
    %add3A_1069 = arith.addf %broadcast_in_dim3A_1, %mul3A_1061 : vector<16xf32>
    %mul3A_1070 = arith.mulf %sub3A_1063, %sub3A_1063 : vector<16xf32>
    %mul3A_1071 = arith.mulf %sub3A_1068, %sub3A_1068 : vector<16xf32>
    %add3A_1072 = arith.addf %mul3A_1070, %mul3A_1071 : vector<16xf32>
    %mul3A_1073 = arith.mulf %mul3A_1061, %add3A_1072 : vector<16xf32>
    %add3A_1074 = arith.addf %broadcast_in_dim3A_1, %mul3A_1073 : vector<16xf32>
    %scan3A_1075 = arith.constant 1 : i32
    %mul3A_1076 = arith.constant 16 : i32
    %mul3A_1077 = arith.muli %scan3A_1075, %mul3A_1076 : i32
    %add3A_1078 = vector.broadcast %mul3A_1077 : i32 to vector<16xi32>
    %add3A_1079 = arith.addi %add3A_1078, %iota3A : vector<16xi32>
    %lt3A_1080 = arith.constant 196 : i32
    %lt3A_1081 = vector.broadcast %lt3A_1080 : i32 to vector<16xi32>
    %lt3A_1082 = arith.cmpi slt, %add3A_1079, %lt3A_1081 : vector<16xi32>
    %convert_element_type3A_1083 = arith.extui %lt3A_1082 : vector<16xi1> to vector<16xi32>
    %convert_element_type3A_1084 = arith.sitofp %convert_element_type3A_1083 : vector<16xi32> to vector<16xf32>
    %min3A_1085 = arith.constant 195 : i32
    %min3A_1086 = vector.broadcast %min3A_1085 : i32 to vector<16xi32>
    %min3A_1087 = arith.minsi %add3A_1079, %min3A_1086 : vector<16xi32>
    %mul3A_1088 = arith.constant 30 : i32
    %mul3A_1089 = vector.broadcast %mul3A_1088 : i32 to vector<16xi32>
    %mul3A_1090 = arith.muli %min3A_1087, %mul3A_1089 : vector<16xi32>
    %mul3A_1091 = arith.constant 16 : i32
    %mul3A_1092 = arith.muli %scan3A_1075, %mul3A_1091 : i32
    %get3A_1093 = arith.index_cast %mul3A_1092 : i32 to index
    %get3A_1094 = tpu.vector_load %arg9[%get3A_1093] {strides = array<i32>} : memref<2080xf32, #tpu.memory_space<vmem>>, vector<16xf32>,
    %add3A_1095 = arith.constant 1040 : i32
    %add3A_1096 = arith.addi %add3A_1095, %mul3A_1092 : i32
    %get3A_1097 = arith.index_cast %add3A_1096 : i32 to index
    %get3A_1098 = tpu.vector_load %arg9[%get3A_1097] {strides = array<i32>} : memref<2080xf32, #tpu.memory_space<vmem>>, vector<16xf32>,
    %add3A_1099 = arith.addf %get3A_1094, %get3A_1098 : vector<16xf32>
    %eq3A_1100 = arith.constant 0.000000e+00 : f32
    %eq3A_1101 = vector.broadcast %eq3A_1100 : f32 to vector<16xf32>
    %eq3A_1102 = arith.cmpf oeq, %add3A_1099, %eq3A_1101 : vector<16xf32>
    %convert_element_type3A_1103 = arith.extui %eq3A_1102 : vector<16xi1> to vector<16xi32>
    %convert_element_type3A_1104 = arith.sitofp %convert_element_type3A_1103 : vector<16xi32> to vector<16xf32>
    %mul3A_1105 = arith.mulf %convert_element_type3A_1104, %convert_element_type3A_1084 : vector<16xf32>
    %gather3A_1106 = tpu.vector_load_idx %arg5[%mul3A_1090] : memref<5880xf32, #tpu.memory_space<vmem>>[vector<16xi32>], vector<16xf32>,
    %sub3A_1107 = arith.subf %gather3A_1106, %get3A_1094 : vector<16xf32>
    %add3A_1108 = arith.constant 5 : i32
    %add3A_1109 = vector.broadcast %add3A_1108 : i32 to vector<16xi32>
    %add3A_1110 = arith.addi %mul3A_1090, %add3A_1109 : vector<16xi32>
    %gather3A_1111 = tpu.vector_load_idx %arg5[%add3A_1110] : memref<5880xf32, #tpu.memory_space<vmem>>[vector<16xi32>], vector<16xf32>,
    %sub3A_1112 = arith.subf %gather3A_1111, %get3A_1098 : vector<16xf32>
    %add3A_1113 = arith.addf %add3A_1069, %mul3A_1105 : vector<16xf32>
    %mul3A_1114 = arith.mulf %sub3A_1107, %sub3A_1107 : vector<16xf32>
    %mul3A_1115 = arith.mulf %sub3A_1112, %sub3A_1112 : vector<16xf32>
    %add3A_1116 = arith.addf %mul3A_1114, %mul3A_1115 : vector<16xf32>
    %mul3A_1117 = arith.mulf %mul3A_1105, %add3A_1116 : vector<16xf32>
    %add3A_1118 = arith.addf %add3A_1074, %mul3A_1117 : vector<16xf32>
    %scan3A_1119 = arith.constant 2 : i32
    %mul3A_1120 = arith.constant 16 : i32
    %mul3A_1121 = arith.muli %scan3A_1119, %mul3A_1120 : i32
    %add3A_1122 = vector.broadcast %mul3A_1121 : i32 to vector<16xi32>
    %add3A_1123 = arith.addi %add3A_1122, %iota3A : vector<16xi32>
    %lt3A_1124 = arith.constant 196 : i32
    %lt3A_1125 = vector.broadcast %lt3A_1124 : i32 to vector<16xi32>
    %lt3A_1126 = arith.cmpi slt, %add3A_1123, %lt3A_1125 : vector<16xi32>
    %convert_element_type3A_1127 = arith.extui %lt3A_1126 : vector<16xi1> to vector<16xi32>
    %convert_element_type3A_1128 = arith.sitofp %convert_element_type3A_1127 : vector<16xi32> to vector<16xf32>
    %min3A_1129 = arith.constant 195 : i32
    %min3A_1130 = vector.broadcast %min3A_1129 : i32 to vector<16xi32>
    %min3A_1131 = arith.minsi %add3A_1123, %min3A_1130 : vector<16xi32>
    %mul3A_1132 = arith.constant 30 : i32
    %mul3A_1133 = vector.broadcast %mul3A_1132 : i32 to vector<16xi32>
    %mul3A_1134 = arith.muli %min3A_1131, %mul3A_1133 : vector<16xi32>
    %mul3A_1135 = arith.constant 16 : i32
    %mul3A_1136 = arith.muli %scan3A_1119, %mul3A_1135 : i32
    %get3A_1137 = arith.index_cast %mul3A_1136 : i32 to index
    %get3A_1138 = tpu.vector_load %arg9[%get3A_1137] {strides = array<i32>} : memref<2080xf32, #tpu.memory_space<vmem>>, vector<16xf32>,
    %add3A_1139 = arith.constant 1040 : i32
    %add3A_1140 = arith.addi %add3A_1139, %mul3A_1136 : i32
    %get3A_1141 = arith.index_cast %add3A_1140 : i32 to index
    %get3A_1142 = tpu.vector_load %arg9[%get3A_1141] {strides = array<i32>} : memref<2080xf32, #tpu.memory_space<vmem>>, vector<16xf32>,
    %add3A_1143 = arith.addf %get3A_1138, %get3A_1142 : vector<16xf32>
    %eq3A_1144 = arith.constant 0.000000e+00 : f32
    %eq3A_1145 = vector.broadcast %eq3A_1144 : f32 to vector<16xf32>
    %eq3A_1146 = arith.cmpf oeq, %add3A_1143, %eq3A_1145 : vector<16xf32>
    %convert_element_type3A_1147 = arith.extui %eq3A_1146 : vector<16xi1> to vector<16xi32>
    %convert_element_type3A_1148 = arith.sitofp %convert_element_type3A_1147 : vector<16xi32> to vector<16xf32>
    %mul3A_1149 = arith.mulf %convert_element_type3A_1148, %convert_element_type3A_1128 : vector<16xf32>
    %gather3A_1150 = tpu.vector_load_idx %arg5[%mul3A_1134] : memref<5880xf32, #tpu.memory_space<vmem>>[vector<16xi32>], vector<16xf32>,
    %sub3A_1151 = arith.subf %gather3A_1150, %get3A_1138 : vector<16xf32>
    %add3A_1152 = arith.constant 5 : i32
    %add3A_1153 = vector.broadcast %add3A_1152 : i32 to vector<16xi32>
    %add3A_1154 = arith.addi %mul3A_1134, %add3A_1153 : vector<16xi32>
    %gather3A_1155 = tpu.vector_load_idx %arg5[%add3A_1154] : memref<5880xf32, #tpu.memory_space<vmem>>[vector<16xi32>], vector<16xf32>,
    %sub3A_1156 = arith.subf %gather3A_1155, %get3A_1142 : vector<16xf32>
    %add3A_1157 = arith.addf %add3A_1113, %mul3A_1149 : vector<16xf32>
    %mul3A_1158 = arith.mulf %sub3A_1151, %sub3A_1151 : vector<16xf32>
    %mul3A_1159 = arith.mulf %sub3A_1156, %sub3A_1156 : vector<16xf32>
    %add3A_1160 = arith.addf %mul3A_1158, %mul3A_1159 : vector<16xf32>
    %mul3A_1161 = arith.mulf %mul3A_1149, %add3A_1160 : vector<16xf32>
    %add3A_1162 = arith.addf %add3A_1118, %mul3A_1161 : vector<16xf32>
    %scan3A_1163 = arith.constant 3 : i32
    %mul3A_1164 = arith.constant 16 : i32
    %mul3A_1165 = arith.muli %scan3A_1163, %mul3A_1164 : i32
    %add3A_1166 = vector.broadcast %mul3A_1165 : i32 to vector<16xi32>
    %add3A_1167 = arith.addi %add3A_1166, %iota3A : vector<16xi32>
    %lt3A_1168 = arith.constant 196 : i32
    %lt3A_1169 = vector.broadcast %lt3A_1168 : i32 to vector<16xi32>
    %lt3A_1170 = arith.cmpi slt, %add3A_1167, %lt3A_1169 : vector<16xi32>
    %convert_element_type3A_1171 = arith.extui %lt3A_1170 : vector<16xi1> to vector<16xi32>
    %convert_element_type3A_1172 = arith.sitofp %convert_element_type3A_1171 : vector<16xi32> to vector<16xf32>
    %min3A_1173 = arith.constant 195 : i32
    %min3A_1174 = vector.broadcast %min3A_1173 : i32 to vector<16xi32>
    %min3A_1175 = arith.minsi %add3A_1167, %min3A_1174 : vector<16xi32>
    %mul3A_1176 = arith.constant 30 : i32
    %mul3A_1177 = vector.broadcast %mul3A_1176 : i32 to vector<16xi32>
    %mul3A_1178 = arith.muli %min3A_1175, %mul3A_1177 : vector<16xi32>
    %mul3A_1179 = arith.constant 16 : i32
    %mul3A_1180 = arith.muli %scan3A_1163, %mul3A_1179 : i32
    %get3A_1181 = arith.index_cast %mul3A_1180 : i32 to index
    %get3A_1182 = tpu.vector_load %arg9[%get3A_1181] {strides = array<i32>} : memref<2080xf32, #tpu.memory_space<vmem>>, vector<16xf32>,
    %add3A_1183 = arith.constant 1040 : i32
    %add3A_1184 = arith.addi %add3A_1183, %mul3A_1180 : i32
    %get3A_1185 = arith.index_cast %add3A_1184 : i32 to index
    %get3A_1186 = tpu.vector_load %arg9[%get3A_1185] {strides = array<i32>} : memref<2080xf32, #tpu.memory_space<vmem>>, vector<16xf32>,
    %add3A_1187 = arith.addf %get3A_1182, %get3A_1186 : vector<16xf32>
    %eq3A_1188 = arith.constant 0.000000e+00 : f32
    %eq3A_1189 = vector.broadcast %eq3A_1188 : f32 to vector<16xf32>
    %eq3A_1190 = arith.cmpf oeq, %add3A_1187, %eq3A_1189 : vector<16xf32>
    %convert_element_type3A_1191 = arith.extui %eq3A_1190 : vector<16xi1> to vector<16xi32>
    %convert_element_type3A_1192 = arith.sitofp %convert_element_type3A_1191 : vector<16xi32> to vector<16xf32>
    %mul3A_1193 = arith.mulf %convert_element_type3A_1192, %convert_element_type3A_1172 : vector<16xf32>
    %gather3A_1194 = tpu.vector_load_idx %arg5[%mul3A_1178] : memref<5880xf32, #tpu.memory_space<vmem>>[vector<16xi32>], vector<16xf32>,
    %sub3A_1195 = arith.subf %gather3A_1194, %get3A_1182 : vector<16xf32>
    %add3A_1196 = arith.constant 5 : i32
    %add3A_1197 = vector.broadcast %add3A_1196 : i32 to vector<16xi32>
    %add3A_1198 = arith.addi %mul3A_1178, %add3A_1197 : vector<16xi32>
    %gather3A_1199 = tpu.vector_load_idx %arg5[%add3A_1198] : memref<5880xf32, #tpu.memory_space<vmem>>[vector<16xi32>], vector<16xf32>,
    %sub3A_1200 = arith.subf %gather3A_1199, %get3A_1186 : vector<16xf32>
    %add3A_1201 = arith.addf %add3A_1157, %mul3A_1193 : vector<16xf32>
    %mul3A_1202 = arith.mulf %sub3A_1195, %sub3A_1195 : vector<16xf32>
    %mul3A_1203 = arith.mulf %sub3A_1200, %sub3A_1200 : vector<16xf32>
    %add3A_1204 = arith.addf %mul3A_1202, %mul3A_1203 : vector<16xf32>
    %mul3A_1205 = arith.mulf %mul3A_1193, %add3A_1204 : vector<16xf32>
    %add3A_1206 = arith.addf %add3A_1162, %mul3A_1205 : vector<16xf32>
    %scan3A_1207 = arith.constant 4 : i32
    %mul3A_1208 = arith.constant 16 : i32
    %mul3A_1209 = arith.muli %scan3A_1207, %mul3A_1208 : i32
    %add3A_1210 = vector.broadcast %mul3A_1209 : i32 to vector<16xi32>
    %add3A_1211 = arith.addi %add3A_1210, %iota3A : vector<16xi32>
    %lt3A_1212 = arith.constant 196 : i32
    %lt3A_1213 = vector.broadcast %lt3A_1212 : i32 to vector<16xi32>
    %lt3A_1214 = arith.cmpi slt, %add3A_1211, %lt3A_1213 : vector<16xi32>
    %convert_element_type3A_1215 = arith.extui %lt3A_1214 : vector<16xi1> to vector<16xi32>
    %convert_element_type3A_1216 = arith.sitofp %convert_element_type3A_1215 : vector<16xi32> to vector<16xf32>
    %min3A_1217 = arith.constant 195 : i32
    %min3A_1218 = vector.broadcast %min3A_1217 : i32 to vector<16xi32>
    %min3A_1219 = arith.minsi %add3A_1211, %min3A_1218 : vector<16xi32>
    %mul3A_1220 = arith.constant 30 : i32
    %mul3A_1221 = vector.broadcast %mul3A_1220 : i32 to vector<16xi32>
    %mul3A_1222 = arith.muli %min3A_1219, %mul3A_1221 : vector<16xi32>
    %mul3A_1223 = arith.constant 16 : i32
    %mul3A_1224 = arith.muli %scan3A_1207, %mul3A_1223 : i32
    %get3A_1225 = arith.index_cast %mul3A_1224 : i32 to index
    %get3A_1226 = tpu.vector_load %arg9[%get3A_1225] {strides = array<i32>} : memref<2080xf32, #tpu.memory_space<vmem>>, vector<16xf32>,
    %add3A_1227 = arith.constant 1040 : i32
    %add3A_1228 = arith.addi %add3A_1227, %mul3A_1224 : i32
    %get3A_1229 = arith.index_cast %add3A_1228 : i32 to index
    %get3A_1230 = tpu.vector_load %arg9[%get3A_1229] {strides = array<i32>} : memref<2080xf32, #tpu.memory_space<vmem>>, vector<16xf32>,
    %add3A_1231 = arith.addf %get3A_1226, %get3A_1230 : vector<16xf32>
    %eq3A_1232 = arith.constant 0.000000e+00 : f32
    %eq3A_1233 = vector.broadcast %eq3A_1232 : f32 to vector<16xf32>
    %eq3A_1234 = arith.cmpf oeq, %add3A_1231, %eq3A_1233 : vector<16xf32>
    %convert_element_type3A_1235 = arith.extui %eq3A_1234 : vector<16xi1> to vector<16xi32>
    %convert_element_type3A_1236 = arith.sitofp %convert_element_type3A_1235 : vector<16xi32> to vector<16xf32>
    %mul3A_1237 = arith.mulf %convert_element_type3A_1236, %convert_element_type3A_1216 : vector<16xf32>
    %gather3A_1238 = tpu.vector_load_idx %arg5[%mul3A_1222] : memref<5880xf32, #tpu.memory_space<vmem>>[vector<16xi32>], vector<16xf32>,
    %sub3A_1239 = arith.subf %gather3A_1238, %get3A_1226 : vector<16xf32>
    %add3A_1240 = arith.constant 5 : i32
    %add3A_1241 = vector.broadcast %add3A_1240 : i32 to vector<16xi32>
    %add3A_1242 = arith.addi %mul3A_1222, %add3A_1241 : vector<16xi32>
    %gather3A_1243 = tpu.vector_load_idx %arg5[%add3A_1242] : memref<5880xf32, #tpu.memory_space<vmem>>[vector<16xi32>], vector<16xf32>,
    %sub3A_1244 = arith.subf %gather3A_1243, %get3A_1230 : vector<16xf32>
    %add3A_1245 = arith.addf %add3A_1201, %mul3A_1237 : vector<16xf32>
    %mul3A_1246 = arith.mulf %sub3A_1239, %sub3A_1239 : vector<16xf32>
    %mul3A_1247 = arith.mulf %sub3A_1244, %sub3A_1244 : vector<16xf32>
    %add3A_1248 = arith.addf %mul3A_1246, %mul3A_1247 : vector<16xf32>
    %mul3A_1249 = arith.mulf %mul3A_1237, %add3A_1248 : vector<16xf32>
    %add3A_1250 = arith.addf %add3A_1206, %mul3A_1249 : vector<16xf32>
    %scan3A_1251 = arith.constant 5 : i32
    %mul3A_1252 = arith.constant 16 : i32
    %mul3A_1253 = arith.muli %scan3A_1251, %mul3A_1252 : i32
    %add3A_1254 = vector.broadcast %mul3A_1253 : i32 to vector<16xi32>
    %add3A_1255 = arith.addi %add3A_1254, %iota3A : vector<16xi32>
    %lt3A_1256 = arith.constant 196 : i32
    %lt3A_1257 = vector.broadcast %lt3A_1256 : i32 to vector<16xi32>
    %lt3A_1258 = arith.cmpi slt, %add3A_1255, %lt3A_1257 : vector<16xi32>
    %convert_element_type3A_1259 = arith.extui %lt3A_1258 : vector<16xi1> to vector<16xi32>
    %convert_element_type3A_1260 = arith.sitofp %convert_element_type3A_1259 : vector<16xi32> to vector<16xf32>
    %min3A_1261 = arith.constant 195 : i32
    %min3A_1262 = vector.broadcast %min3A_1261 : i32 to vector<16xi32>
    %min3A_1263 = arith.minsi %add3A_1255, %min3A_1262 : vector<16xi32>
    %mul3A_1264 = arith.constant 30 : i32
    %mul3A_1265 = vector.broadcast %mul3A_1264 : i32 to vector<16xi32>
    %mul3A_1266 = arith.muli %min3A_1263, %mul3A_1265 : vector<16xi32>
    %mul3A_1267 = arith.constant 16 : i32
    %mul3A_1268 = arith.muli %scan3A_1251, %mul3A_1267 : i32
    %get3A_1269 = arith.index_cast %mul3A_1268 : i32 to index
    %get3A_1270 = tpu.vector_load %arg9[%get3A_1269] {strides = array<i32>} : memref<2080xf32, #tpu.memory_space<vmem>>, vector<16xf32>,
    %add3A_1271 = arith.constant 1040 : i32
    %add3A_1272 = arith.addi %add3A_1271, %mul3A_1268 : i32
    %get3A_1273 = arith.index_cast %add3A_1272 : i32 to index
    %get3A_1274 = tpu.vector_load %arg9[%get3A_1273] {strides = array<i32>} : memref<2080xf32, #tpu.memory_space<vmem>>, vector<16xf32>,
    %add3A_1275 = arith.addf %get3A_1270, %get3A_1274 : vector<16xf32>
    %eq3A_1276 = arith.constant 0.000000e+00 : f32
    %eq3A_1277 = vector.broadcast %eq3A_1276 : f32 to vector<16xf32>
    %eq3A_1278 = arith.cmpf oeq, %add3A_1275, %eq3A_1277 : vector<16xf32>
    %convert_element_type3A_1279 = arith.extui %eq3A_1278 : vector<16xi1> to vector<16xi32>
    %convert_element_type3A_1280 = arith.sitofp %convert_element_type3A_1279 : vector<16xi32> to vector<16xf32>
    %mul3A_1281 = arith.mulf %convert_element_type3A_1280, %convert_element_type3A_1260 : vector<16xf32>
    %gather3A_1282 = tpu.vector_load_idx %arg5[%mul3A_1266] : memref<5880xf32, #tpu.memory_space<vmem>>[vector<16xi32>], vector<16xf32>,
    %sub3A_1283 = arith.subf %gather3A_1282, %get3A_1270 : vector<16xf32>
    %add3A_1284 = arith.constant 5 : i32
    %add3A_1285 = vector.broadcast %add3A_1284 : i32 to vector<16xi32>
    %add3A_1286 = arith.addi %mul3A_1266, %add3A_1285 : vector<16xi32>
    %gather3A_1287 = tpu.vector_load_idx %arg5[%add3A_1286] : memref<5880xf32, #tpu.memory_space<vmem>>[vector<16xi32>], vector<16xf32>,
    %sub3A_1288 = arith.subf %gather3A_1287, %get3A_1274 : vector<16xf32>
    %add3A_1289 = arith.addf %add3A_1245, %mul3A_1281 : vector<16xf32>
    %mul3A_1290 = arith.mulf %sub3A_1283, %sub3A_1283 : vector<16xf32>
    %mul3A_1291 = arith.mulf %sub3A_1288, %sub3A_1288 : vector<16xf32>
    %add3A_1292 = arith.addf %mul3A_1290, %mul3A_1291 : vector<16xf32>
    %mul3A_1293 = arith.mulf %mul3A_1281, %add3A_1292 : vector<16xf32>
    %add3A_1294 = arith.addf %add3A_1250, %mul3A_1293 : vector<16xf32>
    %scan3A_1295 = arith.constant 6 : i32
    %mul3A_1296 = arith.constant 16 : i32
    %mul3A_1297 = arith.muli %scan3A_1295, %mul3A_1296 : i32
    %add3A_1298 = vector.broadcast %mul3A_1297 : i32 to vector<16xi32>
    %add3A_1299 = arith.addi %add3A_1298, %iota3A : vector<16xi32>
    %lt3A_1300 = arith.constant 196 : i32
    %lt3A_1301 = vector.broadcast %lt3A_1300 : i32 to vector<16xi32>
    %lt3A_1302 = arith.cmpi slt, %add3A_1299, %lt3A_1301 : vector<16xi32>
    %convert_element_type3A_1303 = arith.extui %lt3A_1302 : vector<16xi1> to vector<16xi32>
    %convert_element_type3A_1304 = arith.sitofp %convert_element_type3A_1303 : vector<16xi32> to vector<16xf32>
    %min3A_1305 = arith.constant 195 : i32
    %min3A_1306 = vector.broadcast %min3A_1305 : i32 to vector<16xi32>
    %min3A_1307 = arith.minsi %add3A_1299, %min3A_1306 : vector<16xi32>
    %mul3A_1308 = arith.constant 30 : i32
    %mul3A_1309 = vector.broadcast %mul3A_1308 : i32 to vector<16xi32>
    %mul3A_1310 = arith.muli %min3A_1307, %mul3A_1309 : vector<16xi32>
    %mul3A_1311 = arith.constant 16 : i32
    %mul3A_1312 = arith.muli %scan3A_1295, %mul3A_1311 : i32
    %get3A_1313 = arith.index_cast %mul3A_1312 : i32 to index
    %get3A_1314 = tpu.vector_load %arg9[%get3A_1313] {strides = array<i32>} : memref<2080xf32, #tpu.memory_space<vmem>>, vector<16xf32>,
    %add3A_1315 = arith.constant 1040 : i32
    %add3A_1316 = arith.addi %add3A_1315, %mul3A_1312 : i32
    %get3A_1317 = arith.index_cast %add3A_1316 : i32 to index
    %get3A_1318 = tpu.vector_load %arg9[%get3A_1317] {strides = array<i32>} : memref<2080xf32, #tpu.memory_space<vmem>>, vector<16xf32>,
    %add3A_1319 = arith.addf %get3A_1314, %get3A_1318 : vector<16xf32>
    %eq3A_1320 = arith.constant 0.000000e+00 : f32
    %eq3A_1321 = vector.broadcast %eq3A_1320 : f32 to vector<16xf32>
    %eq3A_1322 = arith.cmpf oeq, %add3A_1319, %eq3A_1321 : vector<16xf32>
    %convert_element_type3A_1323 = arith.extui %eq3A_1322 : vector<16xi1> to vector<16xi32>
    %convert_element_type3A_1324 = arith.sitofp %convert_element_type3A_1323 : vector<16xi32> to vector<16xf32>
    %mul3A_1325 = arith.mulf %convert_element_type3A_1324, %convert_element_type3A_1304 : vector<16xf32>
    %gather3A_1326 = tpu.vector_load_idx %arg5[%mul3A_1310] : memref<5880xf32, #tpu.memory_space<vmem>>[vector<16xi32>], vector<16xf32>,
    %sub3A_1327 = arith.subf %gather3A_1326, %get3A_1314 : vector<16xf32>
    %add3A_1328 = arith.constant 5 : i32
    %add3A_1329 = vector.broadcast %add3A_1328 : i32 to vector<16xi32>
    %add3A_1330 = arith.addi %mul3A_1310, %add3A_1329 : vector<16xi32>
    %gather3A_1331 = tpu.vector_load_idx %arg5[%add3A_1330] : memref<5880xf32, #tpu.memory_space<vmem>>[vector<16xi32>], vector<16xf32>,
    %sub3A_1332 = arith.subf %gather3A_1331, %get3A_1318 : vector<16xf32>
    %add3A_1333 = arith.addf %add3A_1289, %mul3A_1325 : vector<16xf32>
    %mul3A_1334 = arith.mulf %sub3A_1327, %sub3A_1327 : vector<16xf32>
    %mul3A_1335 = arith.mulf %sub3A_1332, %sub3A_1332 : vector<16xf32>
    %add3A_1336 = arith.addf %mul3A_1334, %mul3A_1335 : vector<16xf32>
    %mul3A_1337 = arith.mulf %mul3A_1325, %add3A_1336 : vector<16xf32>
    %add3A_1338 = arith.addf %add3A_1294, %mul3A_1337 : vector<16xf32>
    %scan3A_1339 = arith.constant 7 : i32
    %mul3A_1340 = arith.constant 16 : i32
    %mul3A_1341 = arith.muli %scan3A_1339, %mul3A_1340 : i32
    %add3A_1342 = vector.broadcast %mul3A_1341 : i32 to vector<16xi32>
    %add3A_1343 = arith.addi %add3A_1342, %iota3A : vector<16xi32>
    %lt3A_1344 = arith.constant 196 : i32
    %lt3A_1345 = vector.broadcast %lt3A_1344 : i32 to vector<16xi32>
    %lt3A_1346 = arith.cmpi slt, %add3A_1343, %lt3A_1345 : vector<16xi32>
    %convert_element_type3A_1347 = arith.extui %lt3A_1346 : vector<16xi1> to vector<16xi32>
    %convert_element_type3A_1348 = arith.sitofp %convert_element_type3A_1347 : vector<16xi32> to vector<16xf32>
    %min3A_1349 = arith.constant 195 : i32
    %min3A_1350 = vector.broadcast %min3A_1349 : i32 to vector<16xi32>
    %min3A_1351 = arith.minsi %add3A_1343, %min3A_1350 : vector<16xi32>
    %mul3A_1352 = arith.constant 30 : i32
    %mul3A_1353 = vector.broadcast %mul3A_1352 : i32 to vector<16xi32>
    %mul3A_1354 = arith.muli %min3A_1351, %mul3A_1353 : vector<16xi32>
    %mul3A_1355 = arith.constant 16 : i32
    %mul3A_1356 = arith.muli %scan3A_1339, %mul3A_1355 : i32
    %get3A_1357 = arith.index_cast %mul3A_1356 : i32 to index
    %get3A_1358 = tpu.vector_load %arg9[%get3A_1357] {strides = array<i32>} : memref<2080xf32, #tpu.memory_space<vmem>>, vector<16xf32>,
    %add3A_1359 = arith.constant 1040 : i32
    %add3A_1360 = arith.addi %add3A_1359, %mul3A_1356 : i32
    %get3A_1361 = arith.index_cast %add3A_1360 : i32 to index
    %get3A_1362 = tpu.vector_load %arg9[%get3A_1361] {strides = array<i32>} : memref<2080xf32, #tpu.memory_space<vmem>>, vector<16xf32>,
    %add3A_1363 = arith.addf %get3A_1358, %get3A_1362 : vector<16xf32>
    %eq3A_1364 = arith.constant 0.000000e+00 : f32
    %eq3A_1365 = vector.broadcast %eq3A_1364 : f32 to vector<16xf32>
    %eq3A_1366 = arith.cmpf oeq, %add3A_1363, %eq3A_1365 : vector<16xf32>
    %convert_element_type3A_1367 = arith.extui %eq3A_1366 : vector<16xi1> to vector<16xi32>
    %convert_element_type3A_1368 = arith.sitofp %convert_element_type3A_1367 : vector<16xi32> to vector<16xf32>
    %mul3A_1369 = arith.mulf %convert_element_type3A_1368, %convert_element_type3A_1348 : vector<16xf32>
    %gather3A_1370 = tpu.vector_load_idx %arg5[%mul3A_1354] : memref<5880xf32, #tpu.memory_space<vmem>>[vector<16xi32>], vector<16xf32>,
    %sub3A_1371 = arith.subf %gather3A_1370, %get3A_1358 : vector<16xf32>
    %add3A_1372 = arith.constant 5 : i32
    %add3A_1373 = vector.broadcast %add3A_1372 : i32 to vector<16xi32>
    %add3A_1374 = arith.addi %mul3A_1354, %add3A_1373 : vector<16xi32>
    %gather3A_1375 = tpu.vector_load_idx %arg5[%add3A_1374] : memref<5880xf32, #tpu.memory_space<vmem>>[vector<16xi32>], vector<16xf32>,
    %sub3A_1376 = arith.subf %gather3A_1375, %get3A_1362 : vector<16xf32>
    %add3A_1377 = arith.addf %add3A_1333, %mul3A_1369 : vector<16xf32>
    %mul3A_1378 = arith.mulf %sub3A_1371, %sub3A_1371 : vector<16xf32>
    %mul3A_1379 = arith.mulf %sub3A_1376, %sub3A_1376 : vector<16xf32>
    %add3A_1380 = arith.addf %mul3A_1378, %mul3A_1379 : vector<16xf32>
    %mul3A_1381 = arith.mulf %mul3A_1369, %add3A_1380 : vector<16xf32>
    %add3A_1382 = arith.addf %add3A_1338, %mul3A_1381 : vector<16xf32>
    %scan3A_1383 = arith.constant 8 : i32
    %mul3A_1384 = arith.constant 16 : i32
    %mul3A_1385 = arith.muli %scan3A_1383, %mul3A_1384 : i32
    %add3A_1386 = vector.broadcast %mul3A_1385 : i32 to vector<16xi32>
    %add3A_1387 = arith.addi %add3A_1386, %iota3A : vector<16xi32>
    %lt3A_1388 = arith.constant 196 : i32
    %lt3A_1389 = vector.broadcast %lt3A_1388 : i32 to vector<16xi32>
    %lt3A_1390 = arith.cmpi slt, %add3A_1387, %lt3A_1389 : vector<16xi32>
    %convert_element_type3A_1391 = arith.extui %lt3A_1390 : vector<16xi1> to vector<16xi32>
    %convert_element_type3A_1392 = arith.sitofp %convert_element_type3A_1391 : vector<16xi32> to vector<16xf32>
    %min3A_1393 = arith.constant 195 : i32
    %min3A_1394 = vector.broadcast %min3A_1393 : i32 to vector<16xi32>
    %min3A_1395 = arith.minsi %add3A_1387, %min3A_1394 : vector<16xi32>
    %mul3A_1396 = arith.constant 30 : i32
    %mul3A_1397 = vector.broadcast %mul3A_1396 : i32 to vector<16xi32>
    %mul3A_1398 = arith.muli %min3A_1395, %mul3A_1397 : vector<16xi32>
    %mul3A_1399 = arith.constant 16 : i32
    %mul3A_1400 = arith.muli %scan3A_1383, %mul3A_1399 : i32
    %get3A_1401 = arith.index_cast %mul3A_1400 : i32 to index
    %get3A_1402 = tpu.vector_load %arg9[%get3A_1401] {strides = array<i32>} : memref<2080xf32, #tpu.memory_space<vmem>>, vector<16xf32>,
    %add3A_1403 = arith.constant 1040 : i32
    %add3A_1404 = arith.addi %add3A_1403, %mul3A_1400 : i32
    %get3A_1405 = arith.index_cast %add3A_1404 : i32 to index
    %get3A_1406 = tpu.vector_load %arg9[%get3A_1405] {strides = array<i32>} : memref<2080xf32, #tpu.memory_space<vmem>>, vector<16xf32>,
    %add3A_1407 = arith.addf %get3A_1402, %get3A_1406 : vector<16xf32>
    %eq3A_1408 = arith.constant 0.000000e+00 : f32
    %eq3A_1409 = vector.broadcast %eq3A_1408 : f32 to vector<16xf32>
    %eq3A_1410 = arith.cmpf oeq, %add3A_1407, %eq3A_1409 : vector<16xf32>
    %convert_element_type3A_1411 = arith.extui %eq3A_1410 : vector<16xi1> to vector<16xi32>
    %convert_element_type3A_1412 = arith.sitofp %convert_element_type3A_1411 : vector<16xi32> to vector<16xf32>
    %mul3A_1413 = arith.mulf %convert_element_type3A_1412, %convert_element_type3A_1392 : vector<16xf32>
    %gather3A_1414 = tpu.vector_load_idx %arg5[%mul3A_1398] : memref<5880xf32, #tpu.memory_space<vmem>>[vector<16xi32>], vector<16xf32>,
    %sub3A_1415 = arith.subf %gather3A_1414, %get3A_1402 : vector<16xf32>
    %add3A_1416 = arith.constant 5 : i32
    %add3A_1417 = vector.broadcast %add3A_1416 : i32 to vector<16xi32>
    %add3A_1418 = arith.addi %mul3A_1398, %add3A_1417 : vector<16xi32>
    %gather3A_1419 = tpu.vector_load_idx %arg5[%add3A_1418] : memref<5880xf32, #tpu.memory_space<vmem>>[vector<16xi32>], vector<16xf32>,
    %sub3A_1420 = arith.subf %gather3A_1419, %get3A_1406 : vector<16xf32>
    %add3A_1421 = arith.addf %add3A_1377, %mul3A_1413 : vector<16xf32>
    %mul3A_1422 = arith.mulf %sub3A_1415, %sub3A_1415 : vector<16xf32>
    %mul3A_1423 = arith.mulf %sub3A_1420, %sub3A_1420 : vector<16xf32>
    %add3A_1424 = arith.addf %mul3A_1422, %mul3A_1423 : vector<16xf32>
    %mul3A_1425 = arith.mulf %mul3A_1413, %add3A_1424 : vector<16xf32>
    %add3A_1426 = arith.addf %add3A_1382, %mul3A_1425 : vector<16xf32>
    %scan3A_1427 = arith.constant 9 : i32
    %mul3A_1428 = arith.constant 16 : i32
    %mul3A_1429 = arith.muli %scan3A_1427, %mul3A_1428 : i32
    %add3A_1430 = vector.broadcast %mul3A_1429 : i32 to vector<16xi32>
    %add3A_1431 = arith.addi %add3A_1430, %iota3A : vector<16xi32>
    %lt3A_1432 = arith.constant 196 : i32
    %lt3A_1433 = vector.broadcast %lt3A_1432 : i32 to vector<16xi32>
    %lt3A_1434 = arith.cmpi slt, %add3A_1431, %lt3A_1433 : vector<16xi32>
    %convert_element_type3A_1435 = arith.extui %lt3A_1434 : vector<16xi1> to vector<16xi32>
    %convert_element_type3A_1436 = arith.sitofp %convert_element_type3A_1435 : vector<16xi32> to vector<16xf32>
    %min3A_1437 = arith.constant 195 : i32
    %min3A_1438 = vector.broadcast %min3A_1437 : i32 to vector<16xi32>
    %min3A_1439 = arith.minsi %add3A_1431, %min3A_1438 : vector<16xi32>
    %mul3A_1440 = arith.constant 30 : i32
    %mul3A_1441 = vector.broadcast %mul3A_1440 : i32 to vector<16xi32>
    %mul3A_1442 = arith.muli %min3A_1439, %mul3A_1441 : vector<16xi32>
    %mul3A_1443 = arith.constant 16 : i32
    %mul3A_1444 = arith.muli %scan3A_1427, %mul3A_1443 : i32
    %get3A_1445 = arith.index_cast %mul3A_1444 : i32 to index
    %get3A_1446 = tpu.vector_load %arg9[%get3A_1445] {strides = array<i32>} : memref<2080xf32, #tpu.memory_space<vmem>>, vector<16xf32>,
    %add3A_1447 = arith.constant 1040 : i32
    %add3A_1448 = arith.addi %add3A_1447, %mul3A_1444 : i32
    %get3A_1449 = arith.index_cast %add3A_1448 : i32 to index
    %get3A_1450 = tpu.vector_load %arg9[%get3A_1449] {strides = array<i32>} : memref<2080xf32, #tpu.memory_space<vmem>>, vector<16xf32>,
    %add3A_1451 = arith.addf %get3A_1446, %get3A_1450 : vector<16xf32>
    %eq3A_1452 = arith.constant 0.000000e+00 : f32
    %eq3A_1453 = vector.broadcast %eq3A_1452 : f32 to vector<16xf32>
    %eq3A_1454 = arith.cmpf oeq, %add3A_1451, %eq3A_1453 : vector<16xf32>
    %convert_element_type3A_1455 = arith.extui %eq3A_1454 : vector<16xi1> to vector<16xi32>
    %convert_element_type3A_1456 = arith.sitofp %convert_element_type3A_1455 : vector<16xi32> to vector<16xf32>
    %mul3A_1457 = arith.mulf %convert_element_type3A_1456, %convert_element_type3A_1436 : vector<16xf32>
    %gather3A_1458 = tpu.vector_load_idx %arg5[%mul3A_1442] : memref<5880xf32, #tpu.memory_space<vmem>>[vector<16xi32>], vector<16xf32>,
    %sub3A_1459 = arith.subf %gather3A_1458, %get3A_1446 : vector<16xf32>
    %add3A_1460 = arith.constant 5 : i32
    %add3A_1461 = vector.broadcast %add3A_1460 : i32 to vector<16xi32>
    %add3A_1462 = arith.addi %mul3A_1442, %add3A_1461 : vector<16xi32>
    %gather3A_1463 = tpu.vector_load_idx %arg5[%add3A_1462] : memref<5880xf32, #tpu.memory_space<vmem>>[vector<16xi32>], vector<16xf32>,
    %sub3A_1464 = arith.subf %gather3A_1463, %get3A_1450 : vector<16xf32>
    %add3A_1465 = arith.addf %add3A_1421, %mul3A_1457 : vector<16xf32>
    %mul3A_1466 = arith.mulf %sub3A_1459, %sub3A_1459 : vector<16xf32>
    %mul3A_1467 = arith.mulf %sub3A_1464, %sub3A_1464 : vector<16xf32>
    %add3A_1468 = arith.addf %mul3A_1466, %mul3A_1467 : vector<16xf32>
    %mul3A_1469 = arith.mulf %mul3A_1457, %add3A_1468 : vector<16xf32>
    %add3A_1470 = arith.addf %add3A_1426, %mul3A_1469 : vector<16xf32>
    %scan3A_1471 = arith.constant 10 : i32
    %mul3A_1472 = arith.constant 16 : i32
    %mul3A_1473 = arith.muli %scan3A_1471, %mul3A_1472 : i32
    %add3A_1474 = vector.broadcast %mul3A_1473 : i32 to vector<16xi32>
    %add3A_1475 = arith.addi %add3A_1474, %iota3A : vector<16xi32>
    %lt3A_1476 = arith.constant 196 : i32
    %lt3A_1477 = vector.broadcast %lt3A_1476 : i32 to vector<16xi32>
    %lt3A_1478 = arith.cmpi slt, %add3A_1475, %lt3A_1477 : vector<16xi32>
    %convert_element_type3A_1479 = arith.extui %lt3A_1478 : vector<16xi1> to vector<16xi32>
    %convert_element_type3A_1480 = arith.sitofp %convert_element_type3A_1479 : vector<16xi32> to vector<16xf32>
    %min3A_1481 = arith.constant 195 : i32
    %min3A_1482 = vector.broadcast %min3A_1481 : i32 to vector<16xi32>
    %min3A_1483 = arith.minsi %add3A_1475, %min3A_1482 : vector<16xi32>
    %mul3A_1484 = arith.constant 30 : i32
    %mul3A_1485 = vector.broadcast %mul3A_1484 : i32 to vector<16xi32>
    %mul3A_1486 = arith.muli %min3A_1483, %mul3A_1485 : vector<16xi32>
    %mul3A_1487 = arith.constant 16 : i32
    %mul3A_1488 = arith.muli %scan3A_1471, %mul3A_1487 : i32
    %get3A_1489 = arith.index_cast %mul3A_1488 : i32 to index
    %get3A_1490 = tpu.vector_load %arg9[%get3A_1489] {strides = array<i32>} : memref<2080xf32, #tpu.memory_space<vmem>>, vector<16xf32>,
    %add3A_1491 = arith.constant 1040 : i32
    %add3A_1492 = arith.addi %add3A_1491, %mul3A_1488 : i32
    %get3A_1493 = arith.index_cast %add3A_1492 : i32 to index
    %get3A_1494 = tpu.vector_load %arg9[%get3A_1493] {strides = array<i32>} : memref<2080xf32, #tpu.memory_space<vmem>>, vector<16xf32>,
    %add3A_1495 = arith.addf %get3A_1490, %get3A_1494 : vector<16xf32>
    %eq3A_1496 = arith.constant 0.000000e+00 : f32
    %eq3A_1497 = vector.broadcast %eq3A_1496 : f32 to vector<16xf32>
    %eq3A_1498 = arith.cmpf oeq, %add3A_1495, %eq3A_1497 : vector<16xf32>
    %convert_element_type3A_1499 = arith.extui %eq3A_1498 : vector<16xi1> to vector<16xi32>
    %convert_element_type3A_1500 = arith.sitofp %convert_element_type3A_1499 : vector<16xi32> to vector<16xf32>
    %mul3A_1501 = arith.mulf %convert_element_type3A_1500, %convert_element_type3A_1480 : vector<16xf32>
    %gather3A_1502 = tpu.vector_load_idx %arg5[%mul3A_1486] : memref<5880xf32, #tpu.memory_space<vmem>>[vector<16xi32>], vector<16xf32>,
    %sub3A_1503 = arith.subf %gather3A_1502, %get3A_1490 : vector<16xf32>
    %add3A_1504 = arith.constant 5 : i32
    %add3A_1505 = vector.broadcast %add3A_1504 : i32 to vector<16xi32>
    %add3A_1506 = arith.addi %mul3A_1486, %add3A_1505 : vector<16xi32>
    %gather3A_1507 = tpu.vector_load_idx %arg5[%add3A_1506] : memref<5880xf32, #tpu.memory_space<vmem>>[vector<16xi32>], vector<16xf32>,
    %sub3A_1508 = arith.subf %gather3A_1507, %get3A_1494 : vector<16xf32>
    %add3A_1509 = arith.addf %add3A_1465, %mul3A_1501 : vector<16xf32>
    %mul3A_1510 = arith.mulf %sub3A_1503, %sub3A_1503 : vector<16xf32>
    %mul3A_1511 = arith.mulf %sub3A_1508, %sub3A_1508 : vector<16xf32>
    %add3A_1512 = arith.addf %mul3A_1510, %mul3A_1511 : vector<16xf32>
    %mul3A_1513 = arith.mulf %mul3A_1501, %add3A_1512 : vector<16xf32>
    %add3A_1514 = arith.addf %add3A_1470, %mul3A_1513 : vector<16xf32>
    %scan3A_1515 = arith.constant 11 : i32
    %mul3A_1516 = arith.constant 16 : i32
    %mul3A_1517 = arith.muli %scan3A_1515, %mul3A_1516 : i32
    %add3A_1518 = vector.broadcast %mul3A_1517 : i32 to vector<16xi32>
    %add3A_1519 = arith.addi %add3A_1518, %iota3A : vector<16xi32>
    %lt3A_1520 = arith.constant 196 : i32
    %lt3A_1521 = vector.broadcast %lt3A_1520 : i32 to vector<16xi32>
    %lt3A_1522 = arith.cmpi slt, %add3A_1519, %lt3A_1521 : vector<16xi32>
    %convert_element_type3A_1523 = arith.extui %lt3A_1522 : vector<16xi1> to vector<16xi32>
    %convert_element_type3A_1524 = arith.sitofp %convert_element_type3A_1523 : vector<16xi32> to vector<16xf32>
    %min3A_1525 = arith.constant 195 : i32
    %min3A_1526 = vector.broadcast %min3A_1525 : i32 to vector<16xi32>
    %min3A_1527 = arith.minsi %add3A_1519, %min3A_1526 : vector<16xi32>
    %mul3A_1528 = arith.constant 30 : i32
    %mul3A_1529 = vector.broadcast %mul3A_1528 : i32 to vector<16xi32>
    %mul3A_1530 = arith.muli %min3A_1527, %mul3A_1529 : vector<16xi32>
    %mul3A_1531 = arith.constant 16 : i32
    %mul3A_1532 = arith.muli %scan3A_1515, %mul3A_1531 : i32
    %get3A_1533 = arith.index_cast %mul3A_1532 : i32 to index
    %get3A_1534 = tpu.vector_load %arg9[%get3A_1533] {strides = array<i32>} : memref<2080xf32, #tpu.memory_space<vmem>>, vector<16xf32>,
    %add3A_1535 = arith.constant 1040 : i32
    %add3A_1536 = arith.addi %add3A_1535, %mul3A_1532 : i32
    %get3A_1537 = arith.index_cast %add3A_1536 : i32 to index
    %get3A_1538 = tpu.vector_load %arg9[%get3A_1537] {strides = array<i32>} : memref<2080xf32, #tpu.memory_space<vmem>>, vector<16xf32>,
    %add3A_1539 = arith.addf %get3A_1534, %get3A_1538 : vector<16xf32>
    %eq3A_1540 = arith.constant 0.000000e+00 : f32
    %eq3A_1541 = vector.broadcast %eq3A_1540 : f32 to vector<16xf32>
    %eq3A_1542 = arith.cmpf oeq, %add3A_1539, %eq3A_1541 : vector<16xf32>
    %convert_element_type3A_1543 = arith.extui %eq3A_1542 : vector<16xi1> to vector<16xi32>
    %convert_element_type3A_1544 = arith.sitofp %convert_element_type3A_1543 : vector<16xi32> to vector<16xf32>
    %mul3A_1545 = arith.mulf %convert_element_type3A_1544, %convert_element_type3A_1524 : vector<16xf32>
    %gather3A_1546 = tpu.vector_load_idx %arg5[%mul3A_1530] : memref<5880xf32, #tpu.memory_space<vmem>>[vector<16xi32>], vector<16xf32>,
    %sub3A_1547 = arith.subf %gather3A_1546, %get3A_1534 : vector<16xf32>
    %add3A_1548 = arith.constant 5 : i32
    %add3A_1549 = vector.broadcast %add3A_1548 : i32 to vector<16xi32>
    %add3A_1550 = arith.addi %mul3A_1530, %add3A_1549 : vector<16xi32>
    %gather3A_1551 = tpu.vector_load_idx %arg5[%add3A_1550] : memref<5880xf32, #tpu.memory_space<vmem>>[vector<16xi32>], vector<16xf32>,
    %sub3A_1552 = arith.subf %gather3A_1551, %get3A_1538 : vector<16xf32>
    %add3A_1553 = arith.addf %add3A_1509, %mul3A_1545 : vector<16xf32>
    %mul3A_1554 = arith.mulf %sub3A_1547, %sub3A_1547 : vector<16xf32>
    %mul3A_1555 = arith.mulf %sub3A_1552, %sub3A_1552 : vector<16xf32>
    %add3A_1556 = arith.addf %mul3A_1554, %mul3A_1555 : vector<16xf32>
    %mul3A_1557 = arith.mulf %mul3A_1545, %add3A_1556 : vector<16xf32>
    %add3A_1558 = arith.addf %add3A_1514, %mul3A_1557 : vector<16xf32>
    %scan3A_1559 = arith.constant 12 : i32
    %mul3A_1560 = arith.constant 16 : i32
    %mul3A_1561 = arith.muli %scan3A_1559, %mul3A_1560 : i32
    %add3A_1562 = vector.broadcast %mul3A_1561 : i32 to vector<16xi32>
    %add3A_1563 = arith.addi %add3A_1562, %iota3A : vector<16xi32>
    %lt3A_1564 = arith.constant 196 : i32
    %lt3A_1565 = vector.broadcast %lt3A_1564 : i32 to vector<16xi32>
    %lt3A_1566 = arith.cmpi slt, %add3A_1563, %lt3A_1565 : vector<16xi32>
    %convert_element_type3A_1567 = arith.extui %lt3A_1566 : vector<16xi1> to vector<16xi32>
    %convert_element_type3A_1568 = arith.sitofp %convert_element_type3A_1567 : vector<16xi32> to vector<16xf32>
    %min3A_1569 = arith.constant 195 : i32
    %min3A_1570 = vector.broadcast %min3A_1569 : i32 to vector<16xi32>
    %min3A_1571 = arith.minsi %add3A_1563, %min3A_1570 : vector<16xi32>
    %mul3A_1572 = arith.constant 30 : i32
    %mul3A_1573 = vector.broadcast %mul3A_1572 : i32 to vector<16xi32>
    %mul3A_1574 = arith.muli %min3A_1571, %mul3A_1573 : vector<16xi32>
    %mul3A_1575 = arith.constant 16 : i32
    %mul3A_1576 = arith.muli %scan3A_1559, %mul3A_1575 : i32
    %get3A_1577 = arith.index_cast %mul3A_1576 : i32 to index
    %get3A_1578 = tpu.vector_load %arg9[%get3A_1577] {strides = array<i32>} : memref<2080xf32, #tpu.memory_space<vmem>>, vector<16xf32>,
    %add3A_1579 = arith.constant 1040 : i32
    %add3A_1580 = arith.addi %add3A_1579, %mul3A_1576 : i32
    %get3A_1581 = arith.index_cast %add3A_1580 : i32 to index
    %get3A_1582 = tpu.vector_load %arg9[%get3A_1581] {strides = array<i32>} : memref<2080xf32, #tpu.memory_space<vmem>>, vector<16xf32>,
    %add3A_1583 = arith.addf %get3A_1578, %get3A_1582 : vector<16xf32>
    %eq3A_1584 = arith.constant 0.000000e+00 : f32
    %eq3A_1585 = vector.broadcast %eq3A_1584 : f32 to vector<16xf32>
    %eq3A_1586 = arith.cmpf oeq, %add3A_1583, %eq3A_1585 : vector<16xf32>
    %convert_element_type3A_1587 = arith.extui %eq3A_1586 : vector<16xi1> to vector<16xi32>
    %convert_element_type3A_1588 = arith.sitofp %convert_element_type3A_1587 : vector<16xi32> to vector<16xf32>
    %mul3A_1589 = arith.mulf %convert_element_type3A_1588, %convert_element_type3A_1568 : vector<16xf32>
    %gather3A_1590 = tpu.vector_load_idx %arg5[%mul3A_1574] : memref<5880xf32, #tpu.memory_space<vmem>>[vector<16xi32>], vector<16xf32>,
    %sub3A_1591 = arith.subf %gather3A_1590, %get3A_1578 : vector<16xf32>
    %add3A_1592 = arith.constant 5 : i32
    %add3A_1593 = vector.broadcast %add3A_1592 : i32 to vector<16xi32>
    %add3A_1594 = arith.addi %mul3A_1574, %add3A_1593 : vector<16xi32>
    %gather3A_1595 = tpu.vector_load_idx %arg5[%add3A_1594] : memref<5880xf32, #tpu.memory_space<vmem>>[vector<16xi32>], vector<16xf32>,
    %sub3A_1596 = arith.subf %gather3A_1595, %get3A_1582 : vector<16xf32>
    %add3A_1597 = arith.addf %add3A_1553, %mul3A_1589 : vector<16xf32>
    %mul3A_1598 = arith.mulf %sub3A_1591, %sub3A_1591 : vector<16xf32>
    %mul3A_1599 = arith.mulf %sub3A_1596, %sub3A_1596 : vector<16xf32>
    %add3A_1600 = arith.addf %mul3A_1598, %mul3A_1599 : vector<16xf32>
    %mul3A_1601 = arith.mulf %mul3A_1589, %add3A_1600 : vector<16xf32>
    %add3A_1602 = arith.addf %add3A_1558, %mul3A_1601 : vector<16xf32>
    %scan3A_1603 = arith.constant 13 : i32
    %mul3A_1604 = arith.constant 30 : i32
    %mul3A_1605 = vector.broadcast %mul3A_1604 : i32 to vector<16xi32>
    %mul3A_1606 = arith.muli %add3A_163, %mul3A_1605 : vector<16xi32>
    %gather3A_1607 = tpu.vector_load_idx %arg11[%add3A_163] : memref<208xi32, #tpu.memory_space<vmem>>[vector<16xi32>], vector<16xi32>,
    %eq3A_1608 = arith.cmpi eq, %gather3A_1607, %iota3A : vector<16xi32>
    %and3A_1609 = arith.andi %ne3A_139, %eq3A_1608 : vector<16xi1>
    %add3A_1610 = arith.constant 0 : i32
    %add3A_1611 = vector.broadcast %add3A_1610 : i32 to vector<16xi32>
    %add3A_1612 = arith.addi %add3A_1611, %add3A_163 : vector<16xi32>
    %gather3A_1613 = tpu.vector_load_idx %arg9[%add3A_1612] : memref<2080xf32, #tpu.memory_space<vmem>>[vector<16xi32>], vector<16xf32>,
    %add3A_1614 = arith.constant 208 : i32
    %add3A_1615 = vector.broadcast %add3A_1614 : i32 to vector<16xi32>
    %add3A_1616 = arith.addi %add3A_1615, %add3A_163 : vector<16xi32>
    %gather3A_1617 = tpu.vector_load_idx %arg9[%add3A_1616] : memref<2080xf32, #tpu.memory_space<vmem>>[vector<16xi32>], vector<16xf32>,
    %add3A_1618 = arith.constant 416 : i32
    %add3A_1619 = vector.broadcast %add3A_1618 : i32 to vector<16xi32>
    %add3A_1620 = arith.addi %add3A_1619, %add3A_163 : vector<16xi32>
    %gather3A_1621 = tpu.vector_load_idx %arg9[%add3A_1620] : memref<2080xf32, #tpu.memory_space<vmem>>[vector<16xi32>], vector<16xf32>,
    %add3A_1622 = arith.constant 624 : i32
    %add3A_1623 = vector.broadcast %add3A_1622 : i32 to vector<16xi32>
    %add3A_1624 = arith.addi %add3A_1623, %add3A_163 : vector<16xi32>
    %gather3A_1625 = tpu.vector_load_idx %arg9[%add3A_1624] : memref<2080xf32, #tpu.memory_space<vmem>>[vector<16xi32>], vector<16xf32>,
    %add3A_1626 = arith.constant 832 : i32
    %add3A_1627 = vector.broadcast %add3A_1626 : i32 to vector<16xi32>
    %add3A_1628 = arith.addi %add3A_1627, %add3A_163 : vector<16xi32>
    %gather3A_1629 = tpu.vector_load_idx %arg9[%add3A_1628] : memref<2080xf32, #tpu.memory_space<vmem>>[vector<16xi32>], vector<16xf32>,
    %add3A_1630 = arith.constant 1040 : i32
    %add3A_1631 = vector.broadcast %add3A_1630 : i32 to vector<16xi32>
    %add3A_1632 = arith.addi %add3A_1631, %add3A_163 : vector<16xi32>
    %gather3A_1633 = tpu.vector_load_idx %arg9[%add3A_1632] : memref<2080xf32, #tpu.memory_space<vmem>>[vector<16xi32>], vector<16xf32>,
    %add3A_1634 = arith.constant 1248 : i32
    %add3A_1635 = vector.broadcast %add3A_1634 : i32 to vector<16xi32>
    %add3A_1636 = arith.addi %add3A_1635, %add3A_163 : vector<16xi32>
    %gather3A_1637 = tpu.vector_load_idx %arg9[%add3A_1636] : memref<2080xf32, #tpu.memory_space<vmem>>[vector<16xi32>], vector<16xf32>,
    %add3A_1638 = arith.constant 1456 : i32
    %add3A_1639 = vector.broadcast %add3A_1638 : i32 to vector<16xi32>
    %add3A_1640 = arith.addi %add3A_1639, %add3A_163 : vector<16xi32>
    %gather3A_1641 = tpu.vector_load_idx %arg9[%add3A_1640] : memref<2080xf32, #tpu.memory_space<vmem>>[vector<16xi32>], vector<16xf32>,
    %add3A_1642 = arith.constant 1664 : i32
    %add3A_1643 = vector.broadcast %add3A_1642 : i32 to vector<16xi32>
    %add3A_1644 = arith.addi %add3A_1643, %add3A_163 : vector<16xi32>
    %gather3A_1645 = tpu.vector_load_idx %arg9[%add3A_1644] : memref<2080xf32, #tpu.memory_space<vmem>>[vector<16xi32>], vector<16xf32>,
    %add3A_1646 = arith.constant 1872 : i32
    %add3A_1647 = vector.broadcast %add3A_1646 : i32 to vector<16xi32>
    %add3A_1648 = arith.addi %add3A_1647, %add3A_163 : vector<16xi32>
    %gather3A_1649 = tpu.vector_load_idx %arg9[%add3A_1648] : memref<2080xf32, #tpu.memory_space<vmem>>[vector<16xi32>], vector<16xf32>,
    %add3A_1650 = arith.addf %gather3A_1613, %gather3A_1633 : vector<16xf32>
    %eq3A_1651 = arith.constant 1.000000e+00 : f32
    %eq3A_1652 = vector.broadcast %eq3A_1651 : f32 to vector<16xf32>
    %eq3A_1653 = arith.cmpf oeq, %add3A_1650, %eq3A_1652 : vector<16xf32>
    %and3A_1654 = arith.andi %and3A_1609, %eq3A_1653 : vector<16xi1>
    %convert_element_type3A_1655 = arith.extui %and3A_1654 : vector<16xi1> to vector<16xi32>
    %convert_element_type3A_1656 = arith.sitofp %convert_element_type3A_1655 : vector<16xi32> to vector<16xf32>
    %add3A_1657 = arith.addf %broadcast_in_dim3A_1, %convert_element_type3A_1656 : vector<16xf32>
    %add3A_1658 = arith.constant 0 : i32
    %add3A_1659 = vector.broadcast %add3A_1658 : i32 to vector<16xi32>
    %add3A_1660 = arith.addi %add3A_1659, %add3A_163 : vector<16xi32>
    %gather3A_1661 = tpu.vector_load_idx %arg10[%add3A_1660] : memref<4160xf32, #tpu.memory_space<vmem>>[vector<16xi32>], vector<16xf32>,
    %add3A_1662 = arith.constant 10 : i32
    %add3A_1663 = vector.broadcast %add3A_1662 : i32 to vector<16xi32>
    %add3A_1664 = arith.addi %mul3A_1606, %add3A_1663 : vector<16xi32>
    %gather3A_1665 = tpu.vector_load_idx %arg5[%add3A_1664] : memref<5880xf32, #tpu.memory_space<vmem>>[vector<16xi32>], vector<16xf32>,
    %sub3A_1666 = arith.subf %gather3A_1665, %gather3A_1661 : vector<16xf32>
    %mul3A_1667 = arith.mulf %sub3A_1666, %sub3A_1666 : vector<16xf32>
    %add3A_1668 = arith.addf %broadcast_in_dim3A_1, %mul3A_1667 : vector<16xf32>
    %add3A_1669 = arith.constant 208 : i32
    %add3A_1670 = vector.broadcast %add3A_1669 : i32 to vector<16xi32>
    %add3A_1671 = arith.addi %add3A_1670, %add3A_163 : vector<16xi32>
    %gather3A_1672 = tpu.vector_load_idx %arg10[%add3A_1671] : memref<4160xf32, #tpu.memory_space<vmem>>[vector<16xi32>], vector<16xf32>,
    %add3A_1673 = arith.constant 11 : i32
    %add3A_1674 = vector.broadcast %add3A_1673 : i32 to vector<16xi32>
    %add3A_1675 = arith.addi %mul3A_1606, %add3A_1674 : vector<16xi32>
    %gather3A_1676 = tpu.vector_load_idx %arg5[%add3A_1675] : memref<5880xf32, #tpu.memory_space<vmem>>[vector<16xi32>], vector<16xf32>,
    %sub3A_1677 = arith.subf %gather3A_1676, %gather3A_1672 : vector<16xf32>
    %mul3A_1678 = arith.mulf %sub3A_1677, %sub3A_1677 : vector<16xf32>
    %add3A_1679 = arith.addf %add3A_1668, %mul3A_1678 : vector<16xf32>
    %add3A_1680 = arith.constant 416 : i32
    %add3A_1681 = vector.broadcast %add3A_1680 : i32 to vector<16xi32>
    %add3A_1682 = arith.addi %add3A_1681, %add3A_163 : vector<16xi32>
    %gather3A_1683 = tpu.vector_load_idx %arg10[%add3A_1682] : memref<4160xf32, #tpu.memory_space<vmem>>[vector<16xi32>], vector<16xf32>,
    %add3A_1684 = arith.constant 12 : i32
    %add3A_1685 = vector.broadcast %add3A_1684 : i32 to vector<16xi32>
    %add3A_1686 = arith.addi %mul3A_1606, %add3A_1685 : vector<16xi32>
    %gather3A_1687 = tpu.vector_load_idx %arg5[%add3A_1686] : memref<5880xf32, #tpu.memory_space<vmem>>[vector<16xi32>], vector<16xf32>,
    %sub3A_1688 = arith.subf %gather3A_1687, %gather3A_1683 : vector<16xf32>
    %mul3A_1689 = arith.mulf %sub3A_1688, %sub3A_1688 : vector<16xf32>
    %add3A_1690 = arith.addf %add3A_1679, %mul3A_1689 : vector<16xf32>
    %add3A_1691 = arith.constant 624 : i32
    %add3A_1692 = vector.broadcast %add3A_1691 : i32 to vector<16xi32>
    %add3A_1693 = arith.addi %add3A_1692, %add3A_163 : vector<16xi32>
    %gather3A_1694 = tpu.vector_load_idx %arg10[%add3A_1693] : memref<4160xf32, #tpu.memory_space<vmem>>[vector<16xi32>], vector<16xf32>,
    %add3A_1695 = arith.constant 13 : i32
    %add3A_1696 = vector.broadcast %add3A_1695 : i32 to vector<16xi32>
    %add3A_1697 = arith.addi %mul3A_1606, %add3A_1696 : vector<16xi32>
    %gather3A_1698 = tpu.vector_load_idx %arg5[%add3A_1697] : memref<5880xf32, #tpu.memory_space<vmem>>[vector<16xi32>], vector<16xf32>,
    %sub3A_1699 = arith.subf %gather3A_1698, %gather3A_1694 : vector<16xf32>
    %mul3A_1700 = arith.mulf %sub3A_1699, %sub3A_1699 : vector<16xf32>
    %add3A_1701 = arith.addf %add3A_1690, %mul3A_1700 : vector<16xf32>
    %add3A_1702 = arith.constant 832 : i32
    %add3A_1703 = vector.broadcast %add3A_1702 : i32 to vector<16xi32>
    %add3A_1704 = arith.addi %add3A_1703, %add3A_163 : vector<16xi32>
    %gather3A_1705 = tpu.vector_load_idx %arg10[%add3A_1704] : memref<4160xf32, #tpu.memory_space<vmem>>[vector<16xi32>], vector<16xf32>,
    %add3A_1706 = arith.constant 14 : i32
    %add3A_1707 = vector.broadcast %add3A_1706 : i32 to vector<16xi32>
    %add3A_1708 = arith.addi %mul3A_1606, %add3A_1707 : vector<16xi32>
    %gather3A_1709 = tpu.vector_load_idx %arg5[%add3A_1708] : memref<5880xf32, #tpu.memory_space<vmem>>[vector<16xi32>], vector<16xf32>,
    %sub3A_1710 = arith.subf %gather3A_1709, %gather3A_1705 : vector<16xf32>
    %mul3A_1711 = arith.mulf %sub3A_1710, %sub3A_1710 : vector<16xf32>
    %add3A_1712 = arith.addf %add3A_1701, %mul3A_1711 : vector<16xf32>
    %add3A_1713 = arith.constant 1040 : i32
    %add3A_1714 = vector.broadcast %add3A_1713 : i32 to vector<16xi32>
    %add3A_1715 = arith.addi %add3A_1714, %add3A_163 : vector<16xi32>
    %gather3A_1716 = tpu.vector_load_idx %arg10[%add3A_1715] : memref<4160xf32, #tpu.memory_space<vmem>>[vector<16xi32>], vector<16xf32>,
    %add3A_1717 = arith.constant 15 : i32
    %add3A_1718 = vector.broadcast %add3A_1717 : i32 to vector<16xi32>
    %add3A_1719 = arith.addi %mul3A_1606, %add3A_1718 : vector<16xi32>
    %gather3A_1720 = tpu.vector_load_idx %arg5[%add3A_1719] : memref<5880xf32, #tpu.memory_space<vmem>>[vector<16xi32>], vector<16xf32>,
    %sub3A_1721 = arith.subf %gather3A_1720, %gather3A_1716 : vector<16xf32>
    %mul3A_1722 = arith.mulf %sub3A_1721, %sub3A_1721 : vector<16xf32>
    %add3A_1723 = arith.addf %add3A_1712, %mul3A_1722 : vector<16xf32>
    %add3A_1724 = arith.constant 1248 : i32
    %add3A_1725 = vector.broadcast %add3A_1724 : i32 to vector<16xi32>
    %add3A_1726 = arith.addi %add3A_1725, %add3A_163 : vector<16xi32>
    %gather3A_1727 = tpu.vector_load_idx %arg10[%add3A_1726] : memref<4160xf32, #tpu.memory_space<vmem>>[vector<16xi32>], vector<16xf32>,
    %add3A_1728 = arith.constant 16 : i32
    %add3A_1729 = vector.broadcast %add3A_1728 : i32 to vector<16xi32>
    %add3A_1730 = arith.addi %mul3A_1606, %add3A_1729 : vector<16xi32>
    %gather3A_1731 = tpu.vector_load_idx %arg5[%add3A_1730] : memref<5880xf32, #tpu.memory_space<vmem>>[vector<16xi32>], vector<16xf32>,
    %sub3A_1732 = arith.subf %gather3A_1731, %gather3A_1727 : vector<16xf32>
    %mul3A_1733 = arith.mulf %sub3A_1732, %sub3A_1732 : vector<16xf32>
    %add3A_1734 = arith.addf %add3A_1723, %mul3A_1733 : vector<16xf32>
    %add3A_1735 = arith.constant 1456 : i32
    %add3A_1736 = vector.broadcast %add3A_1735 : i32 to vector<16xi32>
    %add3A_1737 = arith.addi %add3A_1736, %add3A_163 : vector<16xi32>
    %gather3A_1738 = tpu.vector_load_idx %arg10[%add3A_1737] : memref<4160xf32, #tpu.memory_space<vmem>>[vector<16xi32>], vector<16xf32>,
    %add3A_1739 = arith.constant 17 : i32
    %add3A_1740 = vector.broadcast %add3A_1739 : i32 to vector<16xi32>
    %add3A_1741 = arith.addi %mul3A_1606, %add3A_1740 : vector<16xi32>
    %gather3A_1742 = tpu.vector_load_idx %arg5[%add3A_1741] : memref<5880xf32, #tpu.memory_space<vmem>>[vector<16xi32>], vector<16xf32>,
    %sub3A_1743 = arith.subf %gather3A_1742, %gather3A_1738 : vector<16xf32>
    %mul3A_1744 = arith.mulf %sub3A_1743, %sub3A_1743 : vector<16xf32>
    %add3A_1745 = arith.addf %add3A_1734, %mul3A_1744 : vector<16xf32>
    %add3A_1746 = arith.constant 1664 : i32
    %add3A_1747 = vector.broadcast %add3A_1746 : i32 to vector<16xi32>
    %add3A_1748 = arith.addi %add3A_1747, %add3A_163 : vector<16xi32>
    %gather3A_1749 = tpu.vector_load_idx %arg10[%add3A_1748] : memref<4160xf32, #tpu.memory_space<vmem>>[vector<16xi32>], vector<16xf32>,
    %add3A_1750 = arith.constant 18 : i32
    %add3A_1751 = vector.broadcast %add3A_1750 : i32 to vector<16xi32>
    %add3A_1752 = arith.addi %mul3A_1606, %add3A_1751 : vector<16xi32>
    %gather3A_1753 = tpu.vector_load_idx %arg5[%add3A_1752] : memref<5880xf32, #tpu.memory_space<vmem>>[vector<16xi32>], vector<16xf32>,
    %sub3A_1754 = arith.subf %gather3A_1753, %gather3A_1749 : vector<16xf32>
    %mul3A_1755 = arith.mulf %sub3A_1754, %sub3A_1754 : vector<16xf32>
    %add3A_1756 = arith.addf %add3A_1745, %mul3A_1755 : vector<16xf32>
    %add3A_1757 = arith.constant 1872 : i32
    %add3A_1758 = vector.broadcast %add3A_1757 : i32 to vector<16xi32>
    %add3A_1759 = arith.addi %add3A_1758, %add3A_163 : vector<16xi32>
    %gather3A_1760 = tpu.vector_load_idx %arg10[%add3A_1759] : memref<4160xf32, #tpu.memory_space<vmem>>[vector<16xi32>], vector<16xf32>,
    %add3A_1761 = arith.constant 19 : i32
    %add3A_1762 = vector.broadcast %add3A_1761 : i32 to vector<16xi32>
    %add3A_1763 = arith.addi %mul3A_1606, %add3A_1762 : vector<16xi32>
    %gather3A_1764 = tpu.vector_load_idx %arg5[%add3A_1763] : memref<5880xf32, #tpu.memory_space<vmem>>[vector<16xi32>], vector<16xf32>,
    %sub3A_1765 = arith.subf %gather3A_1764, %gather3A_1760 : vector<16xf32>
    %mul3A_1766 = arith.mulf %sub3A_1765, %sub3A_1765 : vector<16xf32>
    %add3A_1767 = arith.addf %add3A_1756, %mul3A_1766 : vector<16xf32>
    %add3A_1768 = arith.constant 2080 : i32
    %add3A_1769 = vector.broadcast %add3A_1768 : i32 to vector<16xi32>
    %add3A_1770 = arith.addi %add3A_1769, %add3A_163 : vector<16xi32>
    %gather3A_1771 = tpu.vector_load_idx %arg10[%add3A_1770] : memref<4160xf32, #tpu.memory_space<vmem>>[vector<16xi32>], vector<16xf32>,
    %add3A_1772 = arith.constant 20 : i32
    %add3A_1773 = vector.broadcast %add3A_1772 : i32 to vector<16xi32>
    %add3A_1774 = arith.addi %mul3A_1606, %add3A_1773 : vector<16xi32>
    %gather3A_1775 = tpu.vector_load_idx %arg5[%add3A_1774] : memref<5880xf32, #tpu.memory_space<vmem>>[vector<16xi32>], vector<16xf32>,
    %sub3A_1776 = arith.subf %gather3A_1775, %gather3A_1771 : vector<16xf32>
    %mul3A_1777 = arith.mulf %sub3A_1776, %sub3A_1776 : vector<16xf32>
    %add3A_1778 = arith.addf %add3A_1767, %mul3A_1777 : vector<16xf32>
    %add3A_1779 = arith.constant 2288 : i32
    %add3A_1780 = vector.broadcast %add3A_1779 : i32 to vector<16xi32>
    %add3A_1781 = arith.addi %add3A_1780, %add3A_163 : vector<16xi32>
    %gather3A_1782 = tpu.vector_load_idx %arg10[%add3A_1781] : memref<4160xf32, #tpu.memory_space<vmem>>[vector<16xi32>], vector<16xf32>,
    %add3A_1783 = arith.constant 21 : i32
    %add3A_1784 = vector.broadcast %add3A_1783 : i32 to vector<16xi32>
    %add3A_1785 = arith.addi %mul3A_1606, %add3A_1784 : vector<16xi32>
    %gather3A_1786 = tpu.vector_load_idx %arg5[%add3A_1785] : memref<5880xf32, #tpu.memory_space<vmem>>[vector<16xi32>], vector<16xf32>,
    %sub3A_1787 = arith.subf %gather3A_1786, %gather3A_1782 : vector<16xf32>
    %mul3A_1788 = arith.mulf %sub3A_1787, %sub3A_1787 : vector<16xf32>
    %add3A_1789 = arith.addf %add3A_1778, %mul3A_1788 : vector<16xf32>
    %add3A_1790 = arith.constant 2496 : i32
    %add3A_1791 = vector.broadcast %add3A_1790 : i32 to vector<16xi32>
    %add3A_1792 = arith.addi %add3A_1791, %add3A_163 : vector<16xi32>
    %gather3A_1793 = tpu.vector_load_idx %arg10[%add3A_1792] : memref<4160xf32, #tpu.memory_space<vmem>>[vector<16xi32>], vector<16xf32>,
    %add3A_1794 = arith.constant 22 : i32
    %add3A_1795 = vector.broadcast %add3A_1794 : i32 to vector<16xi32>
    %add3A_1796 = arith.addi %mul3A_1606, %add3A_1795 : vector<16xi32>
    %gather3A_1797 = tpu.vector_load_idx %arg5[%add3A_1796] : memref<5880xf32, #tpu.memory_space<vmem>>[vector<16xi32>], vector<16xf32>,
    %sub3A_1798 = arith.subf %gather3A_1797, %gather3A_1793 : vector<16xf32>
    %mul3A_1799 = arith.mulf %sub3A_1798, %sub3A_1798 : vector<16xf32>
    %add3A_1800 = arith.addf %add3A_1789, %mul3A_1799 : vector<16xf32>
    %add3A_1801 = arith.constant 2704 : i32
    %add3A_1802 = vector.broadcast %add3A_1801 : i32 to vector<16xi32>
    %add3A_1803 = arith.addi %add3A_1802, %add3A_163 : vector<16xi32>
    %gather3A_1804 = tpu.vector_load_idx %arg10[%add3A_1803] : memref<4160xf32, #tpu.memory_space<vmem>>[vector<16xi32>], vector<16xf32>,
    %add3A_1805 = arith.constant 23 : i32
    %add3A_1806 = vector.broadcast %add3A_1805 : i32 to vector<16xi32>
    %add3A_1807 = arith.addi %mul3A_1606, %add3A_1806 : vector<16xi32>
    %gather3A_1808 = tpu.vector_load_idx %arg5[%add3A_1807] : memref<5880xf32, #tpu.memory_space<vmem>>[vector<16xi32>], vector<16xf32>,
    %sub3A_1809 = arith.subf %gather3A_1808, %gather3A_1804 : vector<16xf32>
    %mul3A_1810 = arith.mulf %sub3A_1809, %sub3A_1809 : vector<16xf32>
    %add3A_1811 = arith.addf %add3A_1800, %mul3A_1810 : vector<16xf32>
    %add3A_1812 = arith.constant 2912 : i32
    %add3A_1813 = vector.broadcast %add3A_1812 : i32 to vector<16xi32>
    %add3A_1814 = arith.addi %add3A_1813, %add3A_163 : vector<16xi32>
    %gather3A_1815 = tpu.vector_load_idx %arg10[%add3A_1814] : memref<4160xf32, #tpu.memory_space<vmem>>[vector<16xi32>], vector<16xf32>,
    %add3A_1816 = arith.constant 24 : i32
    %add3A_1817 = vector.broadcast %add3A_1816 : i32 to vector<16xi32>
    %add3A_1818 = arith.addi %mul3A_1606, %add3A_1817 : vector<16xi32>
    %gather3A_1819 = tpu.vector_load_idx %arg5[%add3A_1818] : memref<5880xf32, #tpu.memory_space<vmem>>[vector<16xi32>], vector<16xf32>,
    %sub3A_1820 = arith.subf %gather3A_1819, %gather3A_1815 : vector<16xf32>
    %mul3A_1821 = arith.mulf %sub3A_1820, %sub3A_1820 : vector<16xf32>
    %add3A_1822 = arith.addf %add3A_1811, %mul3A_1821 : vector<16xf32>
    %add3A_1823 = arith.constant 3120 : i32
    %add3A_1824 = vector.broadcast %add3A_1823 : i32 to vector<16xi32>
    %add3A_1825 = arith.addi %add3A_1824, %add3A_163 : vector<16xi32>
    %gather3A_1826 = tpu.vector_load_idx %arg10[%add3A_1825] : memref<4160xf32, #tpu.memory_space<vmem>>[vector<16xi32>], vector<16xf32>,
    %add3A_1827 = arith.constant 25 : i32
    %add3A_1828 = vector.broadcast %add3A_1827 : i32 to vector<16xi32>
    %add3A_1829 = arith.addi %mul3A_1606, %add3A_1828 : vector<16xi32>
    %gather3A_1830 = tpu.vector_load_idx %arg5[%add3A_1829] : memref<5880xf32, #tpu.memory_space<vmem>>[vector<16xi32>], vector<16xf32>,
    %sub3A_1831 = arith.subf %gather3A_1830, %gather3A_1826 : vector<16xf32>
    %mul3A_1832 = arith.mulf %sub3A_1831, %sub3A_1831 : vector<16xf32>
    %add3A_1833 = arith.addf %add3A_1822, %mul3A_1832 : vector<16xf32>
    %add3A_1834 = arith.constant 3328 : i32
    %add3A_1835 = vector.broadcast %add3A_1834 : i32 to vector<16xi32>
    %add3A_1836 = arith.addi %add3A_1835, %add3A_163 : vector<16xi32>
    %gather3A_1837 = tpu.vector_load_idx %arg10[%add3A_1836] : memref<4160xf32, #tpu.memory_space<vmem>>[vector<16xi32>], vector<16xf32>,
    %add3A_1838 = arith.constant 26 : i32
    %add3A_1839 = vector.broadcast %add3A_1838 : i32 to vector<16xi32>
    %add3A_1840 = arith.addi %mul3A_1606, %add3A_1839 : vector<16xi32>
    %gather3A_1841 = tpu.vector_load_idx %arg5[%add3A_1840] : memref<5880xf32, #tpu.memory_space<vmem>>[vector<16xi32>], vector<16xf32>,
    %sub3A_1842 = arith.subf %gather3A_1841, %gather3A_1837 : vector<16xf32>
    %mul3A_1843 = arith.mulf %sub3A_1842, %sub3A_1842 : vector<16xf32>
    %add3A_1844 = arith.addf %add3A_1833, %mul3A_1843 : vector<16xf32>
    %add3A_1845 = arith.constant 3536 : i32
    %add3A_1846 = vector.broadcast %add3A_1845 : i32 to vector<16xi32>
    %add3A_1847 = arith.addi %add3A_1846, %add3A_163 : vector<16xi32>
    %gather3A_1848 = tpu.vector_load_idx %arg10[%add3A_1847] : memref<4160xf32, #tpu.memory_space<vmem>>[vector<16xi32>], vector<16xf32>,
    %add3A_1849 = arith.constant 27 : i32
    %add3A_1850 = vector.broadcast %add3A_1849 : i32 to vector<16xi32>
    %add3A_1851 = arith.addi %mul3A_1606, %add3A_1850 : vector<16xi32>
    %gather3A_1852 = tpu.vector_load_idx %arg5[%add3A_1851] : memref<5880xf32, #tpu.memory_space<vmem>>[vector<16xi32>], vector<16xf32>,
    %sub3A_1853 = arith.subf %gather3A_1852, %gather3A_1848 : vector<16xf32>
    %mul3A_1854 = arith.mulf %sub3A_1853, %sub3A_1853 : vector<16xf32>
    %add3A_1855 = arith.addf %add3A_1844, %mul3A_1854 : vector<16xf32>
    %add3A_1856 = arith.constant 3744 : i32
    %add3A_1857 = vector.broadcast %add3A_1856 : i32 to vector<16xi32>
    %add3A_1858 = arith.addi %add3A_1857, %add3A_163 : vector<16xi32>
    %gather3A_1859 = tpu.vector_load_idx %arg10[%add3A_1858] : memref<4160xf32, #tpu.memory_space<vmem>>[vector<16xi32>], vector<16xf32>,
    %add3A_1860 = arith.constant 28 : i32
    %add3A_1861 = vector.broadcast %add3A_1860 : i32 to vector<16xi32>
    %add3A_1862 = arith.addi %mul3A_1606, %add3A_1861 : vector<16xi32>
    %gather3A_1863 = tpu.vector_load_idx %arg5[%add3A_1862] : memref<5880xf32, #tpu.memory_space<vmem>>[vector<16xi32>], vector<16xf32>,
    %sub3A_1864 = arith.subf %gather3A_1863, %gather3A_1859 : vector<16xf32>
    %mul3A_1865 = arith.mulf %sub3A_1864, %sub3A_1864 : vector<16xf32>
    %add3A_1866 = arith.addf %add3A_1855, %mul3A_1865 : vector<16xf32>
    %add3A_1867 = arith.constant 3952 : i32
    %add3A_1868 = vector.broadcast %add3A_1867 : i32 to vector<16xi32>
    %add3A_1869 = arith.addi %add3A_1868, %add3A_163 : vector<16xi32>
    %gather3A_1870 = tpu.vector_load_idx %arg10[%add3A_1869] : memref<4160xf32, #tpu.memory_space<vmem>>[vector<16xi32>], vector<16xf32>,
    %add3A_1871 = arith.constant 29 : i32
    %add3A_1872 = vector.broadcast %add3A_1871 : i32 to vector<16xi32>
    %add3A_1873 = arith.addi %mul3A_1606, %add3A_1872 : vector<16xi32>
    %gather3A_1874 = tpu.vector_load_idx %arg5[%add3A_1873] : memref<5880xf32, #tpu.memory_space<vmem>>[vector<16xi32>], vector<16xf32>,
    %sub3A_1875 = arith.subf %gather3A_1874, %gather3A_1870 : vector<16xf32>
    %mul3A_1876 = arith.mulf %sub3A_1875, %sub3A_1875 : vector<16xf32>
    %add3A_1877 = arith.addf %add3A_1866, %mul3A_1876 : vector<16xf32>
    %mul3A_1878 = arith.mulf %convert_element_type3A_1656, %add3A_1877 : vector<16xf32>
    %add3A_1879 = arith.addf %broadcast_in_dim3A_1, %mul3A_1878 : vector<16xf32>
    %add3A_1880 = arith.addf %gather3A_1613, %gather3A_1617 : vector<16xf32>
    %add3A_1881 = arith.addf %add3A_1880, %gather3A_1621 : vector<16xf32>
    %add3A_1882 = arith.addf %add3A_1881, %gather3A_1625 : vector<16xf32>
    %add3A_1883 = arith.addf %add3A_1882, %gather3A_1629 : vector<16xf32>
    %add3A_1884 = arith.addf %gather3A_1633, %gather3A_1637 : vector<16xf32>
    %add3A_1885 = arith.addf %add3A_1884, %gather3A_1641 : vector<16xf32>
    %add3A_1886 = arith.addf %add3A_1885, %gather3A_1645 : vector<16xf32>
    %add3A_1887 = arith.addf %add3A_1886, %gather3A_1649 : vector<16xf32>
    %ne3A_1888 = arith.constant 0.000000e+00 : f32
    %ne3A_1889 = vector.broadcast %ne3A_1888 : f32 to vector<16xf32>
    %ne3A_1890 = arith.cmpf one, %add3A_1883, %ne3A_1889 : vector<16xf32>
    %convert_element_type3A_1891 = arith.extui %ne3A_1890 : vector<16xi1> to vector<16xi32>
    %convert_element_type3A_1892 = arith.sitofp %convert_element_type3A_1891 : vector<16xi32> to vector<16xf32>
    %mul3A_1893 = arith.mulf %convert_element_type3A_1656, %convert_element_type3A_1892 : vector<16xf32>
    %ne3A_1894 = arith.constant 0.000000e+00 : f32
    %ne3A_1895 = vector.broadcast %ne3A_1894 : f32 to vector<16xf32>
    %ne3A_1896 = arith.cmpf one, %add3A_1887, %ne3A_1895 : vector<16xf32>
    %convert_element_type3A_1897 = arith.extui %ne3A_1896 : vector<16xi1> to vector<16xi32>
    %convert_element_type3A_1898 = arith.sitofp %convert_element_type3A_1897 : vector<16xi32> to vector<16xf32>
    %mul3A_1899 = arith.mulf %convert_element_type3A_1656, %convert_element_type3A_1898 : vector<16xf32>
    %add3A_1900 = arith.addf %broadcast_in_dim3A_1, %mul3A_1893 : vector<16xf32>
    %add3A_1901 = arith.addf %add3A_1900, %mul3A_1899 : vector<16xf32>
    %add3A_1902 = arith.constant 0 : i32
    %add3A_1903 = vector.broadcast %add3A_1902 : i32 to vector<16xi32>
    %add3A_1904 = arith.addi %mul3A_1606, %add3A_1903 : vector<16xi32>
    %gather3A_1905 = tpu.vector_load_idx %arg5[%add3A_1904] : memref<5880xf32, #tpu.memory_space<vmem>>[vector<16xi32>], vector<16xf32>,
    %sub3A_1906 = arith.subf %gather3A_1905, %gather3A_1613 : vector<16xf32>
    %add3A_1907 = arith.constant 5 : i32
    %add3A_1908 = vector.broadcast %add3A_1907 : i32 to vector<16xi32>
    %add3A_1909 = arith.addi %mul3A_1606, %add3A_1908 : vector<16xi32>
    %gather3A_1910 = tpu.vector_load_idx %arg5[%add3A_1909] : memref<5880xf32, #tpu.memory_space<vmem>>[vector<16xi32>], vector<16xf32>,
    %sub3A_1911 = arith.subf %gather3A_1910, %gather3A_1633 : vector<16xf32>
    %mul3A_1912 = arith.mulf %sub3A_1906, %sub3A_1906 : vector<16xf32>
    %mul3A_1913 = arith.mulf %mul3A_1893, %mul3A_1912 : vector<16xf32>
    %add3A_1914 = arith.addf %broadcast_in_dim3A_1, %mul3A_1913 : vector<16xf32>
    %mul3A_1915 = arith.mulf %sub3A_1911, %sub3A_1911 : vector<16xf32>
    %mul3A_1916 = arith.mulf %mul3A_1899, %mul3A_1915 : vector<16xf32>
    %add3A_1917 = arith.addf %add3A_1914, %mul3A_1916 : vector<16xf32>
    %add3A_1918 = arith.constant 1 : i32
    %add3A_1919 = vector.broadcast %add3A_1918 : i32 to vector<16xi32>
    %add3A_1920 = arith.addi %mul3A_1606, %add3A_1919 : vector<16xi32>
    %gather3A_1921 = tpu.vector_load_idx %arg5[%add3A_1920] : memref<5880xf32, #tpu.memory_space<vmem>>[vector<16xi32>], vector<16xf32>,
    %sub3A_1922 = arith.subf %gather3A_1921, %gather3A_1617 : vector<16xf32>
    %add3A_1923 = arith.constant 2 : i32
    %add3A_1924 = vector.broadcast %add3A_1923 : i32 to vector<16xi32>
    %add3A_1925 = arith.addi %mul3A_1606, %add3A_1924 : vector<16xi32>
    %gather3A_1926 = tpu.vector_load_idx %arg5[%add3A_1925] : memref<5880xf32, #tpu.memory_space<vmem>>[vector<16xi32>], vector<16xf32>,
    %sub3A_1927 = arith.subf %gather3A_1926, %gather3A_1621 : vector<16xf32>
    %add3A_1928 = arith.constant 6 : i32
    %add3A_1929 = vector.broadcast %add3A_1928 : i32 to vector<16xi32>
    %add3A_1930 = arith.addi %mul3A_1606, %add3A_1929 : vector<16xi32>
    %gather3A_1931 = tpu.vector_load_idx %arg5[%add3A_1930] : memref<5880xf32, #tpu.memory_space<vmem>>[vector<16xi32>], vector<16xf32>,
    %sub3A_1932 = arith.subf %gather3A_1931, %gather3A_1637 : vector<16xf32>
    %add3A_1933 = arith.constant 7 : i32
    %add3A_1934 = vector.broadcast %add3A_1933 : i32 to vector<16xi32>
    %add3A_1935 = arith.addi %mul3A_1606, %add3A_1934 : vector<16xi32>
    %gather3A_1936 = tpu.vector_load_idx %arg5[%add3A_1935] : memref<5880xf32, #tpu.memory_space<vmem>>[vector<16xi32>], vector<16xf32>,
    %sub3A_1937 = arith.subf %gather3A_1936, %gather3A_1641 : vector<16xf32>
    %mul3A_1938 = arith.mulf %sub3A_1922, %sub3A_1922 : vector<16xf32>
    %mul3A_1939 = arith.mulf %sub3A_1927, %sub3A_1927 : vector<16xf32>
    %add3A_1940 = arith.addf %mul3A_1938, %mul3A_1939 : vector<16xf32>
    %mul3A_1941 = arith.mulf %mul3A_1893, %add3A_1940 : vector<16xf32>
    %add3A_1942 = arith.addf %broadcast_in_dim3A_1, %mul3A_1941 : vector<16xf32>
    %mul3A_1943 = arith.mulf %sub3A_1932, %sub3A_1932 : vector<16xf32>
    %mul3A_1944 = arith.mulf %sub3A_1937, %sub3A_1937 : vector<16xf32>
    %add3A_1945 = arith.addf %mul3A_1943, %mul3A_1944 : vector<16xf32>
    %mul3A_1946 = arith.mulf %mul3A_1899, %add3A_1945 : vector<16xf32>
    %add3A_1947 = arith.addf %add3A_1942, %mul3A_1946 : vector<16xf32>
    %add3A_1948 = arith.constant 3 : i32
    %add3A_1949 = vector.broadcast %add3A_1948 : i32 to vector<16xi32>
    %add3A_1950 = arith.addi %mul3A_1606, %add3A_1949 : vector<16xi32>
    %gather3A_1951 = tpu.vector_load_idx %arg5[%add3A_1950] : memref<5880xf32, #tpu.memory_space<vmem>>[vector<16xi32>], vector<16xf32>,
    %add3A_1952 = arith.constant 4 : i32
    %add3A_1953 = vector.broadcast %add3A_1952 : i32 to vector<16xi32>
    %add3A_1954 = arith.addi %mul3A_1606, %add3A_1953 : vector<16xi32>
    %gather3A_1955 = tpu.vector_load_idx %arg5[%add3A_1954] : memref<5880xf32, #tpu.memory_space<vmem>>[vector<16xi32>], vector<16xf32>,
    %add3A_1956 = arith.constant 8 : i32
    %add3A_1957 = vector.broadcast %add3A_1956 : i32 to vector<16xi32>
    %add3A_1958 = arith.addi %mul3A_1606, %add3A_1957 : vector<16xi32>
    %gather3A_1959 = tpu.vector_load_idx %arg5[%add3A_1958] : memref<5880xf32, #tpu.memory_space<vmem>>[vector<16xi32>], vector<16xf32>,
    %add3A_1960 = arith.constant 9 : i32
    %add3A_1961 = vector.broadcast %add3A_1960 : i32 to vector<16xi32>
    %add3A_1962 = arith.addi %mul3A_1606, %add3A_1961 : vector<16xi32>
    %gather3A_1963 = tpu.vector_load_idx %arg5[%add3A_1962] : memref<5880xf32, #tpu.memory_space<vmem>>[vector<16xi32>], vector<16xf32>,
    %add3A_1964 = arith.addf %gather3A_1951, %gather3A_1625 : vector<16xf32>
    %mul3A_1965 = arith.mulf %gather3A_1951, %gather3A_1625 : vector<16xf32>
    %bitcast3A = vector.bitcast %mul3A_1965 : vector<16xf32> to vector<16xi32>
    %shift_right_logical3A = arith.constant 1 : i32
    %shift_right_logical3A_1966 = vector.broadcast %shift_right_logical3A : i32 to vector<16xi32>
    %shift_right_logical3A_1967 = arith.shrui %bitcast3A, %shift_right_logical3A_1966 : vector<16xi32>
    %sub3A_1968 = arith.constant 1597463007 : i32
    %sub3A_1969 = vector.broadcast %sub3A_1968 : i32 to vector<16xi32>
    %sub3A_1970 = arith.subi %sub3A_1969, %shift_right_logical3A_1967 : vector<16xi32>
    %bitcast3A_1971 = vector.bitcast %sub3A_1970 : vector<16xi32> to vector<16xf32>
    %mul3A_1972 = arith.constant 5.000000e-01 : f32
    %mul3A_1973 = vector.broadcast %mul3A_1972 : f32 to vector<16xf32>
    %mul3A_1974 = arith.mulf %mul3A_1965, %mul3A_1973 : vector<16xf32>
    %mul3A_1975 = arith.mulf %mul3A_1974, %bitcast3A_1971 : vector<16xf32>
    %mul3A_1976 = arith.mulf %mul3A_1975, %bitcast3A_1971 : vector<16xf32>
    %sub3A_1977 = arith.constant 1.500000e+00 : f32
    %sub3A_1978 = vector.broadcast %sub3A_1977 : f32 to vector<16xf32>
    %sub3A_1979 = arith.subf %sub3A_1978, %mul3A_1976 : vector<16xf32>
    %mul3A_1980 = arith.mulf %bitcast3A_1971, %sub3A_1979 : vector<16xf32>
    %mul3A_1981 = arith.mulf %mul3A_1974, %mul3A_1980 : vector<16xf32>
    %mul3A_1982 = arith.mulf %mul3A_1981, %mul3A_1980 : vector<16xf32>
    %sub3A_1983 = arith.constant 1.500000e+00 : f32
    %sub3A_1984 = vector.broadcast %sub3A_1983 : f32 to vector<16xf32>
    %sub3A_1985 = arith.subf %sub3A_1984, %mul3A_1982 : vector<16xf32>
    %mul3A_1986 = arith.mulf %mul3A_1980, %sub3A_1985 : vector<16xf32>
    %mul3A_1987 = arith.mulf %mul3A_1974, %mul3A_1986 : vector<16xf32>
    %mul3A_1988 = arith.mulf %mul3A_1987, %mul3A_1986 : vector<16xf32>
    %sub3A_1989 = arith.constant 1.500000e+00 : f32
    %sub3A_1990 = vector.broadcast %sub3A_1989 : f32 to vector<16xf32>
    %sub3A_1991 = arith.subf %sub3A_1990, %mul3A_1988 : vector<16xf32>
    %mul3A_1992 = arith.mulf %mul3A_1986, %sub3A_1991 : vector<16xf32>
    %mul3A_1993 = arith.mulf %mul3A_1965, %mul3A_1992 : vector<16xf32>
    %mul3A_1994 = arith.constant 2.000000e+00 : f32
    %mul3A_1995 = vector.broadcast %mul3A_1994 : f32 to vector<16xf32>
    %mul3A_1996 = arith.mulf %mul3A_1995, %mul3A_1993 : vector<16xf32>
    %sub3A_1997 = arith.subf %add3A_1964, %mul3A_1996 : vector<16xf32>
    %add3A_1998 = arith.addf %sub3A_1997, %gather3A_1955 : vector<16xf32>
    %add3A_1999 = arith.addf %add3A_1998, %gather3A_1629 : vector<16xf32>
    %mul3A_2000 = arith.mulf %gather3A_1955, %gather3A_1629 : vector<16xf32>
    %bitcast3A_2001 = vector.bitcast %mul3A_2000 : vector<16xf32> to vector<16xi32>
    %shift_right_logical3A_2002 = arith.constant 1 : i32
    %shift_right_logical3A_2003 = vector.broadcast %shift_right_logical3A_2002 : i32 to vector<16xi32>
    %shift_right_logical3A_2004 = arith.shrui %bitcast3A_2001, %shift_right_logical3A_2003 : vector<16xi32>
    %sub3A_2005 = arith.constant 1597463007 : i32
    %sub3A_2006 = vector.broadcast %sub3A_2005 : i32 to vector<16xi32>
    %sub3A_2007 = arith.subi %sub3A_2006, %shift_right_logical3A_2004 : vector<16xi32>
    %bitcast3A_2008 = vector.bitcast %sub3A_2007 : vector<16xi32> to vector<16xf32>
    %mul3A_2009 = arith.constant 5.000000e-01 : f32
    %mul3A_2010 = vector.broadcast %mul3A_2009 : f32 to vector<16xf32>
    %mul3A_2011 = arith.mulf %mul3A_2000, %mul3A_2010 : vector<16xf32>
    %mul3A_2012 = arith.mulf %mul3A_2011, %bitcast3A_2008 : vector<16xf32>
    %mul3A_2013 = arith.mulf %mul3A_2012, %bitcast3A_2008 : vector<16xf32>
    %sub3A_2014 = arith.constant 1.500000e+00 : f32
    %sub3A_2015 = vector.broadcast %sub3A_2014 : f32 to vector<16xf32>
    %sub3A_2016 = arith.subf %sub3A_2015, %mul3A_2013 : vector<16xf32>
    %mul3A_2017 = arith.mulf %bitcast3A_2008, %sub3A_2016 : vector<16xf32>
    %mul3A_2018 = arith.mulf %mul3A_2011, %mul3A_2017 : vector<16xf32>
    %mul3A_2019 = arith.mulf %mul3A_2018, %mul3A_2017 : vector<16xf32>
    %sub3A_2020 = arith.constant 1.500000e+00 : f32
    %sub3A_2021 = vector.broadcast %sub3A_2020 : f32 to vector<16xf32>
    %sub3A_2022 = arith.subf %sub3A_2021, %mul3A_2019 : vector<16xf32>
    %mul3A_2023 = arith.mulf %mul3A_2017, %sub3A_2022 : vector<16xf32>
    %mul3A_2024 = arith.mulf %mul3A_2011, %mul3A_2023 : vector<16xf32>
    %mul3A_2025 = arith.mulf %mul3A_2024, %mul3A_2023 : vector<16xf32>
    %sub3A_2026 = arith.constant 1.500000e+00 : f32
    %sub3A_2027 = vector.broadcast %sub3A_2026 : f32 to vector<16xf32>
    %sub3A_2028 = arith.subf %sub3A_2027, %mul3A_2025 : vector<16xf32>
    %mul3A_2029 = arith.mulf %mul3A_2023, %sub3A_2028 : vector<16xf32>
    %mul3A_2030 = arith.mulf %mul3A_2000, %mul3A_2029 : vector<16xf32>
    %mul3A_2031 = arith.constant 2.000000e+00 : f32
    %mul3A_2032 = vector.broadcast %mul3A_2031 : f32 to vector<16xf32>
    %mul3A_2033 = arith.mulf %mul3A_2032, %mul3A_2030 : vector<16xf32>
    %sub3A_2034 = arith.subf %add3A_1999, %mul3A_2033 : vector<16xf32>
    %mul3A_2035 = arith.mulf %mul3A_1893, %sub3A_2034 : vector<16xf32>
    %add3A_2036 = arith.addf %broadcast_in_dim3A_1, %mul3A_2035 : vector<16xf32>
    %add3A_2037 = arith.addf %gather3A_1959, %gather3A_1645 : vector<16xf32>
    %mul3A_2038 = arith.mulf %gather3A_1959, %gather3A_1645 : vector<16xf32>
    %bitcast3A_2039 = vector.bitcast %mul3A_2038 : vector<16xf32> to vector<16xi32>
    %shift_right_logical3A_2040 = arith.constant 1 : i32
    %shift_right_logical3A_2041 = vector.broadcast %shift_right_logical3A_2040 : i32 to vector<16xi32>
    %shift_right_logical3A_2042 = arith.shrui %bitcast3A_2039, %shift_right_logical3A_2041 : vector<16xi32>
    %sub3A_2043 = arith.constant 1597463007 : i32
    %sub3A_2044 = vector.broadcast %sub3A_2043 : i32 to vector<16xi32>
    %sub3A_2045 = arith.subi %sub3A_2044, %shift_right_logical3A_2042 : vector<16xi32>
    %bitcast3A_2046 = vector.bitcast %sub3A_2045 : vector<16xi32> to vector<16xf32>
    %mul3A_2047 = arith.constant 5.000000e-01 : f32
    %mul3A_2048 = vector.broadcast %mul3A_2047 : f32 to vector<16xf32>
    %mul3A_2049 = arith.mulf %mul3A_2038, %mul3A_2048 : vector<16xf32>
    %mul3A_2050 = arith.mulf %mul3A_2049, %bitcast3A_2046 : vector<16xf32>
    %mul3A_2051 = arith.mulf %mul3A_2050, %bitcast3A_2046 : vector<16xf32>
    %sub3A_2052 = arith.constant 1.500000e+00 : f32
    %sub3A_2053 = vector.broadcast %sub3A_2052 : f32 to vector<16xf32>
    %sub3A_2054 = arith.subf %sub3A_2053, %mul3A_2051 : vector<16xf32>
    %mul3A_2055 = arith.mulf %bitcast3A_2046, %sub3A_2054 : vector<16xf32>
    %mul3A_2056 = arith.mulf %mul3A_2049, %mul3A_2055 : vector<16xf32>
    %mul3A_2057 = arith.mulf %mul3A_2056, %mul3A_2055 : vector<16xf32>
    %sub3A_2058 = arith.constant 1.500000e+00 : f32
    %sub3A_2059 = vector.broadcast %sub3A_2058 : f32 to vector<16xf32>
    %sub3A_2060 = arith.subf %sub3A_2059, %mul3A_2057 : vector<16xf32>
    %mul3A_2061 = arith.mulf %mul3A_2055, %sub3A_2060 : vector<16xf32>
    %mul3A_2062 = arith.mulf %mul3A_2049, %mul3A_2061 : vector<16xf32>
    %mul3A_2063 = arith.mulf %mul3A_2062, %mul3A_2061 : vector<16xf32>
    %sub3A_2064 = arith.constant 1.500000e+00 : f32
    %sub3A_2065 = vector.broadcast %sub3A_2064 : f32 to vector<16xf32>
    %sub3A_2066 = arith.subf %sub3A_2065, %mul3A_2063 : vector<16xf32>
    %mul3A_2067 = arith.mulf %mul3A_2061, %sub3A_2066 : vector<16xf32>
    %mul3A_2068 = arith.mulf %mul3A_2038, %mul3A_2067 : vector<16xf32>
    %mul3A_2069 = arith.constant 2.000000e+00 : f32
    %mul3A_2070 = vector.broadcast %mul3A_2069 : f32 to vector<16xf32>
    %mul3A_2071 = arith.mulf %mul3A_2070, %mul3A_2068 : vector<16xf32>
    %sub3A_2072 = arith.subf %add3A_2037, %mul3A_2071 : vector<16xf32>
    %add3A_2073 = arith.addf %sub3A_2072, %gather3A_1963 : vector<16xf32>
    %add3A_2074 = arith.addf %add3A_2073, %gather3A_1649 : vector<16xf32>
    %mul3A_2075 = arith.mulf %gather3A_1963, %gather3A_1649 : vector<16xf32>
    %bitcast3A_2076 = vector.bitcast %mul3A_2075 : vector<16xf32> to vector<16xi32>
    %shift_right_logical3A_2077 = arith.constant 1 : i32
    %shift_right_logical3A_2078 = vector.broadcast %shift_right_logical3A_2077 : i32 to vector<16xi32>
    %shift_right_logical3A_2079 = arith.shrui %bitcast3A_2076, %shift_right_logical3A_2078 : vector<16xi32>
    %sub3A_2080 = arith.constant 1597463007 : i32
    %sub3A_2081 = vector.broadcast %sub3A_2080 : i32 to vector<16xi32>
    %sub3A_2082 = arith.subi %sub3A_2081, %shift_right_logical3A_2079 : vector<16xi32>
    %bitcast3A_2083 = vector.bitcast %sub3A_2082 : vector<16xi32> to vector<16xf32>
    %mul3A_2084 = arith.constant 5.000000e-01 : f32
    %mul3A_2085 = vector.broadcast %mul3A_2084 : f32 to vector<16xf32>
    %mul3A_2086 = arith.mulf %mul3A_2075, %mul3A_2085 : vector<16xf32>
    %mul3A_2087 = arith.mulf %mul3A_2086, %bitcast3A_2083 : vector<16xf32>
    %mul3A_2088 = arith.mulf %mul3A_2087, %bitcast3A_2083 : vector<16xf32>
    %sub3A_2089 = arith.constant 1.500000e+00 : f32
    %sub3A_2090 = vector.broadcast %sub3A_2089 : f32 to vector<16xf32>
    %sub3A_2091 = arith.subf %sub3A_2090, %mul3A_2088 : vector<16xf32>
    %mul3A_2092 = arith.mulf %bitcast3A_2083, %sub3A_2091 : vector<16xf32>
    %mul3A_2093 = arith.mulf %mul3A_2086, %mul3A_2092 : vector<16xf32>
    %mul3A_2094 = arith.mulf %mul3A_2093, %mul3A_2092 : vector<16xf32>
    %sub3A_2095 = arith.constant 1.500000e+00 : f32
    %sub3A_2096 = vector.broadcast %sub3A_2095 : f32 to vector<16xf32>
    %sub3A_2097 = arith.subf %sub3A_2096, %mul3A_2094 : vector<16xf32>
    %mul3A_2098 = arith.mulf %mul3A_2092, %sub3A_2097 : vector<16xf32>
    %mul3A_2099 = arith.mulf %mul3A_2086, %mul3A_2098 : vector<16xf32>
    %mul3A_2100 = arith.mulf %mul3A_2099, %mul3A_2098 : vector<16xf32>
    %sub3A_2101 = arith.constant 1.500000e+00 : f32
    %sub3A_2102 = vector.broadcast %sub3A_2101 : f32 to vector<16xf32>
    %sub3A_2103 = arith.subf %sub3A_2102, %mul3A_2100 : vector<16xf32>
    %mul3A_2104 = arith.mulf %mul3A_2098, %sub3A_2103 : vector<16xf32>
    %mul3A_2105 = arith.mulf %mul3A_2075, %mul3A_2104 : vector<16xf32>
    %mul3A_2106 = arith.constant 2.000000e+00 : f32
    %mul3A_2107 = vector.broadcast %mul3A_2106 : f32 to vector<16xf32>
    %mul3A_2108 = arith.mulf %mul3A_2107, %mul3A_2105 : vector<16xf32>
    %sub3A_2109 = arith.subf %add3A_2074, %mul3A_2108 : vector<16xf32>
    %mul3A_2110 = arith.mulf %mul3A_1899, %sub3A_2109 : vector<16xf32>
    %add3A_2111 = arith.addf %add3A_2036, %mul3A_2110 : vector<16xf32>
    %add3A_2112 = arith.constant 0 : i32
    %add3A_2113 = vector.broadcast %add3A_2112 : i32 to vector<16xi32>
    %add3A_2114 = arith.addi %mul3A_345, %add3A_2113 : vector<16xi32>
    %mul3A_2115 = arith.constant 208 : i32
    %mul3A_2116 = vector.broadcast %mul3A_2115 : i32 to vector<16xi32>
    %mul3A_2117 = arith.muli %add3A_2114, %mul3A_2116 : vector<16xi32>
    %add3A_2118 = arith.addi %mul3A_2117, %add3A_163 : vector<16xi32>
    tpu.vector_store_idx %arg9[%add3A_2118], %broadcast_in_dim3A_1 masked %ne3A_139 : memref<2080xf32, #tpu.memory_space<vmem>>[vector<16xi32>], vector<16xf32>, vector<16xi1>
    %add3A_2119 = arith.constant 1 : i32
    %add3A_2120 = vector.broadcast %add3A_2119 : i32 to vector<16xi32>
    %add3A_2121 = arith.addi %mul3A_345, %add3A_2120 : vector<16xi32>
    %mul3A_2122 = arith.constant 208 : i32
    %mul3A_2123 = vector.broadcast %mul3A_2122 : i32 to vector<16xi32>
    %mul3A_2124 = arith.muli %add3A_2121, %mul3A_2123 : vector<16xi32>
    %add3A_2125 = arith.addi %mul3A_2124, %add3A_163 : vector<16xi32>
    tpu.vector_store_idx %arg9[%add3A_2125], %broadcast_in_dim3A_1 masked %ne3A_139 : memref<2080xf32, #tpu.memory_space<vmem>>[vector<16xi32>], vector<16xf32>, vector<16xi1>
    %add3A_2126 = arith.constant 2 : i32
    %add3A_2127 = vector.broadcast %add3A_2126 : i32 to vector<16xi32>
    %add3A_2128 = arith.addi %mul3A_345, %add3A_2127 : vector<16xi32>
    %mul3A_2129 = arith.constant 208 : i32
    %mul3A_2130 = vector.broadcast %mul3A_2129 : i32 to vector<16xi32>
    %mul3A_2131 = arith.muli %add3A_2128, %mul3A_2130 : vector<16xi32>
    %add3A_2132 = arith.addi %mul3A_2131, %add3A_163 : vector<16xi32>
    tpu.vector_store_idx %arg9[%add3A_2132], %broadcast_in_dim3A_1 masked %ne3A_139 : memref<2080xf32, #tpu.memory_space<vmem>>[vector<16xi32>], vector<16xf32>, vector<16xi1>
    %add3A_2133 = arith.constant 3 : i32
    %add3A_2134 = vector.broadcast %add3A_2133 : i32 to vector<16xi32>
    %add3A_2135 = arith.addi %mul3A_345, %add3A_2134 : vector<16xi32>
    %mul3A_2136 = arith.constant 208 : i32
    %mul3A_2137 = vector.broadcast %mul3A_2136 : i32 to vector<16xi32>
    %mul3A_2138 = arith.muli %add3A_2135, %mul3A_2137 : vector<16xi32>
    %add3A_2139 = arith.addi %mul3A_2138, %add3A_163 : vector<16xi32>
    tpu.vector_store_idx %arg9[%add3A_2139], %broadcast_in_dim3A_1 masked %ne3A_139 : memref<2080xf32, #tpu.memory_space<vmem>>[vector<16xi32>], vector<16xf32>, vector<16xi1>
    %add3A_2140 = arith.constant 4 : i32
    %add3A_2141 = vector.broadcast %add3A_2140 : i32 to vector<16xi32>
    %add3A_2142 = arith.addi %mul3A_345, %add3A_2141 : vector<16xi32>
    %mul3A_2143 = arith.constant 208 : i32
    %mul3A_2144 = vector.broadcast %mul3A_2143 : i32 to vector<16xi32>
    %mul3A_2145 = arith.muli %add3A_2142, %mul3A_2144 : vector<16xi32>
    %add3A_2146 = arith.addi %mul3A_2145, %add3A_163 : vector<16xi32>
    tpu.vector_store_idx %arg9[%add3A_2146], %broadcast_in_dim3A_1 masked %ne3A_139 : memref<2080xf32, #tpu.memory_space<vmem>>[vector<16xi32>], vector<16xf32>, vector<16xi1>
    %mul3A_2147 = arith.constant 208 : i32
    %mul3A_2148 = vector.broadcast %mul3A_2147 : i32 to vector<16xi32>
    %mul3A_2149 = arith.muli %convert_element_type3A_346, %mul3A_2148 : vector<16xi32>
    %add3A_2150 = arith.addi %mul3A_2149, %add3A_163 : vector<16xi32>
    tpu.vector_store_idx %arg10[%add3A_2150], %broadcast_in_dim3A_1 masked %ne3A_139 : memref<4160xf32, #tpu.memory_space<vmem>>[vector<16xi32>], vector<16xf32>, vector<16xi1>
    %dma_wait3A_2151 = arith.constant 0 : i32
    %dma_wait3A_2152 = tpu.memref_slice %arg2[%add3A_22, %dma_wait3A_2151] : memref<64x5880xf32, #tpu.memory_space<hbm>> -> memref<1x5880xf32, #tpu.memory_space<hbm>>
    %dma_wait3A_2153 = tpu.memref_squeeze %dma_wait3A_2152 : memref<1x5880xf32, #tpu.memory_space<hbm>> -> memref<5880xf32, #tpu.memory_space<hbm>>
    %dma_wait3A_2154 = arith.constant 0 : i32
    %dma_wait3A_2155 = tpu.memref_slice %arg2[%add3A_22, %dma_wait3A_2154] : memref<64x5880xf32, #tpu.memory_space<hbm>> -> memref<1x5880xf32, #tpu.memory_space<hbm>>
    %dma_wait3A_2156 = tpu.memref_squeeze %dma_wait3A_2155 : memref<1x5880xf32, #tpu.memory_space<hbm>> -> memref<5880xf32, #tpu.memory_space<hbm>>
    tpu.wait_dma2 semaphore(%arg15 : memref<!tpu.dma_semaphore, #tpu.memory_space<semaphore_mem>>) src(%dma_wait3A_2156 : memref<5880xf32, #tpu.memory_space<hbm>>) dst(%arg6 : memref<5880xf32, #tpu.memory_space<vmem>>)
    %dma_wait3A_2157 = arith.constant 0 : i32
    %dma_wait3A_2158 = tpu.memref_slice %arg3[%add3A_22, %dma_wait3A_2157] : memref<64x80xf32, #tpu.memory_space<hbm>> -> memref<1x80xf32, #tpu.memory_space<hbm>>
    %dma_wait3A_2159 = tpu.memref_squeeze %dma_wait3A_2158 : memref<1x80xf32, #tpu.memory_space<hbm>> -> memref<80xf32, #tpu.memory_space<hbm>>
    %dma_wait3A_2160 = arith.constant 0 : i32
    %dma_wait3A_2161 = tpu.memref_slice %arg3[%add3A_22, %dma_wait3A_2160] : memref<64x80xf32, #tpu.memory_space<hbm>> -> memref<1x80xf32, #tpu.memory_space<hbm>>
    %dma_wait3A_2162 = tpu.memref_squeeze %dma_wait3A_2161 : memref<1x80xf32, #tpu.memory_space<hbm>> -> memref<80xf32, #tpu.memory_space<hbm>>
    tpu.wait_dma2 semaphore(%arg16 : memref<!tpu.dma_semaphore, #tpu.memory_space<semaphore_mem>>) src(%dma_wait3A_2162 : memref<80xf32, #tpu.memory_space<hbm>>) dst(%arg8 : memref<80xf32, #tpu.memory_space<vmem>>)
    %mul3A_2163 = arith.constant 5 : i32
    %mul3A_2164 = vector.broadcast %mul3A_2163 : i32 to vector<16xi32>
    %mul3A_2165 = arith.muli %iota3A, %mul3A_2164 : vector<16xi32>
    %add3A_2166 = arith.constant 0 : i32
    %add3A_2167 = vector.broadcast %add3A_2166 : i32 to vector<16xi32>
    %add3A_2168 = arith.addi %mul3A_2165, %add3A_2167 : vector<16xi32>
    %gather3A_2169 = tpu.vector_load_idx %arg8[%add3A_2168] : memref<80xf32, #tpu.memory_space<vmem>>[vector<16xi32>], vector<16xf32>,
    %mul3A_2170 = arith.constant 5 : i32
    %mul3A_2171 = vector.broadcast %mul3A_2170 : i32 to vector<16xi32>
    %mul3A_2172 = arith.muli %iota3A, %mul3A_2171 : vector<16xi32>
    %add3A_2173 = arith.constant 1 : i32
    %add3A_2174 = vector.broadcast %add3A_2173 : i32 to vector<16xi32>
    %add3A_2175 = arith.addi %mul3A_2172, %add3A_2174 : vector<16xi32>
    %gather3A_2176 = tpu.vector_load_idx %arg8[%add3A_2175] : memref<80xf32, #tpu.memory_space<vmem>>[vector<16xi32>], vector<16xf32>,
    %mul3A_2177 = arith.constant 5 : i32
    %mul3A_2178 = vector.broadcast %mul3A_2177 : i32 to vector<16xi32>
    %mul3A_2179 = arith.muli %iota3A, %mul3A_2178 : vector<16xi32>
    %add3A_2180 = arith.constant 2 : i32
    %add3A_2181 = vector.broadcast %add3A_2180 : i32 to vector<16xi32>
    %add3A_2182 = arith.addi %mul3A_2179, %add3A_2181 : vector<16xi32>
    %gather3A_2183 = tpu.vector_load_idx %arg8[%add3A_2182] : memref<80xf32, #tpu.memory_space<vmem>>[vector<16xi32>], vector<16xf32>,
    %mul3A_2184 = arith.constant 5 : i32
    %mul3A_2185 = vector.broadcast %mul3A_2184 : i32 to vector<16xi32>
    %mul3A_2186 = arith.muli %iota3A, %mul3A_2185 : vector<16xi32>
    %add3A_2187 = arith.constant 3 : i32
    %add3A_2188 = vector.broadcast %add3A_2187 : i32 to vector<16xi32>
    %add3A_2189 = arith.addi %mul3A_2186, %add3A_2188 : vector<16xi32>
    %gather3A_2190 = tpu.vector_load_idx %arg8[%add3A_2189] : memref<80xf32, #tpu.memory_space<vmem>>[vector<16xi32>], vector<16xf32>,
    %mul3A_2191 = arith.constant 5 : i32
    %mul3A_2192 = vector.broadcast %mul3A_2191 : i32 to vector<16xi32>
    %mul3A_2193 = arith.muli %iota3A, %mul3A_2192 : vector<16xi32>
    %add3A_2194 = arith.constant 4 : i32
    %add3A_2195 = vector.broadcast %add3A_2194 : i32 to vector<16xi32>
    %add3A_2196 = arith.addi %mul3A_2193, %add3A_2195 : vector<16xi32>
    %gather3A_2197 = tpu.vector_load_idx %arg8[%add3A_2196] : memref<80xf32, #tpu.memory_space<vmem>>[vector<16xi32>], vector<16xf32>,
    %add3A_2198 = arith.addf %gather3A_2169, %gather3A_2176 : vector<16xf32>
    %add3A_2199 = arith.addf %add3A_2198, %gather3A_2183 : vector<16xf32>
    %add3A_2200 = arith.addf %add3A_2199, %gather3A_2190 : vector<16xf32>
    %add3A_2201 = arith.addf %add3A_2200, %gather3A_2197 : vector<16xf32>
    %ne3A_2202 = arith.constant 0.000000e+00 : f32
    %ne3A_2203 = vector.broadcast %ne3A_2202 : f32 to vector<16xf32>
    %ne3A_2204 = arith.cmpf one, %add3A_2201, %ne3A_2203 : vector<16xf32>
    %add3A_2205 = arith.addf %gather3A_2169, %gather3A_2183 : vector<16xf32>
    %mul3A_2206 = arith.constant 5.000000e-01 : f32
    %mul3A_2207 = vector.broadcast %mul3A_2206 : f32 to vector<16xf32>
    %mul3A_2208 = arith.mulf %add3A_2205, %mul3A_2207 : vector<16xf32>
    %add3A_2209 = arith.addf %gather3A_2176, %gather3A_2190 : vector<16xf32>
    %mul3A_2210 = arith.constant 5.000000e-01 : f32
    %mul3A_2211 = vector.broadcast %mul3A_2210 : f32 to vector<16xf32>
    %mul3A_2212 = arith.mulf %add3A_2209, %mul3A_2211 : vector<16xf32>
    %sub3A_2213 = arith.subf %gather3A_2183, %gather3A_2169 : vector<16xf32>
    %sub3A_2214 = arith.subf %gather3A_2190, %gather3A_2176 : vector<16xf32>
    %mul3A_2215 = arith.constant 1.400000e+01 : f32
    %mul3A_2216 = vector.broadcast %mul3A_2215 : f32 to vector<16xf32>
    %mul3A_2217 = arith.mulf %mul3A_2208, %mul3A_2216 : vector<16xf32>
    %mul3A_2218 = arith.constant 1.400000e+01 : f32
    %mul3A_2219 = vector.broadcast %mul3A_2218 : f32 to vector<16xf32>
    %mul3A_2220 = arith.mulf %mul3A_2212, %mul3A_2219 : vector<16xf32>
    %convert_element_type3A_2221 = arith.fptosi %mul3A_2217 : vector<16xf32> to vector<16xi32>
    %convert_element_type3A_2222 = arith.fptosi %mul3A_2220 : vector<16xf32> to vector<16xi32>
    %convert_element_type3A_2223 = arith.sitofp %convert_element_type3A_2221 : vector<16xi32> to vector<16xf32>
    %sub3A_2224 = arith.subf %mul3A_2217, %convert_element_type3A_2223 : vector<16xf32>
    %convert_element_type3A_2225 = arith.sitofp %convert_element_type3A_2222 : vector<16xi32> to vector<16xf32>
    %sub3A_2226 = arith.subf %mul3A_2220, %convert_element_type3A_2225 : vector<16xf32>
    %mul3A_2227 = arith.constant 14 : i32
    %mul3A_2228 = vector.broadcast %mul3A_2227 : i32 to vector<16xi32>
    %mul3A_2229 = arith.muli %convert_element_type3A_2222, %mul3A_2228 : vector<16xi32>
    %add3A_2230 = arith.addi %mul3A_2229, %convert_element_type3A_2221 : vector<16xi32>
    %div3A_2231 = arith.constant 1.400000e+01 : f32
    %div3A_2232 = vector.broadcast %div3A_2231 : f32 to vector<16xf32>
    %div3A_2233 = arith.divf %sub3A_2224, %div3A_2232 : vector<16xf32>
    %mul3A_2234 = arith.constant 5.000000e-01 : f32
    %mul3A_2235 = vector.broadcast %mul3A_2234 : f32 to vector<16xf32>
    %mul3A_2236 = arith.mulf %mul3A_2235, %sub3A_2213 : vector<16xf32>
    %sub3A_2237 = arith.subf %div3A_2233, %mul3A_2236 : vector<16xf32>
    %div3A_2238 = arith.constant 1.400000e+01 : f32
    %div3A_2239 = vector.broadcast %div3A_2238 : f32 to vector<16xf32>
    %div3A_2240 = arith.divf %sub3A_2226, %div3A_2239 : vector<16xf32>
    %mul3A_2241 = arith.constant 5.000000e-01 : f32
    %mul3A_2242 = vector.broadcast %mul3A_2241 : f32 to vector<16xf32>
    %mul3A_2243 = arith.mulf %mul3A_2242, %sub3A_2214 : vector<16xf32>
    %sub3A_2244 = arith.subf %div3A_2240, %mul3A_2243 : vector<16xf32>
    %div3A_2245 = arith.constant 1.400000e+01 : f32
    %div3A_2246 = vector.broadcast %div3A_2245 : f32 to vector<16xf32>
    %div3A_2247 = arith.divf %sub3A_2224, %div3A_2246 : vector<16xf32>
    %mul3A_2248 = arith.constant 5.000000e-01 : f32
    %mul3A_2249 = vector.broadcast %mul3A_2248 : f32 to vector<16xf32>
    %mul3A_2250 = arith.mulf %mul3A_2249, %sub3A_2213 : vector<16xf32>
    %add3A_2251 = arith.addf %div3A_2247, %mul3A_2250 : vector<16xf32>
    %div3A_2252 = arith.constant 1.400000e+01 : f32
    %div3A_2253 = vector.broadcast %div3A_2252 : f32 to vector<16xf32>
    %div3A_2254 = arith.divf %sub3A_2226, %div3A_2253 : vector<16xf32>
    %mul3A_2255 = arith.constant 5.000000e-01 : f32
    %mul3A_2256 = vector.broadcast %mul3A_2255 : f32 to vector<16xf32>
    %mul3A_2257 = arith.mulf %mul3A_2256, %sub3A_2214 : vector<16xf32>
    %add3A_2258 = arith.addf %div3A_2254, %mul3A_2257 : vector<16xf32>
    %sub3A_2259 = arith.subf %add3A_2251, %sub3A_2237 : vector<16xf32>
    %sub3A_2260 = arith.subf %add3A_2258, %sub3A_2244 : vector<16xf32>
    %mul3A_2261 = arith.mulf %sub3A_2259, %sub3A_2260 : vector<16xf32>
    %mul3A_2262 = arith.constant 30 : i32
    %mul3A_2263 = vector.broadcast %mul3A_2262 : i32 to vector<16xi32>
    %mul3A_2264 = arith.muli %add3A_2230, %mul3A_2263 : vector<16xi32>
    %add3A_2265 = arith.constant 1 : i32
    %add3A_2266 = vector.broadcast %add3A_2265 : i32 to vector<16xi32>
    %add3A_2267 = arith.addi %mul3A_2264, %add3A_2266 : vector<16xi32>
    %gather3A_2268 = tpu.vector_load_idx %arg6[%add3A_2267] : memref<5880xf32, #tpu.memory_space<vmem>>[vector<16xi32>], vector<16xf32>,
    %mul3A_2269 = arith.constant 30 : i32
    %mul3A_2270 = vector.broadcast %mul3A_2269 : i32 to vector<16xi32>
    %mul3A_2271 = arith.muli %add3A_2230, %mul3A_2270 : vector<16xi32>
    %add3A_2272 = arith.constant 2 : i32
    %add3A_2273 = vector.broadcast %add3A_2272 : i32 to vector<16xi32>
    %add3A_2274 = arith.addi %mul3A_2271, %add3A_2273 : vector<16xi32>
    %gather3A_2275 = tpu.vector_load_idx %arg6[%add3A_2274] : memref<5880xf32, #tpu.memory_space<vmem>>[vector<16xi32>], vector<16xf32>,
    %mul3A_2276 = arith.constant 30 : i32
    %mul3A_2277 = vector.broadcast %mul3A_2276 : i32 to vector<16xi32>
    %mul3A_2278 = arith.muli %add3A_2230, %mul3A_2277 : vector<16xi32>
    %add3A_2279 = arith.constant 3 : i32
    %add3A_2280 = vector.broadcast %add3A_2279 : i32 to vector<16xi32>
    %add3A_2281 = arith.addi %mul3A_2278, %add3A_2280 : vector<16xi32>
    %gather3A_2282 = tpu.vector_load_idx %arg6[%add3A_2281] : memref<5880xf32, #tpu.memory_space<vmem>>[vector<16xi32>], vector<16xf32>,
    %mul3A_2283 = arith.constant 30 : i32
    %mul3A_2284 = vector.broadcast %mul3A_2283 : i32 to vector<16xi32>
    %mul3A_2285 = arith.muli %add3A_2230, %mul3A_2284 : vector<16xi32>
    %add3A_2286 = arith.constant 4 : i32
    %add3A_2287 = vector.broadcast %add3A_2286 : i32 to vector<16xi32>
    %add3A_2288 = arith.addi %mul3A_2285, %add3A_2287 : vector<16xi32>
    %gather3A_2289 = tpu.vector_load_idx %arg6[%add3A_2288] : memref<5880xf32, #tpu.memory_space<vmem>>[vector<16xi32>], vector<16xf32>,
    %div3A_2290 = arith.constant 1.400000e+01 : f32
    %div3A_2291 = vector.broadcast %div3A_2290 : f32 to vector<16xf32>
    %div3A_2292 = arith.divf %gather3A_2268, %div3A_2291 : vector<16xf32>
    %mul3A_2293 = arith.constant 5.000000e-01 : f32
    %mul3A_2294 = vector.broadcast %mul3A_2293 : f32 to vector<16xf32>
    %mul3A_2295 = arith.mulf %mul3A_2294, %gather3A_2282 : vector<16xf32>
    %sub3A_2296 = arith.subf %div3A_2292, %mul3A_2295 : vector<16xf32>
    %div3A_2297 = arith.constant 1.400000e+01 : f32
    %div3A_2298 = vector.broadcast %div3A_2297 : f32 to vector<16xf32>
    %div3A_2299 = arith.divf %gather3A_2275, %div3A_2298 : vector<16xf32>
    %mul3A_2300 = arith.constant 5.000000e-01 : f32
    %mul3A_2301 = vector.broadcast %mul3A_2300 : f32 to vector<16xf32>
    %mul3A_2302 = arith.mulf %mul3A_2301, %gather3A_2289 : vector<16xf32>
    %sub3A_2303 = arith.subf %div3A_2299, %mul3A_2302 : vector<16xf32>
    %div3A_2304 = arith.constant 1.400000e+01 : f32
    %div3A_2305 = vector.broadcast %div3A_2304 : f32 to vector<16xf32>
    %div3A_2306 = arith.divf %gather3A_2268, %div3A_2305 : vector<16xf32>
    %mul3A_2307 = arith.constant 5.000000e-01 : f32
    %mul3A_2308 = vector.broadcast %mul3A_2307 : f32 to vector<16xf32>
    %mul3A_2309 = arith.mulf %mul3A_2308, %gather3A_2282 : vector<16xf32>
    %add3A_2310 = arith.addf %div3A_2306, %mul3A_2309 : vector<16xf32>
    %div3A_2311 = arith.constant 1.400000e+01 : f32
    %div3A_2312 = vector.broadcast %div3A_2311 : f32 to vector<16xf32>
    %div3A_2313 = arith.divf %gather3A_2275, %div3A_2312 : vector<16xf32>
    %mul3A_2314 = arith.constant 5.000000e-01 : f32
    %mul3A_2315 = vector.broadcast %mul3A_2314 : f32 to vector<16xf32>
    %mul3A_2316 = arith.mulf %mul3A_2315, %gather3A_2289 : vector<16xf32>
    %add3A_2317 = arith.addf %div3A_2313, %mul3A_2316 : vector<16xf32>
    %max3A_2318 = arith.maximumf %sub3A_2296, %sub3A_2237 : vector<16xf32>
    %max3A_2319 = arith.maximumf %sub3A_2303, %sub3A_2244 : vector<16xf32>
    %min3A_2320 = arith.minimumf %add3A_2310, %add3A_2251 : vector<16xf32>
    %min3A_2321 = arith.minimumf %add3A_2317, %add3A_2258 : vector<16xf32>
    %sub3A_2322 = arith.subf %min3A_2320, %max3A_2318 : vector<16xf32>
    %max3A_2323 = arith.constant 0.000000e+00 : f32
    %max3A_2324 = vector.broadcast %max3A_2323 : f32 to vector<16xf32>
    %max3A_2325 = arith.maximumf %sub3A_2322, %max3A_2324 : vector<16xf32>
    %sub3A_2326 = arith.subf %min3A_2321, %max3A_2319 : vector<16xf32>
    %max3A_2327 = arith.constant 0.000000e+00 : f32
    %max3A_2328 = vector.broadcast %max3A_2327 : f32 to vector<16xf32>
    %max3A_2329 = arith.maximumf %sub3A_2326, %max3A_2328 : vector<16xf32>
    %mul3A_2330 = arith.mulf %max3A_2325, %max3A_2329 : vector<16xf32>
    %sub3A_2331 = arith.subf %add3A_2310, %sub3A_2296 : vector<16xf32>
    %sub3A_2332 = arith.subf %add3A_2317, %sub3A_2303 : vector<16xf32>
    %mul3A_2333 = arith.mulf %sub3A_2331, %sub3A_2332 : vector<16xf32>
    %add3A_2334 = arith.addf %mul3A_2333, %mul3A_2261 : vector<16xf32>
    %sub3A_2335 = arith.subf %add3A_2334, %mul3A_2330 : vector<16xf32>
    %div3A_2336 = arith.divf %mul3A_2330, %sub3A_2335 : vector<16xf32>
    %mul3A_2337 = arith.constant 30 : i32
    %mul3A_2338 = vector.broadcast %mul3A_2337 : i32 to vector<16xi32>
    %mul3A_2339 = arith.muli %add3A_2230, %mul3A_2338 : vector<16xi32>
    %add3A_2340 = arith.constant 6 : i32
    %add3A_2341 = vector.broadcast %add3A_2340 : i32 to vector<16xi32>
    %add3A_2342 = arith.addi %mul3A_2339, %add3A_2341 : vector<16xi32>
    %gather3A_2343 = tpu.vector_load_idx %arg6[%add3A_2342] : memref<5880xf32, #tpu.memory_space<vmem>>[vector<16xi32>], vector<16xf32>,
    %mul3A_2344 = arith.constant 30 : i32
    %mul3A_2345 = vector.broadcast %mul3A_2344 : i32 to vector<16xi32>
    %mul3A_2346 = arith.muli %add3A_2230, %mul3A_2345 : vector<16xi32>
    %add3A_2347 = arith.constant 7 : i32
    %add3A_2348 = vector.broadcast %add3A_2347 : i32 to vector<16xi32>
    %add3A_2349 = arith.addi %mul3A_2346, %add3A_2348 : vector<16xi32>
    %gather3A_2350 = tpu.vector_load_idx %arg6[%add3A_2349] : memref<5880xf32, #tpu.memory_space<vmem>>[vector<16xi32>], vector<16xf32>,
    %mul3A_2351 = arith.constant 30 : i32
    %mul3A_2352 = vector.broadcast %mul3A_2351 : i32 to vector<16xi32>
    %mul3A_2353 = arith.muli %add3A_2230, %mul3A_2352 : vector<16xi32>
    %add3A_2354 = arith.constant 8 : i32
    %add3A_2355 = vector.broadcast %add3A_2354 : i32 to vector<16xi32>
    %add3A_2356 = arith.addi %mul3A_2353, %add3A_2355 : vector<16xi32>
    %gather3A_2357 = tpu.vector_load_idx %arg6[%add3A_2356] : memref<5880xf32, #tpu.memory_space<vmem>>[vector<16xi32>], vector<16xf32>,
    %mul3A_2358 = arith.constant 30 : i32
    %mul3A_2359 = vector.broadcast %mul3A_2358 : i32 to vector<16xi32>
    %mul3A_2360 = arith.muli %add3A_2230, %mul3A_2359 : vector<16xi32>
    %add3A_2361 = arith.constant 9 : i32
    %add3A_2362 = vector.broadcast %add3A_2361 : i32 to vector<16xi32>
    %add3A_2363 = arith.addi %mul3A_2360, %add3A_2362 : vector<16xi32>
    %gather3A_2364 = tpu.vector_load_idx %arg6[%add3A_2363] : memref<5880xf32, #tpu.memory_space<vmem>>[vector<16xi32>], vector<16xf32>,
    %div3A_2365 = arith.constant 1.400000e+01 : f32
    %div3A_2366 = vector.broadcast %div3A_2365 : f32 to vector<16xf32>
    %div3A_2367 = arith.divf %gather3A_2343, %div3A_2366 : vector<16xf32>
    %mul3A_2368 = arith.constant 5.000000e-01 : f32
    %mul3A_2369 = vector.broadcast %mul3A_2368 : f32 to vector<16xf32>
    %mul3A_2370 = arith.mulf %mul3A_2369, %gather3A_2357 : vector<16xf32>
    %sub3A_2371 = arith.subf %div3A_2367, %mul3A_2370 : vector<16xf32>
    %div3A_2372 = arith.constant 1.400000e+01 : f32
    %div3A_2373 = vector.broadcast %div3A_2372 : f32 to vector<16xf32>
    %div3A_2374 = arith.divf %gather3A_2350, %div3A_2373 : vector<16xf32>
    %mul3A_2375 = arith.constant 5.000000e-01 : f32
    %mul3A_2376 = vector.broadcast %mul3A_2375 : f32 to vector<16xf32>
    %mul3A_2377 = arith.mulf %mul3A_2376, %gather3A_2364 : vector<16xf32>
    %sub3A_2378 = arith.subf %div3A_2374, %mul3A_2377 : vector<16xf32>
    %div3A_2379 = arith.constant 1.400000e+01 : f32
    %div3A_2380 = vector.broadcast %div3A_2379 : f32 to vector<16xf32>
    %div3A_2381 = arith.divf %gather3A_2343, %div3A_2380 : vector<16xf32>
    %mul3A_2382 = arith.constant 5.000000e-01 : f32
    %mul3A_2383 = vector.broadcast %mul3A_2382 : f32 to vector<16xf32>
    %mul3A_2384 = arith.mulf %mul3A_2383, %gather3A_2357 : vector<16xf32>
    %add3A_2385 = arith.addf %div3A_2381, %mul3A_2384 : vector<16xf32>
    %div3A_2386 = arith.constant 1.400000e+01 : f32
    %div3A_2387 = vector.broadcast %div3A_2386 : f32 to vector<16xf32>
    %div3A_2388 = arith.divf %gather3A_2350, %div3A_2387 : vector<16xf32>
    %mul3A_2389 = arith.constant 5.000000e-01 : f32
    %mul3A_2390 = vector.broadcast %mul3A_2389 : f32 to vector<16xf32>
    %mul3A_2391 = arith.mulf %mul3A_2390, %gather3A_2364 : vector<16xf32>
    %add3A_2392 = arith.addf %div3A_2388, %mul3A_2391 : vector<16xf32>
    %max3A_2393 = arith.maximumf %sub3A_2371, %sub3A_2237 : vector<16xf32>
    %max3A_2394 = arith.maximumf %sub3A_2378, %sub3A_2244 : vector<16xf32>
    %min3A_2395 = arith.minimumf %add3A_2385, %add3A_2251 : vector<16xf32>
    %min3A_2396 = arith.minimumf %add3A_2392, %add3A_2258 : vector<16xf32>
    %sub3A_2397 = arith.subf %min3A_2395, %max3A_2393 : vector<16xf32>
    %max3A_2398 = arith.constant 0.000000e+00 : f32
    %max3A_2399 = vector.broadcast %max3A_2398 : f32 to vector<16xf32>
    %max3A_2400 = arith.maximumf %sub3A_2397, %max3A_2399 : vector<16xf32>
    %sub3A_2401 = arith.subf %min3A_2396, %max3A_2394 : vector<16xf32>
    %max3A_2402 = arith.constant 0.000000e+00 : f32
    %max3A_2403 = vector.broadcast %max3A_2402 : f32 to vector<16xf32>
    %max3A_2404 = arith.maximumf %sub3A_2401, %max3A_2403 : vector<16xf32>
    %mul3A_2405 = arith.mulf %max3A_2400, %max3A_2404 : vector<16xf32>
    %sub3A_2406 = arith.subf %add3A_2385, %sub3A_2371 : vector<16xf32>
    %sub3A_2407 = arith.subf %add3A_2392, %sub3A_2378 : vector<16xf32>
    %mul3A_2408 = arith.mulf %sub3A_2406, %sub3A_2407 : vector<16xf32>
    %add3A_2409 = arith.addf %mul3A_2408, %mul3A_2261 : vector<16xf32>
    %sub3A_2410 = arith.subf %add3A_2409, %mul3A_2405 : vector<16xf32>
    %div3A_2411 = arith.divf %mul3A_2405, %sub3A_2410 : vector<16xf32>
    %gt3A_2412 = arith.cmpf ogt, %div3A_2411, %div3A_2336 : vector<16xf32>
    %convert_element_type3A_2413 = arith.extui %gt3A_2412 : vector<16xi1> to vector<16xi32>
    %mul3A_2414 = arith.constant 5 : i32
    %mul3A_2415 = vector.broadcast %mul3A_2414 : i32 to vector<16xi32>
    %mul3A_2416 = arith.muli %convert_element_type3A_2413, %mul3A_2415 : vector<16xi32>
    %convert_element_type3A_2417 = arith.fptosi %gather3A_2197 : vector<16xf32> to vector<16xi32>
    %eq3A_2418 = arith.constant 0 : i32
    %eq3A_2419 = vector.broadcast %eq3A_2418 : i32 to vector<16xi32>
    %eq3A_2420 = arith.cmpi eq, %iota3A, %eq3A_2419 : vector<16xi32>
    %and3A_2421 = arith.andi %ne3A_2204, %eq3A_2420 : vector<16xi1>
    %add3A_2422 = arith.constant 0 : i32
    %add3A_2423 = vector.broadcast %add3A_2422 : i32 to vector<16xi32>
    %add3A_2424 = arith.addi %mul3A_2416, %add3A_2423 : vector<16xi32>
    %mul3A_2425 = arith.constant 208 : i32
    %mul3A_2426 = vector.broadcast %mul3A_2425 : i32 to vector<16xi32>
    %mul3A_2427 = arith.muli %add3A_2424, %mul3A_2426 : vector<16xi32>
    %add3A_2428 = arith.addi %mul3A_2427, %add3A_2230 : vector<16xi32>
    tpu.vector_store_idx %arg9[%add3A_2428], %broadcast_in_dim3A_3 masked %and3A_2421 : memref<2080xf32, #tpu.memory_space<vmem>>[vector<16xi32>], vector<16xf32>, vector<16xi1>
    %add3A_2429 = arith.constant 1 : i32
    %add3A_2430 = vector.broadcast %add3A_2429 : i32 to vector<16xi32>
    %add3A_2431 = arith.addi %mul3A_2416, %add3A_2430 : vector<16xi32>
    %mul3A_2432 = arith.constant 208 : i32
    %mul3A_2433 = vector.broadcast %mul3A_2432 : i32 to vector<16xi32>
    %mul3A_2434 = arith.muli %add3A_2431, %mul3A_2433 : vector<16xi32>
    %add3A_2435 = arith.addi %mul3A_2434, %add3A_2230 : vector<16xi32>
    tpu.vector_store_idx %arg9[%add3A_2435], %sub3A_2224 masked %and3A_2421 : memref<2080xf32, #tpu.memory_space<vmem>>[vector<16xi32>], vector<16xf32>, vector<16xi1>
    %add3A_2436 = arith.constant 2 : i32
    %add3A_2437 = vector.broadcast %add3A_2436 : i32 to vector<16xi32>
    %add3A_2438 = arith.addi %mul3A_2416, %add3A_2437 : vector<16xi32>
    %mul3A_2439 = arith.constant 208 : i32
    %mul3A_2440 = vector.broadcast %mul3A_2439 : i32 to vector<16xi32>
    %mul3A_2441 = arith.muli %add3A_2438, %mul3A_2440 : vector<16xi32>
    %add3A_2442 = arith.addi %mul3A_2441, %add3A_2230 : vector<16xi32>
    tpu.vector_store_idx %arg9[%add3A_2442], %sub3A_2226 masked %and3A_2421 : memref<2080xf32, #tpu.memory_space<vmem>>[vector<16xi32>], vector<16xf32>, vector<16xi1>
    %add3A_2443 = arith.constant 3 : i32
    %add3A_2444 = vector.broadcast %add3A_2443 : i32 to vector<16xi32>
    %add3A_2445 = arith.addi %mul3A_2416, %add3A_2444 : vector<16xi32>
    %mul3A_2446 = arith.constant 208 : i32
    %mul3A_2447 = vector.broadcast %mul3A_2446 : i32 to vector<16xi32>
    %mul3A_2448 = arith.muli %add3A_2445, %mul3A_2447 : vector<16xi32>
    %add3A_2449 = arith.addi %mul3A_2448, %add3A_2230 : vector<16xi32>
    tpu.vector_store_idx %arg9[%add3A_2449], %sub3A_2213 masked %and3A_2421 : memref<2080xf32, #tpu.memory_space<vmem>>[vector<16xi32>], vector<16xf32>, vector<16xi1>
    %add3A_2450 = arith.constant 4 : i32
    %add3A_2451 = vector.broadcast %add3A_2450 : i32 to vector<16xi32>
    %add3A_2452 = arith.addi %mul3A_2416, %add3A_2451 : vector<16xi32>
    %mul3A_2453 = arith.constant 208 : i32
    %mul3A_2454 = vector.broadcast %mul3A_2453 : i32 to vector<16xi32>
    %mul3A_2455 = arith.muli %add3A_2452, %mul3A_2454 : vector<16xi32>
    %add3A_2456 = arith.addi %mul3A_2455, %add3A_2230 : vector<16xi32>
    tpu.vector_store_idx %arg9[%add3A_2456], %sub3A_2214 masked %and3A_2421 : memref<2080xf32, #tpu.memory_space<vmem>>[vector<16xi32>], vector<16xf32>, vector<16xi1>
    %mul3A_2457 = arith.constant 208 : i32
    %mul3A_2458 = vector.broadcast %mul3A_2457 : i32 to vector<16xi32>
    %mul3A_2459 = arith.muli %convert_element_type3A_2417, %mul3A_2458 : vector<16xi32>
    %add3A_2460 = arith.addi %mul3A_2459, %add3A_2230 : vector<16xi32>
    tpu.vector_store_idx %arg10[%add3A_2460], %broadcast_in_dim3A_3 masked %and3A_2421 : memref<4160xf32, #tpu.memory_space<vmem>>[vector<16xi32>], vector<16xf32>, vector<16xi1>
    tpu.vector_store_idx %arg11[%add3A_2230], %iota3A masked %and3A_2421 : memref<208xi32, #tpu.memory_space<vmem>>[vector<16xi32>], vector<16xi32>, vector<16xi1>
    %eq3A_2461 = arith.constant 1 : i32
    %eq3A_2462 = vector.broadcast %eq3A_2461 : i32 to vector<16xi32>
    %eq3A_2463 = arith.cmpi eq, %iota3A, %eq3A_2462 : vector<16xi32>
    %and3A_2464 = arith.andi %ne3A_2204, %eq3A_2463 : vector<16xi1>
    %add3A_2465 = arith.constant 0 : i32
    %add3A_2466 = vector.broadcast %add3A_2465 : i32 to vector<16xi32>
    %add3A_2467 = arith.addi %mul3A_2416, %add3A_2466 : vector<16xi32>
    %mul3A_2468 = arith.constant 208 : i32
    %mul3A_2469 = vector.broadcast %mul3A_2468 : i32 to vector<16xi32>
    %mul3A_2470 = arith.muli %add3A_2467, %mul3A_2469 : vector<16xi32>
    %add3A_2471 = arith.addi %mul3A_2470, %add3A_2230 : vector<16xi32>
    tpu.vector_store_idx %arg9[%add3A_2471], %broadcast_in_dim3A_3 masked %and3A_2464 : memref<2080xf32, #tpu.memory_space<vmem>>[vector<16xi32>], vector<16xf32>, vector<16xi1>
    %add3A_2472 = arith.constant 1 : i32
    %add3A_2473 = vector.broadcast %add3A_2472 : i32 to vector<16xi32>
    %add3A_2474 = arith.addi %mul3A_2416, %add3A_2473 : vector<16xi32>
    %mul3A_2475 = arith.constant 208 : i32
    %mul3A_2476 = vector.broadcast %mul3A_2475 : i32 to vector<16xi32>
    %mul3A_2477 = arith.muli %add3A_2474, %mul3A_2476 : vector<16xi32>
    %add3A_2478 = arith.addi %mul3A_2477, %add3A_2230 : vector<16xi32>
    tpu.vector_store_idx %arg9[%add3A_2478], %sub3A_2224 masked %and3A_2464 : memref<2080xf32, #tpu.memory_space<vmem>>[vector<16xi32>], vector<16xf32>, vector<16xi1>
    %add3A_2479 = arith.constant 2 : i32
    %add3A_2480 = vector.broadcast %add3A_2479 : i32 to vector<16xi32>
    %add3A_2481 = arith.addi %mul3A_2416, %add3A_2480 : vector<16xi32>
    %mul3A_2482 = arith.constant 208 : i32
    %mul3A_2483 = vector.broadcast %mul3A_2482 : i32 to vector<16xi32>
    %mul3A_2484 = arith.muli %add3A_2481, %mul3A_2483 : vector<16xi32>
    %add3A_2485 = arith.addi %mul3A_2484, %add3A_2230 : vector<16xi32>
    tpu.vector_store_idx %arg9[%add3A_2485], %sub3A_2226 masked %and3A_2464 : memref<2080xf32, #tpu.memory_space<vmem>>[vector<16xi32>], vector<16xf32>, vector<16xi1>
    %add3A_2486 = arith.constant 3 : i32
    %add3A_2487 = vector.broadcast %add3A_2486 : i32 to vector<16xi32>
    %add3A_2488 = arith.addi %mul3A_2416, %add3A_2487 : vector<16xi32>
    %mul3A_2489 = arith.constant 208 : i32
    %mul3A_2490 = vector.broadcast %mul3A_2489 : i32 to vector<16xi32>
    %mul3A_2491 = arith.muli %add3A_2488, %mul3A_2490 : vector<16xi32>
    %add3A_2492 = arith.addi %mul3A_2491, %add3A_2230 : vector<16xi32>
    tpu.vector_store_idx %arg9[%add3A_2492], %sub3A_2213 masked %and3A_2464 : memref<2080xf32, #tpu.memory_space<vmem>>[vector<16xi32>], vector<16xf32>, vector<16xi1>
    %add3A_2493 = arith.constant 4 : i32
    %add3A_2494 = vector.broadcast %add3A_2493 : i32 to vector<16xi32>
    %add3A_2495 = arith.addi %mul3A_2416, %add3A_2494 : vector<16xi32>
    %mul3A_2496 = arith.constant 208 : i32
    %mul3A_2497 = vector.broadcast %mul3A_2496 : i32 to vector<16xi32>
    %mul3A_2498 = arith.muli %add3A_2495, %mul3A_2497 : vector<16xi32>
    %add3A_2499 = arith.addi %mul3A_2498, %add3A_2230 : vector<16xi32>
    tpu.vector_store_idx %arg9[%add3A_2499], %sub3A_2214 masked %and3A_2464 : memref<2080xf32, #tpu.memory_space<vmem>>[vector<16xi32>], vector<16xf32>, vector<16xi1>
    %mul3A_2500 = arith.constant 208 : i32
    %mul3A_2501 = vector.broadcast %mul3A_2500 : i32 to vector<16xi32>
    %mul3A_2502 = arith.muli %convert_element_type3A_2417, %mul3A_2501 : vector<16xi32>
    %add3A_2503 = arith.addi %mul3A_2502, %add3A_2230 : vector<16xi32>
    tpu.vector_store_idx %arg10[%add3A_2503], %broadcast_in_dim3A_3 masked %and3A_2464 : memref<4160xf32, #tpu.memory_space<vmem>>[vector<16xi32>], vector<16xf32>, vector<16xi1>
    tpu.vector_store_idx %arg11[%add3A_2230], %iota3A masked %and3A_2464 : memref<208xi32, #tpu.memory_space<vmem>>[vector<16xi32>], vector<16xi32>, vector<16xi1>
    %eq3A_2504 = arith.constant 2 : i32
    %eq3A_2505 = vector.broadcast %eq3A_2504 : i32 to vector<16xi32>
    %eq3A_2506 = arith.cmpi eq, %iota3A, %eq3A_2505 : vector<16xi32>
    %and3A_2507 = arith.andi %ne3A_2204, %eq3A_2506 : vector<16xi1>
    %add3A_2508 = arith.constant 0 : i32
    %add3A_2509 = vector.broadcast %add3A_2508 : i32 to vector<16xi32>
    %add3A_2510 = arith.addi %mul3A_2416, %add3A_2509 : vector<16xi32>
    %mul3A_2511 = arith.constant 208 : i32
    %mul3A_2512 = vector.broadcast %mul3A_2511 : i32 to vector<16xi32>
    %mul3A_2513 = arith.muli %add3A_2510, %mul3A_2512 : vector<16xi32>
    %add3A_2514 = arith.addi %mul3A_2513, %add3A_2230 : vector<16xi32>
    tpu.vector_store_idx %arg9[%add3A_2514], %broadcast_in_dim3A_3 masked %and3A_2507 : memref<2080xf32, #tpu.memory_space<vmem>>[vector<16xi32>], vector<16xf32>, vector<16xi1>
    %add3A_2515 = arith.constant 1 : i32
    %add3A_2516 = vector.broadcast %add3A_2515 : i32 to vector<16xi32>
    %add3A_2517 = arith.addi %mul3A_2416, %add3A_2516 : vector<16xi32>
    %mul3A_2518 = arith.constant 208 : i32
    %mul3A_2519 = vector.broadcast %mul3A_2518 : i32 to vector<16xi32>
    %mul3A_2520 = arith.muli %add3A_2517, %mul3A_2519 : vector<16xi32>
    %add3A_2521 = arith.addi %mul3A_2520, %add3A_2230 : vector<16xi32>
    tpu.vector_store_idx %arg9[%add3A_2521], %sub3A_2224 masked %and3A_2507 : memref<2080xf32, #tpu.memory_space<vmem>>[vector<16xi32>], vector<16xf32>, vector<16xi1>
    %add3A_2522 = arith.constant 2 : i32
    %add3A_2523 = vector.broadcast %add3A_2522 : i32 to vector<16xi32>
    %add3A_2524 = arith.addi %mul3A_2416, %add3A_2523 : vector<16xi32>
    %mul3A_2525 = arith.constant 208 : i32
    %mul3A_2526 = vector.broadcast %mul3A_2525 : i32 to vector<16xi32>
    %mul3A_2527 = arith.muli %add3A_2524, %mul3A_2526 : vector<16xi32>
    %add3A_2528 = arith.addi %mul3A_2527, %add3A_2230 : vector<16xi32>
    tpu.vector_store_idx %arg9[%add3A_2528], %sub3A_2226 masked %and3A_2507 : memref<2080xf32, #tpu.memory_space<vmem>>[vector<16xi32>], vector<16xf32>, vector<16xi1>
    %add3A_2529 = arith.constant 3 : i32
    %add3A_2530 = vector.broadcast %add3A_2529 : i32 to vector<16xi32>
    %add3A_2531 = arith.addi %mul3A_2416, %add3A_2530 : vector<16xi32>
    %mul3A_2532 = arith.constant 208 : i32
    %mul3A_2533 = vector.broadcast %mul3A_2532 : i32 to vector<16xi32>
    %mul3A_2534 = arith.muli %add3A_2531, %mul3A_2533 : vector<16xi32>
    %add3A_2535 = arith.addi %mul3A_2534, %add3A_2230 : vector<16xi32>
    tpu.vector_store_idx %arg9[%add3A_2535], %sub3A_2213 masked %and3A_2507 : memref<2080xf32, #tpu.memory_space<vmem>>[vector<16xi32>], vector<16xf32>, vector<16xi1>
    %add3A_2536 = arith.constant 4 : i32
    %add3A_2537 = vector.broadcast %add3A_2536 : i32 to vector<16xi32>
    %add3A_2538 = arith.addi %mul3A_2416, %add3A_2537 : vector<16xi32>
    %mul3A_2539 = arith.constant 208 : i32
    %mul3A_2540 = vector.broadcast %mul3A_2539 : i32 to vector<16xi32>
    %mul3A_2541 = arith.muli %add3A_2538, %mul3A_2540 : vector<16xi32>
    %add3A_2542 = arith.addi %mul3A_2541, %add3A_2230 : vector<16xi32>
    tpu.vector_store_idx %arg9[%add3A_2542], %sub3A_2214 masked %and3A_2507 : memref<2080xf32, #tpu.memory_space<vmem>>[vector<16xi32>], vector<16xf32>, vector<16xi1>
    %mul3A_2543 = arith.constant 208 : i32
    %mul3A_2544 = vector.broadcast %mul3A_2543 : i32 to vector<16xi32>
    %mul3A_2545 = arith.muli %convert_element_type3A_2417, %mul3A_2544 : vector<16xi32>
    %add3A_2546 = arith.addi %mul3A_2545, %add3A_2230 : vector<16xi32>
    tpu.vector_store_idx %arg10[%add3A_2546], %broadcast_in_dim3A_3 masked %and3A_2507 : memref<4160xf32, #tpu.memory_space<vmem>>[vector<16xi32>], vector<16xf32>, vector<16xi1>
    tpu.vector_store_idx %arg11[%add3A_2230], %iota3A masked %and3A_2507 : memref<208xi32, #tpu.memory_space<vmem>>[vector<16xi32>], vector<16xi32>, vector<16xi1>
    %eq3A_2547 = arith.constant 3 : i32
    %eq3A_2548 = vector.broadcast %eq3A_2547 : i32 to vector<16xi32>
    %eq3A_2549 = arith.cmpi eq, %iota3A, %eq3A_2548 : vector<16xi32>
    %and3A_2550 = arith.andi %ne3A_2204, %eq3A_2549 : vector<16xi1>
    %add3A_2551 = arith.constant 0 : i32
    %add3A_2552 = vector.broadcast %add3A_2551 : i32 to vector<16xi32>
    %add3A_2553 = arith.addi %mul3A_2416, %add3A_2552 : vector<16xi32>
    %mul3A_2554 = arith.constant 208 : i32
    %mul3A_2555 = vector.broadcast %mul3A_2554 : i32 to vector<16xi32>
    %mul3A_2556 = arith.muli %add3A_2553, %mul3A_2555 : vector<16xi32>
    %add3A_2557 = arith.addi %mul3A_2556, %add3A_2230 : vector<16xi32>
    tpu.vector_store_idx %arg9[%add3A_2557], %broadcast_in_dim3A_3 masked %and3A_2550 : memref<2080xf32, #tpu.memory_space<vmem>>[vector<16xi32>], vector<16xf32>, vector<16xi1>
    %add3A_2558 = arith.constant 1 : i32
    %add3A_2559 = vector.broadcast %add3A_2558 : i32 to vector<16xi32>
    %add3A_2560 = arith.addi %mul3A_2416, %add3A_2559 : vector<16xi32>
    %mul3A_2561 = arith.constant 208 : i32
    %mul3A_2562 = vector.broadcast %mul3A_2561 : i32 to vector<16xi32>
    %mul3A_2563 = arith.muli %add3A_2560, %mul3A_2562 : vector<16xi32>
    %add3A_2564 = arith.addi %mul3A_2563, %add3A_2230 : vector<16xi32>
    tpu.vector_store_idx %arg9[%add3A_2564], %sub3A_2224 masked %and3A_2550 : memref<2080xf32, #tpu.memory_space<vmem>>[vector<16xi32>], vector<16xf32>, vector<16xi1>
    %add3A_2565 = arith.constant 2 : i32
    %add3A_2566 = vector.broadcast %add3A_2565 : i32 to vector<16xi32>
    %add3A_2567 = arith.addi %mul3A_2416, %add3A_2566 : vector<16xi32>
    %mul3A_2568 = arith.constant 208 : i32
    %mul3A_2569 = vector.broadcast %mul3A_2568 : i32 to vector<16xi32>
    %mul3A_2570 = arith.muli %add3A_2567, %mul3A_2569 : vector<16xi32>
    %add3A_2571 = arith.addi %mul3A_2570, %add3A_2230 : vector<16xi32>
    tpu.vector_store_idx %arg9[%add3A_2571], %sub3A_2226 masked %and3A_2550 : memref<2080xf32, #tpu.memory_space<vmem>>[vector<16xi32>], vector<16xf32>, vector<16xi1>
    %add3A_2572 = arith.constant 3 : i32
    %add3A_2573 = vector.broadcast %add3A_2572 : i32 to vector<16xi32>
    %add3A_2574 = arith.addi %mul3A_2416, %add3A_2573 : vector<16xi32>
    %mul3A_2575 = arith.constant 208 : i32
    %mul3A_2576 = vector.broadcast %mul3A_2575 : i32 to vector<16xi32>
    %mul3A_2577 = arith.muli %add3A_2574, %mul3A_2576 : vector<16xi32>
    %add3A_2578 = arith.addi %mul3A_2577, %add3A_2230 : vector<16xi32>
    tpu.vector_store_idx %arg9[%add3A_2578], %sub3A_2213 masked %and3A_2550 : memref<2080xf32, #tpu.memory_space<vmem>>[vector<16xi32>], vector<16xf32>, vector<16xi1>
    %add3A_2579 = arith.constant 4 : i32
    %add3A_2580 = vector.broadcast %add3A_2579 : i32 to vector<16xi32>
    %add3A_2581 = arith.addi %mul3A_2416, %add3A_2580 : vector<16xi32>
    %mul3A_2582 = arith.constant 208 : i32
    %mul3A_2583 = vector.broadcast %mul3A_2582 : i32 to vector<16xi32>
    %mul3A_2584 = arith.muli %add3A_2581, %mul3A_2583 : vector<16xi32>
    %add3A_2585 = arith.addi %mul3A_2584, %add3A_2230 : vector<16xi32>
    tpu.vector_store_idx %arg9[%add3A_2585], %sub3A_2214 masked %and3A_2550 : memref<2080xf32, #tpu.memory_space<vmem>>[vector<16xi32>], vector<16xf32>, vector<16xi1>
    %mul3A_2586 = arith.constant 208 : i32
    %mul3A_2587 = vector.broadcast %mul3A_2586 : i32 to vector<16xi32>
    %mul3A_2588 = arith.muli %convert_element_type3A_2417, %mul3A_2587 : vector<16xi32>
    %add3A_2589 = arith.addi %mul3A_2588, %add3A_2230 : vector<16xi32>
    tpu.vector_store_idx %arg10[%add3A_2589], %broadcast_in_dim3A_3 masked %and3A_2550 : memref<4160xf32, #tpu.memory_space<vmem>>[vector<16xi32>], vector<16xf32>, vector<16xi1>
    tpu.vector_store_idx %arg11[%add3A_2230], %iota3A masked %and3A_2550 : memref<208xi32, #tpu.memory_space<vmem>>[vector<16xi32>], vector<16xi32>, vector<16xi1>
    %eq3A_2590 = arith.constant 4 : i32
    %eq3A_2591 = vector.broadcast %eq3A_2590 : i32 to vector<16xi32>
    %eq3A_2592 = arith.cmpi eq, %iota3A, %eq3A_2591 : vector<16xi32>
    %and3A_2593 = arith.andi %ne3A_2204, %eq3A_2592 : vector<16xi1>
    %add3A_2594 = arith.constant 0 : i32
    %add3A_2595 = vector.broadcast %add3A_2594 : i32 to vector<16xi32>
    %add3A_2596 = arith.addi %mul3A_2416, %add3A_2595 : vector<16xi32>
    %mul3A_2597 = arith.constant 208 : i32
    %mul3A_2598 = vector.broadcast %mul3A_2597 : i32 to vector<16xi32>
    %mul3A_2599 = arith.muli %add3A_2596, %mul3A_2598 : vector<16xi32>
    %add3A_2600 = arith.addi %mul3A_2599, %add3A_2230 : vector<16xi32>
    tpu.vector_store_idx %arg9[%add3A_2600], %broadcast_in_dim3A_3 masked %and3A_2593 : memref<2080xf32, #tpu.memory_space<vmem>>[vector<16xi32>], vector<16xf32>, vector<16xi1>
    %add3A_2601 = arith.constant 1 : i32
    %add3A_2602 = vector.broadcast %add3A_2601 : i32 to vector<16xi32>
    %add3A_2603 = arith.addi %mul3A_2416, %add3A_2602 : vector<16xi32>
    %mul3A_2604 = arith.constant 208 : i32
    %mul3A_2605 = vector.broadcast %mul3A_2604 : i32 to vector<16xi32>
    %mul3A_2606 = arith.muli %add3A_2603, %mul3A_2605 : vector<16xi32>
    %add3A_2607 = arith.addi %mul3A_2606, %add3A_2230 : vector<16xi32>
    tpu.vector_store_idx %arg9[%add3A_2607], %sub3A_2224 masked %and3A_2593 : memref<2080xf32, #tpu.memory_space<vmem>>[vector<16xi32>], vector<16xf32>, vector<16xi1>
    %add3A_2608 = arith.constant 2 : i32
    %add3A_2609 = vector.broadcast %add3A_2608 : i32 to vector<16xi32>
    %add3A_2610 = arith.addi %mul3A_2416, %add3A_2609 : vector<16xi32>
    %mul3A_2611 = arith.constant 208 : i32
    %mul3A_2612 = vector.broadcast %mul3A_2611 : i32 to vector<16xi32>
    %mul3A_2613 = arith.muli %add3A_2610, %mul3A_2612 : vector<16xi32>
    %add3A_2614 = arith.addi %mul3A_2613, %add3A_2230 : vector<16xi32>
    tpu.vector_store_idx %arg9[%add3A_2614], %sub3A_2226 masked %and3A_2593 : memref<2080xf32, #tpu.memory_space<vmem>>[vector<16xi32>], vector<16xf32>, vector<16xi1>
    %add3A_2615 = arith.constant 3 : i32
    %add3A_2616 = vector.broadcast %add3A_2615 : i32 to vector<16xi32>
    %add3A_2617 = arith.addi %mul3A_2416, %add3A_2616 : vector<16xi32>
    %mul3A_2618 = arith.constant 208 : i32
    %mul3A_2619 = vector.broadcast %mul3A_2618 : i32 to vector<16xi32>
    %mul3A_2620 = arith.muli %add3A_2617, %mul3A_2619 : vector<16xi32>
    %add3A_2621 = arith.addi %mul3A_2620, %add3A_2230 : vector<16xi32>
    tpu.vector_store_idx %arg9[%add3A_2621], %sub3A_2213 masked %and3A_2593 : memref<2080xf32, #tpu.memory_space<vmem>>[vector<16xi32>], vector<16xf32>, vector<16xi1>
    %add3A_2622 = arith.constant 4 : i32
    %add3A_2623 = vector.broadcast %add3A_2622 : i32 to vector<16xi32>
    %add3A_2624 = arith.addi %mul3A_2416, %add3A_2623 : vector<16xi32>
    %mul3A_2625 = arith.constant 208 : i32
    %mul3A_2626 = vector.broadcast %mul3A_2625 : i32 to vector<16xi32>
    %mul3A_2627 = arith.muli %add3A_2624, %mul3A_2626 : vector<16xi32>
    %add3A_2628 = arith.addi %mul3A_2627, %add3A_2230 : vector<16xi32>
    tpu.vector_store_idx %arg9[%add3A_2628], %sub3A_2214 masked %and3A_2593 : memref<2080xf32, #tpu.memory_space<vmem>>[vector<16xi32>], vector<16xf32>, vector<16xi1>
    %mul3A_2629 = arith.constant 208 : i32
    %mul3A_2630 = vector.broadcast %mul3A_2629 : i32 to vector<16xi32>
    %mul3A_2631 = arith.muli %convert_element_type3A_2417, %mul3A_2630 : vector<16xi32>
    %add3A_2632 = arith.addi %mul3A_2631, %add3A_2230 : vector<16xi32>
    tpu.vector_store_idx %arg10[%add3A_2632], %broadcast_in_dim3A_3 masked %and3A_2593 : memref<4160xf32, #tpu.memory_space<vmem>>[vector<16xi32>], vector<16xf32>, vector<16xi1>
    tpu.vector_store_idx %arg11[%add3A_2230], %iota3A masked %and3A_2593 : memref<208xi32, #tpu.memory_space<vmem>>[vector<16xi32>], vector<16xi32>, vector<16xi1>
    %eq3A_2633 = arith.constant 5 : i32
    %eq3A_2634 = vector.broadcast %eq3A_2633 : i32 to vector<16xi32>
    %eq3A_2635 = arith.cmpi eq, %iota3A, %eq3A_2634 : vector<16xi32>
    %and3A_2636 = arith.andi %ne3A_2204, %eq3A_2635 : vector<16xi1>
    %add3A_2637 = arith.constant 0 : i32
    %add3A_2638 = vector.broadcast %add3A_2637 : i32 to vector<16xi32>
    %add3A_2639 = arith.addi %mul3A_2416, %add3A_2638 : vector<16xi32>
    %mul3A_2640 = arith.constant 208 : i32
    %mul3A_2641 = vector.broadcast %mul3A_2640 : i32 to vector<16xi32>
    %mul3A_2642 = arith.muli %add3A_2639, %mul3A_2641 : vector<16xi32>
    %add3A_2643 = arith.addi %mul3A_2642, %add3A_2230 : vector<16xi32>
    tpu.vector_store_idx %arg9[%add3A_2643], %broadcast_in_dim3A_3 masked %and3A_2636 : memref<2080xf32, #tpu.memory_space<vmem>>[vector<16xi32>], vector<16xf32>, vector<16xi1>
    %add3A_2644 = arith.constant 1 : i32
    %add3A_2645 = vector.broadcast %add3A_2644 : i32 to vector<16xi32>
    %add3A_2646 = arith.addi %mul3A_2416, %add3A_2645 : vector<16xi32>
    %mul3A_2647 = arith.constant 208 : i32
    %mul3A_2648 = vector.broadcast %mul3A_2647 : i32 to vector<16xi32>
    %mul3A_2649 = arith.muli %add3A_2646, %mul3A_2648 : vector<16xi32>
    %add3A_2650 = arith.addi %mul3A_2649, %add3A_2230 : vector<16xi32>
    tpu.vector_store_idx %arg9[%add3A_2650], %sub3A_2224 masked %and3A_2636 : memref<2080xf32, #tpu.memory_space<vmem>>[vector<16xi32>], vector<16xf32>, vector<16xi1>
    %add3A_2651 = arith.constant 2 : i32
    %add3A_2652 = vector.broadcast %add3A_2651 : i32 to vector<16xi32>
    %add3A_2653 = arith.addi %mul3A_2416, %add3A_2652 : vector<16xi32>
    %mul3A_2654 = arith.constant 208 : i32
    %mul3A_2655 = vector.broadcast %mul3A_2654 : i32 to vector<16xi32>
    %mul3A_2656 = arith.muli %add3A_2653, %mul3A_2655 : vector<16xi32>
    %add3A_2657 = arith.addi %mul3A_2656, %add3A_2230 : vector<16xi32>
    tpu.vector_store_idx %arg9[%add3A_2657], %sub3A_2226 masked %and3A_2636 : memref<2080xf32, #tpu.memory_space<vmem>>[vector<16xi32>], vector<16xf32>, vector<16xi1>
    %add3A_2658 = arith.constant 3 : i32
    %add3A_2659 = vector.broadcast %add3A_2658 : i32 to vector<16xi32>
    %add3A_2660 = arith.addi %mul3A_2416, %add3A_2659 : vector<16xi32>
    %mul3A_2661 = arith.constant 208 : i32
    %mul3A_2662 = vector.broadcast %mul3A_2661 : i32 to vector<16xi32>
    %mul3A_2663 = arith.muli %add3A_2660, %mul3A_2662 : vector<16xi32>
    %add3A_2664 = arith.addi %mul3A_2663, %add3A_2230 : vector<16xi32>
    tpu.vector_store_idx %arg9[%add3A_2664], %sub3A_2213 masked %and3A_2636 : memref<2080xf32, #tpu.memory_space<vmem>>[vector<16xi32>], vector<16xf32>, vector<16xi1>
    %add3A_2665 = arith.constant 4 : i32
    %add3A_2666 = vector.broadcast %add3A_2665 : i32 to vector<16xi32>
    %add3A_2667 = arith.addi %mul3A_2416, %add3A_2666 : vector<16xi32>
    %mul3A_2668 = arith.constant 208 : i32
    %mul3A_2669 = vector.broadcast %mul3A_2668 : i32 to vector<16xi32>
    %mul3A_2670 = arith.muli %add3A_2667, %mul3A_2669 : vector<16xi32>
    %add3A_2671 = arith.addi %mul3A_2670, %add3A_2230 : vector<16xi32>
    tpu.vector_store_idx %arg9[%add3A_2671], %sub3A_2214 masked %and3A_2636 : memref<2080xf32, #tpu.memory_space<vmem>>[vector<16xi32>], vector<16xf32>, vector<16xi1>
    %mul3A_2672 = arith.constant 208 : i32
    %mul3A_2673 = vector.broadcast %mul3A_2672 : i32 to vector<16xi32>
    %mul3A_2674 = arith.muli %convert_element_type3A_2417, %mul3A_2673 : vector<16xi32>
    %add3A_2675 = arith.addi %mul3A_2674, %add3A_2230 : vector<16xi32>
    tpu.vector_store_idx %arg10[%add3A_2675], %broadcast_in_dim3A_3 masked %and3A_2636 : memref<4160xf32, #tpu.memory_space<vmem>>[vector<16xi32>], vector<16xf32>, vector<16xi1>
    tpu.vector_store_idx %arg11[%add3A_2230], %iota3A masked %and3A_2636 : memref<208xi32, #tpu.memory_space<vmem>>[vector<16xi32>], vector<16xi32>, vector<16xi1>
    %eq3A_2676 = arith.constant 6 : i32
    %eq3A_2677 = vector.broadcast %eq3A_2676 : i32 to vector<16xi32>
    %eq3A_2678 = arith.cmpi eq, %iota3A, %eq3A_2677 : vector<16xi32>
    %and3A_2679 = arith.andi %ne3A_2204, %eq3A_2678 : vector<16xi1>
    %add3A_2680 = arith.constant 0 : i32
    %add3A_2681 = vector.broadcast %add3A_2680 : i32 to vector<16xi32>
    %add3A_2682 = arith.addi %mul3A_2416, %add3A_2681 : vector<16xi32>
    %mul3A_2683 = arith.constant 208 : i32
    %mul3A_2684 = vector.broadcast %mul3A_2683 : i32 to vector<16xi32>
    %mul3A_2685 = arith.muli %add3A_2682, %mul3A_2684 : vector<16xi32>
    %add3A_2686 = arith.addi %mul3A_2685, %add3A_2230 : vector<16xi32>
    tpu.vector_store_idx %arg9[%add3A_2686], %broadcast_in_dim3A_3 masked %and3A_2679 : memref<2080xf32, #tpu.memory_space<vmem>>[vector<16xi32>], vector<16xf32>, vector<16xi1>
    %add3A_2687 = arith.constant 1 : i32
    %add3A_2688 = vector.broadcast %add3A_2687 : i32 to vector<16xi32>
    %add3A_2689 = arith.addi %mul3A_2416, %add3A_2688 : vector<16xi32>
    %mul3A_2690 = arith.constant 208 : i32
    %mul3A_2691 = vector.broadcast %mul3A_2690 : i32 to vector<16xi32>
    %mul3A_2692 = arith.muli %add3A_2689, %mul3A_2691 : vector<16xi32>
    %add3A_2693 = arith.addi %mul3A_2692, %add3A_2230 : vector<16xi32>
    tpu.vector_store_idx %arg9[%add3A_2693], %sub3A_2224 masked %and3A_2679 : memref<2080xf32, #tpu.memory_space<vmem>>[vector<16xi32>], vector<16xf32>, vector<16xi1>
    %add3A_2694 = arith.constant 2 : i32
    %add3A_2695 = vector.broadcast %add3A_2694 : i32 to vector<16xi32>
    %add3A_2696 = arith.addi %mul3A_2416, %add3A_2695 : vector<16xi32>
    %mul3A_2697 = arith.constant 208 : i32
    %mul3A_2698 = vector.broadcast %mul3A_2697 : i32 to vector<16xi32>
    %mul3A_2699 = arith.muli %add3A_2696, %mul3A_2698 : vector<16xi32>
    %add3A_2700 = arith.addi %mul3A_2699, %add3A_2230 : vector<16xi32>
    tpu.vector_store_idx %arg9[%add3A_2700], %sub3A_2226 masked %and3A_2679 : memref<2080xf32, #tpu.memory_space<vmem>>[vector<16xi32>], vector<16xf32>, vector<16xi1>
    %add3A_2701 = arith.constant 3 : i32
    %add3A_2702 = vector.broadcast %add3A_2701 : i32 to vector<16xi32>
    %add3A_2703 = arith.addi %mul3A_2416, %add3A_2702 : vector<16xi32>
    %mul3A_2704 = arith.constant 208 : i32
    %mul3A_2705 = vector.broadcast %mul3A_2704 : i32 to vector<16xi32>
    %mul3A_2706 = arith.muli %add3A_2703, %mul3A_2705 : vector<16xi32>
    %add3A_2707 = arith.addi %mul3A_2706, %add3A_2230 : vector<16xi32>
    tpu.vector_store_idx %arg9[%add3A_2707], %sub3A_2213 masked %and3A_2679 : memref<2080xf32, #tpu.memory_space<vmem>>[vector<16xi32>], vector<16xf32>, vector<16xi1>
    %add3A_2708 = arith.constant 4 : i32
    %add3A_2709 = vector.broadcast %add3A_2708 : i32 to vector<16xi32>
    %add3A_2710 = arith.addi %mul3A_2416, %add3A_2709 : vector<16xi32>
    %mul3A_2711 = arith.constant 208 : i32
    %mul3A_2712 = vector.broadcast %mul3A_2711 : i32 to vector<16xi32>
    %mul3A_2713 = arith.muli %add3A_2710, %mul3A_2712 : vector<16xi32>
    %add3A_2714 = arith.addi %mul3A_2713, %add3A_2230 : vector<16xi32>
    tpu.vector_store_idx %arg9[%add3A_2714], %sub3A_2214 masked %and3A_2679 : memref<2080xf32, #tpu.memory_space<vmem>>[vector<16xi32>], vector<16xf32>, vector<16xi1>
    %mul3A_2715 = arith.constant 208 : i32
    %mul3A_2716 = vector.broadcast %mul3A_2715 : i32 to vector<16xi32>
    %mul3A_2717 = arith.muli %convert_element_type3A_2417, %mul3A_2716 : vector<16xi32>
    %add3A_2718 = arith.addi %mul3A_2717, %add3A_2230 : vector<16xi32>
    tpu.vector_store_idx %arg10[%add3A_2718], %broadcast_in_dim3A_3 masked %and3A_2679 : memref<4160xf32, #tpu.memory_space<vmem>>[vector<16xi32>], vector<16xf32>, vector<16xi1>
    tpu.vector_store_idx %arg11[%add3A_2230], %iota3A masked %and3A_2679 : memref<208xi32, #tpu.memory_space<vmem>>[vector<16xi32>], vector<16xi32>, vector<16xi1>
    %eq3A_2719 = arith.constant 7 : i32
    %eq3A_2720 = vector.broadcast %eq3A_2719 : i32 to vector<16xi32>
    %eq3A_2721 = arith.cmpi eq, %iota3A, %eq3A_2720 : vector<16xi32>
    %and3A_2722 = arith.andi %ne3A_2204, %eq3A_2721 : vector<16xi1>
    %add3A_2723 = arith.constant 0 : i32
    %add3A_2724 = vector.broadcast %add3A_2723 : i32 to vector<16xi32>
    %add3A_2725 = arith.addi %mul3A_2416, %add3A_2724 : vector<16xi32>
    %mul3A_2726 = arith.constant 208 : i32
    %mul3A_2727 = vector.broadcast %mul3A_2726 : i32 to vector<16xi32>
    %mul3A_2728 = arith.muli %add3A_2725, %mul3A_2727 : vector<16xi32>
    %add3A_2729 = arith.addi %mul3A_2728, %add3A_2230 : vector<16xi32>
    tpu.vector_store_idx %arg9[%add3A_2729], %broadcast_in_dim3A_3 masked %and3A_2722 : memref<2080xf32, #tpu.memory_space<vmem>>[vector<16xi32>], vector<16xf32>, vector<16xi1>
    %add3A_2730 = arith.constant 1 : i32
    %add3A_2731 = vector.broadcast %add3A_2730 : i32 to vector<16xi32>
    %add3A_2732 = arith.addi %mul3A_2416, %add3A_2731 : vector<16xi32>
    %mul3A_2733 = arith.constant 208 : i32
    %mul3A_2734 = vector.broadcast %mul3A_2733 : i32 to vector<16xi32>
    %mul3A_2735 = arith.muli %add3A_2732, %mul3A_2734 : vector<16xi32>
    %add3A_2736 = arith.addi %mul3A_2735, %add3A_2230 : vector<16xi32>
    tpu.vector_store_idx %arg9[%add3A_2736], %sub3A_2224 masked %and3A_2722 : memref<2080xf32, #tpu.memory_space<vmem>>[vector<16xi32>], vector<16xf32>, vector<16xi1>
    %add3A_2737 = arith.constant 2 : i32
    %add3A_2738 = vector.broadcast %add3A_2737 : i32 to vector<16xi32>
    %add3A_2739 = arith.addi %mul3A_2416, %add3A_2738 : vector<16xi32>
    %mul3A_2740 = arith.constant 208 : i32
    %mul3A_2741 = vector.broadcast %mul3A_2740 : i32 to vector<16xi32>
    %mul3A_2742 = arith.muli %add3A_2739, %mul3A_2741 : vector<16xi32>
    %add3A_2743 = arith.addi %mul3A_2742, %add3A_2230 : vector<16xi32>
    tpu.vector_store_idx %arg9[%add3A_2743], %sub3A_2226 masked %and3A_2722 : memref<2080xf32, #tpu.memory_space<vmem>>[vector<16xi32>], vector<16xf32>, vector<16xi1>
    %add3A_2744 = arith.constant 3 : i32
    %add3A_2745 = vector.broadcast %add3A_2744 : i32 to vector<16xi32>
    %add3A_2746 = arith.addi %mul3A_2416, %add3A_2745 : vector<16xi32>
    %mul3A_2747 = arith.constant 208 : i32
    %mul3A_2748 = vector.broadcast %mul3A_2747 : i32 to vector<16xi32>
    %mul3A_2749 = arith.muli %add3A_2746, %mul3A_2748 : vector<16xi32>
    %add3A_2750 = arith.addi %mul3A_2749, %add3A_2230 : vector<16xi32>
    tpu.vector_store_idx %arg9[%add3A_2750], %sub3A_2213 masked %and3A_2722 : memref<2080xf32, #tpu.memory_space<vmem>>[vector<16xi32>], vector<16xf32>, vector<16xi1>
    %add3A_2751 = arith.constant 4 : i32
    %add3A_2752 = vector.broadcast %add3A_2751 : i32 to vector<16xi32>
    %add3A_2753 = arith.addi %mul3A_2416, %add3A_2752 : vector<16xi32>
    %mul3A_2754 = arith.constant 208 : i32
    %mul3A_2755 = vector.broadcast %mul3A_2754 : i32 to vector<16xi32>
    %mul3A_2756 = arith.muli %add3A_2753, %mul3A_2755 : vector<16xi32>
    %add3A_2757 = arith.addi %mul3A_2756, %add3A_2230 : vector<16xi32>
    tpu.vector_store_idx %arg9[%add3A_2757], %sub3A_2214 masked %and3A_2722 : memref<2080xf32, #tpu.memory_space<vmem>>[vector<16xi32>], vector<16xf32>, vector<16xi1>
    %mul3A_2758 = arith.constant 208 : i32
    %mul3A_2759 = vector.broadcast %mul3A_2758 : i32 to vector<16xi32>
    %mul3A_2760 = arith.muli %convert_element_type3A_2417, %mul3A_2759 : vector<16xi32>
    %add3A_2761 = arith.addi %mul3A_2760, %add3A_2230 : vector<16xi32>
    tpu.vector_store_idx %arg10[%add3A_2761], %broadcast_in_dim3A_3 masked %and3A_2722 : memref<4160xf32, #tpu.memory_space<vmem>>[vector<16xi32>], vector<16xf32>, vector<16xi1>
    tpu.vector_store_idx %arg11[%add3A_2230], %iota3A masked %and3A_2722 : memref<208xi32, #tpu.memory_space<vmem>>[vector<16xi32>], vector<16xi32>, vector<16xi1>
    %eq3A_2762 = arith.constant 8 : i32
    %eq3A_2763 = vector.broadcast %eq3A_2762 : i32 to vector<16xi32>
    %eq3A_2764 = arith.cmpi eq, %iota3A, %eq3A_2763 : vector<16xi32>
    %and3A_2765 = arith.andi %ne3A_2204, %eq3A_2764 : vector<16xi1>
    %add3A_2766 = arith.constant 0 : i32
    %add3A_2767 = vector.broadcast %add3A_2766 : i32 to vector<16xi32>
    %add3A_2768 = arith.addi %mul3A_2416, %add3A_2767 : vector<16xi32>
    %mul3A_2769 = arith.constant 208 : i32
    %mul3A_2770 = vector.broadcast %mul3A_2769 : i32 to vector<16xi32>
    %mul3A_2771 = arith.muli %add3A_2768, %mul3A_2770 : vector<16xi32>
    %add3A_2772 = arith.addi %mul3A_2771, %add3A_2230 : vector<16xi32>
    tpu.vector_store_idx %arg9[%add3A_2772], %broadcast_in_dim3A_3 masked %and3A_2765 : memref<2080xf32, #tpu.memory_space<vmem>>[vector<16xi32>], vector<16xf32>, vector<16xi1>
    %add3A_2773 = arith.constant 1 : i32
    %add3A_2774 = vector.broadcast %add3A_2773 : i32 to vector<16xi32>
    %add3A_2775 = arith.addi %mul3A_2416, %add3A_2774 : vector<16xi32>
    %mul3A_2776 = arith.constant 208 : i32
    %mul3A_2777 = vector.broadcast %mul3A_2776 : i32 to vector<16xi32>
    %mul3A_2778 = arith.muli %add3A_2775, %mul3A_2777 : vector<16xi32>
    %add3A_2779 = arith.addi %mul3A_2778, %add3A_2230 : vector<16xi32>
    tpu.vector_store_idx %arg9[%add3A_2779], %sub3A_2224 masked %and3A_2765 : memref<2080xf32, #tpu.memory_space<vmem>>[vector<16xi32>], vector<16xf32>, vector<16xi1>
    %add3A_2780 = arith.constant 2 : i32
    %add3A_2781 = vector.broadcast %add3A_2780 : i32 to vector<16xi32>
    %add3A_2782 = arith.addi %mul3A_2416, %add3A_2781 : vector<16xi32>
    %mul3A_2783 = arith.constant 208 : i32
    %mul3A_2784 = vector.broadcast %mul3A_2783 : i32 to vector<16xi32>
    %mul3A_2785 = arith.muli %add3A_2782, %mul3A_2784 : vector<16xi32>
    %add3A_2786 = arith.addi %mul3A_2785, %add3A_2230 : vector<16xi32>
    tpu.vector_store_idx %arg9[%add3A_2786], %sub3A_2226 masked %and3A_2765 : memref<2080xf32, #tpu.memory_space<vmem>>[vector<16xi32>], vector<16xf32>, vector<16xi1>
    %add3A_2787 = arith.constant 3 : i32
    %add3A_2788 = vector.broadcast %add3A_2787 : i32 to vector<16xi32>
    %add3A_2789 = arith.addi %mul3A_2416, %add3A_2788 : vector<16xi32>
    %mul3A_2790 = arith.constant 208 : i32
    %mul3A_2791 = vector.broadcast %mul3A_2790 : i32 to vector<16xi32>
    %mul3A_2792 = arith.muli %add3A_2789, %mul3A_2791 : vector<16xi32>
    %add3A_2793 = arith.addi %mul3A_2792, %add3A_2230 : vector<16xi32>
    tpu.vector_store_idx %arg9[%add3A_2793], %sub3A_2213 masked %and3A_2765 : memref<2080xf32, #tpu.memory_space<vmem>>[vector<16xi32>], vector<16xf32>, vector<16xi1>
    %add3A_2794 = arith.constant 4 : i32
    %add3A_2795 = vector.broadcast %add3A_2794 : i32 to vector<16xi32>
    %add3A_2796 = arith.addi %mul3A_2416, %add3A_2795 : vector<16xi32>
    %mul3A_2797 = arith.constant 208 : i32
    %mul3A_2798 = vector.broadcast %mul3A_2797 : i32 to vector<16xi32>
    %mul3A_2799 = arith.muli %add3A_2796, %mul3A_2798 : vector<16xi32>
    %add3A_2800 = arith.addi %mul3A_2799, %add3A_2230 : vector<16xi32>
    tpu.vector_store_idx %arg9[%add3A_2800], %sub3A_2214 masked %and3A_2765 : memref<2080xf32, #tpu.memory_space<vmem>>[vector<16xi32>], vector<16xf32>, vector<16xi1>
    %mul3A_2801 = arith.constant 208 : i32
    %mul3A_2802 = vector.broadcast %mul3A_2801 : i32 to vector<16xi32>
    %mul3A_2803 = arith.muli %convert_element_type3A_2417, %mul3A_2802 : vector<16xi32>
    %add3A_2804 = arith.addi %mul3A_2803, %add3A_2230 : vector<16xi32>
    tpu.vector_store_idx %arg10[%add3A_2804], %broadcast_in_dim3A_3 masked %and3A_2765 : memref<4160xf32, #tpu.memory_space<vmem>>[vector<16xi32>], vector<16xf32>, vector<16xi1>
    tpu.vector_store_idx %arg11[%add3A_2230], %iota3A masked %and3A_2765 : memref<208xi32, #tpu.memory_space<vmem>>[vector<16xi32>], vector<16xi32>, vector<16xi1>
    %eq3A_2805 = arith.constant 9 : i32
    %eq3A_2806 = vector.broadcast %eq3A_2805 : i32 to vector<16xi32>
    %eq3A_2807 = arith.cmpi eq, %iota3A, %eq3A_2806 : vector<16xi32>
    %and3A_2808 = arith.andi %ne3A_2204, %eq3A_2807 : vector<16xi1>
    %add3A_2809 = arith.constant 0 : i32
    %add3A_2810 = vector.broadcast %add3A_2809 : i32 to vector<16xi32>
    %add3A_2811 = arith.addi %mul3A_2416, %add3A_2810 : vector<16xi32>
    %mul3A_2812 = arith.constant 208 : i32
    %mul3A_2813 = vector.broadcast %mul3A_2812 : i32 to vector<16xi32>
    %mul3A_2814 = arith.muli %add3A_2811, %mul3A_2813 : vector<16xi32>
    %add3A_2815 = arith.addi %mul3A_2814, %add3A_2230 : vector<16xi32>
    tpu.vector_store_idx %arg9[%add3A_2815], %broadcast_in_dim3A_3 masked %and3A_2808 : memref<2080xf32, #tpu.memory_space<vmem>>[vector<16xi32>], vector<16xf32>, vector<16xi1>
    %add3A_2816 = arith.constant 1 : i32
    %add3A_2817 = vector.broadcast %add3A_2816 : i32 to vector<16xi32>
    %add3A_2818 = arith.addi %mul3A_2416, %add3A_2817 : vector<16xi32>
    %mul3A_2819 = arith.constant 208 : i32
    %mul3A_2820 = vector.broadcast %mul3A_2819 : i32 to vector<16xi32>
    %mul3A_2821 = arith.muli %add3A_2818, %mul3A_2820 : vector<16xi32>
    %add3A_2822 = arith.addi %mul3A_2821, %add3A_2230 : vector<16xi32>
    tpu.vector_store_idx %arg9[%add3A_2822], %sub3A_2224 masked %and3A_2808 : memref<2080xf32, #tpu.memory_space<vmem>>[vector<16xi32>], vector<16xf32>, vector<16xi1>
    %add3A_2823 = arith.constant 2 : i32
    %add3A_2824 = vector.broadcast %add3A_2823 : i32 to vector<16xi32>
    %add3A_2825 = arith.addi %mul3A_2416, %add3A_2824 : vector<16xi32>
    %mul3A_2826 = arith.constant 208 : i32
    %mul3A_2827 = vector.broadcast %mul3A_2826 : i32 to vector<16xi32>
    %mul3A_2828 = arith.muli %add3A_2825, %mul3A_2827 : vector<16xi32>
    %add3A_2829 = arith.addi %mul3A_2828, %add3A_2230 : vector<16xi32>
    tpu.vector_store_idx %arg9[%add3A_2829], %sub3A_2226 masked %and3A_2808 : memref<2080xf32, #tpu.memory_space<vmem>>[vector<16xi32>], vector<16xf32>, vector<16xi1>
    %add3A_2830 = arith.constant 3 : i32
    %add3A_2831 = vector.broadcast %add3A_2830 : i32 to vector<16xi32>
    %add3A_2832 = arith.addi %mul3A_2416, %add3A_2831 : vector<16xi32>
    %mul3A_2833 = arith.constant 208 : i32
    %mul3A_2834 = vector.broadcast %mul3A_2833 : i32 to vector<16xi32>
    %mul3A_2835 = arith.muli %add3A_2832, %mul3A_2834 : vector<16xi32>
    %add3A_2836 = arith.addi %mul3A_2835, %add3A_2230 : vector<16xi32>
    tpu.vector_store_idx %arg9[%add3A_2836], %sub3A_2213 masked %and3A_2808 : memref<2080xf32, #tpu.memory_space<vmem>>[vector<16xi32>], vector<16xf32>, vector<16xi1>
    %add3A_2837 = arith.constant 4 : i32
    %add3A_2838 = vector.broadcast %add3A_2837 : i32 to vector<16xi32>
    %add3A_2839 = arith.addi %mul3A_2416, %add3A_2838 : vector<16xi32>
    %mul3A_2840 = arith.constant 208 : i32
    %mul3A_2841 = vector.broadcast %mul3A_2840 : i32 to vector<16xi32>
    %mul3A_2842 = arith.muli %add3A_2839, %mul3A_2841 : vector<16xi32>
    %add3A_2843 = arith.addi %mul3A_2842, %add3A_2230 : vector<16xi32>
    tpu.vector_store_idx %arg9[%add3A_2843], %sub3A_2214 masked %and3A_2808 : memref<2080xf32, #tpu.memory_space<vmem>>[vector<16xi32>], vector<16xf32>, vector<16xi1>
    %mul3A_2844 = arith.constant 208 : i32
    %mul3A_2845 = vector.broadcast %mul3A_2844 : i32 to vector<16xi32>
    %mul3A_2846 = arith.muli %convert_element_type3A_2417, %mul3A_2845 : vector<16xi32>
    %add3A_2847 = arith.addi %mul3A_2846, %add3A_2230 : vector<16xi32>
    tpu.vector_store_idx %arg10[%add3A_2847], %broadcast_in_dim3A_3 masked %and3A_2808 : memref<4160xf32, #tpu.memory_space<vmem>>[vector<16xi32>], vector<16xf32>, vector<16xi1>
    tpu.vector_store_idx %arg11[%add3A_2230], %iota3A masked %and3A_2808 : memref<208xi32, #tpu.memory_space<vmem>>[vector<16xi32>], vector<16xi32>, vector<16xi1>
    %eq3A_2848 = arith.constant 10 : i32
    %eq3A_2849 = vector.broadcast %eq3A_2848 : i32 to vector<16xi32>
    %eq3A_2850 = arith.cmpi eq, %iota3A, %eq3A_2849 : vector<16xi32>
    %and3A_2851 = arith.andi %ne3A_2204, %eq3A_2850 : vector<16xi1>
    %add3A_2852 = arith.constant 0 : i32
    %add3A_2853 = vector.broadcast %add3A_2852 : i32 to vector<16xi32>
    %add3A_2854 = arith.addi %mul3A_2416, %add3A_2853 : vector<16xi32>
    %mul3A_2855 = arith.constant 208 : i32
    %mul3A_2856 = vector.broadcast %mul3A_2855 : i32 to vector<16xi32>
    %mul3A_2857 = arith.muli %add3A_2854, %mul3A_2856 : vector<16xi32>
    %add3A_2858 = arith.addi %mul3A_2857, %add3A_2230 : vector<16xi32>
    tpu.vector_store_idx %arg9[%add3A_2858], %broadcast_in_dim3A_3 masked %and3A_2851 : memref<2080xf32, #tpu.memory_space<vmem>>[vector<16xi32>], vector<16xf32>, vector<16xi1>
    %add3A_2859 = arith.constant 1 : i32
    %add3A_2860 = vector.broadcast %add3A_2859 : i32 to vector<16xi32>
    %add3A_2861 = arith.addi %mul3A_2416, %add3A_2860 : vector<16xi32>
    %mul3A_2862 = arith.constant 208 : i32
    %mul3A_2863 = vector.broadcast %mul3A_2862 : i32 to vector<16xi32>
    %mul3A_2864 = arith.muli %add3A_2861, %mul3A_2863 : vector<16xi32>
    %add3A_2865 = arith.addi %mul3A_2864, %add3A_2230 : vector<16xi32>
    tpu.vector_store_idx %arg9[%add3A_2865], %sub3A_2224 masked %and3A_2851 : memref<2080xf32, #tpu.memory_space<vmem>>[vector<16xi32>], vector<16xf32>, vector<16xi1>
    %add3A_2866 = arith.constant 2 : i32
    %add3A_2867 = vector.broadcast %add3A_2866 : i32 to vector<16xi32>
    %add3A_2868 = arith.addi %mul3A_2416, %add3A_2867 : vector<16xi32>
    %mul3A_2869 = arith.constant 208 : i32
    %mul3A_2870 = vector.broadcast %mul3A_2869 : i32 to vector<16xi32>
    %mul3A_2871 = arith.muli %add3A_2868, %mul3A_2870 : vector<16xi32>
    %add3A_2872 = arith.addi %mul3A_2871, %add3A_2230 : vector<16xi32>
    tpu.vector_store_idx %arg9[%add3A_2872], %sub3A_2226 masked %and3A_2851 : memref<2080xf32, #tpu.memory_space<vmem>>[vector<16xi32>], vector<16xf32>, vector<16xi1>
    %add3A_2873 = arith.constant 3 : i32
    %add3A_2874 = vector.broadcast %add3A_2873 : i32 to vector<16xi32>
    %add3A_2875 = arith.addi %mul3A_2416, %add3A_2874 : vector<16xi32>
    %mul3A_2876 = arith.constant 208 : i32
    %mul3A_2877 = vector.broadcast %mul3A_2876 : i32 to vector<16xi32>
    %mul3A_2878 = arith.muli %add3A_2875, %mul3A_2877 : vector<16xi32>
    %add3A_2879 = arith.addi %mul3A_2878, %add3A_2230 : vector<16xi32>
    tpu.vector_store_idx %arg9[%add3A_2879], %sub3A_2213 masked %and3A_2851 : memref<2080xf32, #tpu.memory_space<vmem>>[vector<16xi32>], vector<16xf32>, vector<16xi1>
    %add3A_2880 = arith.constant 4 : i32
    %add3A_2881 = vector.broadcast %add3A_2880 : i32 to vector<16xi32>
    %add3A_2882 = arith.addi %mul3A_2416, %add3A_2881 : vector<16xi32>
    %mul3A_2883 = arith.constant 208 : i32
    %mul3A_2884 = vector.broadcast %mul3A_2883 : i32 to vector<16xi32>
    %mul3A_2885 = arith.muli %add3A_2882, %mul3A_2884 : vector<16xi32>
    %add3A_2886 = arith.addi %mul3A_2885, %add3A_2230 : vector<16xi32>
    tpu.vector_store_idx %arg9[%add3A_2886], %sub3A_2214 masked %and3A_2851 : memref<2080xf32, #tpu.memory_space<vmem>>[vector<16xi32>], vector<16xf32>, vector<16xi1>
    %mul3A_2887 = arith.constant 208 : i32
    %mul3A_2888 = vector.broadcast %mul3A_2887 : i32 to vector<16xi32>
    %mul3A_2889 = arith.muli %convert_element_type3A_2417, %mul3A_2888 : vector<16xi32>
    %add3A_2890 = arith.addi %mul3A_2889, %add3A_2230 : vector<16xi32>
    tpu.vector_store_idx %arg10[%add3A_2890], %broadcast_in_dim3A_3 masked %and3A_2851 : memref<4160xf32, #tpu.memory_space<vmem>>[vector<16xi32>], vector<16xf32>, vector<16xi1>
    tpu.vector_store_idx %arg11[%add3A_2230], %iota3A masked %and3A_2851 : memref<208xi32, #tpu.memory_space<vmem>>[vector<16xi32>], vector<16xi32>, vector<16xi1>
    %eq3A_2891 = arith.constant 11 : i32
    %eq3A_2892 = vector.broadcast %eq3A_2891 : i32 to vector<16xi32>
    %eq3A_2893 = arith.cmpi eq, %iota3A, %eq3A_2892 : vector<16xi32>
    %and3A_2894 = arith.andi %ne3A_2204, %eq3A_2893 : vector<16xi1>
    %add3A_2895 = arith.constant 0 : i32
    %add3A_2896 = vector.broadcast %add3A_2895 : i32 to vector<16xi32>
    %add3A_2897 = arith.addi %mul3A_2416, %add3A_2896 : vector<16xi32>
    %mul3A_2898 = arith.constant 208 : i32
    %mul3A_2899 = vector.broadcast %mul3A_2898 : i32 to vector<16xi32>
    %mul3A_2900 = arith.muli %add3A_2897, %mul3A_2899 : vector<16xi32>
    %add3A_2901 = arith.addi %mul3A_2900, %add3A_2230 : vector<16xi32>
    tpu.vector_store_idx %arg9[%add3A_2901], %broadcast_in_dim3A_3 masked %and3A_2894 : memref<2080xf32, #tpu.memory_space<vmem>>[vector<16xi32>], vector<16xf32>, vector<16xi1>
    %add3A_2902 = arith.constant 1 : i32
    %add3A_2903 = vector.broadcast %add3A_2902 : i32 to vector<16xi32>
    %add3A_2904 = arith.addi %mul3A_2416, %add3A_2903 : vector<16xi32>
    %mul3A_2905 = arith.constant 208 : i32
    %mul3A_2906 = vector.broadcast %mul3A_2905 : i32 to vector<16xi32>
    %mul3A_2907 = arith.muli %add3A_2904, %mul3A_2906 : vector<16xi32>
    %add3A_2908 = arith.addi %mul3A_2907, %add3A_2230 : vector<16xi32>
    tpu.vector_store_idx %arg9[%add3A_2908], %sub3A_2224 masked %and3A_2894 : memref<2080xf32, #tpu.memory_space<vmem>>[vector<16xi32>], vector<16xf32>, vector<16xi1>
    %add3A_2909 = arith.constant 2 : i32
    %add3A_2910 = vector.broadcast %add3A_2909 : i32 to vector<16xi32>
    %add3A_2911 = arith.addi %mul3A_2416, %add3A_2910 : vector<16xi32>
    %mul3A_2912 = arith.constant 208 : i32
    %mul3A_2913 = vector.broadcast %mul3A_2912 : i32 to vector<16xi32>
    %mul3A_2914 = arith.muli %add3A_2911, %mul3A_2913 : vector<16xi32>
    %add3A_2915 = arith.addi %mul3A_2914, %add3A_2230 : vector<16xi32>
    tpu.vector_store_idx %arg9[%add3A_2915], %sub3A_2226 masked %and3A_2894 : memref<2080xf32, #tpu.memory_space<vmem>>[vector<16xi32>], vector<16xf32>, vector<16xi1>
    %add3A_2916 = arith.constant 3 : i32
    %add3A_2917 = vector.broadcast %add3A_2916 : i32 to vector<16xi32>
    %add3A_2918 = arith.addi %mul3A_2416, %add3A_2917 : vector<16xi32>
    %mul3A_2919 = arith.constant 208 : i32
    %mul3A_2920 = vector.broadcast %mul3A_2919 : i32 to vector<16xi32>
    %mul3A_2921 = arith.muli %add3A_2918, %mul3A_2920 : vector<16xi32>
    %add3A_2922 = arith.addi %mul3A_2921, %add3A_2230 : vector<16xi32>
    tpu.vector_store_idx %arg9[%add3A_2922], %sub3A_2213 masked %and3A_2894 : memref<2080xf32, #tpu.memory_space<vmem>>[vector<16xi32>], vector<16xf32>, vector<16xi1>
    %add3A_2923 = arith.constant 4 : i32
    %add3A_2924 = vector.broadcast %add3A_2923 : i32 to vector<16xi32>
    %add3A_2925 = arith.addi %mul3A_2416, %add3A_2924 : vector<16xi32>
    %mul3A_2926 = arith.constant 208 : i32
    %mul3A_2927 = vector.broadcast %mul3A_2926 : i32 to vector<16xi32>
    %mul3A_2928 = arith.muli %add3A_2925, %mul3A_2927 : vector<16xi32>
    %add3A_2929 = arith.addi %mul3A_2928, %add3A_2230 : vector<16xi32>
    tpu.vector_store_idx %arg9[%add3A_2929], %sub3A_2214 masked %and3A_2894 : memref<2080xf32, #tpu.memory_space<vmem>>[vector<16xi32>], vector<16xf32>, vector<16xi1>
    %mul3A_2930 = arith.constant 208 : i32
    %mul3A_2931 = vector.broadcast %mul3A_2930 : i32 to vector<16xi32>
    %mul3A_2932 = arith.muli %convert_element_type3A_2417, %mul3A_2931 : vector<16xi32>
    %add3A_2933 = arith.addi %mul3A_2932, %add3A_2230 : vector<16xi32>
    tpu.vector_store_idx %arg10[%add3A_2933], %broadcast_in_dim3A_3 masked %and3A_2894 : memref<4160xf32, #tpu.memory_space<vmem>>[vector<16xi32>], vector<16xf32>, vector<16xi1>
    tpu.vector_store_idx %arg11[%add3A_2230], %iota3A masked %and3A_2894 : memref<208xi32, #tpu.memory_space<vmem>>[vector<16xi32>], vector<16xi32>, vector<16xi1>
    %eq3A_2934 = arith.constant 12 : i32
    %eq3A_2935 = vector.broadcast %eq3A_2934 : i32 to vector<16xi32>
    %eq3A_2936 = arith.cmpi eq, %iota3A, %eq3A_2935 : vector<16xi32>
    %and3A_2937 = arith.andi %ne3A_2204, %eq3A_2936 : vector<16xi1>
    %add3A_2938 = arith.constant 0 : i32
    %add3A_2939 = vector.broadcast %add3A_2938 : i32 to vector<16xi32>
    %add3A_2940 = arith.addi %mul3A_2416, %add3A_2939 : vector<16xi32>
    %mul3A_2941 = arith.constant 208 : i32
    %mul3A_2942 = vector.broadcast %mul3A_2941 : i32 to vector<16xi32>
    %mul3A_2943 = arith.muli %add3A_2940, %mul3A_2942 : vector<16xi32>
    %add3A_2944 = arith.addi %mul3A_2943, %add3A_2230 : vector<16xi32>
    tpu.vector_store_idx %arg9[%add3A_2944], %broadcast_in_dim3A_3 masked %and3A_2937 : memref<2080xf32, #tpu.memory_space<vmem>>[vector<16xi32>], vector<16xf32>, vector<16xi1>
    %add3A_2945 = arith.constant 1 : i32
    %add3A_2946 = vector.broadcast %add3A_2945 : i32 to vector<16xi32>
    %add3A_2947 = arith.addi %mul3A_2416, %add3A_2946 : vector<16xi32>
    %mul3A_2948 = arith.constant 208 : i32
    %mul3A_2949 = vector.broadcast %mul3A_2948 : i32 to vector<16xi32>
    %mul3A_2950 = arith.muli %add3A_2947, %mul3A_2949 : vector<16xi32>
    %add3A_2951 = arith.addi %mul3A_2950, %add3A_2230 : vector<16xi32>
    tpu.vector_store_idx %arg9[%add3A_2951], %sub3A_2224 masked %and3A_2937 : memref<2080xf32, #tpu.memory_space<vmem>>[vector<16xi32>], vector<16xf32>, vector<16xi1>
    %add3A_2952 = arith.constant 2 : i32
    %add3A_2953 = vector.broadcast %add3A_2952 : i32 to vector<16xi32>
    %add3A_2954 = arith.addi %mul3A_2416, %add3A_2953 : vector<16xi32>
    %mul3A_2955 = arith.constant 208 : i32
    %mul3A_2956 = vector.broadcast %mul3A_2955 : i32 to vector<16xi32>
    %mul3A_2957 = arith.muli %add3A_2954, %mul3A_2956 : vector<16xi32>
    %add3A_2958 = arith.addi %mul3A_2957, %add3A_2230 : vector<16xi32>
    tpu.vector_store_idx %arg9[%add3A_2958], %sub3A_2226 masked %and3A_2937 : memref<2080xf32, #tpu.memory_space<vmem>>[vector<16xi32>], vector<16xf32>, vector<16xi1>
    %add3A_2959 = arith.constant 3 : i32
    %add3A_2960 = vector.broadcast %add3A_2959 : i32 to vector<16xi32>
    %add3A_2961 = arith.addi %mul3A_2416, %add3A_2960 : vector<16xi32>
    %mul3A_2962 = arith.constant 208 : i32
    %mul3A_2963 = vector.broadcast %mul3A_2962 : i32 to vector<16xi32>
    %mul3A_2964 = arith.muli %add3A_2961, %mul3A_2963 : vector<16xi32>
    %add3A_2965 = arith.addi %mul3A_2964, %add3A_2230 : vector<16xi32>
    tpu.vector_store_idx %arg9[%add3A_2965], %sub3A_2213 masked %and3A_2937 : memref<2080xf32, #tpu.memory_space<vmem>>[vector<16xi32>], vector<16xf32>, vector<16xi1>
    %add3A_2966 = arith.constant 4 : i32
    %add3A_2967 = vector.broadcast %add3A_2966 : i32 to vector<16xi32>
    %add3A_2968 = arith.addi %mul3A_2416, %add3A_2967 : vector<16xi32>
    %mul3A_2969 = arith.constant 208 : i32
    %mul3A_2970 = vector.broadcast %mul3A_2969 : i32 to vector<16xi32>
    %mul3A_2971 = arith.muli %add3A_2968, %mul3A_2970 : vector<16xi32>
    %add3A_2972 = arith.addi %mul3A_2971, %add3A_2230 : vector<16xi32>
    tpu.vector_store_idx %arg9[%add3A_2972], %sub3A_2214 masked %and3A_2937 : memref<2080xf32, #tpu.memory_space<vmem>>[vector<16xi32>], vector<16xf32>, vector<16xi1>
    %mul3A_2973 = arith.constant 208 : i32
    %mul3A_2974 = vector.broadcast %mul3A_2973 : i32 to vector<16xi32>
    %mul3A_2975 = arith.muli %convert_element_type3A_2417, %mul3A_2974 : vector<16xi32>
    %add3A_2976 = arith.addi %mul3A_2975, %add3A_2230 : vector<16xi32>
    tpu.vector_store_idx %arg10[%add3A_2976], %broadcast_in_dim3A_3 masked %and3A_2937 : memref<4160xf32, #tpu.memory_space<vmem>>[vector<16xi32>], vector<16xf32>, vector<16xi1>
    tpu.vector_store_idx %arg11[%add3A_2230], %iota3A masked %and3A_2937 : memref<208xi32, #tpu.memory_space<vmem>>[vector<16xi32>], vector<16xi32>, vector<16xi1>
    %eq3A_2977 = arith.constant 13 : i32
    %eq3A_2978 = vector.broadcast %eq3A_2977 : i32 to vector<16xi32>
    %eq3A_2979 = arith.cmpi eq, %iota3A, %eq3A_2978 : vector<16xi32>
    %and3A_2980 = arith.andi %ne3A_2204, %eq3A_2979 : vector<16xi1>
    %add3A_2981 = arith.constant 0 : i32
    %add3A_2982 = vector.broadcast %add3A_2981 : i32 to vector<16xi32>
    %add3A_2983 = arith.addi %mul3A_2416, %add3A_2982 : vector<16xi32>
    %mul3A_2984 = arith.constant 208 : i32
    %mul3A_2985 = vector.broadcast %mul3A_2984 : i32 to vector<16xi32>
    %mul3A_2986 = arith.muli %add3A_2983, %mul3A_2985 : vector<16xi32>
    %add3A_2987 = arith.addi %mul3A_2986, %add3A_2230 : vector<16xi32>
    tpu.vector_store_idx %arg9[%add3A_2987], %broadcast_in_dim3A_3 masked %and3A_2980 : memref<2080xf32, #tpu.memory_space<vmem>>[vector<16xi32>], vector<16xf32>, vector<16xi1>
    %add3A_2988 = arith.constant 1 : i32
    %add3A_2989 = vector.broadcast %add3A_2988 : i32 to vector<16xi32>
    %add3A_2990 = arith.addi %mul3A_2416, %add3A_2989 : vector<16xi32>
    %mul3A_2991 = arith.constant 208 : i32
    %mul3A_2992 = vector.broadcast %mul3A_2991 : i32 to vector<16xi32>
    %mul3A_2993 = arith.muli %add3A_2990, %mul3A_2992 : vector<16xi32>
    %add3A_2994 = arith.addi %mul3A_2993, %add3A_2230 : vector<16xi32>
    tpu.vector_store_idx %arg9[%add3A_2994], %sub3A_2224 masked %and3A_2980 : memref<2080xf32, #tpu.memory_space<vmem>>[vector<16xi32>], vector<16xf32>, vector<16xi1>
    %add3A_2995 = arith.constant 2 : i32
    %add3A_2996 = vector.broadcast %add3A_2995 : i32 to vector<16xi32>
    %add3A_2997 = arith.addi %mul3A_2416, %add3A_2996 : vector<16xi32>
    %mul3A_2998 = arith.constant 208 : i32
    %mul3A_2999 = vector.broadcast %mul3A_2998 : i32 to vector<16xi32>
    %mul3A_3000 = arith.muli %add3A_2997, %mul3A_2999 : vector<16xi32>
    %add3A_3001 = arith.addi %mul3A_3000, %add3A_2230 : vector<16xi32>
    tpu.vector_store_idx %arg9[%add3A_3001], %sub3A_2226 masked %and3A_2980 : memref<2080xf32, #tpu.memory_space<vmem>>[vector<16xi32>], vector<16xf32>, vector<16xi1>
    %add3A_3002 = arith.constant 3 : i32
    %add3A_3003 = vector.broadcast %add3A_3002 : i32 to vector<16xi32>
    %add3A_3004 = arith.addi %mul3A_2416, %add3A_3003 : vector<16xi32>
    %mul3A_3005 = arith.constant 208 : i32
    %mul3A_3006 = vector.broadcast %mul3A_3005 : i32 to vector<16xi32>
    %mul3A_3007 = arith.muli %add3A_3004, %mul3A_3006 : vector<16xi32>
    %add3A_3008 = arith.addi %mul3A_3007, %add3A_2230 : vector<16xi32>
    tpu.vector_store_idx %arg9[%add3A_3008], %sub3A_2213 masked %and3A_2980 : memref<2080xf32, #tpu.memory_space<vmem>>[vector<16xi32>], vector<16xf32>, vector<16xi1>
    %add3A_3009 = arith.constant 4 : i32
    %add3A_3010 = vector.broadcast %add3A_3009 : i32 to vector<16xi32>
    %add3A_3011 = arith.addi %mul3A_2416, %add3A_3010 : vector<16xi32>
    %mul3A_3012 = arith.constant 208 : i32
    %mul3A_3013 = vector.broadcast %mul3A_3012 : i32 to vector<16xi32>
    %mul3A_3014 = arith.muli %add3A_3011, %mul3A_3013 : vector<16xi32>
    %add3A_3015 = arith.addi %mul3A_3014, %add3A_2230 : vector<16xi32>
    tpu.vector_store_idx %arg9[%add3A_3015], %sub3A_2214 masked %and3A_2980 : memref<2080xf32, #tpu.memory_space<vmem>>[vector<16xi32>], vector<16xf32>, vector<16xi1>
    %mul3A_3016 = arith.constant 208 : i32
    %mul3A_3017 = vector.broadcast %mul3A_3016 : i32 to vector<16xi32>
    %mul3A_3018 = arith.muli %convert_element_type3A_2417, %mul3A_3017 : vector<16xi32>
    %add3A_3019 = arith.addi %mul3A_3018, %add3A_2230 : vector<16xi32>
    tpu.vector_store_idx %arg10[%add3A_3019], %broadcast_in_dim3A_3 masked %and3A_2980 : memref<4160xf32, #tpu.memory_space<vmem>>[vector<16xi32>], vector<16xf32>, vector<16xi1>
    tpu.vector_store_idx %arg11[%add3A_2230], %iota3A masked %and3A_2980 : memref<208xi32, #tpu.memory_space<vmem>>[vector<16xi32>], vector<16xi32>, vector<16xi1>
    %eq3A_3020 = arith.constant 14 : i32
    %eq3A_3021 = vector.broadcast %eq3A_3020 : i32 to vector<16xi32>
    %eq3A_3022 = arith.cmpi eq, %iota3A, %eq3A_3021 : vector<16xi32>
    %and3A_3023 = arith.andi %ne3A_2204, %eq3A_3022 : vector<16xi1>
    %add3A_3024 = arith.constant 0 : i32
    %add3A_3025 = vector.broadcast %add3A_3024 : i32 to vector<16xi32>
    %add3A_3026 = arith.addi %mul3A_2416, %add3A_3025 : vector<16xi32>
    %mul3A_3027 = arith.constant 208 : i32
    %mul3A_3028 = vector.broadcast %mul3A_3027 : i32 to vector<16xi32>
    %mul3A_3029 = arith.muli %add3A_3026, %mul3A_3028 : vector<16xi32>
    %add3A_3030 = arith.addi %mul3A_3029, %add3A_2230 : vector<16xi32>
    tpu.vector_store_idx %arg9[%add3A_3030], %broadcast_in_dim3A_3 masked %and3A_3023 : memref<2080xf32, #tpu.memory_space<vmem>>[vector<16xi32>], vector<16xf32>, vector<16xi1>
    %add3A_3031 = arith.constant 1 : i32
    %add3A_3032 = vector.broadcast %add3A_3031 : i32 to vector<16xi32>
    %add3A_3033 = arith.addi %mul3A_2416, %add3A_3032 : vector<16xi32>
    %mul3A_3034 = arith.constant 208 : i32
    %mul3A_3035 = vector.broadcast %mul3A_3034 : i32 to vector<16xi32>
    %mul3A_3036 = arith.muli %add3A_3033, %mul3A_3035 : vector<16xi32>
    %add3A_3037 = arith.addi %mul3A_3036, %add3A_2230 : vector<16xi32>
    tpu.vector_store_idx %arg9[%add3A_3037], %sub3A_2224 masked %and3A_3023 : memref<2080xf32, #tpu.memory_space<vmem>>[vector<16xi32>], vector<16xf32>, vector<16xi1>
    %add3A_3038 = arith.constant 2 : i32
    %add3A_3039 = vector.broadcast %add3A_3038 : i32 to vector<16xi32>
    %add3A_3040 = arith.addi %mul3A_2416, %add3A_3039 : vector<16xi32>
    %mul3A_3041 = arith.constant 208 : i32
    %mul3A_3042 = vector.broadcast %mul3A_3041 : i32 to vector<16xi32>
    %mul3A_3043 = arith.muli %add3A_3040, %mul3A_3042 : vector<16xi32>
    %add3A_3044 = arith.addi %mul3A_3043, %add3A_2230 : vector<16xi32>
    tpu.vector_store_idx %arg9[%add3A_3044], %sub3A_2226 masked %and3A_3023 : memref<2080xf32, #tpu.memory_space<vmem>>[vector<16xi32>], vector<16xf32>, vector<16xi1>
    %add3A_3045 = arith.constant 3 : i32
    %add3A_3046 = vector.broadcast %add3A_3045 : i32 to vector<16xi32>
    %add3A_3047 = arith.addi %mul3A_2416, %add3A_3046 : vector<16xi32>
    %mul3A_3048 = arith.constant 208 : i32
    %mul3A_3049 = vector.broadcast %mul3A_3048 : i32 to vector<16xi32>
    %mul3A_3050 = arith.muli %add3A_3047, %mul3A_3049 : vector<16xi32>
    %add3A_3051 = arith.addi %mul3A_3050, %add3A_2230 : vector<16xi32>
    tpu.vector_store_idx %arg9[%add3A_3051], %sub3A_2213 masked %and3A_3023 : memref<2080xf32, #tpu.memory_space<vmem>>[vector<16xi32>], vector<16xf32>, vector<16xi1>
    %add3A_3052 = arith.constant 4 : i32
    %add3A_3053 = vector.broadcast %add3A_3052 : i32 to vector<16xi32>
    %add3A_3054 = arith.addi %mul3A_2416, %add3A_3053 : vector<16xi32>
    %mul3A_3055 = arith.constant 208 : i32
    %mul3A_3056 = vector.broadcast %mul3A_3055 : i32 to vector<16xi32>
    %mul3A_3057 = arith.muli %add3A_3054, %mul3A_3056 : vector<16xi32>
    %add3A_3058 = arith.addi %mul3A_3057, %add3A_2230 : vector<16xi32>
    tpu.vector_store_idx %arg9[%add3A_3058], %sub3A_2214 masked %and3A_3023 : memref<2080xf32, #tpu.memory_space<vmem>>[vector<16xi32>], vector<16xf32>, vector<16xi1>
    %mul3A_3059 = arith.constant 208 : i32
    %mul3A_3060 = vector.broadcast %mul3A_3059 : i32 to vector<16xi32>
    %mul3A_3061 = arith.muli %convert_element_type3A_2417, %mul3A_3060 : vector<16xi32>
    %add3A_3062 = arith.addi %mul3A_3061, %add3A_2230 : vector<16xi32>
    tpu.vector_store_idx %arg10[%add3A_3062], %broadcast_in_dim3A_3 masked %and3A_3023 : memref<4160xf32, #tpu.memory_space<vmem>>[vector<16xi32>], vector<16xf32>, vector<16xi1>
    tpu.vector_store_idx %arg11[%add3A_2230], %iota3A masked %and3A_3023 : memref<208xi32, #tpu.memory_space<vmem>>[vector<16xi32>], vector<16xi32>, vector<16xi1>
    %eq3A_3063 = arith.constant 15 : i32
    %eq3A_3064 = vector.broadcast %eq3A_3063 : i32 to vector<16xi32>
    %eq3A_3065 = arith.cmpi eq, %iota3A, %eq3A_3064 : vector<16xi32>
    %and3A_3066 = arith.andi %ne3A_2204, %eq3A_3065 : vector<16xi1>
    %add3A_3067 = arith.constant 0 : i32
    %add3A_3068 = vector.broadcast %add3A_3067 : i32 to vector<16xi32>
    %add3A_3069 = arith.addi %mul3A_2416, %add3A_3068 : vector<16xi32>
    %mul3A_3070 = arith.constant 208 : i32
    %mul3A_3071 = vector.broadcast %mul3A_3070 : i32 to vector<16xi32>
    %mul3A_3072 = arith.muli %add3A_3069, %mul3A_3071 : vector<16xi32>
    %add3A_3073 = arith.addi %mul3A_3072, %add3A_2230 : vector<16xi32>
    tpu.vector_store_idx %arg9[%add3A_3073], %broadcast_in_dim3A_3 masked %and3A_3066 : memref<2080xf32, #tpu.memory_space<vmem>>[vector<16xi32>], vector<16xf32>, vector<16xi1>
    %add3A_3074 = arith.constant 1 : i32
    %add3A_3075 = vector.broadcast %add3A_3074 : i32 to vector<16xi32>
    %add3A_3076 = arith.addi %mul3A_2416, %add3A_3075 : vector<16xi32>
    %mul3A_3077 = arith.constant 208 : i32
    %mul3A_3078 = vector.broadcast %mul3A_3077 : i32 to vector<16xi32>
    %mul3A_3079 = arith.muli %add3A_3076, %mul3A_3078 : vector<16xi32>
    %add3A_3080 = arith.addi %mul3A_3079, %add3A_2230 : vector<16xi32>
    tpu.vector_store_idx %arg9[%add3A_3080], %sub3A_2224 masked %and3A_3066 : memref<2080xf32, #tpu.memory_space<vmem>>[vector<16xi32>], vector<16xf32>, vector<16xi1>
    %add3A_3081 = arith.constant 2 : i32
    %add3A_3082 = vector.broadcast %add3A_3081 : i32 to vector<16xi32>
    %add3A_3083 = arith.addi %mul3A_2416, %add3A_3082 : vector<16xi32>
    %mul3A_3084 = arith.constant 208 : i32
    %mul3A_3085 = vector.broadcast %mul3A_3084 : i32 to vector<16xi32>
    %mul3A_3086 = arith.muli %add3A_3083, %mul3A_3085 : vector<16xi32>
    %add3A_3087 = arith.addi %mul3A_3086, %add3A_2230 : vector<16xi32>
    tpu.vector_store_idx %arg9[%add3A_3087], %sub3A_2226 masked %and3A_3066 : memref<2080xf32, #tpu.memory_space<vmem>>[vector<16xi32>], vector<16xf32>, vector<16xi1>
    %add3A_3088 = arith.constant 3 : i32
    %add3A_3089 = vector.broadcast %add3A_3088 : i32 to vector<16xi32>
    %add3A_3090 = arith.addi %mul3A_2416, %add3A_3089 : vector<16xi32>
    %mul3A_3091 = arith.constant 208 : i32
    %mul3A_3092 = vector.broadcast %mul3A_3091 : i32 to vector<16xi32>
    %mul3A_3093 = arith.muli %add3A_3090, %mul3A_3092 : vector<16xi32>
    %add3A_3094 = arith.addi %mul3A_3093, %add3A_2230 : vector<16xi32>
    tpu.vector_store_idx %arg9[%add3A_3094], %sub3A_2213 masked %and3A_3066 : memref<2080xf32, #tpu.memory_space<vmem>>[vector<16xi32>], vector<16xf32>, vector<16xi1>
    %add3A_3095 = arith.constant 4 : i32
    %add3A_3096 = vector.broadcast %add3A_3095 : i32 to vector<16xi32>
    %add3A_3097 = arith.addi %mul3A_2416, %add3A_3096 : vector<16xi32>
    %mul3A_3098 = arith.constant 208 : i32
    %mul3A_3099 = vector.broadcast %mul3A_3098 : i32 to vector<16xi32>
    %mul3A_3100 = arith.muli %add3A_3097, %mul3A_3099 : vector<16xi32>
    %add3A_3101 = arith.addi %mul3A_3100, %add3A_2230 : vector<16xi32>
    tpu.vector_store_idx %arg9[%add3A_3101], %sub3A_2214 masked %and3A_3066 : memref<2080xf32, #tpu.memory_space<vmem>>[vector<16xi32>], vector<16xf32>, vector<16xi1>
    %mul3A_3102 = arith.constant 208 : i32
    %mul3A_3103 = vector.broadcast %mul3A_3102 : i32 to vector<16xi32>
    %mul3A_3104 = arith.muli %convert_element_type3A_2417, %mul3A_3103 : vector<16xi32>
    %add3A_3105 = arith.addi %mul3A_3104, %add3A_2230 : vector<16xi32>
    tpu.vector_store_idx %arg10[%add3A_3105], %broadcast_in_dim3A_3 masked %and3A_3066 : memref<4160xf32, #tpu.memory_space<vmem>>[vector<16xi32>], vector<16xf32>, vector<16xi1>
    tpu.vector_store_idx %arg11[%add3A_2230], %iota3A masked %and3A_3066 : memref<208xi32, #tpu.memory_space<vmem>>[vector<16xi32>], vector<16xi32>, vector<16xi1>
    %scan3A_3106 = arith.constant 0 : i32
    %mul3A_3107 = arith.constant 16 : i32
    %mul3A_3108 = arith.muli %scan3A_3106, %mul3A_3107 : i32
    %add3A_3109 = vector.broadcast %mul3A_3108 : i32 to vector<16xi32>
    %add3A_3110 = arith.addi %add3A_3109, %iota3A : vector<16xi32>
    %lt3A_3111 = arith.constant 196 : i32
    %lt3A_3112 = vector.broadcast %lt3A_3111 : i32 to vector<16xi32>
    %lt3A_3113 = arith.cmpi slt, %add3A_3110, %lt3A_3112 : vector<16xi32>
    %convert_element_type3A_3114 = arith.extui %lt3A_3113 : vector<16xi1> to vector<16xi32>
    %convert_element_type3A_3115 = arith.sitofp %convert_element_type3A_3114 : vector<16xi32> to vector<16xf32>
    %min3A_3116 = arith.constant 195 : i32
    %min3A_3117 = vector.broadcast %min3A_3116 : i32 to vector<16xi32>
    %min3A_3118 = arith.minsi %add3A_3110, %min3A_3117 : vector<16xi32>
    %mul3A_3119 = arith.constant 30 : i32
    %mul3A_3120 = vector.broadcast %mul3A_3119 : i32 to vector<16xi32>
    %mul3A_3121 = arith.muli %min3A_3118, %mul3A_3120 : vector<16xi32>
    %mul3A_3122 = arith.constant 16 : i32
    %mul3A_3123 = arith.muli %scan3A_3106, %mul3A_3122 : i32
    %get3A_3124 = arith.index_cast %mul3A_3123 : i32 to index
    %get3A_3125 = tpu.vector_load %arg9[%get3A_3124] {strides = array<i32>} : memref<2080xf32, #tpu.memory_space<vmem>>, vector<16xf32>,
    %add3A_3126 = arith.constant 1040 : i32
    %add3A_3127 = arith.addi %add3A_3126, %mul3A_3123 : i32
    %get3A_3128 = arith.index_cast %add3A_3127 : i32 to index
    %get3A_3129 = tpu.vector_load %arg9[%get3A_3128] {strides = array<i32>} : memref<2080xf32, #tpu.memory_space<vmem>>, vector<16xf32>,
    %add3A_3130 = arith.addf %get3A_3125, %get3A_3129 : vector<16xf32>
    %eq3A_3131 = arith.constant 0.000000e+00 : f32
    %eq3A_3132 = vector.broadcast %eq3A_3131 : f32 to vector<16xf32>
    %eq3A_3133 = arith.cmpf oeq, %add3A_3130, %eq3A_3132 : vector<16xf32>
    %convert_element_type3A_3134 = arith.extui %eq3A_3133 : vector<16xi1> to vector<16xi32>
    %convert_element_type3A_3135 = arith.sitofp %convert_element_type3A_3134 : vector<16xi32> to vector<16xf32>
    %mul3A_3136 = arith.mulf %convert_element_type3A_3135, %convert_element_type3A_3115 : vector<16xf32>
    %gather3A_3137 = tpu.vector_load_idx %arg6[%mul3A_3121] : memref<5880xf32, #tpu.memory_space<vmem>>[vector<16xi32>], vector<16xf32>,
    %sub3A_3138 = arith.subf %gather3A_3137, %get3A_3125 : vector<16xf32>
    %add3A_3139 = arith.constant 5 : i32
    %add3A_3140 = vector.broadcast %add3A_3139 : i32 to vector<16xi32>
    %add3A_3141 = arith.addi %mul3A_3121, %add3A_3140 : vector<16xi32>
    %gather3A_3142 = tpu.vector_load_idx %arg6[%add3A_3141] : memref<5880xf32, #tpu.memory_space<vmem>>[vector<16xi32>], vector<16xf32>,
    %sub3A_3143 = arith.subf %gather3A_3142, %get3A_3129 : vector<16xf32>
    %add3A_3144 = arith.addf %add3A_1597, %mul3A_3136 : vector<16xf32>
    %mul3A_3145 = arith.mulf %sub3A_3138, %sub3A_3138 : vector<16xf32>
    %mul3A_3146 = arith.mulf %sub3A_3143, %sub3A_3143 : vector<16xf32>
    %add3A_3147 = arith.addf %mul3A_3145, %mul3A_3146 : vector<16xf32>
    %mul3A_3148 = arith.mulf %mul3A_3136, %add3A_3147 : vector<16xf32>
    %add3A_3149 = arith.addf %add3A_1602, %mul3A_3148 : vector<16xf32>
    %scan3A_3150 = arith.constant 1 : i32
    %mul3A_3151 = arith.constant 16 : i32
    %mul3A_3152 = arith.muli %scan3A_3150, %mul3A_3151 : i32
    %add3A_3153 = vector.broadcast %mul3A_3152 : i32 to vector<16xi32>
    %add3A_3154 = arith.addi %add3A_3153, %iota3A : vector<16xi32>
    %lt3A_3155 = arith.constant 196 : i32
    %lt3A_3156 = vector.broadcast %lt3A_3155 : i32 to vector<16xi32>
    %lt3A_3157 = arith.cmpi slt, %add3A_3154, %lt3A_3156 : vector<16xi32>
    %convert_element_type3A_3158 = arith.extui %lt3A_3157 : vector<16xi1> to vector<16xi32>
    %convert_element_type3A_3159 = arith.sitofp %convert_element_type3A_3158 : vector<16xi32> to vector<16xf32>
    %min3A_3160 = arith.constant 195 : i32
    %min3A_3161 = vector.broadcast %min3A_3160 : i32 to vector<16xi32>
    %min3A_3162 = arith.minsi %add3A_3154, %min3A_3161 : vector<16xi32>
    %mul3A_3163 = arith.constant 30 : i32
    %mul3A_3164 = vector.broadcast %mul3A_3163 : i32 to vector<16xi32>
    %mul3A_3165 = arith.muli %min3A_3162, %mul3A_3164 : vector<16xi32>
    %mul3A_3166 = arith.constant 16 : i32
    %mul3A_3167 = arith.muli %scan3A_3150, %mul3A_3166 : i32
    %get3A_3168 = arith.index_cast %mul3A_3167 : i32 to index
    %get3A_3169 = tpu.vector_load %arg9[%get3A_3168] {strides = array<i32>} : memref<2080xf32, #tpu.memory_space<vmem>>, vector<16xf32>,
    %add3A_3170 = arith.constant 1040 : i32
    %add3A_3171 = arith.addi %add3A_3170, %mul3A_3167 : i32
    %get3A_3172 = arith.index_cast %add3A_3171 : i32 to index
    %get3A_3173 = tpu.vector_load %arg9[%get3A_3172] {strides = array<i32>} : memref<2080xf32, #tpu.memory_space<vmem>>, vector<16xf32>,
    %add3A_3174 = arith.addf %get3A_3169, %get3A_3173 : vector<16xf32>
    %eq3A_3175 = arith.constant 0.000000e+00 : f32
    %eq3A_3176 = vector.broadcast %eq3A_3175 : f32 to vector<16xf32>
    %eq3A_3177 = arith.cmpf oeq, %add3A_3174, %eq3A_3176 : vector<16xf32>
    %convert_element_type3A_3178 = arith.extui %eq3A_3177 : vector<16xi1> to vector<16xi32>
    %convert_element_type3A_3179 = arith.sitofp %convert_element_type3A_3178 : vector<16xi32> to vector<16xf32>
    %mul3A_3180 = arith.mulf %convert_element_type3A_3179, %convert_element_type3A_3159 : vector<16xf32>
    %gather3A_3181 = tpu.vector_load_idx %arg6[%mul3A_3165] : memref<5880xf32, #tpu.memory_space<vmem>>[vector<16xi32>], vector<16xf32>,
    %sub3A_3182 = arith.subf %gather3A_3181, %get3A_3169 : vector<16xf32>
    %add3A_3183 = arith.constant 5 : i32
    %add3A_3184 = vector.broadcast %add3A_3183 : i32 to vector<16xi32>
    %add3A_3185 = arith.addi %mul3A_3165, %add3A_3184 : vector<16xi32>
    %gather3A_3186 = tpu.vector_load_idx %arg6[%add3A_3185] : memref<5880xf32, #tpu.memory_space<vmem>>[vector<16xi32>], vector<16xf32>,
    %sub3A_3187 = arith.subf %gather3A_3186, %get3A_3173 : vector<16xf32>
    %add3A_3188 = arith.addf %add3A_3144, %mul3A_3180 : vector<16xf32>
    %mul3A_3189 = arith.mulf %sub3A_3182, %sub3A_3182 : vector<16xf32>
    %mul3A_3190 = arith.mulf %sub3A_3187, %sub3A_3187 : vector<16xf32>
    %add3A_3191 = arith.addf %mul3A_3189, %mul3A_3190 : vector<16xf32>
    %mul3A_3192 = arith.mulf %mul3A_3180, %add3A_3191 : vector<16xf32>
    %add3A_3193 = arith.addf %add3A_3149, %mul3A_3192 : vector<16xf32>
    %scan3A_3194 = arith.constant 2 : i32
    %mul3A_3195 = arith.constant 16 : i32
    %mul3A_3196 = arith.muli %scan3A_3194, %mul3A_3195 : i32
    %add3A_3197 = vector.broadcast %mul3A_3196 : i32 to vector<16xi32>
    %add3A_3198 = arith.addi %add3A_3197, %iota3A : vector<16xi32>
    %lt3A_3199 = arith.constant 196 : i32
    %lt3A_3200 = vector.broadcast %lt3A_3199 : i32 to vector<16xi32>
    %lt3A_3201 = arith.cmpi slt, %add3A_3198, %lt3A_3200 : vector<16xi32>
    %convert_element_type3A_3202 = arith.extui %lt3A_3201 : vector<16xi1> to vector<16xi32>
    %convert_element_type3A_3203 = arith.sitofp %convert_element_type3A_3202 : vector<16xi32> to vector<16xf32>
    %min3A_3204 = arith.constant 195 : i32
    %min3A_3205 = vector.broadcast %min3A_3204 : i32 to vector<16xi32>
    %min3A_3206 = arith.minsi %add3A_3198, %min3A_3205 : vector<16xi32>
    %mul3A_3207 = arith.constant 30 : i32
    %mul3A_3208 = vector.broadcast %mul3A_3207 : i32 to vector<16xi32>
    %mul3A_3209 = arith.muli %min3A_3206, %mul3A_3208 : vector<16xi32>
    %mul3A_3210 = arith.constant 16 : i32
    %mul3A_3211 = arith.muli %scan3A_3194, %mul3A_3210 : i32
    %get3A_3212 = arith.index_cast %mul3A_3211 : i32 to index
    %get3A_3213 = tpu.vector_load %arg9[%get3A_3212] {strides = array<i32>} : memref<2080xf32, #tpu.memory_space<vmem>>, vector<16xf32>,
    %add3A_3214 = arith.constant 1040 : i32
    %add3A_3215 = arith.addi %add3A_3214, %mul3A_3211 : i32
    %get3A_3216 = arith.index_cast %add3A_3215 : i32 to index
    %get3A_3217 = tpu.vector_load %arg9[%get3A_3216] {strides = array<i32>} : memref<2080xf32, #tpu.memory_space<vmem>>, vector<16xf32>,
    %add3A_3218 = arith.addf %get3A_3213, %get3A_3217 : vector<16xf32>
    %eq3A_3219 = arith.constant 0.000000e+00 : f32
    %eq3A_3220 = vector.broadcast %eq3A_3219 : f32 to vector<16xf32>
    %eq3A_3221 = arith.cmpf oeq, %add3A_3218, %eq3A_3220 : vector<16xf32>
    %convert_element_type3A_3222 = arith.extui %eq3A_3221 : vector<16xi1> to vector<16xi32>
    %convert_element_type3A_3223 = arith.sitofp %convert_element_type3A_3222 : vector<16xi32> to vector<16xf32>
    %mul3A_3224 = arith.mulf %convert_element_type3A_3223, %convert_element_type3A_3203 : vector<16xf32>
    %gather3A_3225 = tpu.vector_load_idx %arg6[%mul3A_3209] : memref<5880xf32, #tpu.memory_space<vmem>>[vector<16xi32>], vector<16xf32>,
    %sub3A_3226 = arith.subf %gather3A_3225, %get3A_3213 : vector<16xf32>
    %add3A_3227 = arith.constant 5 : i32
    %add3A_3228 = vector.broadcast %add3A_3227 : i32 to vector<16xi32>
    %add3A_3229 = arith.addi %mul3A_3209, %add3A_3228 : vector<16xi32>
    %gather3A_3230 = tpu.vector_load_idx %arg6[%add3A_3229] : memref<5880xf32, #tpu.memory_space<vmem>>[vector<16xi32>], vector<16xf32>,
    %sub3A_3231 = arith.subf %gather3A_3230, %get3A_3217 : vector<16xf32>
    %add3A_3232 = arith.addf %add3A_3188, %mul3A_3224 : vector<16xf32>
    %mul3A_3233 = arith.mulf %sub3A_3226, %sub3A_3226 : vector<16xf32>
    %mul3A_3234 = arith.mulf %sub3A_3231, %sub3A_3231 : vector<16xf32>
    %add3A_3235 = arith.addf %mul3A_3233, %mul3A_3234 : vector<16xf32>
    %mul3A_3236 = arith.mulf %mul3A_3224, %add3A_3235 : vector<16xf32>
    %add3A_3237 = arith.addf %add3A_3193, %mul3A_3236 : vector<16xf32>
    %scan3A_3238 = arith.constant 3 : i32
    %mul3A_3239 = arith.constant 16 : i32
    %mul3A_3240 = arith.muli %scan3A_3238, %mul3A_3239 : i32
    %add3A_3241 = vector.broadcast %mul3A_3240 : i32 to vector<16xi32>
    %add3A_3242 = arith.addi %add3A_3241, %iota3A : vector<16xi32>
    %lt3A_3243 = arith.constant 196 : i32
    %lt3A_3244 = vector.broadcast %lt3A_3243 : i32 to vector<16xi32>
    %lt3A_3245 = arith.cmpi slt, %add3A_3242, %lt3A_3244 : vector<16xi32>
    %convert_element_type3A_3246 = arith.extui %lt3A_3245 : vector<16xi1> to vector<16xi32>
    %convert_element_type3A_3247 = arith.sitofp %convert_element_type3A_3246 : vector<16xi32> to vector<16xf32>
    %min3A_3248 = arith.constant 195 : i32
    %min3A_3249 = vector.broadcast %min3A_3248 : i32 to vector<16xi32>
    %min3A_3250 = arith.minsi %add3A_3242, %min3A_3249 : vector<16xi32>
    %mul3A_3251 = arith.constant 30 : i32
    %mul3A_3252 = vector.broadcast %mul3A_3251 : i32 to vector<16xi32>
    %mul3A_3253 = arith.muli %min3A_3250, %mul3A_3252 : vector<16xi32>
    %mul3A_3254 = arith.constant 16 : i32
    %mul3A_3255 = arith.muli %scan3A_3238, %mul3A_3254 : i32
    %get3A_3256 = arith.index_cast %mul3A_3255 : i32 to index
    %get3A_3257 = tpu.vector_load %arg9[%get3A_3256] {strides = array<i32>} : memref<2080xf32, #tpu.memory_space<vmem>>, vector<16xf32>,
    %add3A_3258 = arith.constant 1040 : i32
    %add3A_3259 = arith.addi %add3A_3258, %mul3A_3255 : i32
    %get3A_3260 = arith.index_cast %add3A_3259 : i32 to index
    %get3A_3261 = tpu.vector_load %arg9[%get3A_3260] {strides = array<i32>} : memref<2080xf32, #tpu.memory_space<vmem>>, vector<16xf32>,
    %add3A_3262 = arith.addf %get3A_3257, %get3A_3261 : vector<16xf32>
    %eq3A_3263 = arith.constant 0.000000e+00 : f32
    %eq3A_3264 = vector.broadcast %eq3A_3263 : f32 to vector<16xf32>
    %eq3A_3265 = arith.cmpf oeq, %add3A_3262, %eq3A_3264 : vector<16xf32>
    %convert_element_type3A_3266 = arith.extui %eq3A_3265 : vector<16xi1> to vector<16xi32>
    %convert_element_type3A_3267 = arith.sitofp %convert_element_type3A_3266 : vector<16xi32> to vector<16xf32>
    %mul3A_3268 = arith.mulf %convert_element_type3A_3267, %convert_element_type3A_3247 : vector<16xf32>
    %gather3A_3269 = tpu.vector_load_idx %arg6[%mul3A_3253] : memref<5880xf32, #tpu.memory_space<vmem>>[vector<16xi32>], vector<16xf32>,
    %sub3A_3270 = arith.subf %gather3A_3269, %get3A_3257 : vector<16xf32>
    %add3A_3271 = arith.constant 5 : i32
    %add3A_3272 = vector.broadcast %add3A_3271 : i32 to vector<16xi32>
    %add3A_3273 = arith.addi %mul3A_3253, %add3A_3272 : vector<16xi32>
    %gather3A_3274 = tpu.vector_load_idx %arg6[%add3A_3273] : memref<5880xf32, #tpu.memory_space<vmem>>[vector<16xi32>], vector<16xf32>,
    %sub3A_3275 = arith.subf %gather3A_3274, %get3A_3261 : vector<16xf32>
    %add3A_3276 = arith.addf %add3A_3232, %mul3A_3268 : vector<16xf32>
    %mul3A_3277 = arith.mulf %sub3A_3270, %sub3A_3270 : vector<16xf32>
    %mul3A_3278 = arith.mulf %sub3A_3275, %sub3A_3275 : vector<16xf32>
    %add3A_3279 = arith.addf %mul3A_3277, %mul3A_3278 : vector<16xf32>
    %mul3A_3280 = arith.mulf %mul3A_3268, %add3A_3279 : vector<16xf32>
    %add3A_3281 = arith.addf %add3A_3237, %mul3A_3280 : vector<16xf32>
    %scan3A_3282 = arith.constant 4 : i32
    %mul3A_3283 = arith.constant 16 : i32
    %mul3A_3284 = arith.muli %scan3A_3282, %mul3A_3283 : i32
    %add3A_3285 = vector.broadcast %mul3A_3284 : i32 to vector<16xi32>
    %add3A_3286 = arith.addi %add3A_3285, %iota3A : vector<16xi32>
    %lt3A_3287 = arith.constant 196 : i32
    %lt3A_3288 = vector.broadcast %lt3A_3287 : i32 to vector<16xi32>
    %lt3A_3289 = arith.cmpi slt, %add3A_3286, %lt3A_3288 : vector<16xi32>
    %convert_element_type3A_3290 = arith.extui %lt3A_3289 : vector<16xi1> to vector<16xi32>
    %convert_element_type3A_3291 = arith.sitofp %convert_element_type3A_3290 : vector<16xi32> to vector<16xf32>
    %min3A_3292 = arith.constant 195 : i32
    %min3A_3293 = vector.broadcast %min3A_3292 : i32 to vector<16xi32>
    %min3A_3294 = arith.minsi %add3A_3286, %min3A_3293 : vector<16xi32>
    %mul3A_3295 = arith.constant 30 : i32
    %mul3A_3296 = vector.broadcast %mul3A_3295 : i32 to vector<16xi32>
    %mul3A_3297 = arith.muli %min3A_3294, %mul3A_3296 : vector<16xi32>
    %mul3A_3298 = arith.constant 16 : i32
    %mul3A_3299 = arith.muli %scan3A_3282, %mul3A_3298 : i32
    %get3A_3300 = arith.index_cast %mul3A_3299 : i32 to index
    %get3A_3301 = tpu.vector_load %arg9[%get3A_3300] {strides = array<i32>} : memref<2080xf32, #tpu.memory_space<vmem>>, vector<16xf32>,
    %add3A_3302 = arith.constant 1040 : i32
    %add3A_3303 = arith.addi %add3A_3302, %mul3A_3299 : i32
    %get3A_3304 = arith.index_cast %add3A_3303 : i32 to index
    %get3A_3305 = tpu.vector_load %arg9[%get3A_3304] {strides = array<i32>} : memref<2080xf32, #tpu.memory_space<vmem>>, vector<16xf32>,
    %add3A_3306 = arith.addf %get3A_3301, %get3A_3305 : vector<16xf32>
    %eq3A_3307 = arith.constant 0.000000e+00 : f32
    %eq3A_3308 = vector.broadcast %eq3A_3307 : f32 to vector<16xf32>
    %eq3A_3309 = arith.cmpf oeq, %add3A_3306, %eq3A_3308 : vector<16xf32>
    %convert_element_type3A_3310 = arith.extui %eq3A_3309 : vector<16xi1> to vector<16xi32>
    %convert_element_type3A_3311 = arith.sitofp %convert_element_type3A_3310 : vector<16xi32> to vector<16xf32>
    %mul3A_3312 = arith.mulf %convert_element_type3A_3311, %convert_element_type3A_3291 : vector<16xf32>
    %gather3A_3313 = tpu.vector_load_idx %arg6[%mul3A_3297] : memref<5880xf32, #tpu.memory_space<vmem>>[vector<16xi32>], vector<16xf32>,
    %sub3A_3314 = arith.subf %gather3A_3313, %get3A_3301 : vector<16xf32>
    %add3A_3315 = arith.constant 5 : i32
    %add3A_3316 = vector.broadcast %add3A_3315 : i32 to vector<16xi32>
    %add3A_3317 = arith.addi %mul3A_3297, %add3A_3316 : vector<16xi32>
    %gather3A_3318 = tpu.vector_load_idx %arg6[%add3A_3317] : memref<5880xf32, #tpu.memory_space<vmem>>[vector<16xi32>], vector<16xf32>,
    %sub3A_3319 = arith.subf %gather3A_3318, %get3A_3305 : vector<16xf32>
    %add3A_3320 = arith.addf %add3A_3276, %mul3A_3312 : vector<16xf32>
    %mul3A_3321 = arith.mulf %sub3A_3314, %sub3A_3314 : vector<16xf32>
    %mul3A_3322 = arith.mulf %sub3A_3319, %sub3A_3319 : vector<16xf32>
    %add3A_3323 = arith.addf %mul3A_3321, %mul3A_3322 : vector<16xf32>
    %mul3A_3324 = arith.mulf %mul3A_3312, %add3A_3323 : vector<16xf32>
    %add3A_3325 = arith.addf %add3A_3281, %mul3A_3324 : vector<16xf32>
    %scan3A_3326 = arith.constant 5 : i32
    %mul3A_3327 = arith.constant 16 : i32
    %mul3A_3328 = arith.muli %scan3A_3326, %mul3A_3327 : i32
    %add3A_3329 = vector.broadcast %mul3A_3328 : i32 to vector<16xi32>
    %add3A_3330 = arith.addi %add3A_3329, %iota3A : vector<16xi32>
    %lt3A_3331 = arith.constant 196 : i32
    %lt3A_3332 = vector.broadcast %lt3A_3331 : i32 to vector<16xi32>
    %lt3A_3333 = arith.cmpi slt, %add3A_3330, %lt3A_3332 : vector<16xi32>
    %convert_element_type3A_3334 = arith.extui %lt3A_3333 : vector<16xi1> to vector<16xi32>
    %convert_element_type3A_3335 = arith.sitofp %convert_element_type3A_3334 : vector<16xi32> to vector<16xf32>
    %min3A_3336 = arith.constant 195 : i32
    %min3A_3337 = vector.broadcast %min3A_3336 : i32 to vector<16xi32>
    %min3A_3338 = arith.minsi %add3A_3330, %min3A_3337 : vector<16xi32>
    %mul3A_3339 = arith.constant 30 : i32
    %mul3A_3340 = vector.broadcast %mul3A_3339 : i32 to vector<16xi32>
    %mul3A_3341 = arith.muli %min3A_3338, %mul3A_3340 : vector<16xi32>
    %mul3A_3342 = arith.constant 16 : i32
    %mul3A_3343 = arith.muli %scan3A_3326, %mul3A_3342 : i32
    %get3A_3344 = arith.index_cast %mul3A_3343 : i32 to index
    %get3A_3345 = tpu.vector_load %arg9[%get3A_3344] {strides = array<i32>} : memref<2080xf32, #tpu.memory_space<vmem>>, vector<16xf32>,
    %add3A_3346 = arith.constant 1040 : i32
    %add3A_3347 = arith.addi %add3A_3346, %mul3A_3343 : i32
    %get3A_3348 = arith.index_cast %add3A_3347 : i32 to index
    %get3A_3349 = tpu.vector_load %arg9[%get3A_3348] {strides = array<i32>} : memref<2080xf32, #tpu.memory_space<vmem>>, vector<16xf32>,
    %add3A_3350 = arith.addf %get3A_3345, %get3A_3349 : vector<16xf32>
    %eq3A_3351 = arith.constant 0.000000e+00 : f32
    %eq3A_3352 = vector.broadcast %eq3A_3351 : f32 to vector<16xf32>
    %eq3A_3353 = arith.cmpf oeq, %add3A_3350, %eq3A_3352 : vector<16xf32>
    %convert_element_type3A_3354 = arith.extui %eq3A_3353 : vector<16xi1> to vector<16xi32>
    %convert_element_type3A_3355 = arith.sitofp %convert_element_type3A_3354 : vector<16xi32> to vector<16xf32>
    %mul3A_3356 = arith.mulf %convert_element_type3A_3355, %convert_element_type3A_3335 : vector<16xf32>
    %gather3A_3357 = tpu.vector_load_idx %arg6[%mul3A_3341] : memref<5880xf32, #tpu.memory_space<vmem>>[vector<16xi32>], vector<16xf32>,
    %sub3A_3358 = arith.subf %gather3A_3357, %get3A_3345 : vector<16xf32>
    %add3A_3359 = arith.constant 5 : i32
    %add3A_3360 = vector.broadcast %add3A_3359 : i32 to vector<16xi32>
    %add3A_3361 = arith.addi %mul3A_3341, %add3A_3360 : vector<16xi32>
    %gather3A_3362 = tpu.vector_load_idx %arg6[%add3A_3361] : memref<5880xf32, #tpu.memory_space<vmem>>[vector<16xi32>], vector<16xf32>,
    %sub3A_3363 = arith.subf %gather3A_3362, %get3A_3349 : vector<16xf32>
    %add3A_3364 = arith.addf %add3A_3320, %mul3A_3356 : vector<16xf32>
    %mul3A_3365 = arith.mulf %sub3A_3358, %sub3A_3358 : vector<16xf32>
    %mul3A_3366 = arith.mulf %sub3A_3363, %sub3A_3363 : vector<16xf32>
    %add3A_3367 = arith.addf %mul3A_3365, %mul3A_3366 : vector<16xf32>
    %mul3A_3368 = arith.mulf %mul3A_3356, %add3A_3367 : vector<16xf32>
    %add3A_3369 = arith.addf %add3A_3325, %mul3A_3368 : vector<16xf32>
    %scan3A_3370 = arith.constant 6 : i32
    %mul3A_3371 = arith.constant 16 : i32
    %mul3A_3372 = arith.muli %scan3A_3370, %mul3A_3371 : i32
    %add3A_3373 = vector.broadcast %mul3A_3372 : i32 to vector<16xi32>
    %add3A_3374 = arith.addi %add3A_3373, %iota3A : vector<16xi32>
    %lt3A_3375 = arith.constant 196 : i32
    %lt3A_3376 = vector.broadcast %lt3A_3375 : i32 to vector<16xi32>
    %lt3A_3377 = arith.cmpi slt, %add3A_3374, %lt3A_3376 : vector<16xi32>
    %convert_element_type3A_3378 = arith.extui %lt3A_3377 : vector<16xi1> to vector<16xi32>
    %convert_element_type3A_3379 = arith.sitofp %convert_element_type3A_3378 : vector<16xi32> to vector<16xf32>
    %min3A_3380 = arith.constant 195 : i32
    %min3A_3381 = vector.broadcast %min3A_3380 : i32 to vector<16xi32>
    %min3A_3382 = arith.minsi %add3A_3374, %min3A_3381 : vector<16xi32>
    %mul3A_3383 = arith.constant 30 : i32
    %mul3A_3384 = vector.broadcast %mul3A_3383 : i32 to vector<16xi32>
    %mul3A_3385 = arith.muli %min3A_3382, %mul3A_3384 : vector<16xi32>
    %mul3A_3386 = arith.constant 16 : i32
    %mul3A_3387 = arith.muli %scan3A_3370, %mul3A_3386 : i32
    %get3A_3388 = arith.index_cast %mul3A_3387 : i32 to index
    %get3A_3389 = tpu.vector_load %arg9[%get3A_3388] {strides = array<i32>} : memref<2080xf32, #tpu.memory_space<vmem>>, vector<16xf32>,
    %add3A_3390 = arith.constant 1040 : i32
    %add3A_3391 = arith.addi %add3A_3390, %mul3A_3387 : i32
    %get3A_3392 = arith.index_cast %add3A_3391 : i32 to index
    %get3A_3393 = tpu.vector_load %arg9[%get3A_3392] {strides = array<i32>} : memref<2080xf32, #tpu.memory_space<vmem>>, vector<16xf32>,
    %add3A_3394 = arith.addf %get3A_3389, %get3A_3393 : vector<16xf32>
    %eq3A_3395 = arith.constant 0.000000e+00 : f32
    %eq3A_3396 = vector.broadcast %eq3A_3395 : f32 to vector<16xf32>
    %eq3A_3397 = arith.cmpf oeq, %add3A_3394, %eq3A_3396 : vector<16xf32>
    %convert_element_type3A_3398 = arith.extui %eq3A_3397 : vector<16xi1> to vector<16xi32>
    %convert_element_type3A_3399 = arith.sitofp %convert_element_type3A_3398 : vector<16xi32> to vector<16xf32>
    %mul3A_3400 = arith.mulf %convert_element_type3A_3399, %convert_element_type3A_3379 : vector<16xf32>
    %gather3A_3401 = tpu.vector_load_idx %arg6[%mul3A_3385] : memref<5880xf32, #tpu.memory_space<vmem>>[vector<16xi32>], vector<16xf32>,
    %sub3A_3402 = arith.subf %gather3A_3401, %get3A_3389 : vector<16xf32>
    %add3A_3403 = arith.constant 5 : i32
    %add3A_3404 = vector.broadcast %add3A_3403 : i32 to vector<16xi32>
    %add3A_3405 = arith.addi %mul3A_3385, %add3A_3404 : vector<16xi32>
    %gather3A_3406 = tpu.vector_load_idx %arg6[%add3A_3405] : memref<5880xf32, #tpu.memory_space<vmem>>[vector<16xi32>], vector<16xf32>,
    %sub3A_3407 = arith.subf %gather3A_3406, %get3A_3393 : vector<16xf32>
    %add3A_3408 = arith.addf %add3A_3364, %mul3A_3400 : vector<16xf32>
    %mul3A_3409 = arith.mulf %sub3A_3402, %sub3A_3402 : vector<16xf32>
    %mul3A_3410 = arith.mulf %sub3A_3407, %sub3A_3407 : vector<16xf32>
    %add3A_3411 = arith.addf %mul3A_3409, %mul3A_3410 : vector<16xf32>
    %mul3A_3412 = arith.mulf %mul3A_3400, %add3A_3411 : vector<16xf32>
    %add3A_3413 = arith.addf %add3A_3369, %mul3A_3412 : vector<16xf32>
    %scan3A_3414 = arith.constant 7 : i32
    %mul3A_3415 = arith.constant 16 : i32
    %mul3A_3416 = arith.muli %scan3A_3414, %mul3A_3415 : i32
    %add3A_3417 = vector.broadcast %mul3A_3416 : i32 to vector<16xi32>
    %add3A_3418 = arith.addi %add3A_3417, %iota3A : vector<16xi32>
    %lt3A_3419 = arith.constant 196 : i32
    %lt3A_3420 = vector.broadcast %lt3A_3419 : i32 to vector<16xi32>
    %lt3A_3421 = arith.cmpi slt, %add3A_3418, %lt3A_3420 : vector<16xi32>
    %convert_element_type3A_3422 = arith.extui %lt3A_3421 : vector<16xi1> to vector<16xi32>
    %convert_element_type3A_3423 = arith.sitofp %convert_element_type3A_3422 : vector<16xi32> to vector<16xf32>
    %min3A_3424 = arith.constant 195 : i32
    %min3A_3425 = vector.broadcast %min3A_3424 : i32 to vector<16xi32>
    %min3A_3426 = arith.minsi %add3A_3418, %min3A_3425 : vector<16xi32>
    %mul3A_3427 = arith.constant 30 : i32
    %mul3A_3428 = vector.broadcast %mul3A_3427 : i32 to vector<16xi32>
    %mul3A_3429 = arith.muli %min3A_3426, %mul3A_3428 : vector<16xi32>
    %mul3A_3430 = arith.constant 16 : i32
    %mul3A_3431 = arith.muli %scan3A_3414, %mul3A_3430 : i32
    %get3A_3432 = arith.index_cast %mul3A_3431 : i32 to index
    %get3A_3433 = tpu.vector_load %arg9[%get3A_3432] {strides = array<i32>} : memref<2080xf32, #tpu.memory_space<vmem>>, vector<16xf32>,
    %add3A_3434 = arith.constant 1040 : i32
    %add3A_3435 = arith.addi %add3A_3434, %mul3A_3431 : i32
    %get3A_3436 = arith.index_cast %add3A_3435 : i32 to index
    %get3A_3437 = tpu.vector_load %arg9[%get3A_3436] {strides = array<i32>} : memref<2080xf32, #tpu.memory_space<vmem>>, vector<16xf32>,
    %add3A_3438 = arith.addf %get3A_3433, %get3A_3437 : vector<16xf32>
    %eq3A_3439 = arith.constant 0.000000e+00 : f32
    %eq3A_3440 = vector.broadcast %eq3A_3439 : f32 to vector<16xf32>
    %eq3A_3441 = arith.cmpf oeq, %add3A_3438, %eq3A_3440 : vector<16xf32>
    %convert_element_type3A_3442 = arith.extui %eq3A_3441 : vector<16xi1> to vector<16xi32>
    %convert_element_type3A_3443 = arith.sitofp %convert_element_type3A_3442 : vector<16xi32> to vector<16xf32>
    %mul3A_3444 = arith.mulf %convert_element_type3A_3443, %convert_element_type3A_3423 : vector<16xf32>
    %gather3A_3445 = tpu.vector_load_idx %arg6[%mul3A_3429] : memref<5880xf32, #tpu.memory_space<vmem>>[vector<16xi32>], vector<16xf32>,
    %sub3A_3446 = arith.subf %gather3A_3445, %get3A_3433 : vector<16xf32>
    %add3A_3447 = arith.constant 5 : i32
    %add3A_3448 = vector.broadcast %add3A_3447 : i32 to vector<16xi32>
    %add3A_3449 = arith.addi %mul3A_3429, %add3A_3448 : vector<16xi32>
    %gather3A_3450 = tpu.vector_load_idx %arg6[%add3A_3449] : memref<5880xf32, #tpu.memory_space<vmem>>[vector<16xi32>], vector<16xf32>,
    %sub3A_3451 = arith.subf %gather3A_3450, %get3A_3437 : vector<16xf32>
    %add3A_3452 = arith.addf %add3A_3408, %mul3A_3444 : vector<16xf32>
    %mul3A_3453 = arith.mulf %sub3A_3446, %sub3A_3446 : vector<16xf32>
    %mul3A_3454 = arith.mulf %sub3A_3451, %sub3A_3451 : vector<16xf32>
    %add3A_3455 = arith.addf %mul3A_3453, %mul3A_3454 : vector<16xf32>
    %mul3A_3456 = arith.mulf %mul3A_3444, %add3A_3455 : vector<16xf32>
    %add3A_3457 = arith.addf %add3A_3413, %mul3A_3456 : vector<16xf32>
    %scan3A_3458 = arith.constant 8 : i32
    %mul3A_3459 = arith.constant 16 : i32
    %mul3A_3460 = arith.muli %scan3A_3458, %mul3A_3459 : i32
    %add3A_3461 = vector.broadcast %mul3A_3460 : i32 to vector<16xi32>
    %add3A_3462 = arith.addi %add3A_3461, %iota3A : vector<16xi32>
    %lt3A_3463 = arith.constant 196 : i32
    %lt3A_3464 = vector.broadcast %lt3A_3463 : i32 to vector<16xi32>
    %lt3A_3465 = arith.cmpi slt, %add3A_3462, %lt3A_3464 : vector<16xi32>
    %convert_element_type3A_3466 = arith.extui %lt3A_3465 : vector<16xi1> to vector<16xi32>
    %convert_element_type3A_3467 = arith.sitofp %convert_element_type3A_3466 : vector<16xi32> to vector<16xf32>
    %min3A_3468 = arith.constant 195 : i32
    %min3A_3469 = vector.broadcast %min3A_3468 : i32 to vector<16xi32>
    %min3A_3470 = arith.minsi %add3A_3462, %min3A_3469 : vector<16xi32>
    %mul3A_3471 = arith.constant 30 : i32
    %mul3A_3472 = vector.broadcast %mul3A_3471 : i32 to vector<16xi32>
    %mul3A_3473 = arith.muli %min3A_3470, %mul3A_3472 : vector<16xi32>
    %mul3A_3474 = arith.constant 16 : i32
    %mul3A_3475 = arith.muli %scan3A_3458, %mul3A_3474 : i32
    %get3A_3476 = arith.index_cast %mul3A_3475 : i32 to index
    %get3A_3477 = tpu.vector_load %arg9[%get3A_3476] {strides = array<i32>} : memref<2080xf32, #tpu.memory_space<vmem>>, vector<16xf32>,
    %add3A_3478 = arith.constant 1040 : i32
    %add3A_3479 = arith.addi %add3A_3478, %mul3A_3475 : i32
    %get3A_3480 = arith.index_cast %add3A_3479 : i32 to index
    %get3A_3481 = tpu.vector_load %arg9[%get3A_3480] {strides = array<i32>} : memref<2080xf32, #tpu.memory_space<vmem>>, vector<16xf32>,
    %add3A_3482 = arith.addf %get3A_3477, %get3A_3481 : vector<16xf32>
    %eq3A_3483 = arith.constant 0.000000e+00 : f32
    %eq3A_3484 = vector.broadcast %eq3A_3483 : f32 to vector<16xf32>
    %eq3A_3485 = arith.cmpf oeq, %add3A_3482, %eq3A_3484 : vector<16xf32>
    %convert_element_type3A_3486 = arith.extui %eq3A_3485 : vector<16xi1> to vector<16xi32>
    %convert_element_type3A_3487 = arith.sitofp %convert_element_type3A_3486 : vector<16xi32> to vector<16xf32>
    %mul3A_3488 = arith.mulf %convert_element_type3A_3487, %convert_element_type3A_3467 : vector<16xf32>
    %gather3A_3489 = tpu.vector_load_idx %arg6[%mul3A_3473] : memref<5880xf32, #tpu.memory_space<vmem>>[vector<16xi32>], vector<16xf32>,
    %sub3A_3490 = arith.subf %gather3A_3489, %get3A_3477 : vector<16xf32>
    %add3A_3491 = arith.constant 5 : i32
    %add3A_3492 = vector.broadcast %add3A_3491 : i32 to vector<16xi32>
    %add3A_3493 = arith.addi %mul3A_3473, %add3A_3492 : vector<16xi32>
    %gather3A_3494 = tpu.vector_load_idx %arg6[%add3A_3493] : memref<5880xf32, #tpu.memory_space<vmem>>[vector<16xi32>], vector<16xf32>,
    %sub3A_3495 = arith.subf %gather3A_3494, %get3A_3481 : vector<16xf32>
    %add3A_3496 = arith.addf %add3A_3452, %mul3A_3488 : vector<16xf32>
    %mul3A_3497 = arith.mulf %sub3A_3490, %sub3A_3490 : vector<16xf32>
    %mul3A_3498 = arith.mulf %sub3A_3495, %sub3A_3495 : vector<16xf32>
    %add3A_3499 = arith.addf %mul3A_3497, %mul3A_3498 : vector<16xf32>
    %mul3A_3500 = arith.mulf %mul3A_3488, %add3A_3499 : vector<16xf32>
    %add3A_3501 = arith.addf %add3A_3457, %mul3A_3500 : vector<16xf32>
    %scan3A_3502 = arith.constant 9 : i32
    %mul3A_3503 = arith.constant 16 : i32
    %mul3A_3504 = arith.muli %scan3A_3502, %mul3A_3503 : i32
    %add3A_3505 = vector.broadcast %mul3A_3504 : i32 to vector<16xi32>
    %add3A_3506 = arith.addi %add3A_3505, %iota3A : vector<16xi32>
    %lt3A_3507 = arith.constant 196 : i32
    %lt3A_3508 = vector.broadcast %lt3A_3507 : i32 to vector<16xi32>
    %lt3A_3509 = arith.cmpi slt, %add3A_3506, %lt3A_3508 : vector<16xi32>
    %convert_element_type3A_3510 = arith.extui %lt3A_3509 : vector<16xi1> to vector<16xi32>
    %convert_element_type3A_3511 = arith.sitofp %convert_element_type3A_3510 : vector<16xi32> to vector<16xf32>
    %min3A_3512 = arith.constant 195 : i32
    %min3A_3513 = vector.broadcast %min3A_3512 : i32 to vector<16xi32>
    %min3A_3514 = arith.minsi %add3A_3506, %min3A_3513 : vector<16xi32>
    %mul3A_3515 = arith.constant 30 : i32
    %mul3A_3516 = vector.broadcast %mul3A_3515 : i32 to vector<16xi32>
    %mul3A_3517 = arith.muli %min3A_3514, %mul3A_3516 : vector<16xi32>
    %mul3A_3518 = arith.constant 16 : i32
    %mul3A_3519 = arith.muli %scan3A_3502, %mul3A_3518 : i32
    %get3A_3520 = arith.index_cast %mul3A_3519 : i32 to index
    %get3A_3521 = tpu.vector_load %arg9[%get3A_3520] {strides = array<i32>} : memref<2080xf32, #tpu.memory_space<vmem>>, vector<16xf32>,
    %add3A_3522 = arith.constant 1040 : i32
    %add3A_3523 = arith.addi %add3A_3522, %mul3A_3519 : i32
    %get3A_3524 = arith.index_cast %add3A_3523 : i32 to index
    %get3A_3525 = tpu.vector_load %arg9[%get3A_3524] {strides = array<i32>} : memref<2080xf32, #tpu.memory_space<vmem>>, vector<16xf32>,
    %add3A_3526 = arith.addf %get3A_3521, %get3A_3525 : vector<16xf32>
    %eq3A_3527 = arith.constant 0.000000e+00 : f32
    %eq3A_3528 = vector.broadcast %eq3A_3527 : f32 to vector<16xf32>
    %eq3A_3529 = arith.cmpf oeq, %add3A_3526, %eq3A_3528 : vector<16xf32>
    %convert_element_type3A_3530 = arith.extui %eq3A_3529 : vector<16xi1> to vector<16xi32>
    %convert_element_type3A_3531 = arith.sitofp %convert_element_type3A_3530 : vector<16xi32> to vector<16xf32>
    %mul3A_3532 = arith.mulf %convert_element_type3A_3531, %convert_element_type3A_3511 : vector<16xf32>
    %gather3A_3533 = tpu.vector_load_idx %arg6[%mul3A_3517] : memref<5880xf32, #tpu.memory_space<vmem>>[vector<16xi32>], vector<16xf32>,
    %sub3A_3534 = arith.subf %gather3A_3533, %get3A_3521 : vector<16xf32>
    %add3A_3535 = arith.constant 5 : i32
    %add3A_3536 = vector.broadcast %add3A_3535 : i32 to vector<16xi32>
    %add3A_3537 = arith.addi %mul3A_3517, %add3A_3536 : vector<16xi32>
    %gather3A_3538 = tpu.vector_load_idx %arg6[%add3A_3537] : memref<5880xf32, #tpu.memory_space<vmem>>[vector<16xi32>], vector<16xf32>,
    %sub3A_3539 = arith.subf %gather3A_3538, %get3A_3525 : vector<16xf32>
    %add3A_3540 = arith.addf %add3A_3496, %mul3A_3532 : vector<16xf32>
    %mul3A_3541 = arith.mulf %sub3A_3534, %sub3A_3534 : vector<16xf32>
    %mul3A_3542 = arith.mulf %sub3A_3539, %sub3A_3539 : vector<16xf32>
    %add3A_3543 = arith.addf %mul3A_3541, %mul3A_3542 : vector<16xf32>
    %mul3A_3544 = arith.mulf %mul3A_3532, %add3A_3543 : vector<16xf32>
    %add3A_3545 = arith.addf %add3A_3501, %mul3A_3544 : vector<16xf32>
    %scan3A_3546 = arith.constant 10 : i32
    %mul3A_3547 = arith.constant 16 : i32
    %mul3A_3548 = arith.muli %scan3A_3546, %mul3A_3547 : i32
    %add3A_3549 = vector.broadcast %mul3A_3548 : i32 to vector<16xi32>
    %add3A_3550 = arith.addi %add3A_3549, %iota3A : vector<16xi32>
    %lt3A_3551 = arith.constant 196 : i32
    %lt3A_3552 = vector.broadcast %lt3A_3551 : i32 to vector<16xi32>
    %lt3A_3553 = arith.cmpi slt, %add3A_3550, %lt3A_3552 : vector<16xi32>
    %convert_element_type3A_3554 = arith.extui %lt3A_3553 : vector<16xi1> to vector<16xi32>
    %convert_element_type3A_3555 = arith.sitofp %convert_element_type3A_3554 : vector<16xi32> to vector<16xf32>
    %min3A_3556 = arith.constant 195 : i32
    %min3A_3557 = vector.broadcast %min3A_3556 : i32 to vector<16xi32>
    %min3A_3558 = arith.minsi %add3A_3550, %min3A_3557 : vector<16xi32>
    %mul3A_3559 = arith.constant 30 : i32
    %mul3A_3560 = vector.broadcast %mul3A_3559 : i32 to vector<16xi32>
    %mul3A_3561 = arith.muli %min3A_3558, %mul3A_3560 : vector<16xi32>
    %mul3A_3562 = arith.constant 16 : i32
    %mul3A_3563 = arith.muli %scan3A_3546, %mul3A_3562 : i32
    %get3A_3564 = arith.index_cast %mul3A_3563 : i32 to index
    %get3A_3565 = tpu.vector_load %arg9[%get3A_3564] {strides = array<i32>} : memref<2080xf32, #tpu.memory_space<vmem>>, vector<16xf32>,
    %add3A_3566 = arith.constant 1040 : i32
    %add3A_3567 = arith.addi %add3A_3566, %mul3A_3563 : i32
    %get3A_3568 = arith.index_cast %add3A_3567 : i32 to index
    %get3A_3569 = tpu.vector_load %arg9[%get3A_3568] {strides = array<i32>} : memref<2080xf32, #tpu.memory_space<vmem>>, vector<16xf32>,
    %add3A_3570 = arith.addf %get3A_3565, %get3A_3569 : vector<16xf32>
    %eq3A_3571 = arith.constant 0.000000e+00 : f32
    %eq3A_3572 = vector.broadcast %eq3A_3571 : f32 to vector<16xf32>
    %eq3A_3573 = arith.cmpf oeq, %add3A_3570, %eq3A_3572 : vector<16xf32>
    %convert_element_type3A_3574 = arith.extui %eq3A_3573 : vector<16xi1> to vector<16xi32>
    %convert_element_type3A_3575 = arith.sitofp %convert_element_type3A_3574 : vector<16xi32> to vector<16xf32>
    %mul3A_3576 = arith.mulf %convert_element_type3A_3575, %convert_element_type3A_3555 : vector<16xf32>
    %gather3A_3577 = tpu.vector_load_idx %arg6[%mul3A_3561] : memref<5880xf32, #tpu.memory_space<vmem>>[vector<16xi32>], vector<16xf32>,
    %sub3A_3578 = arith.subf %gather3A_3577, %get3A_3565 : vector<16xf32>
    %add3A_3579 = arith.constant 5 : i32
    %add3A_3580 = vector.broadcast %add3A_3579 : i32 to vector<16xi32>
    %add3A_3581 = arith.addi %mul3A_3561, %add3A_3580 : vector<16xi32>
    %gather3A_3582 = tpu.vector_load_idx %arg6[%add3A_3581] : memref<5880xf32, #tpu.memory_space<vmem>>[vector<16xi32>], vector<16xf32>,
    %sub3A_3583 = arith.subf %gather3A_3582, %get3A_3569 : vector<16xf32>
    %add3A_3584 = arith.addf %add3A_3540, %mul3A_3576 : vector<16xf32>
    %mul3A_3585 = arith.mulf %sub3A_3578, %sub3A_3578 : vector<16xf32>
    %mul3A_3586 = arith.mulf %sub3A_3583, %sub3A_3583 : vector<16xf32>
    %add3A_3587 = arith.addf %mul3A_3585, %mul3A_3586 : vector<16xf32>
    %mul3A_3588 = arith.mulf %mul3A_3576, %add3A_3587 : vector<16xf32>
    %add3A_3589 = arith.addf %add3A_3545, %mul3A_3588 : vector<16xf32>
    %scan3A_3590 = arith.constant 11 : i32
    %mul3A_3591 = arith.constant 16 : i32
    %mul3A_3592 = arith.muli %scan3A_3590, %mul3A_3591 : i32
    %add3A_3593 = vector.broadcast %mul3A_3592 : i32 to vector<16xi32>
    %add3A_3594 = arith.addi %add3A_3593, %iota3A : vector<16xi32>
    %lt3A_3595 = arith.constant 196 : i32
    %lt3A_3596 = vector.broadcast %lt3A_3595 : i32 to vector<16xi32>
    %lt3A_3597 = arith.cmpi slt, %add3A_3594, %lt3A_3596 : vector<16xi32>
    %convert_element_type3A_3598 = arith.extui %lt3A_3597 : vector<16xi1> to vector<16xi32>
    %convert_element_type3A_3599 = arith.sitofp %convert_element_type3A_3598 : vector<16xi32> to vector<16xf32>
    %min3A_3600 = arith.constant 195 : i32
    %min3A_3601 = vector.broadcast %min3A_3600 : i32 to vector<16xi32>
    %min3A_3602 = arith.minsi %add3A_3594, %min3A_3601 : vector<16xi32>
    %mul3A_3603 = arith.constant 30 : i32
    %mul3A_3604 = vector.broadcast %mul3A_3603 : i32 to vector<16xi32>
    %mul3A_3605 = arith.muli %min3A_3602, %mul3A_3604 : vector<16xi32>
    %mul3A_3606 = arith.constant 16 : i32
    %mul3A_3607 = arith.muli %scan3A_3590, %mul3A_3606 : i32
    %get3A_3608 = arith.index_cast %mul3A_3607 : i32 to index
    %get3A_3609 = tpu.vector_load %arg9[%get3A_3608] {strides = array<i32>} : memref<2080xf32, #tpu.memory_space<vmem>>, vector<16xf32>,
    %add3A_3610 = arith.constant 1040 : i32
    %add3A_3611 = arith.addi %add3A_3610, %mul3A_3607 : i32
    %get3A_3612 = arith.index_cast %add3A_3611 : i32 to index
    %get3A_3613 = tpu.vector_load %arg9[%get3A_3612] {strides = array<i32>} : memref<2080xf32, #tpu.memory_space<vmem>>, vector<16xf32>,
    %add3A_3614 = arith.addf %get3A_3609, %get3A_3613 : vector<16xf32>
    %eq3A_3615 = arith.constant 0.000000e+00 : f32
    %eq3A_3616 = vector.broadcast %eq3A_3615 : f32 to vector<16xf32>
    %eq3A_3617 = arith.cmpf oeq, %add3A_3614, %eq3A_3616 : vector<16xf32>
    %convert_element_type3A_3618 = arith.extui %eq3A_3617 : vector<16xi1> to vector<16xi32>
    %convert_element_type3A_3619 = arith.sitofp %convert_element_type3A_3618 : vector<16xi32> to vector<16xf32>
    %mul3A_3620 = arith.mulf %convert_element_type3A_3619, %convert_element_type3A_3599 : vector<16xf32>
    %gather3A_3621 = tpu.vector_load_idx %arg6[%mul3A_3605] : memref<5880xf32, #tpu.memory_space<vmem>>[vector<16xi32>], vector<16xf32>,
    %sub3A_3622 = arith.subf %gather3A_3621, %get3A_3609 : vector<16xf32>
    %add3A_3623 = arith.constant 5 : i32
    %add3A_3624 = vector.broadcast %add3A_3623 : i32 to vector<16xi32>
    %add3A_3625 = arith.addi %mul3A_3605, %add3A_3624 : vector<16xi32>
    %gather3A_3626 = tpu.vector_load_idx %arg6[%add3A_3625] : memref<5880xf32, #tpu.memory_space<vmem>>[vector<16xi32>], vector<16xf32>,
    %sub3A_3627 = arith.subf %gather3A_3626, %get3A_3613 : vector<16xf32>
    %add3A_3628 = arith.addf %add3A_3584, %mul3A_3620 : vector<16xf32>
    %mul3A_3629 = arith.mulf %sub3A_3622, %sub3A_3622 : vector<16xf32>
    %mul3A_3630 = arith.mulf %sub3A_3627, %sub3A_3627 : vector<16xf32>
    %add3A_3631 = arith.addf %mul3A_3629, %mul3A_3630 : vector<16xf32>
    %mul3A_3632 = arith.mulf %mul3A_3620, %add3A_3631 : vector<16xf32>
    %add3A_3633 = arith.addf %add3A_3589, %mul3A_3632 : vector<16xf32>
    %scan3A_3634 = arith.constant 12 : i32
    %mul3A_3635 = arith.constant 16 : i32
    %mul3A_3636 = arith.muli %scan3A_3634, %mul3A_3635 : i32
    %add3A_3637 = vector.broadcast %mul3A_3636 : i32 to vector<16xi32>
    %add3A_3638 = arith.addi %add3A_3637, %iota3A : vector<16xi32>
    %lt3A_3639 = arith.constant 196 : i32
    %lt3A_3640 = vector.broadcast %lt3A_3639 : i32 to vector<16xi32>
    %lt3A_3641 = arith.cmpi slt, %add3A_3638, %lt3A_3640 : vector<16xi32>
    %convert_element_type3A_3642 = arith.extui %lt3A_3641 : vector<16xi1> to vector<16xi32>
    %convert_element_type3A_3643 = arith.sitofp %convert_element_type3A_3642 : vector<16xi32> to vector<16xf32>
    %min3A_3644 = arith.constant 195 : i32
    %min3A_3645 = vector.broadcast %min3A_3644 : i32 to vector<16xi32>
    %min3A_3646 = arith.minsi %add3A_3638, %min3A_3645 : vector<16xi32>
    %mul3A_3647 = arith.constant 30 : i32
    %mul3A_3648 = vector.broadcast %mul3A_3647 : i32 to vector<16xi32>
    %mul3A_3649 = arith.muli %min3A_3646, %mul3A_3648 : vector<16xi32>
    %mul3A_3650 = arith.constant 16 : i32
    %mul3A_3651 = arith.muli %scan3A_3634, %mul3A_3650 : i32
    %get3A_3652 = arith.index_cast %mul3A_3651 : i32 to index
    %get3A_3653 = tpu.vector_load %arg9[%get3A_3652] {strides = array<i32>} : memref<2080xf32, #tpu.memory_space<vmem>>, vector<16xf32>,
    %add3A_3654 = arith.constant 1040 : i32
    %add3A_3655 = arith.addi %add3A_3654, %mul3A_3651 : i32
    %get3A_3656 = arith.index_cast %add3A_3655 : i32 to index
    %get3A_3657 = tpu.vector_load %arg9[%get3A_3656] {strides = array<i32>} : memref<2080xf32, #tpu.memory_space<vmem>>, vector<16xf32>,
    %add3A_3658 = arith.addf %get3A_3653, %get3A_3657 : vector<16xf32>
    %eq3A_3659 = arith.constant 0.000000e+00 : f32
    %eq3A_3660 = vector.broadcast %eq3A_3659 : f32 to vector<16xf32>
    %eq3A_3661 = arith.cmpf oeq, %add3A_3658, %eq3A_3660 : vector<16xf32>
    %convert_element_type3A_3662 = arith.extui %eq3A_3661 : vector<16xi1> to vector<16xi32>
    %convert_element_type3A_3663 = arith.sitofp %convert_element_type3A_3662 : vector<16xi32> to vector<16xf32>
    %mul3A_3664 = arith.mulf %convert_element_type3A_3663, %convert_element_type3A_3643 : vector<16xf32>
    %gather3A_3665 = tpu.vector_load_idx %arg6[%mul3A_3649] : memref<5880xf32, #tpu.memory_space<vmem>>[vector<16xi32>], vector<16xf32>,
    %sub3A_3666 = arith.subf %gather3A_3665, %get3A_3653 : vector<16xf32>
    %add3A_3667 = arith.constant 5 : i32
    %add3A_3668 = vector.broadcast %add3A_3667 : i32 to vector<16xi32>
    %add3A_3669 = arith.addi %mul3A_3649, %add3A_3668 : vector<16xi32>
    %gather3A_3670 = tpu.vector_load_idx %arg6[%add3A_3669] : memref<5880xf32, #tpu.memory_space<vmem>>[vector<16xi32>], vector<16xf32>,
    %sub3A_3671 = arith.subf %gather3A_3670, %get3A_3657 : vector<16xf32>
    %add3A_3672 = arith.addf %add3A_3628, %mul3A_3664 : vector<16xf32>
    %mul3A_3673 = arith.mulf %sub3A_3666, %sub3A_3666 : vector<16xf32>
    %mul3A_3674 = arith.mulf %sub3A_3671, %sub3A_3671 : vector<16xf32>
    %add3A_3675 = arith.addf %mul3A_3673, %mul3A_3674 : vector<16xf32>
    %mul3A_3676 = arith.mulf %mul3A_3664, %add3A_3675 : vector<16xf32>
    %add3A_3677 = arith.addf %add3A_3633, %mul3A_3676 : vector<16xf32>
    %scan3A_3678 = arith.constant 13 : i32
    %mul3A_3679 = arith.constant 30 : i32
    %mul3A_3680 = vector.broadcast %mul3A_3679 : i32 to vector<16xi32>
    %mul3A_3681 = arith.muli %add3A_2230, %mul3A_3680 : vector<16xi32>
    %gather3A_3682 = tpu.vector_load_idx %arg11[%add3A_2230] : memref<208xi32, #tpu.memory_space<vmem>>[vector<16xi32>], vector<16xi32>,
    %eq3A_3683 = arith.cmpi eq, %gather3A_3682, %iota3A : vector<16xi32>
    %and3A_3684 = arith.andi %ne3A_2204, %eq3A_3683 : vector<16xi1>
    %add3A_3685 = arith.constant 0 : i32
    %add3A_3686 = vector.broadcast %add3A_3685 : i32 to vector<16xi32>
    %add3A_3687 = arith.addi %add3A_3686, %add3A_2230 : vector<16xi32>
    %gather3A_3688 = tpu.vector_load_idx %arg9[%add3A_3687] : memref<2080xf32, #tpu.memory_space<vmem>>[vector<16xi32>], vector<16xf32>,
    %add3A_3689 = arith.constant 208 : i32
    %add3A_3690 = vector.broadcast %add3A_3689 : i32 to vector<16xi32>
    %add3A_3691 = arith.addi %add3A_3690, %add3A_2230 : vector<16xi32>
    %gather3A_3692 = tpu.vector_load_idx %arg9[%add3A_3691] : memref<2080xf32, #tpu.memory_space<vmem>>[vector<16xi32>], vector<16xf32>,
    %add3A_3693 = arith.constant 416 : i32
    %add3A_3694 = vector.broadcast %add3A_3693 : i32 to vector<16xi32>
    %add3A_3695 = arith.addi %add3A_3694, %add3A_2230 : vector<16xi32>
    %gather3A_3696 = tpu.vector_load_idx %arg9[%add3A_3695] : memref<2080xf32, #tpu.memory_space<vmem>>[vector<16xi32>], vector<16xf32>,
    %add3A_3697 = arith.constant 624 : i32
    %add3A_3698 = vector.broadcast %add3A_3697 : i32 to vector<16xi32>
    %add3A_3699 = arith.addi %add3A_3698, %add3A_2230 : vector<16xi32>
    %gather3A_3700 = tpu.vector_load_idx %arg9[%add3A_3699] : memref<2080xf32, #tpu.memory_space<vmem>>[vector<16xi32>], vector<16xf32>,
    %add3A_3701 = arith.constant 832 : i32
    %add3A_3702 = vector.broadcast %add3A_3701 : i32 to vector<16xi32>
    %add3A_3703 = arith.addi %add3A_3702, %add3A_2230 : vector<16xi32>
    %gather3A_3704 = tpu.vector_load_idx %arg9[%add3A_3703] : memref<2080xf32, #tpu.memory_space<vmem>>[vector<16xi32>], vector<16xf32>,
    %add3A_3705 = arith.constant 1040 : i32
    %add3A_3706 = vector.broadcast %add3A_3705 : i32 to vector<16xi32>
    %add3A_3707 = arith.addi %add3A_3706, %add3A_2230 : vector<16xi32>
    %gather3A_3708 = tpu.vector_load_idx %arg9[%add3A_3707] : memref<2080xf32, #tpu.memory_space<vmem>>[vector<16xi32>], vector<16xf32>,
    %add3A_3709 = arith.constant 1248 : i32
    %add3A_3710 = vector.broadcast %add3A_3709 : i32 to vector<16xi32>
    %add3A_3711 = arith.addi %add3A_3710, %add3A_2230 : vector<16xi32>
    %gather3A_3712 = tpu.vector_load_idx %arg9[%add3A_3711] : memref<2080xf32, #tpu.memory_space<vmem>>[vector<16xi32>], vector<16xf32>,
    %add3A_3713 = arith.constant 1456 : i32
    %add3A_3714 = vector.broadcast %add3A_3713 : i32 to vector<16xi32>
    %add3A_3715 = arith.addi %add3A_3714, %add3A_2230 : vector<16xi32>
    %gather3A_3716 = tpu.vector_load_idx %arg9[%add3A_3715] : memref<2080xf32, #tpu.memory_space<vmem>>[vector<16xi32>], vector<16xf32>,
    %add3A_3717 = arith.constant 1664 : i32
    %add3A_3718 = vector.broadcast %add3A_3717 : i32 to vector<16xi32>
    %add3A_3719 = arith.addi %add3A_3718, %add3A_2230 : vector<16xi32>
    %gather3A_3720 = tpu.vector_load_idx %arg9[%add3A_3719] : memref<2080xf32, #tpu.memory_space<vmem>>[vector<16xi32>], vector<16xf32>,
    %add3A_3721 = arith.constant 1872 : i32
    %add3A_3722 = vector.broadcast %add3A_3721 : i32 to vector<16xi32>
    %add3A_3723 = arith.addi %add3A_3722, %add3A_2230 : vector<16xi32>
    %gather3A_3724 = tpu.vector_load_idx %arg9[%add3A_3723] : memref<2080xf32, #tpu.memory_space<vmem>>[vector<16xi32>], vector<16xf32>,
    %add3A_3725 = arith.addf %gather3A_3688, %gather3A_3708 : vector<16xf32>
    %eq3A_3726 = arith.constant 1.000000e+00 : f32
    %eq3A_3727 = vector.broadcast %eq3A_3726 : f32 to vector<16xf32>
    %eq3A_3728 = arith.cmpf oeq, %add3A_3725, %eq3A_3727 : vector<16xf32>
    %and3A_3729 = arith.andi %and3A_3684, %eq3A_3728 : vector<16xi1>
    %convert_element_type3A_3730 = arith.extui %and3A_3729 : vector<16xi1> to vector<16xi32>
    %convert_element_type3A_3731 = arith.sitofp %convert_element_type3A_3730 : vector<16xi32> to vector<16xf32>
    %add3A_3732 = arith.addf %add3A_1657, %convert_element_type3A_3731 : vector<16xf32>
    %add3A_3733 = arith.constant 0 : i32
    %add3A_3734 = vector.broadcast %add3A_3733 : i32 to vector<16xi32>
    %add3A_3735 = arith.addi %add3A_3734, %add3A_2230 : vector<16xi32>
    %gather3A_3736 = tpu.vector_load_idx %arg10[%add3A_3735] : memref<4160xf32, #tpu.memory_space<vmem>>[vector<16xi32>], vector<16xf32>,
    %add3A_3737 = arith.constant 10 : i32
    %add3A_3738 = vector.broadcast %add3A_3737 : i32 to vector<16xi32>
    %add3A_3739 = arith.addi %mul3A_3681, %add3A_3738 : vector<16xi32>
    %gather3A_3740 = tpu.vector_load_idx %arg6[%add3A_3739] : memref<5880xf32, #tpu.memory_space<vmem>>[vector<16xi32>], vector<16xf32>,
    %sub3A_3741 = arith.subf %gather3A_3740, %gather3A_3736 : vector<16xf32>
    %mul3A_3742 = arith.mulf %sub3A_3741, %sub3A_3741 : vector<16xf32>
    %add3A_3743 = arith.addf %broadcast_in_dim3A_1, %mul3A_3742 : vector<16xf32>
    %add3A_3744 = arith.constant 208 : i32
    %add3A_3745 = vector.broadcast %add3A_3744 : i32 to vector<16xi32>
    %add3A_3746 = arith.addi %add3A_3745, %add3A_2230 : vector<16xi32>
    %gather3A_3747 = tpu.vector_load_idx %arg10[%add3A_3746] : memref<4160xf32, #tpu.memory_space<vmem>>[vector<16xi32>], vector<16xf32>,
    %add3A_3748 = arith.constant 11 : i32
    %add3A_3749 = vector.broadcast %add3A_3748 : i32 to vector<16xi32>
    %add3A_3750 = arith.addi %mul3A_3681, %add3A_3749 : vector<16xi32>
    %gather3A_3751 = tpu.vector_load_idx %arg6[%add3A_3750] : memref<5880xf32, #tpu.memory_space<vmem>>[vector<16xi32>], vector<16xf32>,
    %sub3A_3752 = arith.subf %gather3A_3751, %gather3A_3747 : vector<16xf32>
    %mul3A_3753 = arith.mulf %sub3A_3752, %sub3A_3752 : vector<16xf32>
    %add3A_3754 = arith.addf %add3A_3743, %mul3A_3753 : vector<16xf32>
    %add3A_3755 = arith.constant 416 : i32
    %add3A_3756 = vector.broadcast %add3A_3755 : i32 to vector<16xi32>
    %add3A_3757 = arith.addi %add3A_3756, %add3A_2230 : vector<16xi32>
    %gather3A_3758 = tpu.vector_load_idx %arg10[%add3A_3757] : memref<4160xf32, #tpu.memory_space<vmem>>[vector<16xi32>], vector<16xf32>,
    %add3A_3759 = arith.constant 12 : i32
    %add3A_3760 = vector.broadcast %add3A_3759 : i32 to vector<16xi32>
    %add3A_3761 = arith.addi %mul3A_3681, %add3A_3760 : vector<16xi32>
    %gather3A_3762 = tpu.vector_load_idx %arg6[%add3A_3761] : memref<5880xf32, #tpu.memory_space<vmem>>[vector<16xi32>], vector<16xf32>,
    %sub3A_3763 = arith.subf %gather3A_3762, %gather3A_3758 : vector<16xf32>
    %mul3A_3764 = arith.mulf %sub3A_3763, %sub3A_3763 : vector<16xf32>
    %add3A_3765 = arith.addf %add3A_3754, %mul3A_3764 : vector<16xf32>
    %add3A_3766 = arith.constant 624 : i32
    %add3A_3767 = vector.broadcast %add3A_3766 : i32 to vector<16xi32>
    %add3A_3768 = arith.addi %add3A_3767, %add3A_2230 : vector<16xi32>
    %gather3A_3769 = tpu.vector_load_idx %arg10[%add3A_3768] : memref<4160xf32, #tpu.memory_space<vmem>>[vector<16xi32>], vector<16xf32>,
    %add3A_3770 = arith.constant 13 : i32
    %add3A_3771 = vector.broadcast %add3A_3770 : i32 to vector<16xi32>
    %add3A_3772 = arith.addi %mul3A_3681, %add3A_3771 : vector<16xi32>
    %gather3A_3773 = tpu.vector_load_idx %arg6[%add3A_3772] : memref<5880xf32, #tpu.memory_space<vmem>>[vector<16xi32>], vector<16xf32>,
    %sub3A_3774 = arith.subf %gather3A_3773, %gather3A_3769 : vector<16xf32>
    %mul3A_3775 = arith.mulf %sub3A_3774, %sub3A_3774 : vector<16xf32>
    %add3A_3776 = arith.addf %add3A_3765, %mul3A_3775 : vector<16xf32>
    %add3A_3777 = arith.constant 832 : i32
    %add3A_3778 = vector.broadcast %add3A_3777 : i32 to vector<16xi32>
    %add3A_3779 = arith.addi %add3A_3778, %add3A_2230 : vector<16xi32>
    %gather3A_3780 = tpu.vector_load_idx %arg10[%add3A_3779] : memref<4160xf32, #tpu.memory_space<vmem>>[vector<16xi32>], vector<16xf32>,
    %add3A_3781 = arith.constant 14 : i32
    %add3A_3782 = vector.broadcast %add3A_3781 : i32 to vector<16xi32>
    %add3A_3783 = arith.addi %mul3A_3681, %add3A_3782 : vector<16xi32>
    %gather3A_3784 = tpu.vector_load_idx %arg6[%add3A_3783] : memref<5880xf32, #tpu.memory_space<vmem>>[vector<16xi32>], vector<16xf32>,
    %sub3A_3785 = arith.subf %gather3A_3784, %gather3A_3780 : vector<16xf32>
    %mul3A_3786 = arith.mulf %sub3A_3785, %sub3A_3785 : vector<16xf32>
    %add3A_3787 = arith.addf %add3A_3776, %mul3A_3786 : vector<16xf32>
    %add3A_3788 = arith.constant 1040 : i32
    %add3A_3789 = vector.broadcast %add3A_3788 : i32 to vector<16xi32>
    %add3A_3790 = arith.addi %add3A_3789, %add3A_2230 : vector<16xi32>
    %gather3A_3791 = tpu.vector_load_idx %arg10[%add3A_3790] : memref<4160xf32, #tpu.memory_space<vmem>>[vector<16xi32>], vector<16xf32>,
    %add3A_3792 = arith.constant 15 : i32
    %add3A_3793 = vector.broadcast %add3A_3792 : i32 to vector<16xi32>
    %add3A_3794 = arith.addi %mul3A_3681, %add3A_3793 : vector<16xi32>
    %gather3A_3795 = tpu.vector_load_idx %arg6[%add3A_3794] : memref<5880xf32, #tpu.memory_space<vmem>>[vector<16xi32>], vector<16xf32>,
    %sub3A_3796 = arith.subf %gather3A_3795, %gather3A_3791 : vector<16xf32>
    %mul3A_3797 = arith.mulf %sub3A_3796, %sub3A_3796 : vector<16xf32>
    %add3A_3798 = arith.addf %add3A_3787, %mul3A_3797 : vector<16xf32>
    %add3A_3799 = arith.constant 1248 : i32
    %add3A_3800 = vector.broadcast %add3A_3799 : i32 to vector<16xi32>
    %add3A_3801 = arith.addi %add3A_3800, %add3A_2230 : vector<16xi32>
    %gather3A_3802 = tpu.vector_load_idx %arg10[%add3A_3801] : memref<4160xf32, #tpu.memory_space<vmem>>[vector<16xi32>], vector<16xf32>,
    %add3A_3803 = arith.constant 16 : i32
    %add3A_3804 = vector.broadcast %add3A_3803 : i32 to vector<16xi32>
    %add3A_3805 = arith.addi %mul3A_3681, %add3A_3804 : vector<16xi32>
    %gather3A_3806 = tpu.vector_load_idx %arg6[%add3A_3805] : memref<5880xf32, #tpu.memory_space<vmem>>[vector<16xi32>], vector<16xf32>,
    %sub3A_3807 = arith.subf %gather3A_3806, %gather3A_3802 : vector<16xf32>
    %mul3A_3808 = arith.mulf %sub3A_3807, %sub3A_3807 : vector<16xf32>
    %add3A_3809 = arith.addf %add3A_3798, %mul3A_3808 : vector<16xf32>
    %add3A_3810 = arith.constant 1456 : i32
    %add3A_3811 = vector.broadcast %add3A_3810 : i32 to vector<16xi32>
    %add3A_3812 = arith.addi %add3A_3811, %add3A_2230 : vector<16xi32>
    %gather3A_3813 = tpu.vector_load_idx %arg10[%add3A_3812] : memref<4160xf32, #tpu.memory_space<vmem>>[vector<16xi32>], vector<16xf32>,
    %add3A_3814 = arith.constant 17 : i32
    %add3A_3815 = vector.broadcast %add3A_3814 : i32 to vector<16xi32>
    %add3A_3816 = arith.addi %mul3A_3681, %add3A_3815 : vector<16xi32>
    %gather3A_3817 = tpu.vector_load_idx %arg6[%add3A_3816] : memref<5880xf32, #tpu.memory_space<vmem>>[vector<16xi32>], vector<16xf32>,
    %sub3A_3818 = arith.subf %gather3A_3817, %gather3A_3813 : vector<16xf32>
    %mul3A_3819 = arith.mulf %sub3A_3818, %sub3A_3818 : vector<16xf32>
    %add3A_3820 = arith.addf %add3A_3809, %mul3A_3819 : vector<16xf32>
    %add3A_3821 = arith.constant 1664 : i32
    %add3A_3822 = vector.broadcast %add3A_3821 : i32 to vector<16xi32>
    %add3A_3823 = arith.addi %add3A_3822, %add3A_2230 : vector<16xi32>
    %gather3A_3824 = tpu.vector_load_idx %arg10[%add3A_3823] : memref<4160xf32, #tpu.memory_space<vmem>>[vector<16xi32>], vector<16xf32>,
    %add3A_3825 = arith.constant 18 : i32
    %add3A_3826 = vector.broadcast %add3A_3825 : i32 to vector<16xi32>
    %add3A_3827 = arith.addi %mul3A_3681, %add3A_3826 : vector<16xi32>
    %gather3A_3828 = tpu.vector_load_idx %arg6[%add3A_3827] : memref<5880xf32, #tpu.memory_space<vmem>>[vector<16xi32>], vector<16xf32>,
    %sub3A_3829 = arith.subf %gather3A_3828, %gather3A_3824 : vector<16xf32>
    %mul3A_3830 = arith.mulf %sub3A_3829, %sub3A_3829 : vector<16xf32>
    %add3A_3831 = arith.addf %add3A_3820, %mul3A_3830 : vector<16xf32>
    %add3A_3832 = arith.constant 1872 : i32
    %add3A_3833 = vector.broadcast %add3A_3832 : i32 to vector<16xi32>
    %add3A_3834 = arith.addi %add3A_3833, %add3A_2230 : vector<16xi32>
    %gather3A_3835 = tpu.vector_load_idx %arg10[%add3A_3834] : memref<4160xf32, #tpu.memory_space<vmem>>[vector<16xi32>], vector<16xf32>,
    %add3A_3836 = arith.constant 19 : i32
    %add3A_3837 = vector.broadcast %add3A_3836 : i32 to vector<16xi32>
    %add3A_3838 = arith.addi %mul3A_3681, %add3A_3837 : vector<16xi32>
    %gather3A_3839 = tpu.vector_load_idx %arg6[%add3A_3838] : memref<5880xf32, #tpu.memory_space<vmem>>[vector<16xi32>], vector<16xf32>,
    %sub3A_3840 = arith.subf %gather3A_3839, %gather3A_3835 : vector<16xf32>
    %mul3A_3841 = arith.mulf %sub3A_3840, %sub3A_3840 : vector<16xf32>
    %add3A_3842 = arith.addf %add3A_3831, %mul3A_3841 : vector<16xf32>
    %add3A_3843 = arith.constant 2080 : i32
    %add3A_3844 = vector.broadcast %add3A_3843 : i32 to vector<16xi32>
    %add3A_3845 = arith.addi %add3A_3844, %add3A_2230 : vector<16xi32>
    %gather3A_3846 = tpu.vector_load_idx %arg10[%add3A_3845] : memref<4160xf32, #tpu.memory_space<vmem>>[vector<16xi32>], vector<16xf32>,
    %add3A_3847 = arith.constant 20 : i32
    %add3A_3848 = vector.broadcast %add3A_3847 : i32 to vector<16xi32>
    %add3A_3849 = arith.addi %mul3A_3681, %add3A_3848 : vector<16xi32>
    %gather3A_3850 = tpu.vector_load_idx %arg6[%add3A_3849] : memref<5880xf32, #tpu.memory_space<vmem>>[vector<16xi32>], vector<16xf32>,
    %sub3A_3851 = arith.subf %gather3A_3850, %gather3A_3846 : vector<16xf32>
    %mul3A_3852 = arith.mulf %sub3A_3851, %sub3A_3851 : vector<16xf32>
    %add3A_3853 = arith.addf %add3A_3842, %mul3A_3852 : vector<16xf32>
    %add3A_3854 = arith.constant 2288 : i32
    %add3A_3855 = vector.broadcast %add3A_3854 : i32 to vector<16xi32>
    %add3A_3856 = arith.addi %add3A_3855, %add3A_2230 : vector<16xi32>
    %gather3A_3857 = tpu.vector_load_idx %arg10[%add3A_3856] : memref<4160xf32, #tpu.memory_space<vmem>>[vector<16xi32>], vector<16xf32>,
    %add3A_3858 = arith.constant 21 : i32
    %add3A_3859 = vector.broadcast %add3A_3858 : i32 to vector<16xi32>
    %add3A_3860 = arith.addi %mul3A_3681, %add3A_3859 : vector<16xi32>
    %gather3A_3861 = tpu.vector_load_idx %arg6[%add3A_3860] : memref<5880xf32, #tpu.memory_space<vmem>>[vector<16xi32>], vector<16xf32>,
    %sub3A_3862 = arith.subf %gather3A_3861, %gather3A_3857 : vector<16xf32>
    %mul3A_3863 = arith.mulf %sub3A_3862, %sub3A_3862 : vector<16xf32>
    %add3A_3864 = arith.addf %add3A_3853, %mul3A_3863 : vector<16xf32>
    %add3A_3865 = arith.constant 2496 : i32
    %add3A_3866 = vector.broadcast %add3A_3865 : i32 to vector<16xi32>
    %add3A_3867 = arith.addi %add3A_3866, %add3A_2230 : vector<16xi32>
    %gather3A_3868 = tpu.vector_load_idx %arg10[%add3A_3867] : memref<4160xf32, #tpu.memory_space<vmem>>[vector<16xi32>], vector<16xf32>,
    %add3A_3869 = arith.constant 22 : i32
    %add3A_3870 = vector.broadcast %add3A_3869 : i32 to vector<16xi32>
    %add3A_3871 = arith.addi %mul3A_3681, %add3A_3870 : vector<16xi32>
    %gather3A_3872 = tpu.vector_load_idx %arg6[%add3A_3871] : memref<5880xf32, #tpu.memory_space<vmem>>[vector<16xi32>], vector<16xf32>,
    %sub3A_3873 = arith.subf %gather3A_3872, %gather3A_3868 : vector<16xf32>
    %mul3A_3874 = arith.mulf %sub3A_3873, %sub3A_3873 : vector<16xf32>
    %add3A_3875 = arith.addf %add3A_3864, %mul3A_3874 : vector<16xf32>
    %add3A_3876 = arith.constant 2704 : i32
    %add3A_3877 = vector.broadcast %add3A_3876 : i32 to vector<16xi32>
    %add3A_3878 = arith.addi %add3A_3877, %add3A_2230 : vector<16xi32>
    %gather3A_3879 = tpu.vector_load_idx %arg10[%add3A_3878] : memref<4160xf32, #tpu.memory_space<vmem>>[vector<16xi32>], vector<16xf32>,
    %add3A_3880 = arith.constant 23 : i32
    %add3A_3881 = vector.broadcast %add3A_3880 : i32 to vector<16xi32>
    %add3A_3882 = arith.addi %mul3A_3681, %add3A_3881 : vector<16xi32>
    %gather3A_3883 = tpu.vector_load_idx %arg6[%add3A_3882] : memref<5880xf32, #tpu.memory_space<vmem>>[vector<16xi32>], vector<16xf32>,
    %sub3A_3884 = arith.subf %gather3A_3883, %gather3A_3879 : vector<16xf32>
    %mul3A_3885 = arith.mulf %sub3A_3884, %sub3A_3884 : vector<16xf32>
    %add3A_3886 = arith.addf %add3A_3875, %mul3A_3885 : vector<16xf32>
    %add3A_3887 = arith.constant 2912 : i32
    %add3A_3888 = vector.broadcast %add3A_3887 : i32 to vector<16xi32>
    %add3A_3889 = arith.addi %add3A_3888, %add3A_2230 : vector<16xi32>
    %gather3A_3890 = tpu.vector_load_idx %arg10[%add3A_3889] : memref<4160xf32, #tpu.memory_space<vmem>>[vector<16xi32>], vector<16xf32>,
    %add3A_3891 = arith.constant 24 : i32
    %add3A_3892 = vector.broadcast %add3A_3891 : i32 to vector<16xi32>
    %add3A_3893 = arith.addi %mul3A_3681, %add3A_3892 : vector<16xi32>
    %gather3A_3894 = tpu.vector_load_idx %arg6[%add3A_3893] : memref<5880xf32, #tpu.memory_space<vmem>>[vector<16xi32>], vector<16xf32>,
    %sub3A_3895 = arith.subf %gather3A_3894, %gather3A_3890 : vector<16xf32>
    %mul3A_3896 = arith.mulf %sub3A_3895, %sub3A_3895 : vector<16xf32>
    %add3A_3897 = arith.addf %add3A_3886, %mul3A_3896 : vector<16xf32>
    %add3A_3898 = arith.constant 3120 : i32
    %add3A_3899 = vector.broadcast %add3A_3898 : i32 to vector<16xi32>
    %add3A_3900 = arith.addi %add3A_3899, %add3A_2230 : vector<16xi32>
    %gather3A_3901 = tpu.vector_load_idx %arg10[%add3A_3900] : memref<4160xf32, #tpu.memory_space<vmem>>[vector<16xi32>], vector<16xf32>,
    %add3A_3902 = arith.constant 25 : i32
    %add3A_3903 = vector.broadcast %add3A_3902 : i32 to vector<16xi32>
    %add3A_3904 = arith.addi %mul3A_3681, %add3A_3903 : vector<16xi32>
    %gather3A_3905 = tpu.vector_load_idx %arg6[%add3A_3904] : memref<5880xf32, #tpu.memory_space<vmem>>[vector<16xi32>], vector<16xf32>,
    %sub3A_3906 = arith.subf %gather3A_3905, %gather3A_3901 : vector<16xf32>
    %mul3A_3907 = arith.mulf %sub3A_3906, %sub3A_3906 : vector<16xf32>
    %add3A_3908 = arith.addf %add3A_3897, %mul3A_3907 : vector<16xf32>
    %add3A_3909 = arith.constant 3328 : i32
    %add3A_3910 = vector.broadcast %add3A_3909 : i32 to vector<16xi32>
    %add3A_3911 = arith.addi %add3A_3910, %add3A_2230 : vector<16xi32>
    %gather3A_3912 = tpu.vector_load_idx %arg10[%add3A_3911] : memref<4160xf32, #tpu.memory_space<vmem>>[vector<16xi32>], vector<16xf32>,
    %add3A_3913 = arith.constant 26 : i32
    %add3A_3914 = vector.broadcast %add3A_3913 : i32 to vector<16xi32>
    %add3A_3915 = arith.addi %mul3A_3681, %add3A_3914 : vector<16xi32>
    %gather3A_3916 = tpu.vector_load_idx %arg6[%add3A_3915] : memref<5880xf32, #tpu.memory_space<vmem>>[vector<16xi32>], vector<16xf32>,
    %sub3A_3917 = arith.subf %gather3A_3916, %gather3A_3912 : vector<16xf32>
    %mul3A_3918 = arith.mulf %sub3A_3917, %sub3A_3917 : vector<16xf32>
    %add3A_3919 = arith.addf %add3A_3908, %mul3A_3918 : vector<16xf32>
    %add3A_3920 = arith.constant 3536 : i32
    %add3A_3921 = vector.broadcast %add3A_3920 : i32 to vector<16xi32>
    %add3A_3922 = arith.addi %add3A_3921, %add3A_2230 : vector<16xi32>
    %gather3A_3923 = tpu.vector_load_idx %arg10[%add3A_3922] : memref<4160xf32, #tpu.memory_space<vmem>>[vector<16xi32>], vector<16xf32>,
    %add3A_3924 = arith.constant 27 : i32
    %add3A_3925 = vector.broadcast %add3A_3924 : i32 to vector<16xi32>
    %add3A_3926 = arith.addi %mul3A_3681, %add3A_3925 : vector<16xi32>
    %gather3A_3927 = tpu.vector_load_idx %arg6[%add3A_3926] : memref<5880xf32, #tpu.memory_space<vmem>>[vector<16xi32>], vector<16xf32>,
    %sub3A_3928 = arith.subf %gather3A_3927, %gather3A_3923 : vector<16xf32>
    %mul3A_3929 = arith.mulf %sub3A_3928, %sub3A_3928 : vector<16xf32>
    %add3A_3930 = arith.addf %add3A_3919, %mul3A_3929 : vector<16xf32>
    %add3A_3931 = arith.constant 3744 : i32
    %add3A_3932 = vector.broadcast %add3A_3931 : i32 to vector<16xi32>
    %add3A_3933 = arith.addi %add3A_3932, %add3A_2230 : vector<16xi32>
    %gather3A_3934 = tpu.vector_load_idx %arg10[%add3A_3933] : memref<4160xf32, #tpu.memory_space<vmem>>[vector<16xi32>], vector<16xf32>,
    %add3A_3935 = arith.constant 28 : i32
    %add3A_3936 = vector.broadcast %add3A_3935 : i32 to vector<16xi32>
    %add3A_3937 = arith.addi %mul3A_3681, %add3A_3936 : vector<16xi32>
    %gather3A_3938 = tpu.vector_load_idx %arg6[%add3A_3937] : memref<5880xf32, #tpu.memory_space<vmem>>[vector<16xi32>], vector<16xf32>,
    %sub3A_3939 = arith.subf %gather3A_3938, %gather3A_3934 : vector<16xf32>
    %mul3A_3940 = arith.mulf %sub3A_3939, %sub3A_3939 : vector<16xf32>
    %add3A_3941 = arith.addf %add3A_3930, %mul3A_3940 : vector<16xf32>
    %add3A_3942 = arith.constant 3952 : i32
    %add3A_3943 = vector.broadcast %add3A_3942 : i32 to vector<16xi32>
    %add3A_3944 = arith.addi %add3A_3943, %add3A_2230 : vector<16xi32>
    %gather3A_3945 = tpu.vector_load_idx %arg10[%add3A_3944] : memref<4160xf32, #tpu.memory_space<vmem>>[vector<16xi32>], vector<16xf32>,
    %add3A_3946 = arith.constant 29 : i32
    %add3A_3947 = vector.broadcast %add3A_3946 : i32 to vector<16xi32>
    %add3A_3948 = arith.addi %mul3A_3681, %add3A_3947 : vector<16xi32>
    %gather3A_3949 = tpu.vector_load_idx %arg6[%add3A_3948] : memref<5880xf32, #tpu.memory_space<vmem>>[vector<16xi32>], vector<16xf32>,
    %sub3A_3950 = arith.subf %gather3A_3949, %gather3A_3945 : vector<16xf32>
    %mul3A_3951 = arith.mulf %sub3A_3950, %sub3A_3950 : vector<16xf32>
    %add3A_3952 = arith.addf %add3A_3941, %mul3A_3951 : vector<16xf32>
    %mul3A_3953 = arith.mulf %convert_element_type3A_3731, %add3A_3952 : vector<16xf32>
    %add3A_3954 = arith.addf %add3A_1879, %mul3A_3953 : vector<16xf32>
    %add3A_3955 = arith.addf %gather3A_3688, %gather3A_3692 : vector<16xf32>
    %add3A_3956 = arith.addf %add3A_3955, %gather3A_3696 : vector<16xf32>
    %add3A_3957 = arith.addf %add3A_3956, %gather3A_3700 : vector<16xf32>
    %add3A_3958 = arith.addf %add3A_3957, %gather3A_3704 : vector<16xf32>
    %add3A_3959 = arith.addf %gather3A_3708, %gather3A_3712 : vector<16xf32>
    %add3A_3960 = arith.addf %add3A_3959, %gather3A_3716 : vector<16xf32>
    %add3A_3961 = arith.addf %add3A_3960, %gather3A_3720 : vector<16xf32>
    %add3A_3962 = arith.addf %add3A_3961, %gather3A_3724 : vector<16xf32>
    %ne3A_3963 = arith.constant 0.000000e+00 : f32
    %ne3A_3964 = vector.broadcast %ne3A_3963 : f32 to vector<16xf32>
    %ne3A_3965 = arith.cmpf one, %add3A_3958, %ne3A_3964 : vector<16xf32>
    %convert_element_type3A_3966 = arith.extui %ne3A_3965 : vector<16xi1> to vector<16xi32>
    %convert_element_type3A_3967 = arith.sitofp %convert_element_type3A_3966 : vector<16xi32> to vector<16xf32>
    %mul3A_3968 = arith.mulf %convert_element_type3A_3731, %convert_element_type3A_3967 : vector<16xf32>
    %ne3A_3969 = arith.constant 0.000000e+00 : f32
    %ne3A_3970 = vector.broadcast %ne3A_3969 : f32 to vector<16xf32>
    %ne3A_3971 = arith.cmpf one, %add3A_3962, %ne3A_3970 : vector<16xf32>
    %convert_element_type3A_3972 = arith.extui %ne3A_3971 : vector<16xi1> to vector<16xi32>
    %convert_element_type3A_3973 = arith.sitofp %convert_element_type3A_3972 : vector<16xi32> to vector<16xf32>
    %mul3A_3974 = arith.mulf %convert_element_type3A_3731, %convert_element_type3A_3973 : vector<16xf32>
    %add3A_3975 = arith.addf %add3A_1901, %mul3A_3968 : vector<16xf32>
    %add3A_3976 = arith.addf %add3A_3975, %mul3A_3974 : vector<16xf32>
    %add3A_3977 = arith.constant 0 : i32
    %add3A_3978 = vector.broadcast %add3A_3977 : i32 to vector<16xi32>
    %add3A_3979 = arith.addi %mul3A_3681, %add3A_3978 : vector<16xi32>
    %gather3A_3980 = tpu.vector_load_idx %arg6[%add3A_3979] : memref<5880xf32, #tpu.memory_space<vmem>>[vector<16xi32>], vector<16xf32>,
    %sub3A_3981 = arith.subf %gather3A_3980, %gather3A_3688 : vector<16xf32>
    %add3A_3982 = arith.constant 5 : i32
    %add3A_3983 = vector.broadcast %add3A_3982 : i32 to vector<16xi32>
    %add3A_3984 = arith.addi %mul3A_3681, %add3A_3983 : vector<16xi32>
    %gather3A_3985 = tpu.vector_load_idx %arg6[%add3A_3984] : memref<5880xf32, #tpu.memory_space<vmem>>[vector<16xi32>], vector<16xf32>,
    %sub3A_3986 = arith.subf %gather3A_3985, %gather3A_3708 : vector<16xf32>
    %mul3A_3987 = arith.mulf %sub3A_3981, %sub3A_3981 : vector<16xf32>
    %mul3A_3988 = arith.mulf %mul3A_3968, %mul3A_3987 : vector<16xf32>
    %add3A_3989 = arith.addf %add3A_1917, %mul3A_3988 : vector<16xf32>
    %mul3A_3990 = arith.mulf %sub3A_3986, %sub3A_3986 : vector<16xf32>
    %mul3A_3991 = arith.mulf %mul3A_3974, %mul3A_3990 : vector<16xf32>
    %add3A_3992 = arith.addf %add3A_3989, %mul3A_3991 : vector<16xf32>
    %add3A_3993 = arith.constant 1 : i32
    %add3A_3994 = vector.broadcast %add3A_3993 : i32 to vector<16xi32>
    %add3A_3995 = arith.addi %mul3A_3681, %add3A_3994 : vector<16xi32>
    %gather3A_3996 = tpu.vector_load_idx %arg6[%add3A_3995] : memref<5880xf32, #tpu.memory_space<vmem>>[vector<16xi32>], vector<16xf32>,
    %sub3A_3997 = arith.subf %gather3A_3996, %gather3A_3692 : vector<16xf32>
    %add3A_3998 = arith.constant 2 : i32
    %add3A_3999 = vector.broadcast %add3A_3998 : i32 to vector<16xi32>
    %add3A_4000 = arith.addi %mul3A_3681, %add3A_3999 : vector<16xi32>
    %gather3A_4001 = tpu.vector_load_idx %arg6[%add3A_4000] : memref<5880xf32, #tpu.memory_space<vmem>>[vector<16xi32>], vector<16xf32>,
    %sub3A_4002 = arith.subf %gather3A_4001, %gather3A_3696 : vector<16xf32>
    %add3A_4003 = arith.constant 6 : i32
    %add3A_4004 = vector.broadcast %add3A_4003 : i32 to vector<16xi32>
    %add3A_4005 = arith.addi %mul3A_3681, %add3A_4004 : vector<16xi32>
    %gather3A_4006 = tpu.vector_load_idx %arg6[%add3A_4005] : memref<5880xf32, #tpu.memory_space<vmem>>[vector<16xi32>], vector<16xf32>,
    %sub3A_4007 = arith.subf %gather3A_4006, %gather3A_3712 : vector<16xf32>
    %add3A_4008 = arith.constant 7 : i32
    %add3A_4009 = vector.broadcast %add3A_4008 : i32 to vector<16xi32>
    %add3A_4010 = arith.addi %mul3A_3681, %add3A_4009 : vector<16xi32>
    %gather3A_4011 = tpu.vector_load_idx %arg6[%add3A_4010] : memref<5880xf32, #tpu.memory_space<vmem>>[vector<16xi32>], vector<16xf32>,
    %sub3A_4012 = arith.subf %gather3A_4011, %gather3A_3716 : vector<16xf32>
    %mul3A_4013 = arith.mulf %sub3A_3997, %sub3A_3997 : vector<16xf32>
    %mul3A_4014 = arith.mulf %sub3A_4002, %sub3A_4002 : vector<16xf32>
    %add3A_4015 = arith.addf %mul3A_4013, %mul3A_4014 : vector<16xf32>
    %mul3A_4016 = arith.mulf %mul3A_3968, %add3A_4015 : vector<16xf32>
    %add3A_4017 = arith.addf %add3A_1947, %mul3A_4016 : vector<16xf32>
    %mul3A_4018 = arith.mulf %sub3A_4007, %sub3A_4007 : vector<16xf32>
    %mul3A_4019 = arith.mulf %sub3A_4012, %sub3A_4012 : vector<16xf32>
    %add3A_4020 = arith.addf %mul3A_4018, %mul3A_4019 : vector<16xf32>
    %mul3A_4021 = arith.mulf %mul3A_3974, %add3A_4020 : vector<16xf32>
    %add3A_4022 = arith.addf %add3A_4017, %mul3A_4021 : vector<16xf32>
    %add3A_4023 = arith.constant 3 : i32
    %add3A_4024 = vector.broadcast %add3A_4023 : i32 to vector<16xi32>
    %add3A_4025 = arith.addi %mul3A_3681, %add3A_4024 : vector<16xi32>
    %gather3A_4026 = tpu.vector_load_idx %arg6[%add3A_4025] : memref<5880xf32, #tpu.memory_space<vmem>>[vector<16xi32>], vector<16xf32>,
    %add3A_4027 = arith.constant 4 : i32
    %add3A_4028 = vector.broadcast %add3A_4027 : i32 to vector<16xi32>
    %add3A_4029 = arith.addi %mul3A_3681, %add3A_4028 : vector<16xi32>
    %gather3A_4030 = tpu.vector_load_idx %arg6[%add3A_4029] : memref<5880xf32, #tpu.memory_space<vmem>>[vector<16xi32>], vector<16xf32>,
    %add3A_4031 = arith.constant 8 : i32
    %add3A_4032 = vector.broadcast %add3A_4031 : i32 to vector<16xi32>
    %add3A_4033 = arith.addi %mul3A_3681, %add3A_4032 : vector<16xi32>
    %gather3A_4034 = tpu.vector_load_idx %arg6[%add3A_4033] : memref<5880xf32, #tpu.memory_space<vmem>>[vector<16xi32>], vector<16xf32>,
    %add3A_4035 = arith.constant 9 : i32
    %add3A_4036 = vector.broadcast %add3A_4035 : i32 to vector<16xi32>
    %add3A_4037 = arith.addi %mul3A_3681, %add3A_4036 : vector<16xi32>
    %gather3A_4038 = tpu.vector_load_idx %arg6[%add3A_4037] : memref<5880xf32, #tpu.memory_space<vmem>>[vector<16xi32>], vector<16xf32>,
    %add3A_4039 = arith.addf %gather3A_4026, %gather3A_3700 : vector<16xf32>
    %mul3A_4040 = arith.mulf %gather3A_4026, %gather3A_3700 : vector<16xf32>
    %bitcast3A_4041 = vector.bitcast %mul3A_4040 : vector<16xf32> to vector<16xi32>
    %shift_right_logical3A_4042 = arith.constant 1 : i32
    %shift_right_logical3A_4043 = vector.broadcast %shift_right_logical3A_4042 : i32 to vector<16xi32>
    %shift_right_logical3A_4044 = arith.shrui %bitcast3A_4041, %shift_right_logical3A_4043 : vector<16xi32>
    %sub3A_4045 = arith.constant 1597463007 : i32
    %sub3A_4046 = vector.broadcast %sub3A_4045 : i32 to vector<16xi32>
    %sub3A_4047 = arith.subi %sub3A_4046, %shift_right_logical3A_4044 : vector<16xi32>
    %bitcast3A_4048 = vector.bitcast %sub3A_4047 : vector<16xi32> to vector<16xf32>
    %mul3A_4049 = arith.constant 5.000000e-01 : f32
    %mul3A_4050 = vector.broadcast %mul3A_4049 : f32 to vector<16xf32>
    %mul3A_4051 = arith.mulf %mul3A_4040, %mul3A_4050 : vector<16xf32>
    %mul3A_4052 = arith.mulf %mul3A_4051, %bitcast3A_4048 : vector<16xf32>
    %mul3A_4053 = arith.mulf %mul3A_4052, %bitcast3A_4048 : vector<16xf32>
    %sub3A_4054 = arith.constant 1.500000e+00 : f32
    %sub3A_4055 = vector.broadcast %sub3A_4054 : f32 to vector<16xf32>
    %sub3A_4056 = arith.subf %sub3A_4055, %mul3A_4053 : vector<16xf32>
    %mul3A_4057 = arith.mulf %bitcast3A_4048, %sub3A_4056 : vector<16xf32>
    %mul3A_4058 = arith.mulf %mul3A_4051, %mul3A_4057 : vector<16xf32>
    %mul3A_4059 = arith.mulf %mul3A_4058, %mul3A_4057 : vector<16xf32>
    %sub3A_4060 = arith.constant 1.500000e+00 : f32
    %sub3A_4061 = vector.broadcast %sub3A_4060 : f32 to vector<16xf32>
    %sub3A_4062 = arith.subf %sub3A_4061, %mul3A_4059 : vector<16xf32>
    %mul3A_4063 = arith.mulf %mul3A_4057, %sub3A_4062 : vector<16xf32>
    %mul3A_4064 = arith.mulf %mul3A_4051, %mul3A_4063 : vector<16xf32>
    %mul3A_4065 = arith.mulf %mul3A_4064, %mul3A_4063 : vector<16xf32>
    %sub3A_4066 = arith.constant 1.500000e+00 : f32
    %sub3A_4067 = vector.broadcast %sub3A_4066 : f32 to vector<16xf32>
    %sub3A_4068 = arith.subf %sub3A_4067, %mul3A_4065 : vector<16xf32>
    %mul3A_4069 = arith.mulf %mul3A_4063, %sub3A_4068 : vector<16xf32>
    %mul3A_4070 = arith.mulf %mul3A_4040, %mul3A_4069 : vector<16xf32>
    %mul3A_4071 = arith.constant 2.000000e+00 : f32
    %mul3A_4072 = vector.broadcast %mul3A_4071 : f32 to vector<16xf32>
    %mul3A_4073 = arith.mulf %mul3A_4072, %mul3A_4070 : vector<16xf32>
    %sub3A_4074 = arith.subf %add3A_4039, %mul3A_4073 : vector<16xf32>
    %add3A_4075 = arith.addf %sub3A_4074, %gather3A_4030 : vector<16xf32>
    %add3A_4076 = arith.addf %add3A_4075, %gather3A_3704 : vector<16xf32>
    %mul3A_4077 = arith.mulf %gather3A_4030, %gather3A_3704 : vector<16xf32>
    %bitcast3A_4078 = vector.bitcast %mul3A_4077 : vector<16xf32> to vector<16xi32>
    %shift_right_logical3A_4079 = arith.constant 1 : i32
    %shift_right_logical3A_4080 = vector.broadcast %shift_right_logical3A_4079 : i32 to vector<16xi32>
    %shift_right_logical3A_4081 = arith.shrui %bitcast3A_4078, %shift_right_logical3A_4080 : vector<16xi32>
    %sub3A_4082 = arith.constant 1597463007 : i32
    %sub3A_4083 = vector.broadcast %sub3A_4082 : i32 to vector<16xi32>
    %sub3A_4084 = arith.subi %sub3A_4083, %shift_right_logical3A_4081 : vector<16xi32>
    %bitcast3A_4085 = vector.bitcast %sub3A_4084 : vector<16xi32> to vector<16xf32>
    %mul3A_4086 = arith.constant 5.000000e-01 : f32
    %mul3A_4087 = vector.broadcast %mul3A_4086 : f32 to vector<16xf32>
    %mul3A_4088 = arith.mulf %mul3A_4077, %mul3A_4087 : vector<16xf32>
    %mul3A_4089 = arith.mulf %mul3A_4088, %bitcast3A_4085 : vector<16xf32>
    %mul3A_4090 = arith.mulf %mul3A_4089, %bitcast3A_4085 : vector<16xf32>
    %sub3A_4091 = arith.constant 1.500000e+00 : f32
    %sub3A_4092 = vector.broadcast %sub3A_4091 : f32 to vector<16xf32>
    %sub3A_4093 = arith.subf %sub3A_4092, %mul3A_4090 : vector<16xf32>
    %mul3A_4094 = arith.mulf %bitcast3A_4085, %sub3A_4093 : vector<16xf32>
    %mul3A_4095 = arith.mulf %mul3A_4088, %mul3A_4094 : vector<16xf32>
    %mul3A_4096 = arith.mulf %mul3A_4095, %mul3A_4094 : vector<16xf32>
    %sub3A_4097 = arith.constant 1.500000e+00 : f32
    %sub3A_4098 = vector.broadcast %sub3A_4097 : f32 to vector<16xf32>
    %sub3A_4099 = arith.subf %sub3A_4098, %mul3A_4096 : vector<16xf32>
    %mul3A_4100 = arith.mulf %mul3A_4094, %sub3A_4099 : vector<16xf32>
    %mul3A_4101 = arith.mulf %mul3A_4088, %mul3A_4100 : vector<16xf32>
    %mul3A_4102 = arith.mulf %mul3A_4101, %mul3A_4100 : vector<16xf32>
    %sub3A_4103 = arith.constant 1.500000e+00 : f32
    %sub3A_4104 = vector.broadcast %sub3A_4103 : f32 to vector<16xf32>
    %sub3A_4105 = arith.subf %sub3A_4104, %mul3A_4102 : vector<16xf32>
    %mul3A_4106 = arith.mulf %mul3A_4100, %sub3A_4105 : vector<16xf32>
    %mul3A_4107 = arith.mulf %mul3A_4077, %mul3A_4106 : vector<16xf32>
    %mul3A_4108 = arith.constant 2.000000e+00 : f32
    %mul3A_4109 = vector.broadcast %mul3A_4108 : f32 to vector<16xf32>
    %mul3A_4110 = arith.mulf %mul3A_4109, %mul3A_4107 : vector<16xf32>
    %sub3A_4111 = arith.subf %add3A_4076, %mul3A_4110 : vector<16xf32>
    %mul3A_4112 = arith.mulf %mul3A_3968, %sub3A_4111 : vector<16xf32>
    %add3A_4113 = arith.addf %add3A_2111, %mul3A_4112 : vector<16xf32>
    %add3A_4114 = arith.addf %gather3A_4034, %gather3A_3720 : vector<16xf32>
    %mul3A_4115 = arith.mulf %gather3A_4034, %gather3A_3720 : vector<16xf32>
    %bitcast3A_4116 = vector.bitcast %mul3A_4115 : vector<16xf32> to vector<16xi32>
    %shift_right_logical3A_4117 = arith.constant 1 : i32
    %shift_right_logical3A_4118 = vector.broadcast %shift_right_logical3A_4117 : i32 to vector<16xi32>
    %shift_right_logical3A_4119 = arith.shrui %bitcast3A_4116, %shift_right_logical3A_4118 : vector<16xi32>
    %sub3A_4120 = arith.constant 1597463007 : i32
    %sub3A_4121 = vector.broadcast %sub3A_4120 : i32 to vector<16xi32>
    %sub3A_4122 = arith.subi %sub3A_4121, %shift_right_logical3A_4119 : vector<16xi32>
    %bitcast3A_4123 = vector.bitcast %sub3A_4122 : vector<16xi32> to vector<16xf32>
    %mul3A_4124 = arith.constant 5.000000e-01 : f32
    %mul3A_4125 = vector.broadcast %mul3A_4124 : f32 to vector<16xf32>
    %mul3A_4126 = arith.mulf %mul3A_4115, %mul3A_4125 : vector<16xf32>
    %mul3A_4127 = arith.mulf %mul3A_4126, %bitcast3A_4123 : vector<16xf32>
    %mul3A_4128 = arith.mulf %mul3A_4127, %bitcast3A_4123 : vector<16xf32>
    %sub3A_4129 = arith.constant 1.500000e+00 : f32
    %sub3A_4130 = vector.broadcast %sub3A_4129 : f32 to vector<16xf32>
    %sub3A_4131 = arith.subf %sub3A_4130, %mul3A_4128 : vector<16xf32>
    %mul3A_4132 = arith.mulf %bitcast3A_4123, %sub3A_4131 : vector<16xf32>
    %mul3A_4133 = arith.mulf %mul3A_4126, %mul3A_4132 : vector<16xf32>
    %mul3A_4134 = arith.mulf %mul3A_4133, %mul3A_4132 : vector<16xf32>
    %sub3A_4135 = arith.constant 1.500000e+00 : f32
    %sub3A_4136 = vector.broadcast %sub3A_4135 : f32 to vector<16xf32>
    %sub3A_4137 = arith.subf %sub3A_4136, %mul3A_4134 : vector<16xf32>
    %mul3A_4138 = arith.mulf %mul3A_4132, %sub3A_4137 : vector<16xf32>
    %mul3A_4139 = arith.mulf %mul3A_4126, %mul3A_4138 : vector<16xf32>
    %mul3A_4140 = arith.mulf %mul3A_4139, %mul3A_4138 : vector<16xf32>
    %sub3A_4141 = arith.constant 1.500000e+00 : f32
    %sub3A_4142 = vector.broadcast %sub3A_4141 : f32 to vector<16xf32>
    %sub3A_4143 = arith.subf %sub3A_4142, %mul3A_4140 : vector<16xf32>
    %mul3A_4144 = arith.mulf %mul3A_4138, %sub3A_4143 : vector<16xf32>
    %mul3A_4145 = arith.mulf %mul3A_4115, %mul3A_4144 : vector<16xf32>
    %mul3A_4146 = arith.constant 2.000000e+00 : f32
    %mul3A_4147 = vector.broadcast %mul3A_4146 : f32 to vector<16xf32>
    %mul3A_4148 = arith.mulf %mul3A_4147, %mul3A_4145 : vector<16xf32>
    %sub3A_4149 = arith.subf %add3A_4114, %mul3A_4148 : vector<16xf32>
    %add3A_4150 = arith.addf %sub3A_4149, %gather3A_4038 : vector<16xf32>
    %add3A_4151 = arith.addf %add3A_4150, %gather3A_3724 : vector<16xf32>
    %mul3A_4152 = arith.mulf %gather3A_4038, %gather3A_3724 : vector<16xf32>
    %bitcast3A_4153 = vector.bitcast %mul3A_4152 : vector<16xf32> to vector<16xi32>
    %shift_right_logical3A_4154 = arith.constant 1 : i32
    %shift_right_logical3A_4155 = vector.broadcast %shift_right_logical3A_4154 : i32 to vector<16xi32>
    %shift_right_logical3A_4156 = arith.shrui %bitcast3A_4153, %shift_right_logical3A_4155 : vector<16xi32>
    %sub3A_4157 = arith.constant 1597463007 : i32
    %sub3A_4158 = vector.broadcast %sub3A_4157 : i32 to vector<16xi32>
    %sub3A_4159 = arith.subi %sub3A_4158, %shift_right_logical3A_4156 : vector<16xi32>
    %bitcast3A_4160 = vector.bitcast %sub3A_4159 : vector<16xi32> to vector<16xf32>
    %mul3A_4161 = arith.constant 5.000000e-01 : f32
    %mul3A_4162 = vector.broadcast %mul3A_4161 : f32 to vector<16xf32>
    %mul3A_4163 = arith.mulf %mul3A_4152, %mul3A_4162 : vector<16xf32>
    %mul3A_4164 = arith.mulf %mul3A_4163, %bitcast3A_4160 : vector<16xf32>
    %mul3A_4165 = arith.mulf %mul3A_4164, %bitcast3A_4160 : vector<16xf32>
    %sub3A_4166 = arith.constant 1.500000e+00 : f32
    %sub3A_4167 = vector.broadcast %sub3A_4166 : f32 to vector<16xf32>
    %sub3A_4168 = arith.subf %sub3A_4167, %mul3A_4165 : vector<16xf32>
    %mul3A_4169 = arith.mulf %bitcast3A_4160, %sub3A_4168 : vector<16xf32>
    %mul3A_4170 = arith.mulf %mul3A_4163, %mul3A_4169 : vector<16xf32>
    %mul3A_4171 = arith.mulf %mul3A_4170, %mul3A_4169 : vector<16xf32>
    %sub3A_4172 = arith.constant 1.500000e+00 : f32
    %sub3A_4173 = vector.broadcast %sub3A_4172 : f32 to vector<16xf32>
    %sub3A_4174 = arith.subf %sub3A_4173, %mul3A_4171 : vector<16xf32>
    %mul3A_4175 = arith.mulf %mul3A_4169, %sub3A_4174 : vector<16xf32>
    %mul3A_4176 = arith.mulf %mul3A_4163, %mul3A_4175 : vector<16xf32>
    %mul3A_4177 = arith.mulf %mul3A_4176, %mul3A_4175 : vector<16xf32>
    %sub3A_4178 = arith.constant 1.500000e+00 : f32
    %sub3A_4179 = vector.broadcast %sub3A_4178 : f32 to vector<16xf32>
    %sub3A_4180 = arith.subf %sub3A_4179, %mul3A_4177 : vector<16xf32>
    %mul3A_4181 = arith.mulf %mul3A_4175, %sub3A_4180 : vector<16xf32>
    %mul3A_4182 = arith.mulf %mul3A_4152, %mul3A_4181 : vector<16xf32>
    %mul3A_4183 = arith.constant 2.000000e+00 : f32
    %mul3A_4184 = vector.broadcast %mul3A_4183 : f32 to vector<16xf32>
    %mul3A_4185 = arith.mulf %mul3A_4184, %mul3A_4182 : vector<16xf32>
    %sub3A_4186 = arith.subf %add3A_4151, %mul3A_4185 : vector<16xf32>
    %mul3A_4187 = arith.mulf %mul3A_3974, %sub3A_4186 : vector<16xf32>
    %add3A_4188 = arith.addf %add3A_4113, %mul3A_4187 : vector<16xf32>
    %swap3A_4189 = arith.constant 0 : index
    %swap3A_4190 = tpu.vector_load %arg12[%swap3A_4189] {strides = array<i32>} : memref<128xf32, #tpu.memory_space<vmem>>, vector<16xf32>,
    tpu.vector_store %arg12[%swap3A_4189], %add3A_3677 {strides = array<i32>} : memref<128xf32, #tpu.memory_space<vmem>>, vector<16xf32>,
    %swap3A_4191 = arith.constant 16 : index
    %swap3A_4192 = tpu.vector_load %arg12[%swap3A_4191] {strides = array<i32>} : memref<128xf32, #tpu.memory_space<vmem>>, vector<16xf32>,
    tpu.vector_store %arg12[%swap3A_4191], %add3A_3954 {strides = array<i32>} : memref<128xf32, #tpu.memory_space<vmem>>, vector<16xf32>,
    %swap3A_4193 = arith.constant 32 : index
    %swap3A_4194 = tpu.vector_load %arg12[%swap3A_4193] {strides = array<i32>} : memref<128xf32, #tpu.memory_space<vmem>>, vector<16xf32>,
    tpu.vector_store %arg12[%swap3A_4193], %add3A_3992 {strides = array<i32>} : memref<128xf32, #tpu.memory_space<vmem>>, vector<16xf32>,
    %swap3A_4195 = arith.constant 48 : index
    %swap3A_4196 = tpu.vector_load %arg12[%swap3A_4195] {strides = array<i32>} : memref<128xf32, #tpu.memory_space<vmem>>, vector<16xf32>,
    tpu.vector_store %arg12[%swap3A_4195], %add3A_4022 {strides = array<i32>} : memref<128xf32, #tpu.memory_space<vmem>>, vector<16xf32>,
    %swap3A_4197 = arith.constant 64 : index
    %swap3A_4198 = tpu.vector_load %arg12[%swap3A_4197] {strides = array<i32>} : memref<128xf32, #tpu.memory_space<vmem>>, vector<16xf32>,
    tpu.vector_store %arg12[%swap3A_4197], %add3A_4188 {strides = array<i32>} : memref<128xf32, #tpu.memory_space<vmem>>, vector<16xf32>,
    %swap3A_4199 = arith.constant 80 : index
    %swap3A_4200 = tpu.vector_load %arg12[%swap3A_4199] {strides = array<i32>} : memref<128xf32, #tpu.memory_space<vmem>>, vector<16xf32>,
    tpu.vector_store %arg12[%swap3A_4199], %add3A_3672 {strides = array<i32>} : memref<128xf32, #tpu.memory_space<vmem>>, vector<16xf32>,
    %swap3A_4201 = arith.constant 96 : index
    %swap3A_4202 = tpu.vector_load %arg12[%swap3A_4201] {strides = array<i32>} : memref<128xf32, #tpu.memory_space<vmem>>, vector<16xf32>,
    tpu.vector_store %arg12[%swap3A_4201], %add3A_3732 {strides = array<i32>} : memref<128xf32, #tpu.memory_space<vmem>>, vector<16xf32>,
    %swap3A_4203 = arith.constant 112 : index
    %swap3A_4204 = tpu.vector_load %arg12[%swap3A_4203] {strides = array<i32>} : memref<128xf32, #tpu.memory_space<vmem>>, vector<16xf32>,
    tpu.vector_store %arg12[%swap3A_4203], %add3A_3976 {strides = array<i32>} : memref<128xf32, #tpu.memory_space<vmem>>, vector<16xf32>,
    "tpu.region"() ({
      %run_scoped3A = tpu.sem_alloc : memref<!tpu.dma_semaphore, #tpu.memory_space<semaphore_mem>>
      %dma_start3A_4205 = arith.constant 0 : i32
      %dma_start3A_4206 = tpu.memref_slice %arg4[%add3A, %dma_start3A_4205] : memref<32x128xf32, #tpu.memory_space<hbm>> -> memref<1x128xf32, #tpu.memory_space<hbm>>
      %dma_start3A_4207 = tpu.memref_squeeze %dma_start3A_4206 : memref<1x128xf32, #tpu.memory_space<hbm>> -> memref<128xf32, #tpu.memory_space<hbm>>
      %dma_start3A_4208 = arith.constant 0 : i32
      %dma_start3A_4209 = tpu.memref_slice %arg4[%add3A, %dma_start3A_4208] : memref<32x128xf32, #tpu.memory_space<hbm>> -> memref<1x128xf32, #tpu.memory_space<hbm>>
      %dma_start3A_4210 = tpu.memref_squeeze %dma_start3A_4209 : memref<1x128xf32, #tpu.memory_space<hbm>> -> memref<128xf32, #tpu.memory_space<hbm>>
      tpu.enqueue_dma source(%arg12 : memref<128xf32, #tpu.memory_space<vmem>>) target(%dma_start3A_4210 : memref<128xf32, #tpu.memory_space<hbm>>) target_semaphore(%run_scoped3A : memref<!tpu.dma_semaphore, #tpu.memory_space<semaphore_mem>>)
      %dma_wait3A_4211 = arith.constant 0 : i32
      %dma_wait3A_4212 = tpu.memref_slice %arg4[%add3A, %dma_wait3A_4211] : memref<32x128xf32, #tpu.memory_space<hbm>> -> memref<1x128xf32, #tpu.memory_space<hbm>>
      %dma_wait3A_4213 = tpu.memref_squeeze %dma_wait3A_4212 : memref<1x128xf32, #tpu.memory_space<hbm>> -> memref<128xf32, #tpu.memory_space<hbm>>
      %dma_wait3A_4214 = arith.constant 0 : i32
      %dma_wait3A_4215 = tpu.memref_slice %arg4[%add3A, %dma_wait3A_4214] : memref<32x128xf32, #tpu.memory_space<hbm>> -> memref<1x128xf32, #tpu.memory_space<hbm>>
      %dma_wait3A_4216 = tpu.memref_squeeze %dma_wait3A_4215 : memref<1x128xf32, #tpu.memory_space<hbm>> -> memref<128xf32, #tpu.memory_space<hbm>>
      tpu.wait_dma2 semaphore(%run_scoped3A : memref<!tpu.dma_semaphore, #tpu.memory_space<semaphore_mem>>) src(%arg12 : memref<128xf32, #tpu.memory_space<vmem>>) dst(%dma_wait3A_4216 : memref<128xf32, #tpu.memory_space<hbm>>)
      tpu.yield
    }) : () -> ()
    return
  }
}

module attributes {stable_mosaic.version = 14 : i64} {
  func.func @_final_body(%arg0: memref<32x8x16xf32, #tpu.memory_space<vmem>>, %arg1: memref<1x1xf32, #tpu.memory_space<vmem>>) attributes {dimension_semantics = [], scalar_prefetch = 0 : i64, scratch_operands = 0 : i64, tpu.core_type = #tpu.core_type<tc>} {
    %get3A = arith.constant 0 : index
    %get3A_0 = arith.constant 0 : index
    %get3A_1 = arith.constant 0 : index
    %get3A_2 = vector.load %arg0[%get3A, %get3A_0, %get3A_1] : memref<32x8x16xf32, #tpu.memory_space<vmem>>, vector<32x8x16xf32>
    %slice3A = vector.extract_strided_slice %get3A_2 {offsets = [0, 0, 0], sizes = [32, 1, 16], strides = [1, 1, 1]} : vector<32x8x16xf32> to vector<32x1x16xf32>
    %squeeze3A = vector.shape_cast %slice3A : vector<32x1x16xf32> to vector<32x16xf32>
    %reduce_sum3A = vector.shape_cast %squeeze3A : vector<32x16xf32> to vector<1x32x16xf32>
    %reduce_sum3A_3 = arith.constant dense<0.000000e+00> : vector<1xf32>
    %reduce_sum3A_4 = vector.multi_reduction <add>, %reduce_sum3A, %reduce_sum3A_3 [1, 2] : vector<1x32x16xf32> to vector<1xf32>
    %reduce_sum3A_5 = vector.shape_cast %reduce_sum3A_4 : vector<1xf32> to vector<1x1x1xf32>
    %reduce_sum3A_6 = vector.extract %reduce_sum3A_5[0, 0, 0] : f32 from vector<1x1x1xf32>
    %slice3A_7 = vector.extract_strided_slice %get3A_2 {offsets = [0, 1, 0], sizes = [32, 1, 16], strides = [1, 1, 1]} : vector<32x8x16xf32> to vector<32x1x16xf32>
    %squeeze3A_8 = vector.shape_cast %slice3A_7 : vector<32x1x16xf32> to vector<32x16xf32>
    %reduce_sum3A_9 = vector.shape_cast %squeeze3A_8 : vector<32x16xf32> to vector<1x32x16xf32>
    %reduce_sum3A_10 = arith.constant dense<0.000000e+00> : vector<1xf32>
    %reduce_sum3A_11 = vector.multi_reduction <add>, %reduce_sum3A_9, %reduce_sum3A_10 [1, 2] : vector<1x32x16xf32> to vector<1xf32>
    %reduce_sum3A_12 = vector.shape_cast %reduce_sum3A_11 : vector<1xf32> to vector<1x1x1xf32>
    %reduce_sum3A_13 = vector.extract %reduce_sum3A_12[0, 0, 0] : f32 from vector<1x1x1xf32>
    %slice3A_14 = vector.extract_strided_slice %get3A_2 {offsets = [0, 2, 0], sizes = [32, 1, 16], strides = [1, 1, 1]} : vector<32x8x16xf32> to vector<32x1x16xf32>
    %squeeze3A_15 = vector.shape_cast %slice3A_14 : vector<32x1x16xf32> to vector<32x16xf32>
    %reduce_sum3A_16 = vector.shape_cast %squeeze3A_15 : vector<32x16xf32> to vector<1x32x16xf32>
    %reduce_sum3A_17 = arith.constant dense<0.000000e+00> : vector<1xf32>
    %reduce_sum3A_18 = vector.multi_reduction <add>, %reduce_sum3A_16, %reduce_sum3A_17 [1, 2] : vector<1x32x16xf32> to vector<1xf32>
    %reduce_sum3A_19 = vector.shape_cast %reduce_sum3A_18 : vector<1xf32> to vector<1x1x1xf32>
    %reduce_sum3A_20 = vector.extract %reduce_sum3A_19[0, 0, 0] : f32 from vector<1x1x1xf32>
    %slice3A_21 = vector.extract_strided_slice %get3A_2 {offsets = [0, 3, 0], sizes = [32, 1, 16], strides = [1, 1, 1]} : vector<32x8x16xf32> to vector<32x1x16xf32>
    %squeeze3A_22 = vector.shape_cast %slice3A_21 : vector<32x1x16xf32> to vector<32x16xf32>
    %reduce_sum3A_23 = vector.shape_cast %squeeze3A_22 : vector<32x16xf32> to vector<1x32x16xf32>
    %reduce_sum3A_24 = arith.constant dense<0.000000e+00> : vector<1xf32>
    %reduce_sum3A_25 = vector.multi_reduction <add>, %reduce_sum3A_23, %reduce_sum3A_24 [1, 2] : vector<1x32x16xf32> to vector<1xf32>
    %reduce_sum3A_26 = vector.shape_cast %reduce_sum3A_25 : vector<1xf32> to vector<1x1x1xf32>
    %reduce_sum3A_27 = vector.extract %reduce_sum3A_26[0, 0, 0] : f32 from vector<1x1x1xf32>
    %slice3A_28 = vector.extract_strided_slice %get3A_2 {offsets = [0, 4, 0], sizes = [32, 1, 16], strides = [1, 1, 1]} : vector<32x8x16xf32> to vector<32x1x16xf32>
    %squeeze3A_29 = vector.shape_cast %slice3A_28 : vector<32x1x16xf32> to vector<32x16xf32>
    %reduce_sum3A_30 = vector.shape_cast %squeeze3A_29 : vector<32x16xf32> to vector<1x32x16xf32>
    %reduce_sum3A_31 = arith.constant dense<0.000000e+00> : vector<1xf32>
    %reduce_sum3A_32 = vector.multi_reduction <add>, %reduce_sum3A_30, %reduce_sum3A_31 [1, 2] : vector<1x32x16xf32> to vector<1xf32>
    %reduce_sum3A_33 = vector.shape_cast %reduce_sum3A_32 : vector<1xf32> to vector<1x1x1xf32>
    %reduce_sum3A_34 = vector.extract %reduce_sum3A_33[0, 0, 0] : f32 from vector<1x1x1xf32>
    %slice3A_35 = vector.extract_strided_slice %get3A_2 {offsets = [0, 5, 0], sizes = [32, 1, 16], strides = [1, 1, 1]} : vector<32x8x16xf32> to vector<32x1x16xf32>
    %squeeze3A_36 = vector.shape_cast %slice3A_35 : vector<32x1x16xf32> to vector<32x16xf32>
    %reduce_sum3A_37 = vector.shape_cast %squeeze3A_36 : vector<32x16xf32> to vector<1x32x16xf32>
    %reduce_sum3A_38 = arith.constant dense<0.000000e+00> : vector<1xf32>
    %reduce_sum3A_39 = vector.multi_reduction <add>, %reduce_sum3A_37, %reduce_sum3A_38 [1, 2] : vector<1x32x16xf32> to vector<1xf32>
    %reduce_sum3A_40 = vector.shape_cast %reduce_sum3A_39 : vector<1xf32> to vector<1x1x1xf32>
    %reduce_sum3A_41 = vector.extract %reduce_sum3A_40[0, 0, 0] : f32 from vector<1x1x1xf32>
    %slice3A_42 = vector.extract_strided_slice %get3A_2 {offsets = [0, 6, 0], sizes = [32, 1, 16], strides = [1, 1, 1]} : vector<32x8x16xf32> to vector<32x1x16xf32>
    %squeeze3A_43 = vector.shape_cast %slice3A_42 : vector<32x1x16xf32> to vector<32x16xf32>
    %reduce_sum3A_44 = vector.shape_cast %squeeze3A_43 : vector<32x16xf32> to vector<1x32x16xf32>
    %reduce_sum3A_45 = arith.constant dense<0.000000e+00> : vector<1xf32>
    %reduce_sum3A_46 = vector.multi_reduction <add>, %reduce_sum3A_44, %reduce_sum3A_45 [1, 2] : vector<1x32x16xf32> to vector<1xf32>
    %reduce_sum3A_47 = vector.shape_cast %reduce_sum3A_46 : vector<1xf32> to vector<1x1x1xf32>
    %reduce_sum3A_48 = vector.extract %reduce_sum3A_47[0, 0, 0] : f32 from vector<1x1x1xf32>
    %slice3A_49 = vector.extract_strided_slice %get3A_2 {offsets = [0, 7, 0], sizes = [32, 1, 16], strides = [1, 1, 1]} : vector<32x8x16xf32> to vector<32x1x16xf32>
    %squeeze3A_50 = vector.shape_cast %slice3A_49 : vector<32x1x16xf32> to vector<32x16xf32>
    %reduce_sum3A_51 = vector.shape_cast %squeeze3A_50 : vector<32x16xf32> to vector<1x32x16xf32>
    %reduce_sum3A_52 = arith.constant dense<0.000000e+00> : vector<1xf32>
    %reduce_sum3A_53 = vector.multi_reduction <add>, %reduce_sum3A_51, %reduce_sum3A_52 [1, 2] : vector<1x32x16xf32> to vector<1xf32>
    %reduce_sum3A_54 = vector.shape_cast %reduce_sum3A_53 : vector<1xf32> to vector<1x1x1xf32>
    %reduce_sum3A_55 = vector.extract %reduce_sum3A_54[0, 0, 0] : f32 from vector<1x1x1xf32>
    %mul3A = arith.constant 2.000000e+00 : f32
    %mul3A_56 = arith.mulf %reduce_sum3A_55, %mul3A : f32
    %div3A = arith.divf %reduce_sum3A_27, %mul3A_56 : f32
    %mul3A_57 = arith.constant 2.000000e+00 : f32
    %mul3A_58 = arith.mulf %reduce_sum3A_55, %mul3A_57 : f32
    %div3A_59 = arith.divf %reduce_sum3A_34, %mul3A_58 : f32
    %add3A = arith.addf %div3A, %div3A_59 : f32
    %mul3A_60 = arith.constant 5.000000e+00 : f32
    %mul3A_61 = arith.mulf %mul3A_60, %add3A : f32
    %div3A_62 = arith.divf %reduce_sum3A_20, %reduce_sum3A_55 : f32
    %add3A_63 = arith.addf %mul3A_61, %div3A_62 : f32
    %mul3A_64 = arith.constant 2.000000e+00 : f32
    %mul3A_65 = arith.mulf %reduce_sum3A_41, %mul3A_64 : f32
    %div3A_66 = arith.divf %reduce_sum3A_6, %mul3A_65 : f32
    %mul3A_67 = arith.constant 5.000000e-01 : f32
    %mul3A_68 = arith.mulf %mul3A_67, %div3A_66 : f32
    %add3A_69 = arith.addf %add3A_63, %mul3A_68 : f32
    %mul3A_70 = arith.constant 2.000000e+01 : f32
    %mul3A_71 = arith.mulf %reduce_sum3A_48, %mul3A_70 : f32
    %div3A_72 = arith.divf %reduce_sum3A_13, %mul3A_71 : f32
    %add3A_73 = arith.addf %add3A_69, %div3A_72 : f32
    %broadcast_in_dim3A = vector.broadcast %add3A_73 : f32 to vector<1x1xf32>
    %swap3A = arith.constant 0 : index
    %swap3A_74 = arith.constant 0 : index
    %swap3A_75 = vector.load %arg1[%swap3A, %swap3A_74] : memref<1x1xf32, #tpu.memory_space<vmem>>, vector<1x1xf32>
    tpu.vector_store %arg1[%swap3A, %swap3A_74], %broadcast_in_dim3A {strides = array<i32>} : memref<1x1xf32, #tpu.memory_space<vmem>>, vector<1x1xf32>,
    return
  }
}

</mosaic_0001>

<sc_bundles>
// kernel: kernel.4.cloned.1.call-start
scs
__scs_entry_jumppad:
0x0: {  	(pc) =	sbr.rel $0x88, $3  }
0x1: {  	(tag) =	ssettag $0x0;
	lr =	simm.s32 $0x1  }
0x2: {  	[smem:$0x3F9F] =	sst lr;
	_ =	strace $0xD0000000  }
0x3: {  	_ = 	snop  }
0x4: {  	_ = 	snop  }
0x5: {  	_ = 	snop  }
0x6: {  	_ = 	snop  }
0x7: {  	_ = 	snop  }
__scs_overlays_trampoline_lowered:
0x8: {  	[smem:$0x3FAE] =	sst s0  }
0x9: {  	[smem:$0x3FAF] =	sst s1  }
0xa: {  	[smem:$0x3FB0] =	sst s2  }
0xb: {  	[smem:$0x3FB1] =	sst s3  }
0xc: {  	[smem:$0x3FB2] =	sst s4  }
0xd: {  	[smem:$0x3FB3] =	sst s5  }
0xe: {  	[smem:$0x3FB4] =	sst s6  }
0xf: {  	[smem:$0x3FB5] =	sst s7  }
0x10: {  	[smem:$0x3FB6] =	sst s8  }
0x11: {  	[smem:$0x3FB7] =	sst s9;
	s0 =	simm.s32 @!p0 $0x0  }
0x12: {  	s1 =	sld [smem:$0x3F9D];
	s0 =	simm.s32 @p0 $0x1  }
0x13: {  	[smem:$0x3FB8] =	sst s0;
	s0 =	simm.s32 @!p1 $0x0  }
0x14: {  	s2 =	sld [smem:$0x3F9C];
	s0 =	simm.s32 @p1 $0x1  }
0x15: {  	[smem:$0x3FB9] =	sst s0;
	s0 =	simm.s32 @!p2 $0x0  }
0x16: {  	s3 =	sld [smem:$0x3FDB];
	s0 =	simm.s32 @p2 $0x1  }
0x17: {  	s4 =	simm.s32 $0x1BF5;
	[smem:$0x3FBB] =	sst s0  }
0x18: {  	s0 =	sld [smem:$0x3F9E];
	_ =	swait.ge [sflag:s4], $0x0  }
0x19: {  	s7 =	sld [smem:$0x3F9F]  }
0x1a: {  	s8 =	sadd.s32 $0xFFFFE003, lr  }
0x1b: {  	s9 =	sadd.s32 $0xFFFFFEF7, lr;
	s5 =	simm.s32 $0xFFFFFFFF;
	p2 =	slt.u32 s8, $0xFFFFF086  }
0x1c: {  	p1 =	slt.u32 s9, $0xF7A;
	s5 =	simm.s32 @!p2 $0x0  }
0x1d: {  	s5 =	simm.s32 @p1 $0x1;
	p0 =	seq.s32 s7, s2  }
0x1e: {  	s7 =	smul.u32 @!p0 $0xF7A, s2;
	p2 =	seq.s32 @!p0 s5, $0x0  }
0x1f: {  	s9 =	smul.u32 $0xF7A, s1;
	s8 =	simm.s32 @!p0 $0x1BF5;
	p2 =	por !p2, p0  }
0x20: {  	[sflag:s8] =	ssyncset.s32 @!p0 $0xFFFFF086;
	s6 =	sadd.s32 @!p0 s3, s7;
	s7 =	simm.s32 @!p0 $0x108  }
0x21: {  	s3 =	sadd.s32 s3, s9;
	s6 =	sadd.s32 @!p0 $0x88, s6;
	s7 =	simm.s32 @p2 $0x1082  }
0x22: {  	[simem:s7], [sflag:s8] =	dma.local @!p0 [hbm:s6], $0xF7A  }
0x23: {  	s9 =	sor.u32 $0xD0000000, s2;
	s6 =	simm.s32 $0x108;
	_ =	swait.ge @!p0 [sflag:s8], $0x0  }
0x24: {  	s3 =	sadd.s32 $0x88, s3;
	s6 =	simm.s32 @!p1 $0x1082;
	[sflag:s4] =	ssyncset.s32 $0xFFFFF086  }
0x25: {  	[simem:s6], [sflag:s4] =	dma.local [hbm:s3], $0xF7A  }
0x26: {  	[smem:$0x3F9F] =	sst s1;
	(tag) =	ssettag s2;
	_ =	strace s9  }
0x27: {  	s1 =	sld [smem:$0x3FAF]  }
0x28: {  	s2 =	sld [smem:$0x3FB0]  }
0x29: {  	s4 =	sld [smem:$0x3FB2]  }
0x2a: {  	p0 =	seq.s32 s5, $0x0;
	s5 =	sld [smem:$0x3FB3]  }
0x2b: {  	s6 =	sld [smem:$0x3FB4]  }
0x2c: {  	s7 =	sld [smem:$0x3FB5]  }
0x2d: {  	s3 =	simm.s32 $0x108;
	s8 =	sld [smem:$0x3FB6]  }
0x2e: {  	s3 =	simm.s32 @!p0 $0x1082;
	s9 =	sld [smem:$0x3FB7]  }
0x2f: {  	lr =	sadd.s32 s0, s3;
	s0 =	sld [smem:$0x3FAE]  }
0x30: {  	s3 =	sld [smem:$0x3FB1]  }
0x31: {  	[smem:$0x3FBA] =	sst s10  }
0x32: {  	s10 =	sld [smem:$0x3FB8];
	_ =	sdelay $0x3  }
0x33: {  	p0 =	seq.s32 s10, $0x1;
	s10 =	sld [smem:$0x3FBA];
	_ =	sdelay $0x3  }
0x34: {  	[smem:$0x3FBA] =	sst s10  }
0x35: {  	s10 =	sld [smem:$0x3FB9];
	_ =	sdelay $0x3  }
0x36: {  	p1 =	seq.s32 s10, $0x1;
	s10 =	sld [smem:$0x3FBA];
	_ =	sdelay $0x3  }
0x37: {  	[smem:$0x3FBA] =	sst s10  }
0x38: {  	s10 =	sld [smem:$0x3FBB]  }
0x39: {  	_ = 	snop;
	(pc) =	sbr.ind lr, $3  }
0x3a: {  	_ = 	snop  }
0x3b: {  	_ = 	snop  }
0x3c: {  	p2 =	seq.s32 s10, $0x1;
	s10 =	sld [smem:$0x3FBA]  }
0x3d: {  	_ =	shalt  }
0x3e: {  	_ =	shalt  }
0x3f: {  	_ =	shalt  }
0x40: {  	_ =	shalt  }
0x41: {  	_ =	shalt  }
0x42: {  	_ =	shalt  }
0x43: {  	_ =	shalt  }
0x44: {  	_ =	shalt  }
0x45: {  	_ =	shalt  }
0x46: {  	_ =	shalt  }
0x47: {  	_ =	shalt  }
0x48: {  	_ =	shalt  }
0x49: {  	_ =	shalt  }
0x4a: {  	_ =	shalt  }
0x4b: {  	_ =	shalt  }
0x4c: {  	_ =	shalt  }
0x4d: {  	_ =	shalt  }
0x4e: {  	_ =	shalt  }
0x4f: {  	_ =	shalt  }
0x50: {  	_ =	shalt  }
0x51: {  	_ =	shalt  }
0x52: {  	_ =	shalt  }
0x53: {  	_ =	shalt  }
0x54: {  	_ =	shalt  }
0x55: {  	_ =	shalt  }
0x56: {  	_ =	shalt  }
0x57: {  	_ =	shalt  }
0x58: {  	_ =	shalt  }
0x59: {  	_ =	shalt  }
0x5a: {  	_ =	shalt  }
0x5b: {  	_ =	shalt  }
0x5c: {  	_ =	shalt  }
0x5d: {  	_ =	shalt  }
0x5e: {  	_ =	shalt  }
0x5f: {  	_ =	shalt  }
0x60: {  	_ =	shalt  }
0x61: {  	_ =	shalt  }
0x62: {  	_ =	shalt  }
0x63: {  	_ =	shalt  }
0x64: {  	_ =	shalt  }
0x65: {  	_ =	shalt  }
0x66: {  	_ =	shalt  }
0x67: {  	_ =	shalt  }
0x68: {  	_ =	shalt  }
0x69: {  	_ =	shalt  }
0x6a: {  	_ =	shalt  }
0x6b: {  	_ =	shalt  }
0x6c: {  	_ =	shalt  }
0x6d: {  	_ =	shalt  }
0x6e: {  	_ =	shalt  }
0x6f: {  	_ =	shalt  }
0x70: {  	_ =	shalt  }
0x71: {  	_ =	shalt  }
0x72: {  	_ =	shalt  }
0x73: {  	_ =	shalt  }
0x74: {  	_ =	shalt  }
0x75: {  	_ =	shalt  }
0x76: {  	_ =	shalt  }
0x77: {  	_ =	shalt  }
0x78: {  	_ =	shalt  }
0x79: {  	_ =	shalt  }
0x7a: {  	_ =	shalt  }
0x7b: {  	_ =	shalt  }
0x7c: {  	_ =	shalt  }
0x7d: {  	_ =	shalt  }
0x7e: {  	_ =	shalt  }
0x7f: {  	_ =	shalt  }
0x80: {  	_ =	shalt  }
0x81: {  	_ =	shalt  }
0x82: {  	_ =	shalt  }
0x83: {  	_ =	shalt  }
0x84: {  	_ =	shalt  }
0x85: {  	_ =	shalt  }
0x86: {  	_ =	shalt  }
0x87: {  	_ =	shalt  }
.Lfunc_end0:
.L_simem_size_0:
called_computation_lowered:
.L_overlay_start_0:
0x88: {  	s2 =	sld [smem:$0x3FD9]  }
0x89: {  	s3 =	sld [smem:$0x3FFE];
	_ =	sdelay $0x1  }
0x8a: {  	s1 =	srdreg.scid  }
0x8b: {  	s0 =	sand.u32 $0x1, s1  }
0x8c: {  	s16 =	sshll.u32 s0, $0xA;
	s2 =	sadd.s32 s3, s2  }
0x8d: {  	s2 =	sadd.s32 s2, s16  }
0x8e: {  	[smem:$0x3FC6] =	sst s2  }
0x8f: {  	_ = 	snop  }
0x90: {  	(tm) =	ssettm $0x1  }
0x91: {  	s17 =	sld [smem:$0x3FFB];
	_ =	sdelay $0x3  }
0x92: {  	_ =	strace s17  }
0x93: {  	s2 =	sld [smem:$0x3FFC];
	_ =	sdelay $0x3  }
0x94: {  	_ =	strace s2  }
0x95: {  	s2 =	sld [smem:$0x3FFD];
	_ =	sdelay $0x3  }
0x96: {  	_ =	strace s2  }
0x97: {  	_ =	strace $0x8FFFFFFF  }
0x98: {  	s18 =	sld [smem:$0x3FDB];
	_ =	sdelay $0x1  }
0x99: {  	s19 =	simm.s32 $_scs_section_size  }
0x9a: {  	s4 =	simm.s32 $_size__tile_overlayer_lowered;
	s5 =	simm.s32 $_tile_overlayer_lowered  }
0x9b: {  	s22 =	simm.s32 $0x1BFF;
	s21 =	sshll.u32 s5, $0x1;
	s2 =	sadd.s32 s19, s18  }
0x9c: {  	s6 =	simm.s32 $0x0;
	s20 =	sshll.u32 s4, $0x1;
	s4 =	sadd.s32 s21, s2  }
0x9d: {  	[timem:s6], [sflag:s22] =	dma.local [hbm:s4], s20  }
0x9e: {  	_ =	swait.ge [sflag:s22], s20  }
0x9f: {  	s3 =	ssub.s32 $0x0, s20;
	[sflag:s22] =	ssyncset.done $0x0  }
0xa0: {  	[sflag:s22] =	ssyncadd.s32 s3;
	_ =	sdelay $0x1  }
0xa1: {  	s23 =	simm.s32 $0x1B8B  }
0xa2: {  	_ =	swait.ge [sflag:s23], $0x1  }
0xa3: {  	[sflag:s23] =	ssyncset.done $0x0  }
0xa4: {  	s25 =	simm.s32 $0x1B8E;
	s24 =	sld [smem:$0x3FFE];
	[sflag:s23] =	ssyncadd.s32 $0xFFFFFFFF  }
0xa5: {  	s26 =	simm.s32 $execute0_lowered;
	[smem:$0x3FD2] =	sst s25  }
0xa6: {  	s4 =	sshll.u32 s26, $0x1;
	_ =	strace $0x80000046;
	[dreg:$0x1] =	wrdreg $0xFFFFFFFF  }
0xa7: {  	s28 =	simm.s32 $_size_execute0_lowered;
	s2 =	sadd.s32 s2, s4;
	[dreg:$0x0] =	wrdreg $0x0  }
0xa8: {  	s4 =	sshll.u32 s28, $0x1;
	[dreg:$0x2] =	wrdreg s2  }
0xa9: {  	[dreg:$0x3] =	wrdreg s4  }
0xaa: {  	[dreg:$0x4] =	wrdreg $0xC0  }
0xab: {  	_ =	task [dreg:s6], $0x5FFFF  }
0xac: {  	[dreg:$0x1] =	wrdreg $0xFFFFFFFF  }
0xad: {  	[dreg:$0x0] =	wrdreg $0x60  }
0xae: {  	[dreg:$0x2] =	wrdreg s24  }
0xaf: {  	[dreg:$0x3] =	wrdreg $0x9  }
0xb0: {  	_ =	task.clear_ibuf [dreg:s6], $0x4FFFF;
	_ =	strace $0x90000046  }
0xb1: {  	s29 =	simm.s32 $0x9;
	_ =	strace $0x80000048  }
0xb2: {  	_ =	swait.ge [sflag:s29], $0x1  }
0xb3: {  	[sflag:s29] =	ssyncadd.s32 $0xFFFFFFFF  }
0xb4: {  	_ =	strace $0x90000048  }
0xb5: {  	_ =	sfence  }
0xb6: {  	s30 =	sld [smem:$0x0];
	_ =	sdelay $0x2  }
0xb7: {  	s31 =	sshll.u32 s1, $0xD;
	s1 =	sshrl.u32 s1, $0x2  }
0xb8: {  	s3 =	sand.u32 $0x4000, s31;
	s1 =	sadd.s32 s1, s30  }
0xb9: {  	s0 =	sor.u32 s3, s0;
	s1 =	sshll.u32 s1, $0x11  }
0xba: {  	s0 =	sor.u32 s1, s0  }
0xbb: {  	s0 =	sadd.s32 $0x8F2B, s0  }
0xbc: {  	[sflag:s0] =	ssyncadd.remote.s32 $0x1  }
0xbd: {  	_ =	sfence.sel $0xFFFF  }
0xbe: {  	[dreg:$0x0] =	wrdreg $0xFFFFFFFF;
	(pc) =	sbr.abs _section_cstart, $3  }
0xbf: {  	[dreg:$0x1] =	wrdreg $0xFFFFFFFF  }
0xc0: {  	_ =	task.clear_ibuf [dreg:s6], $0x2FFFF;
	_ =	strace $0x9FFFFFFF  }
0xc1: {  	(tm) =	ssettm $0x7FFFFFFF  }
tec
execute0_lowered:
.L_overlay_start_1:
0x0: {  	(tag) =	ssettag $0x1  }
0x1: {  	v0 =	vlaneseq.u32  }
0x2: {  	s3 =	rddreg [dreg:$0x0];
	s1 =	simm.s32 $0x0;
	v3 =	vmul.u32 $0x5, v0  }
0x3: {  	[smem:$0x7FF] =	sst s1;
	v0 =	vmul.u32 $0x1E, v0  }
0x4: {  	s0 =	rddreg [dreg:$0x1];
	v1 =	vimm.f32 $1.400000000e+01;
	_ =	strace $0x80000047;
	[tilespmem:$0x1FE10] =	vst v3  }
0x5: {  	(erf) = vrcp.f32 v1;
	v1 =	vadd.s32 $0x1, v3;
	[tilespmem:$0x1FFC0] =	vst v0  }
0x6: {  	v4 =	vadd.s32 $0x5, v0;
	[tilespmem:$0x1FDE0] =	vst v1  }
0x7: {  	v41 =	vadd.s32 $0x1E0, v0;
	[tilespmem:$0x1FE50] =	vst v4  }
0x8: {  	v42 =	vadd.s32 $0x1E5, v0;
	[tilespmem:$0x1FE60] =	vst v41  }
0x9: {  	v43 =	vadd.s32 $0x3C0, v0;
	[tilespmem:$0x1FE70] =	vst v42  }
0xa: {  	v44 =	vadd.s32 $0x3C5, v0;
	[tilespmem:$0x1FE80] =	vst v43  }
0xb: {  	v45 =	vadd.s32 $0x5A0, v0;
	[tilespmem:$0x1FE90] =	vst v44  }
0xc: {  	v46 =	vadd.s32 $0x5A5, v0;
	[tilespmem:$0x1FEA0] =	vst v45  }
0xd: {  	v47 =	vadd.s32 $0x780, v0;
	[tilespmem:$0x1FEB0] =	vst v46  }
0xe: {  	v48 =	vadd.s32 $0x785, v0;
	[tilespmem:$0x1FEC0] =	vst v47  }
0xf: {  	v49 =	vadd.s32 $0x960, v0;
	[tilespmem:$0x1FED0] =	vst v48  }
0x10: {  	v50 =	vadd.s32 $0x965, v0;
	[tilespmem:$0x1FEE0] =	vst v49  }
0x11: {  	v51 =	vadd.s32 $0xB40, v0;
	[tilespmem:$0x1FEF0] =	vst v50  }
0x12: {  	v52 =	vadd.s32 $0xB45, v0;
	[tilespmem:$0x1FF00] =	vst v51  }
0x13: {  	v53 =	vadd.s32 $0xD20, v0;
	[tilespmem:$0x1FF10] =	vst v52  }
0x14: {  	v55 =	vadd.s32 $0xD25, v0;
	[tilespmem:$0x1FF20] =	vst v53  }
0x15: {  	v56 =	vadd.s32 $0xF00, v0;
	[tilespmem:$0x1FF30] =	vst v55  }
0x16: {  	s4 =	srdreg.scid;
	s2 =	stileid.u32;
	v57 =	vadd.s32 $0xF05, v0;
	[tilespmem:$0x1FF40] =	vst v56  }
0x17: {  	s13 =	simm.s32 $0x2E80;
	s14 =	simm.s32 $0x1;
	s15 =	simm.s32 $0x2;
	v58 =	vadd.s32 $0x10E0, v0;
	[tilespmem:$0x1FF50] =	vst v57  }
0x18: {  	s16 =	simm.s32 $0x2F00;
	s17 =	simm.s32 $0x3780;
	s18 =	simm.s32 $0x4800;
	v59 =	vadd.s32 $0x10E5, v0;
	[tilespmem:$0x1FF60] =	vst v58  }
0x19: {  	s19 =	simm.s32 $0x3;
	s20 =	simm.s32 $0x4;
	s21 =	simm.s32 $0x4900;
	v60 =	vadd.s32 $0x12C0, v0;
	[tilespmem:$0x1FF70] =	vst v59  }
0x1a: {  	v2 =	vimm.f32 $0.0e+00;
	s22 =	simm.s32 $0x5;
	s23 =	simm.s32 $0x0;
	s5 =	sadd.s32 $0x600, s3;
	v1 =	vadd.s32 $0x2, v3;
	[tilespmem:$0x1FF80] =	vst v60  }
0x1b: {  	vm0 =	vmmov $0x1;
	v54 =	vimm.f32 $1.000000000e+00;
	s4 =	sand.u32 $0x1, s4;
	s6 =	sshll.u32 s2, $0x1;
	s7 =	sadd.s32 $0xBE00, s3;
	[tilespmem:$0x1FDF0] =	vst v1;
	v1 =	vadd.s32 $0x3, v3  }
0x1c: {  	vm1 =	vcmask $0x704;
	vm3 =	vcmask $0xF00;
	s8 =	sshrl.u32 s2, $0x1;
	s6 =	sor.u32 s4, s6;
	s4 =	ssub.s32 $0x2, s4;
	[tilespmem:$0x1FE00] =	vst v1;
	v1 =	vadd.s32 $0x4, v3  }
0x1d: {  	vm9 =	vcmask $0xF0C;
	s9 =	smul.u32 $0xB800, s8;
	s30 =	sshll.u32 s8, $0xA;
	s10 =	sshll.u32 s6, $0x8;
	v61 =	vadd.s32 $0x12C5, v0;
	[tilespmem:$0x1FE20] =	vst v1;
	v1 =	vimm.s32 $0x0  }
0x1e: {  	vm10 =	vcmask $0x1310;
	vm11 =	vcmask $0x1714;
	s6 =	sshll.u32 s6, $0x4;
	s11 =	sshrl.u32 s4, $0x1;
	s10 =	sand.u32 $0x300, s10;
	[tilespmem:$0x1FF90] =	vst v61;
	v1 =	vsel vm0, $0xFFFFFFFF, v1  }
0x1f: {  	vm12 =	vcmask $0x1B18;
	vm13 =	vcmask $0x1F1C;
	s12 =	sadd.s32 s6, s3;
	s11 =	ssub.s32 s4, s11;
	s29 =	sor.u32 s9, s10;
	[tilespmem:$0x1FE30] =	vst v1;
	v1 =	vsel vm3, $0x3F800000, v2  }
0x20: {  	v62 =	vadd.s32 $0x14A0, v0;
	s31 =	sor.u32 $0x80, s10;
	s8 =	sor.u32 s30, s10;
	s10 =	simm.s32 $0x400;
	vm3 =	vcmask $0x300;
	[tilespmem:$0x1FE40] =	vst v1;
	v1 =	vimm.s32 $0x16DA  }
0x21: {  	v0 =	vadd.s32 $0x14A5, v0;
	[tilespmem:$0x1FFA0] =	vst v62;
	v3 =	vimm.s32 $0x16DF;
	s3 =	sshrl.u32 s29, $0x3;
	s9 =	sor.u32 s9, s31;
	s8 =	sshrl.u32 s8, $0x3;
	v1 =	vsel vm3, $0x1680, v1  }
0x22: {  	[tilespmem:$0x1FFD0] =	vst v0;
	s6 =	sor.u32 s30, s31;
	s3 =	sadd.s32 s5, s3;
	s9 =	sshrl.u32 s9, $0x3;
	vm0 =	vcmask $0xB08;
	v3 =	vsel vm3, $0x1685, v3;
	v1 =	vsel vm1, $0x169E, v1;
	v63 =	vpop (erf)  }
0x23: {  	vm14 =	vcmask $0x2320;
	s4 =	sadd.s32 s7, s8;
	s6 =	sshrl.u32 s6, $0x3;
	s8 =	smax.u32 s11, $0x1;
	v3 =	vsel vm1, $0x16A3, v3;
	[tilespmem:$0x1FFB0] =	vst v63;
	v0 =	vsel vm0, $0x16BC, v1  }
0x24: {  	vm15 =	vcmask $0x2724;
	vm2 =	vcmask $0x2F2C;
	s11 =	simm.s32 $0x2E00;
	s5 =	sadd.s32 s5, s9;
	s6 =	sadd.s32 s7, s6;
	[tilespmem:$0x1FFE0] =	vst v0;
	v0 =	vsel vm0, $0x16C1, v3  }
0x25: {  	v52 =	vimm.s32 $0x0;
	v47 =	vlaneseq.u32;
	s7 =	sadd.s32 $0xC200, s12;
	s9 =	simm.s32 $0x80;
	s12 =	simm.s32 $0x1700;
	vm1 =	vcmask $0x2B28;
	[tilespmem:$0x1FFF0] =	vst v0  }
.LBB2_1:
0x26: {  	[tilespmem:s1], [sflag:$0x1] =	stream.strided.gather [hbm4b:s3+s9], $0x1700, s10, s9, $0x38;
	[tilespmem:$0x4980] =	vst v63  }
0x27: {  	_ = 	snop  }
0x28: {  	[tilespmem:s11], [sflag:$0x2] =	stream.linear.gather [hbm4b:s4+s1], $0x80, $0x38;
	[tilespmem:$0x4980] =	vst v63  }
0x29: {  	_ = 	snop  }
0x2a: {  	[tilespmem:s12], [sflag:$0x3] =	stream.strided.gather [hbm4b:s5+s9], $0x1700, s10, s9, $0x38;
	[tilespmem:$0x4980] =	vst v63  }
0x2b: {  	s24 =	simm.s32 $0x2F40  }
0x2c: {  	[tilespmem:s13], [sflag:$0x4] =	stream.linear.gather [hbm4b:s6+s1], $0x80, $0x38;
	[tilespmem:$0x4980] =	vst v63  }
0x2d: {  	[tilespmem:s24+$0xFFFFFFC0] =	vst v2  }
0x2e: {  	[tilespmem:s24+$0x30] =	vst v2  }
0x2f: {  	[tilespmem:s24+$0x20] =	vst v2  }
0x30: {  	[tilespmem:s24+$0x10] =	vst v2  }
0x31: {  	[tilespmem:s24+$0x0] =	vst v2  }
0x32: {  	[tilespmem:s24+$0xFFFFFFF0] =	vst v2  }
0x33: {  	s25 =	simm.s32 $0x0;
	[tilespmem:s24+$0xFFFFFFE0] =	vst v2  }
.LBB2_2:
0x34: {  	s25 =	sadd.s32 $0x8, s25;
	[tilespmem:s24+$0xFFFFFFD0] =	vst v2;
	s24 =	sadd.s32 $0x80, s24  }
0x35: {  	[tilespmem:s24+$0xFFFFFFC0] =	vst v2;
	p0 =	slt.u32 s25, $0x78  }
0x36: {  	[tilespmem:s24+$0x30] =	vst v2  }
.Ltmp0:
0x37: {  	[tilespmem:s24+$0x20] =	vst v2;
	(pc) =	sbr.rel @p0 .LBB2_2-.Ltmp0, $4  }
0x38: {  	[tilespmem:s24+$0x10] =	vst v2  }
0x39: {  	[tilespmem:s24+$0x0] =	vst v2  }
0x3a: {  	[tilespmem:s24+$0xFFFFFFF0] =	vst v2  }
0x3b: {  	[tilespmem:s24+$0xFFFFFFE0] =	vst v2  }
0x3c: {  	[tilespmem:s24+$0xFFFFFFD0] =	vst v2  }
0x3d: {  	[tilespmem:$0x3700] =	vst v2  }
0x3e: {  	s24 =	simm.s32 $0x37C0;
	[tilespmem:$0x3710] =	vst v2  }
0x3f: {  	[tilespmem:s24+$0xFFFFFFC0] =	vst v2  }
0x40: {  	[tilespmem:s24+$0x30] =	vst v2  }
0x41: {  	[tilespmem:s24+$0x20] =	vst v2  }
0x42: {  	[tilespmem:s24+$0x10] =	vst v2  }
0x43: {  	[tilespmem:s24+$0x0] =	vst v2  }
0x44: {  	[tilespmem:s24+$0xFFFFFFF0] =	vst v2  }
0x45: {  	s25 =	simm.s32 $0x0;
	[tilespmem:s24+$0xFFFFFFE0] =	vst v2  }
.LBB2_4:
0x46: {  	s25 =	sadd.s32 $0x8, s25;
	[tilespmem:s24+$0xFFFFFFD0] =	vst v2;
	s24 =	sadd.s32 $0x80, s24  }
0x47: {  	[tilespmem:s24+$0xFFFFFFC0] =	vst v2;
	p0 =	slt.u32 s25, $0xF8  }
0x48: {  	[tilespmem:s24+$0x30] =	vst v2  }
.Ltmp1:
0x49: {  	[tilespmem:s24+$0x20] =	vst v2;
	(pc) =	sbr.rel @p0 .LBB2_4-.Ltmp1, $4  }
0x4a: {  	[tilespmem:s24+$0x10] =	vst v2  }
0x4b: {  	[tilespmem:s24+$0x0] =	vst v2  }
0x4c: {  	[tilespmem:s24+$0xFFFFFFF0] =	vst v2  }
0x4d: {  	[tilespmem:s24+$0xFFFFFFE0] =	vst v2  }
0x4e: {  	[tilespmem:s24+$0xFFFFFFD0] =	vst v2  }
0x4f: {  	[tilespmem:$0x4780] =	vst v2  }
0x50: {  	[tilespmem:$0x4790] =	vst v2  }
0x51: {  	[tilespmem:$0x47A0] =	vst v2  }
0x52: {  	[tilespmem:$0x47B0] =	vst v2  }
0x53: {  	_ =	swait.ge [sflag:s14], $0x1700  }
0x54: {  	[sflag:s14] =	ssyncset.done $0x0  }
0x55: {  	[sflag:s14] =	ssyncadd.s32 $0xFFFFE900  }
0x56: {  	_ =	swait.ge [sflag:s15], $0x80  }
0x57: {  	v7 =	vld [tilespmem:$0x1FDE0]  }
0x58: {  	v42 =	vld [tilespmem:$0x1FE00]  }
0x59: {  	v5 =	vld [tilespmem:$0x1FE10]  }
0x5a: {  	v8 =	vld [tilespmem:$0x1FDF0];
	_ =	sdelay $0x2  }
0x5b: {  	[sflag:s15] =	ssyncset.done $0x0  }
0x5c: {  	[sflag:s15] =	ssyncadd.s32 $0xFFFFFF80  }
0x5d: {  	v17 =	vld.idx.msk [tilespmem:v7+s11+$0x0], $0xffff  }
0x5e: {  	v18 =	vld.idx.msk [tilespmem:v42+s11+$0x0], $0xffff  }
0x5f: {  	v19 =	vld.idx.msk [tilespmem:v5+s11+$0x0], $0xffff  }
0x60: {  	v20 =	vld.idx.msk [tilespmem:v8+s11+$0x0], $0xffff;
	_ =	sdelay $0x2  }
0x61: {  	v1 =	vadd.f32 v18, v17;
	_ =	sdelay $0x1  }
0x62: {  	v3 =	vadd.f32 v20, v19;
	v1 =	vmul.f32 $5.000000000e-01, v1;
	_ =	sdelay $0x1  }
0x63: {  	v3 =	vmul.f32 $5.000000000e-01, v3;
	v13 =	vmul.f32 $1.400000000e+01, v1;
	_ =	sdelay $0x1  }
0x64: {  	v12 =	vmul.f32 $1.400000000e+01, v3;
	v1 =	vtrunc.f32 v13  }
0x65: {  	v9 =	vcvt.f32.s32 v1  }
0x66: {  	v1 =	vtrunc.f32 v12  }
0x67: {  	v10 =	vcvt.f32.s32 v1;
	v1 =	vmul.u32 $0xE, v9;
	_ =	sdelay $0x1  }
0x68: {  	v11 =	vadd.s32 v10, v1  }
0x69: {  	v6 =	vmul.u32 $0x1E, v11;
	_ =	sdelay $0x1  }
0x6a: {  	v0 =	vor.u32 $0x1, v6  }
0x6b: {  	v4 =	vadd.s32 $0x2, v6  }
0x6c: {  	v1 =	vadd.s32 $0x3, v6  }
0x6d: {  	v50 =	vcvt.s32.f32 v10;
	v3 =	vadd.s32 $0x4, v6  }
0x6e: {  	v16 =	vcvt.s32.f32 v9;
	v10 =	vld [tilespmem:$0x1FFB0];
	v43 =	vadd.s32 $0x6, v6  }
0x6f: {  	v15 =	vsub.f32 v12, v50;
	v12 =	vadd.s32 $0x7, v6;
	v22 =	vld.idx.msk [tilespmem:v0+s1+$0x0], $0xffff  }
0x70: {  	v16 =	vsub.f32 v13, v16;
	v13 =	vadd.s32 $0x8, v6;
	v23 =	vld.idx.msk [tilespmem:v4+s1+$0x0], $0xffff  }
0x71: {  	v27 =	vadd.s32 $0x9, v6;
	v24 =	vld.idx.msk [tilespmem:v1+s1+$0x0], $0xffff  }
0x72: {  	v51 =	vsub.f32 v20, v19;
	v25 =	vld.idx.msk [tilespmem:v3+s1+$0x0], $0xffff  }
0x73: {  	v53 =	vsub.f32 v18, v17;
	v32 =	vld.idx.msk [tilespmem:v43+s1+$0x0], $0xffff  }
0x74: {  	v28 =	vmul.f32 $5.000000000e-01, v51;
	v26 =	vmul.f32 v15, v10;
	v34 =	vld.idx.msk [tilespmem:v12+s1+$0x0], $0xffff  }
0x75: {  	v30 =	vmul.f32 $5.000000000e-01, v53;
	v29 =	vmul.f32 v16, v10;
	v56 =	vld.idx.msk [tilespmem:v13+s1+$0x0], $0xffff  }
0x76: {  	v31 =	vsub.f32 v26, v28;
	v36 =	vld.idx.msk [tilespmem:v27+s1+$0x0], $0xffff  }
0x77: {  	v33 =	vsub.f32 v29, v30;
	v26 =	vadd.f32 v26, v28;
	v22 =	vmul.f32 v22, v10  }
0x78: {  	v55 =	vadd.f32 v29, v30;
	v24 =	vmul.f32 $5.000000000e-01, v24;
	v23 =	vmul.f32 v23, v10  }
0x79: {  	v58 =	vsub.f32 v26, v31;
	v25 =	vmul.f32 $5.000000000e-01, v25;
	v32 =	vmul.f32 v32, v10  }
0x7a: {  	v59 =	vsub.f32 v55, v33;
	v29 =	vmul.f32 $5.000000000e-01, v56;
	v34 =	vmul.f32 v34, v10  }
0x7b: {  	v36 =	vmul.f32 $5.000000000e-01, v36;
	v57 =	vsub.f32 v22, v24;
	v35 =	vsub.f32 v23, v25  }
0x7c: {  	v22 =	vadd.f32 v24, v22;
	v23 =	vadd.f32 v25, v23  }
0x7d: {  	v60 =	vsub.f32 v32, v29;
	v62 =	vsub.f32 v34, v36  }
0x7e: {  	v24 =	vmul.f32 v59, v58;
	v29 =	vadd.f32 v29, v32;
	v34 =	vadd.f32 v36, v34  }
0x7f: {  	v37 =	vmax.f32 v57, v31;
	v38 =	vmax.f32 v35, v33;
	v39 =	vmin.f32 v22, v26  }
0x80: {  	v40 =	vmin.f32 v23, v55;
	v22 =	vsub.f32 v22, v57;
	v23 =	vsub.f32 v23, v35  }
0x81: {  	v31 =	vmax.f32 v60, v31;
	v26 =	vmin.f32 v29, v26;
	v25 =	vsub.f32 v29, v60  }
0x82: {  	v28 =	vmin.f32 v34, v55;
	v34 =	vsub.f32 v34, v62;
	v37 =	vsub.f32 v39, v37  }
0x83: {  	v33 =	vmax.f32 v62, v33;
	v38 =	vsub.f32 v40, v38;
	v35 =	vsub.f32 v26, v31  }
0x84: {  	v36 =	vsub.f32 v28, v33;
	v22 =	vmul.f32 v23, v22;
	v25 =	vmul.f32 v34, v25  }
0x85: {  	v61 =	vmax.f32 v37, $0.0e+00;
	v63 =	vmax.f32 v38, $0.0e+00;
	v23 =	vmax.f32 v35, $0.0e+00  }
0x86: {  	v26 =	vmax.f32 v36, $0.0e+00;
	v37 =	vmul.f32 v63, v61;
	v22 =	vadd.f32 v24, v22  }
0x87: {  	v14 =	vld [tilespmem:$0x1FE20];
	v23 =	vmul.f32 v26, v23;
	v24 =	vadd.f32 v25, v24  }
0x88: {  	v22 =	vsub.f32 v22, v37  }
0x89: {  	v24 =	vsub.f32 v24, v23  }
0x8a: {  	(erf) = vrcp.f32 v22  }
0x8b: {  	(erf) = vrcp.f32 v24;
	_ =	sdelay $0x2  }
0x8c: {  	v17 =	vadd.f32 v17, v19  }
0x8d: {  	v21 =	vld.idx.msk [tilespmem:v14+s11+$0x0], $0xffff  }
0x8e: {  	v17 =	vadd.f32 v20, v17;
	_ =	sdelay $0x1  }
0x8f: {  	v17 =	vadd.f32 v18, v17;
	v40 =	vld [tilespmem:$0x1FE30]  }
0x90: {  	v38 =	vpop (erf)  }
0x91: {  	v17 =	vadd.f32 v21, v17;
	v39 =	vpop (erf)  }
0x92: {  	v18 =	vmul.f32 v38, v37;
	v19 =	vmul.f32 v39, v23  }
0x93: {  	vm3 =	vlt.f32 v17, $0.0e+00;
	vm4 =	vgt.f32 v17, $0.0e+00  }
0x94: {  	vm4 =	vmor vm4, vm3;
	vm7 =	vnez.u8 v40;
	vm3 =	vgt.f32 v19, v18  }
0x95: {  	vm5 =	vmand vm4, vm7;
	v19 =	vsel vm3, $0x410, v52  }
0x96: {  	v41 =	vtrunc.f32 v21;
	v28 =	vadd.s32 v11, v19  }
0x97: {  	v44 =	vcvt.f32.s32 v41;
	v45 =	vadd.s32 $0x1A0, v11;
	v31 =	vadd.s32 $0xD0, v28  }
0x98: {  	v32 =	vadd.s32 v19, v45  }
0x99: {  	v20 =	vmul.u32 $0xD0, v44;
	v46 =	vadd.s32 $0x340, v11;
	v33 =	vadd.s32 $0x270, v28  }
0x9a: {  	v40 =	vadd.s32 v19, v46  }
0x9b: {  	vm8 =	vcmask $0x704;
	v41 =	vadd.s32 v20, v11;
	[tilespmem:v28+s16+$0x0] =	vst.idx.msk vm5, v54  }
0x9c: {  	vm3 =	vmand vm4, vm8;
	[tilespmem:v31+s16+$0x0] =	vst.idx.msk vm5, v15  }
0x9d: {  	[tilespmem:v32+s16+$0x0] =	vst.idx.msk vm5, v16  }
0x9e: {  	[tilespmem:v33+s16+$0x0] =	vst.idx.msk vm5, v51  }
0x9f: {  	[tilespmem:v40+s16+$0x0] =	vst.idx.msk vm5, v53  }
0xa0: {  	[tilespmem:v41+s17+$0x0] =	vst.idx.msk vm5, v54  }
0xa1: {  	[tilespmem:v11+s18+$0x0] =	vst.idx.msk vm5, v47  }
0xa2: {  	vm0 =	vcmask $0xB08;
	[tilespmem:v28+s16+$0x0] =	vst.idx.msk vm3, v54  }
0xa3: {  	vm5 =	vmand vm4, vm0;
	[tilespmem:v31+s16+$0x0] =	vst.idx.msk vm3, v15  }
0xa4: {  	[tilespmem:v32+s16+$0x0] =	vst.idx.msk vm3, v16  }
0xa5: {  	[tilespmem:v33+s16+$0x0] =	vst.idx.msk vm3, v51  }
0xa6: {  	[tilespmem:v40+s16+$0x0] =	vst.idx.msk vm3, v53  }
0xa7: {  	[tilespmem:v41+s17+$0x0] =	vst.idx.msk vm3, v54  }
0xa8: {  	[tilespmem:v11+s18+$0x0] =	vst.idx.msk vm3, v47  }
0xa9: {  	[tilespmem:v28+s16+$0x0] =	vst.idx.msk vm5, v54  }
0xaa: {  	vm3 =	vmand vm4, vm9;
	[tilespmem:v31+s16+$0x0] =	vst.idx.msk vm5, v15  }
0xab: {  	[tilespmem:v32+s16+$0x0] =	vst.idx.msk vm5, v16  }
0xac: {  	[tilespmem:v33+s16+$0x0] =	vst.idx.msk vm5, v51  }
0xad: {  	[tilespmem:v40+s16+$0x0] =	vst.idx.msk vm5, v53  }
0xae: {  	[tilespmem:v41+s17+$0x0] =	vst.idx.msk vm5, v54  }
0xaf: {  	[tilespmem:v11+s18+$0x0] =	vst.idx.msk vm5, v47  }
0xb0: {  	[tilespmem:v28+s16+$0x0] =	vst.idx.msk vm3, v54  }
0xb1: {  	vm5 =	vmand vm4, vm10;
	[tilespmem:v31+s16+$0x0] =	vst.idx.msk vm3, v15  }
0xb2: {  	[tilespmem:v32+s16+$0x0] =	vst.idx.msk vm3, v16  }
0xb3: {  	[tilespmem:v33+s16+$0x0] =	vst.idx.msk vm3, v51  }
0xb4: {  	[tilespmem:v40+s16+$0x0] =	vst.idx.msk vm3, v53  }
0xb5: {  	[tilespmem:v41+s17+$0x0] =	vst.idx.msk vm3, v54  }
0xb6: {  	[tilespmem:v11+s18+$0x0] =	vst.idx.msk vm3, v47  }
0xb7: {  	[tilespmem:v28+s16+$0x0] =	vst.idx.msk vm5, v54  }
0xb8: {  	vm3 =	vmand vm4, vm11;
	[tilespmem:v31+s16+$0x0] =	vst.idx.msk vm5, v15  }
0xb9: {  	[tilespmem:v32+s16+$0x0] =	vst.idx.msk vm5, v16  }
0xba: {  	[tilespmem:v33+s16+$0x0] =	vst.idx.msk vm5, v51  }
0xbb: {  	[tilespmem:v40+s16+$0x0] =	vst.idx.msk vm5, v53  }
0xbc: {  	[tilespmem:v41+s17+$0x0] =	vst.idx.msk vm5, v54  }
0xbd: {  	[tilespmem:v11+s18+$0x0] =	vst.idx.msk vm5, v47  }
0xbe: {  	[tilespmem:v28+s16+$0x0] =	vst.idx.msk vm3, v54  }
0xbf: {  	vm5 =	vmand vm4, vm12;
	[tilespmem:v31+s16+$0x0] =	vst.idx.msk vm3, v15  }
0xc0: {  	[tilespmem:v32+s16+$0x0] =	vst.idx.msk vm3, v16  }
0xc1: {  	[tilespmem:v33+s16+$0x0] =	vst.idx.msk vm3, v51  }
0xc2: {  	[tilespmem:v40+s16+$0x0] =	vst.idx.msk vm3, v53  }
0xc3: {  	[tilespmem:v41+s17+$0x0] =	vst.idx.msk vm3, v54  }
0xc4: {  	[tilespmem:v11+s18+$0x0] =	vst.idx.msk vm3, v47  }
0xc5: {  	[tilespmem:v28+s16+$0x0] =	vst.idx.msk vm5, v54  }
0xc6: {  	vm3 =	vmand vm4, vm13;
	[tilespmem:v31+s16+$0x0] =	vst.idx.msk vm5, v15  }
0xc7: {  	[tilespmem:v32+s16+$0x0] =	vst.idx.msk vm5, v16  }
0xc8: {  	[tilespmem:v33+s16+$0x0] =	vst.idx.msk vm5, v51  }
0xc9: {  	[tilespmem:v40+s16+$0x0] =	vst.idx.msk vm5, v53  }
0xca: {  	[tilespmem:v41+s17+$0x0] =	vst.idx.msk vm5, v54  }
0xcb: {  	[tilespmem:v11+s18+$0x0] =	vst.idx.msk vm5, v47  }
0xcc: {  	[tilespmem:v28+s16+$0x0] =	vst.idx.msk vm3, v54  }
0xcd: {  	vm5 =	vmand vm4, vm14;
	[tilespmem:v31+s16+$0x0] =	vst.idx.msk vm3, v15  }
0xce: {  	[tilespmem:v32+s16+$0x0] =	vst.idx.msk vm3, v16  }
0xcf: {  	[tilespmem:v33+s16+$0x0] =	vst.idx.msk vm3, v51  }
0xd0: {  	[tilespmem:v40+s16+$0x0] =	vst.idx.msk vm3, v53  }
0xd1: {  	[tilespmem:v41+s17+$0x0] =	vst.idx.msk vm3, v54  }
0xd2: {  	[tilespmem:v11+s18+$0x0] =	vst.idx.msk vm3, v47  }
0xd3: {  	[tilespmem:v28+s16+$0x0] =	vst.idx.msk vm5, v54  }
0xd4: {  	vm3 =	vmand vm4, vm15;
	[tilespmem:v31+s16+$0x0] =	vst.idx.msk vm5, v15  }
0xd5: {  	[tilespmem:v32+s16+$0x0] =	vst.idx.msk vm5, v16  }
0xd6: {  	[tilespmem:v33+s16+$0x0] =	vst.idx.msk vm5, v51  }
0xd7: {  	[tilespmem:v40+s16+$0x0] =	vst.idx.msk vm5, v53  }
0xd8: {  	[tilespmem:v41+s17+$0x0] =	vst.idx.msk vm5, v54  }
0xd9: {  	[tilespmem:v11+s18+$0x0] =	vst.idx.msk vm5, v47  }
0xda: {  	[tilespmem:v28+s16+$0x0] =	vst.idx.msk vm3, v54  }
0xdb: {  	vm5 =	vmand vm4, vm1;
	[tilespmem:v31+s16+$0x0] =	vst.idx.msk vm3, v15  }
0xdc: {  	[tilespmem:v32+s16+$0x0] =	vst.idx.msk vm3, v16  }
0xdd: {  	[tilespmem:v33+s16+$0x0] =	vst.idx.msk vm3, v51  }
0xde: {  	[tilespmem:v40+s16+$0x0] =	vst.idx.msk vm3, v53  }
0xdf: {  	[tilespmem:v41+s17+$0x0] =	vst.idx.msk vm3, v54  }
0xe0: {  	[tilespmem:v11+s18+$0x0] =	vst.idx.msk vm3, v47  }
0xe1: {  	[tilespmem:v28+s16+$0x0] =	vst.idx.msk vm5, v54  }
0xe2: {  	vm3 =	vmand vm4, vm2;
	[tilespmem:v31+s16+$0x0] =	vst.idx.msk vm5, v15  }
0xe3: {  	[tilespmem:v32+s16+$0x0] =	vst.idx.msk vm5, v16  }
0xe4: {  	[tilespmem:v33+s16+$0x0] =	vst.idx.msk vm5, v51  }
0xe5: {  	[tilespmem:v40+s16+$0x0] =	vst.idx.msk vm5, v53  }
0xe6: {  	[tilespmem:v41+s17+$0x0] =	vst.idx.msk vm5, v54  }
0xe7: {  	[tilespmem:v11+s18+$0x0] =	vst.idx.msk vm5, v47  }
0xe8: {  	vm5 =	vcmask $0x3330;
	[tilespmem:v28+s16+$0x0] =	vst.idx.msk vm3, v54  }
0xe9: {  	vm5 =	vmand vm4, vm5;
	[tilespmem:v31+s16+$0x0] =	vst.idx.msk vm3, v15  }
0xea: {  	[tilespmem:v32+s16+$0x0] =	vst.idx.msk vm3, v16  }
0xeb: {  	[tilespmem:v33+s16+$0x0] =	vst.idx.msk vm3, v51  }
0xec: {  	[tilespmem:v40+s16+$0x0] =	vst.idx.msk vm3, v53  }
0xed: {  	[tilespmem:v41+s17+$0x0] =	vst.idx.msk vm3, v54  }
0xee: {  	[tilespmem:v11+s18+$0x0] =	vst.idx.msk vm3, v47  }
0xef: {  	vm3 =	vcmask $0x3734;
	[tilespmem:v28+s16+$0x0] =	vst.idx.msk vm5, v54  }
0xf0: {  	vm3 =	vmand vm4, vm3;
	[tilespmem:v31+s16+$0x0] =	vst.idx.msk vm5, v15  }
0xf1: {  	[tilespmem:v32+s16+$0x0] =	vst.idx.msk vm5, v16  }
0xf2: {  	[tilespmem:v33+s16+$0x0] =	vst.idx.msk vm5, v51  }
0xf3: {  	[tilespmem:v40+s16+$0x0] =	vst.idx.msk vm5, v53  }
0xf4: {  	[tilespmem:v41+s17+$0x0] =	vst.idx.msk vm5, v54  }
0xf5: {  	[tilespmem:v11+s18+$0x0] =	vst.idx.msk vm5, v47  }
0xf6: {  	vm5 =	vcmask $0x3B38;
	[tilespmem:v28+s16+$0x0] =	vst.idx.msk vm3, v54  }
0xf7: {  	vm5 =	vmand vm4, vm5;
	[tilespmem:v31+s16+$0x0] =	vst.idx.msk vm3, v15  }
0xf8: {  	[tilespmem:v32+s16+$0x0] =	vst.idx.msk vm3, v16  }
0xf9: {  	[tilespmem:v33+s16+$0x0] =	vst.idx.msk vm3, v51  }
0xfa: {  	[tilespmem:v40+s16+$0x0] =	vst.idx.msk vm3, v53  }
0xfb: {  	[tilespmem:v41+s17+$0x0] =	vst.idx.msk vm3, v54  }
0xfc: {  	[tilespmem:v11+s18+$0x0] =	vst.idx.msk vm3, v47  }
0xfd: {  	vm3 =	vcmask $0x3F3C;
	[tilespmem:v28+s16+$0x0] =	vst.idx.msk vm5, v54  }
0xfe: {  	vm3 =	vmand vm4, vm3;
	[tilespmem:v31+s16+$0x0] =	vst.idx.msk vm5, v15  }
0xff: {  	[tilespmem:v32+s16+$0x0] =	vst.idx.msk vm5, v16  }
0x100: {  	[tilespmem:v33+s16+$0x0] =	vst.idx.msk vm5, v51  }
0x101: {  	[tilespmem:v40+s16+$0x0] =	vst.idx.msk vm5, v53  }
0x102: {  	[tilespmem:v41+s17+$0x0] =	vst.idx.msk vm5, v54  }
0x103: {  	[tilespmem:v11+s18+$0x0] =	vst.idx.msk vm5, v47  }
0x104: {  	[tilespmem:v28+s16+$0x0] =	vst.idx.msk vm3, v54  }
0x105: {  	[tilespmem:v31+s16+$0x0] =	vst.idx.msk vm3, v15  }
0x106: {  	[tilespmem:v32+s16+$0x0] =	vst.idx.msk vm3, v16  }
0x107: {  	[tilespmem:v33+s16+$0x0] =	vst.idx.msk vm3, v51  }
0x108: {  	v48 =	vadd.s32 $0xD0, v11;
	[tilespmem:v40+s16+$0x0] =	vst.idx.msk vm3, v53  }
0x109: {  	[tilespmem:v41+s17+$0x0] =	vst.idx.msk vm3, v54  }
0x10a: {  	v49 =	vadd.s32 $0x270, v11;
	[tilespmem:v11+s18+$0x0] =	vst.idx.msk vm3, v47  }
0x10b: {  	v15 =	vld.idx.msk [tilespmem:v11+s18+$0x0], $0xffff  }
0x10c: {  	v56 =	vadd.s32 $0x5B0, v11;
	v50 =	vld.idx.msk [tilespmem:v11+s16+$0x0], $0xffff  }
0x10d: {  	v21 =	vadd.s32 $0x680, v11;
	v16 =	vld.idx.msk [tilespmem:v48+s16+$0x0], $0xffff  }
0x10e: {  	v22 =	vadd.s32 $0x750, v11;
	v55 =	vld.idx.msk [tilespmem:v45+s16+$0x0], $0xffff  }
0x10f: {  	v60 =	vadd.s32 $0xA, v6;
	v57 =	vld.idx.msk [tilespmem:v49+s16+$0x0], $0xffff  }
0x110: {  	v58 =	vld.idx.msk [tilespmem:v46+s16+$0x0], $0xffff;
	[tilespmem:$0x1FB90] =	vst v15  }
0x111: {  	v63 =	vadd.s32 $0xB, v6;
	v62 =	vld.idx.msk [tilespmem:v56+s16+$0x0], $0xffff;
	[tilespmem:$0x1FBD0] =	vst v50  }
0x112: {  	v29 =	vld.idx.msk [tilespmem:v21+s16+$0x0], $0xffff;
	[tilespmem:$0x1FC00] =	vst v16  }
0x113: {  	v34 =	vadd.s32 $0xC, v6;
	v30 =	vld.idx.msk [tilespmem:v22+s16+$0x0], $0xffff;
	[tilespmem:$0x1FC20] =	vst v55  }
0x114: {  	v35 =	vld.idx.msk [tilespmem:v60+s1+$0x0], $0xffff;
	[tilespmem:$0x1FC40] =	vst v57  }
0x115: {  	v9 =	vld.idx.msk [tilespmem:v48+s17+$0x0], $0xffff;
	[tilespmem:$0x1FC90] =	vst v58  }
0x116: {  	v39 =	vadd.s32 $0xE, v6;
	v37 =	vld.idx.msk [tilespmem:v63+s1+$0x0], $0xffff;
	[tilespmem:$0x1FC30] =	vst v62  }
0x117: {  	v23 =	vadd.s32 $0xA90, v11;
	v38 =	vld.idx.msk [tilespmem:v45+s17+$0x0], $0xffff;
	[tilespmem:$0x1FC50] =	vst v29  }
0x118: {  	v51 =	vadd.s32 $0x410, v11;
	v44 =	vld.idx.msk [tilespmem:v34+s1+$0x0], $0xffff;
	[tilespmem:$0x1FCA0] =	vst v30  }
0x119: {  	v53 =	vadd.s32 $0x4E0, v11;
	v14 =	vld.idx.msk [tilespmem:v49+s17+$0x0], $0xffff;
	[tilespmem:$0x1F8E0] =	vst v35  }
0x11a: {  	v36 =	vadd.s32 $0xD, v6;
	v46 =	vld.idx.msk [tilespmem:v46+s17+$0x0], $0xffff;
	[tilespmem:$0x1F900] =	vst v9  }
0x11b: {  	v49 =	vld.idx.msk [tilespmem:v39+s1+$0x0], $0xffff;
	[tilespmem:$0x1F910] =	vst v37  }
0x11c: {  	v45 =	vadd.s32 $0xF, v6;
	v34 =	vld.idx.msk [tilespmem:v23+s17+$0x0], $0xffff;
	[tilespmem:$0x1F920] =	vst v38  }
0x11d: {  	v59 =	vld.idx.msk [tilespmem:v51+s16+$0x0], $0xffff;
	[tilespmem:$0x1F930] =	vst v44  }
0x11e: {  	v61 =	vld.idx.msk [tilespmem:v53+s16+$0x0], $0xffff;
	[tilespmem:$0x1F960] =	vst v14  }
0x11f: {  	v9 =	vld.idx.msk [tilespmem:v36+s1+$0x0], $0xffff;
	[tilespmem:$0x1F980] =	vst v46  }
0x120: {  	v26 =	vadd.s32 $0xB60, v11;
	[tilespmem:$0x1F990] =	vst v49;
	v15 =	vld.idx.msk [tilespmem:v51+s17+$0x0], $0xffff  }
0x121: {  	v48 =	vadd.s32 $0x10, v6;
	v14 =	vld.idx.msk [tilespmem:v45+s1+$0x0], $0xffff;
	[tilespmem:$0x1FB20] =	vst v34  }
0x122: {  	v51 =	vld.idx.msk [tilespmem:v53+s17+$0x0], $0xffff;
	[tilespmem:$0x1FBC0] =	vst v59  }
0x123: {  	v50 =	vadd.s32 $0x11, v6;
	v55 =	vld.idx.msk [tilespmem:v56+s17+$0x0], $0xffff;
	[tilespmem:$0x1FC10] =	vst v61  }
0x124: {  	v53 =	vadd.s32 $0x12, v6;
	v58 =	vld.idx.msk [tilespmem:v21+s17+$0x0], $0xffff;
	[tilespmem:$0x1F970] =	vst v9  }
0x125: {  	v62 =	vadd.s32 $0x15, v6;
	v37 =	vld.idx.msk [tilespmem:v26+s17+$0x0], $0xffff;
	[tilespmem:$0x1F9A0] =	vst v15  }
0x126: {  	v56 =	vadd.s32 $0x13, v6;
	[tilespmem:$0x1F9B0] =	vst v14;
	v9 =	vld.idx.msk [tilespmem:v48+s1+$0x0], $0xffff  }
0x127: {  	v30 =	vadd.s32 $0xC30, v11;
	v61 =	vld.idx.msk [tilespmem:v22+s17+$0x0], $0xffff;
	[tilespmem:$0x1F9E0] =	vst v51  }
0x128: {  	v35 =	vadd.s32 $0x19, v6;
	[tilespmem:$0x1FA00] =	vst v55;
	v15 =	vld.idx.msk [tilespmem:v50+s1+$0x0], $0xffff  }
0x129: {  	v38 =	vadd.s32 $0x1A, v6;
	[tilespmem:$0x1FA20] =	vst v58;
	v14 =	vld.idx.msk [tilespmem:v53+s1+$0x0], $0xffff  }
0x12a: {  	v60 =	vadd.s32 $0x8F0, v11;
	v25 =	vld.idx.msk [tilespmem:v62+s1+$0x0], $0xffff;
	[tilespmem:$0x1FB50] =	vst v37  }
0x12b: {  	v63 =	vadd.s32 $0x9C0, v11;
	[tilespmem:$0x1F9F0] =	vst v9;
	v9 =	vld.idx.msk [tilespmem:v56+s1+$0x0], $0xffff  }
0x12c: {  	v39 =	vld.idx.msk [tilespmem:v30+s17+$0x0], $0xffff;
	[tilespmem:$0x1FA70] =	vst v61  }
0x12d: {  	v45 =	vld.idx.msk [tilespmem:v35+s1+$0x0], $0xffff;
	[tilespmem:$0x1FA10] =	vst v15  }
0x12e: {  	v57 =	vadd.s32 $0x820, v11;
	v49 =	vld.idx.msk [tilespmem:v38+s1+$0x0], $0xffff;
	[tilespmem:$0x1FA30] =	vst v14  }
0x12f: {  	v24 =	vadd.s32 $0x17, v6;
	v14 =	vld.idx.msk [tilespmem:v60+s17+$0x0], $0xffff;
	[tilespmem:$0x1FAC0] =	vst v25  }
0x130: {  	v29 =	vadd.s32 $0x18, v6;
	[tilespmem:$0x1FA80] =	vst v9;
	v9 =	vld.idx.msk [tilespmem:v63+s17+$0x0], $0xffff  }
0x131: {  	v21 =	vadd.s32 $0x16, v6;
	v46 =	vadd.s32 $0x1B, v6;
	v59 =	vadd.s32 $0x14, v6;
	v51 =	vld.idx.msk [tilespmem:v11+s17+$0x0], $0xffff;
	[tilespmem:$0x1FB70] =	vst v39  }
0x132: {  	v50 =	vadd.s32 $0x1C, v6;
	v53 =	vadd.s32 $0x1D, v6;
	v55 =	vadd.s32 $0x5, v6;
	v6 =	vld.idx.msk [tilespmem:v6+s1+$0x0], $0xffff;
	[tilespmem:$0x1FB80] =	vst v45  }
0x133: {  	v15 =	vld.idx.msk [tilespmem:v57+s17+$0x0], $0xffff;
	[tilespmem:$0x1FBB0] =	vst v49  }
0x134: {  	v36 =	vadd.s32 $0xD00, v11;
	[tilespmem:$0x1FAB0] =	vst v14;
	v14 =	vld.idx.msk [tilespmem:v24+s1+$0x0], $0xffff  }
0x135: {  	v44 =	vadd.s32 $0xDD0, v11;
	[tilespmem:$0x1FAF0] =	vst v9;
	v9 =	vld.idx.msk [tilespmem:v29+s1+$0x0], $0xffff  }
0x136: {  	v48 =	vadd.s32 $0xEA0, v11;
	v11 =	vadd.s32 $0xF70, v11;
	v22 =	vld.idx.msk [tilespmem:v59+s1+$0x0], $0xffff;
	[tilespmem:$0x1F8F0] =	vst v51  }
0x137: {  	v56 =	vld.idx.msk [tilespmem:v50+s1+$0x0], $0xffff;
	[tilespmem:$0x1FCD0] =	vst v6  }
0x138: {  	[tilespmem:$0x1FA90] =	vst v15;
	v15 =	vld.idx.msk [tilespmem:v21+s1+$0x0], $0xffff  }
0x139: {  	[tilespmem:$0x1FB30] =	vst v14;
	v14 =	vld.idx.msk [tilespmem:v36+s17+$0x0], $0xffff  }
0x13a: {  	[tilespmem:$0x1FB60] =	vst v9;
	v9 =	vld.idx.msk [tilespmem:v44+s17+$0x0], $0xffff  }
0x13b: {  	v11 =	vld.idx.msk [tilespmem:v11+s17+$0x0], $0xffff;
	[tilespmem:$0x1FAA0] =	vst v22  }
0x13c: {  	v57 =	vld.idx.msk [tilespmem:v55+s1+$0x0], $0xffff;
	[tilespmem:$0x1FC70] =	vst v56  }
0x13d: {  	[tilespmem:$0x1FB00] =	vst v15;
	v15 =	vld.idx.msk [tilespmem:v46+s1+$0x0], $0xffff  }
0x13e: {  	[tilespmem:$0x1FBA0] =	vst v14;
	v14 =	vld.idx.msk [tilespmem:v48+s17+$0x0], $0xffff  }
0x13f: {  	[tilespmem:$0x1FBE0] =	vst v9;
	v9 =	vld.idx.msk [tilespmem:v53+s1+$0x0], $0xffff  }
0x140: {  	[tilespmem:$0x1FCE0] =	vst v11  }
0x141: {  	[tilespmem:$0x1FD10] =	vst v57  }
0x142: {  	[tilespmem:$0x1FBF0] =	vst v15  }
0x143: {  	[tilespmem:$0x1FC60] =	vst v14  }
0x144: {  	[tilespmem:$0x1FCF0] =	vst v9  }
0x145: {  	v0 =	vld.idx.msk [tilespmem:v0+s1+$0x0], $0xffff;
	_ =	sdelay $0x4  }
0x146: {  	[tilespmem:$0x1FD20] =	vst v0;
	v0 =	vld.idx.msk [tilespmem:v4+s1+$0x0], $0xffff;
	_ =	sdelay $0x4  }
0x147: {  	[tilespmem:$0x1FD30] =	vst v0;
	v0 =	vld.idx.msk [tilespmem:v43+s1+$0x0], $0xffff;
	_ =	sdelay $0x4  }
0x148: {  	[tilespmem:$0x1FD40] =	vst v0;
	v0 =	vld.idx.msk [tilespmem:v12+s1+$0x0], $0xffff;
	_ =	sdelay $0x4  }
0x149: {  	[tilespmem:$0x1FD50] =	vst v0;
	v0 =	vld.idx.msk [tilespmem:v1+s1+$0x0], $0xffff;
	_ =	sdelay $0x4  }
0x14a: {  	[tilespmem:$0x1FC80] =	vst v0;
	v0 =	vld.idx.msk [tilespmem:v3+s1+$0x0], $0xffff;
	_ =	sdelay $0x4  }
0x14b: {  	[tilespmem:$0x1FCB0] =	vst v0;
	v0 =	vld.idx.msk [tilespmem:v13+s1+$0x0], $0xffff;
	_ =	sdelay $0x4  }
0x14c: {  	[tilespmem:$0x1FCC0] =	vst v0;
	v0 =	vld.idx.msk [tilespmem:v27+s1+$0x0], $0xffff;
	_ =	sdelay $0x4  }
0x14d: {  	[tilespmem:$0x1FD00] =	vst v0;
	v0 =	vld [tilespmem:$0x1FFC0];
	_ =	sdelay $0x7  }
0x14e: {  	v13 =	vld.idx.msk [tilespmem:v0+s1+$0x0], $0xffff  }
0x14f: {  	v0 =	vld [tilespmem:$0x1FE50];
	_ =	sdelay $0x7  }
0x150: {  	v17 =	vld.idx.msk [tilespmem:v0+s1+$0x0], $0xffff  }
0x151: {  	v0 =	vld [tilespmem:$0x1FE60];
	_ =	sdelay $0x7  }
0x152: {  	v14 =	vld.idx.msk [tilespmem:v0+s1+$0x0], $0xffff  }
0x153: {  	v0 =	vld [tilespmem:$0x1FE70];
	_ =	sdelay $0x7  }
0x154: {  	v15 =	vld.idx.msk [tilespmem:v0+s1+$0x0], $0xffff  }
0x155: {  	v0 =	vld [tilespmem:$0x1FE80];
	_ =	sdelay $0x7  }
0x156: {  	v16 =	vld.idx.msk [tilespmem:v0+s1+$0x0], $0xffff  }
0x157: {  	v0 =	vld [tilespmem:$0x1FE90];
	_ =	sdelay $0x7  }
0x158: {  	v19 =	vld.idx.msk [tilespmem:v0+s1+$0x0], $0xffff  }
0x159: {  	v0 =	vld [tilespmem:$0x1FEA0];
	_ =	sdelay $0x7  }
0x15a: {  	v22 =	vld.idx.msk [tilespmem:v0+s1+$0x0], $0xffff  }
0x15b: {  	v0 =	vld [tilespmem:$0x1FEB0];
	_ =	sdelay $0x7  }
0x15c: {  	v21 =	vld.idx.msk [tilespmem:v0+s1+$0x0], $0xffff  }
0x15d: {  	v0 =	vld [tilespmem:$0x1FEC0];
	_ =	sdelay $0x7  }
0x15e: {  	v24 =	vld.idx.msk [tilespmem:v0+s1+$0x0], $0xffff  }
0x15f: {  	v0 =	vld [tilespmem:$0x1FED0];
	_ =	sdelay $0x7  }
0x160: {  	v25 =	vld.idx.msk [tilespmem:v0+s1+$0x0], $0xffff  }
0x161: {  	v0 =	vld [tilespmem:$0x1FEE0];
	_ =	sdelay $0x7  }
0x162: {  	v0 =	vld.idx.msk [tilespmem:v0+s1+$0x0], $0xffff;
	_ =	sdelay $0x4  }
0x163: {  	[tilespmem:$0x1F860] =	vst v0;
	v0 =	vld [tilespmem:$0x1FEF0];
	_ =	sdelay $0x7  }
0x164: {  	v0 =	vld.idx.msk [tilespmem:v0+s1+$0x0], $0xffff;
	_ =	sdelay $0x4  }
0x165: {  	[tilespmem:$0x1F870] =	vst v0;
	v0 =	vld [tilespmem:$0x1FF00];
	_ =	sdelay $0x7  }
0x166: {  	v0 =	vld.idx.msk [tilespmem:v0+s1+$0x0], $0xffff;
	_ =	sdelay $0x4  }
0x167: {  	[tilespmem:$0x1F880] =	vst v0;
	v0 =	vld [tilespmem:$0x1FF10];
	_ =	sdelay $0x7  }
0x168: {  	v0 =	vld.idx.msk [tilespmem:v0+s1+$0x0], $0xffff;
	_ =	sdelay $0x4  }
0x169: {  	[tilespmem:$0x1F890] =	vst v0;
	v0 =	vld [tilespmem:$0x1FF20];
	_ =	sdelay $0x7  }
0x16a: {  	v0 =	vld.idx.msk [tilespmem:v0+s1+$0x0], $0xffff;
	_ =	sdelay $0x4  }
0x16b: {  	[tilespmem:$0x1F8A0] =	vst v0;
	v0 =	vld [tilespmem:$0x1FF30];
	_ =	sdelay $0x7  }
0x16c: {  	v0 =	vld.idx.msk [tilespmem:v0+s1+$0x0], $0xffff;
	_ =	sdelay $0x4  }
0x16d: {  	[tilespmem:$0x1F8B0] =	vst v0;
	v0 =	vld [tilespmem:$0x1FF40];
	_ =	sdelay $0x7  }
0x16e: {  	v0 =	vld.idx.msk [tilespmem:v0+s1+$0x0], $0xffff;
	_ =	sdelay $0x4  }
0x16f: {  	[tilespmem:$0x1F8C0] =	vst v0;
	v0 =	vld [tilespmem:$0x1FF50];
	_ =	sdelay $0x7  }
0x170: {  	v0 =	vld.idx.msk [tilespmem:v0+s1+$0x0], $0xffff;
	_ =	sdelay $0x4  }
0x171: {  	[tilespmem:$0x1F8D0] =	vst v0;
	v0 =	vld [tilespmem:$0x1FF60];
	_ =	sdelay $0x7  }
0x172: {  	v0 =	vld.idx.msk [tilespmem:v0+s1+$0x0], $0xffff;
	_ =	sdelay $0x4  }
0x173: {  	[tilespmem:$0x1F940] =	vst v0;
	v0 =	vld [tilespmem:$0x1FF70];
	_ =	sdelay $0x7  }
0x174: {  	v0 =	vld.idx.msk [tilespmem:v0+s1+$0x0], $0xffff;
	_ =	sdelay $0x4  }
0x175: {  	[tilespmem:$0x1F950] =	vst v0;
	v0 =	vld [tilespmem:$0x1FF80];
	_ =	sdelay $0x7  }
0x176: {  	v0 =	vld.idx.msk [tilespmem:v0+s1+$0x0], $0xffff;
	_ =	sdelay $0x4  }
0x177: {  	[tilespmem:$0x1F9C0] =	vst v0;
	v0 =	vld [tilespmem:$0x1FF90];
	_ =	sdelay $0x7  }
0x178: {  	v0 =	vld.idx.msk [tilespmem:v0+s1+$0x0], $0xffff;
	_ =	sdelay $0x4  }
0x179: {  	[tilespmem:$0x1F9D0] =	vst v0;
	v0 =	vld [tilespmem:$0x33C0];
	_ =	sdelay $0x4  }
0x17a: {  	[tilespmem:$0x1FA50] =	vst v0;
	v0 =	vld [tilespmem:$0x1FFA0];
	_ =	sdelay $0x7  }
0x17b: {  	v0 =	vld.idx.msk [tilespmem:v0+s1+$0x0], $0xffff;
	_ =	sdelay $0x4  }
0x17c: {  	[tilespmem:$0x1FA40] =	vst v0;
	v0 =	vld [tilespmem:$0x1FFD0];
	_ =	sdelay $0x7  }
0x17d: {  	v0 =	vld.idx.msk [tilespmem:v0+s1+$0x0], $0xffff;
	_ =	sdelay $0x4  }
0x17e: {  	[tilespmem:$0x1FA60] =	vst v0;
	v0 =	vld [tilespmem:$0x2FC0];
	_ =	sdelay $0x3  }
0x17f: {  	v51 =	vld [tilespmem:$0x2F00]  }
0x180: {  	[tilespmem:$0x1FAE0] =	vst v0;
	v0 =	vld [tilespmem:$0x33D0]  }
0x181: {  	v49 =	vld [tilespmem:$0x3310]  }
0x182: {  	v18 =	vld [tilespmem:$0x2F10]  }
0x183: {  	v50 =	vld [tilespmem:$0x3320]  }
0x184: {  	v6 =	vld [tilespmem:$0x2F20]  }
0x185: {  	[tilespmem:$0x1FAD0] =	vst v0;
	v0 =	vld [tilespmem:$0x1FFE0]  }
0x186: {  	v20 =	vld [tilespmem:$0x3330]  }
0x187: {  	v23 =	vld [tilespmem:$0x2F30]  }
0x188: {  	v63 =	vld [tilespmem:$0x3340]  }
0x189: {  	v62 =	vld [tilespmem:$0x2F40]  }
0x18a: {  	v26 =	vld [tilespmem:$0x3350]  }
0x18b: {  	v29 =	vld [tilespmem:$0x2F50]  }
0x18c: {  	v60 =	vld [tilespmem:$0x3360]  }
0x18d: {  	v0 =	vld.idx.msk [tilespmem:v0+s1+$0x0], $0xffff  }
0x18e: {  	v9 =	vld [tilespmem:$0x2F60]  }
0x18f: {  	v30 =	vld [tilespmem:$0x3370]  }
0x190: {  	v11 =	vld [tilespmem:$0x2F70]  }
0x191: {  	v56 =	vld [tilespmem:$0x3380]  }
0x192: {  	[tilespmem:$0x1FB10] =	vst v0;
	v0 =	vld [tilespmem:$0x1FFF0]  }
0x193: {  	v34 =	vld [tilespmem:$0x2F80]  }
0x194: {  	v36 =	vld [tilespmem:$0x2F90]  }
0x195: {  	v35 =	vld [tilespmem:$0x33A0]  }
0x196: {  	v37 =	vld [tilespmem:$0x2FA0]  }
0x197: {  	v38 =	vld [tilespmem:$0x33B0]  }
0x198: {  	v39 =	vld [tilespmem:$0x2FB0]  }
0x199: {  	v12 =	vld [tilespmem:$0x3390]  }
0x19a: {  	v0 =	vld.idx.msk [tilespmem:v0+s1+$0x0], $0xffff;
	[tilespmem:v28+s16+$0x0] =	vst.idx.msk vm4, v2  }
0x19b: {  	[tilespmem:v31+s16+$0x0] =	vst.idx.msk vm4, v2  }
0x19c: {  	[tilespmem:v32+s16+$0x0] =	vst.idx.msk vm4, v2  }
0x19d: {  	[tilespmem:v33+s16+$0x0] =	vst.idx.msk vm4, v2  }
0x19e: {  	[tilespmem:v40+s16+$0x0] =	vst.idx.msk vm4, v2  }
0x19f: {  	[tilespmem:$0x1FB40] =	vst v0  }
0x1a0: {  	[tilespmem:v41+s17+$0x0] =	vst.idx.msk vm4, v2  }
0x1a1: {  	_ =	swait.ge [sflag:s19], $0x1700  }
0x1a2: {  	[sflag:s19] =	ssyncset.done $0x0  }
0x1a3: {  	[sflag:s19] =	ssyncadd.s32 $0xFFFFE900  }
0x1a4: {  	_ =	swait.ge [sflag:s20], $0x80  }
0x1a5: {  	[sflag:s20] =	ssyncset.done $0x0  }
0x1a6: {  	[sflag:s20] =	ssyncadd.s32 $0xFFFFFF80  }
0x1a7: {  	v33 =	vld.idx.msk [tilespmem:v7+s13+$0x0], $0xffff  }
0x1a8: {  	v40 =	vld.idx.msk [tilespmem:v42+s13+$0x0], $0xffff  }
0x1a9: {  	v42 =	vld.idx.msk [tilespmem:v5+s13+$0x0], $0xffff  }
0x1aa: {  	v43 =	vld.idx.msk [tilespmem:v8+s13+$0x0], $0xffff;
	_ =	sdelay $0x2  }
0x1ab: {  	v58 =	vadd.f32 v40, v33;
	_ =	sdelay $0x1  }
0x1ac: {  	v59 =	vadd.f32 v43, v42;
	v27 =	vmul.f32 $5.000000000e-01, v58;
	_ =	sdelay $0x1  }
0x1ad: {  	v28 =	vmul.f32 $5.000000000e-01, v59;
	v61 =	vmul.f32 $1.400000000e+01, v27;
	_ =	sdelay $0x1  }
0x1ae: {  	v8 =	vmul.f32 $1.400000000e+01, v28;
	v45 =	vtrunc.f32 v61  }
0x1af: {  	v28 =	vcvt.f32.s32 v45  }
0x1b0: {  	v46 =	vtrunc.f32 v8  }
0x1b1: {  	v32 =	vcvt.f32.s32 v46;
	v48 =	vmul.u32 $0xE, v28;
	_ =	sdelay $0x1  }
0x1b2: {  	v45 =	vadd.s32 v32, v48  }
0x1b3: {  	v41 =	vmul.u32 $0x1E, v45;
	_ =	sdelay $0x1  }
0x1b4: {  	v1 =	vor.u32 $0x1, v41  }
0x1b5: {  	v0 =	vadd.s32 $0x2, v41  }
0x1b6: {  	v3 =	vadd.s32 $0x3, v41  }
0x1b7: {  	v53 =	vadd.s32 $0x4, v41;
	_ =	sdelay $0x1  }
0x1b8: {  	v32 =	vcvt.s32.f32 v32;
	v44 =	vld.idx.msk [tilespmem:v1+s12+$0x0], $0xffff  }
0x1b9: {  	v27 =	vsub.f32 v43, v42;
	v28 =	vcvt.s32.f32 v28;
	[tilespmem:$0x1FDA0] =	vst v1;
	v46 =	vld.idx.msk [tilespmem:v0+s12+$0x0], $0xffff  }
0x1ba: {  	v32 =	vsub.f32 v8, v32;
	[tilespmem:$0x1FDB0] =	vst v0;
	v0 =	vld.idx.msk [tilespmem:v3+s12+$0x0], $0xffff  }
0x1bb: {  	v58 =	vmul.f32 $5.000000000e-01, v27;
	v31 =	vsub.f32 v61, v28;
	[tilespmem:$0x1FD60] =	vst v3;
	v3 =	vadd.s32 $0x6, v41;
	v1 =	vld.idx.msk [tilespmem:v53+s12+$0x0], $0xffff  }
0x1bc: {  	v28 =	vsub.f32 v40, v33;
	v7 =	vadd.s32 $0x7, v41;
	v61 =	vmul.f32 v32, v10  }
0x1bd: {  	v4 =	vmul.f32 v31, v10;
	[tilespmem:$0x1FD80] =	vst v53;
	v53 =	vadd.s32 $0x8, v41  }
0x1be: {  	v55 =	vmul.f32 $5.000000000e-01, v28;
	v8 =	vadd.s32 $0x9, v41;
	v48 =	vsub.f32 v61, v58  }
0x1bf: {  	v58 =	vadd.f32 v61, v58;
	v44 =	vmul.f32 v44, v10;
	v0 =	vmul.f32 $5.000000000e-01, v0  }
0x1c0: {  	v61 =	vsub.f32 v4, v55;
	[tilespmem:$0x1FDC0] =	vst v3;
	v3 =	vld.idx.msk [tilespmem:v3+s12+$0x0], $0xffff;
	v5 =	vmul.f32 v46, v10;
	v1 =	vmul.f32 $5.000000000e-01, v1  }
0x1c1: {  	v4 =	vadd.f32 v4, v55;
	v46 =	vld.idx.msk [tilespmem:v7+s12+$0x0], $0xffff;
	v55 =	vsub.f32 v44, v0  }
0x1c2: {  	v0 =	vadd.f32 v0, v44;
	v44 =	vld.idx.msk [tilespmem:v53+s12+$0x0], $0xffff;
	v57 =	vsub.f32 v5, v1  }
0x1c3: {  	[tilespmem:$0x1FDD0] =	vst v7;
	v1 =	vadd.f32 v1, v5;
	v5 =	vld.idx.msk [tilespmem:v8+s12+$0x0], $0xffff  }
0x1c4: {  	[tilespmem:$0x1FD70] =	vst v53;
	v59 =	vmax.f32 v55, v48;
	v53 =	vmax.f32 v57, v61;
	v7 =	vmin.f32 v0, v58  }
0x1c5: {  	[tilespmem:$0x1FD90] =	vst v8;
	v8 =	vmin.f32 v1, v4;
	v0 =	vsub.f32 v0, v55;
	v1 =	vsub.f32 v1, v57  }
0x1c6: {  	v7 =	vsub.f32 v7, v59;
	v8 =	vsub.f32 v8, v53;
	v3 =	vmul.f32 v3, v10  }
0x1c7: {  	v46 =	vmul.f32 v46, v10;
	v53 =	vsub.f32 v58, v48;
	v44 =	vmul.f32 $5.000000000e-01, v44  }
0x1c8: {  	v10 =	vsub.f32 v4, v61;
	v0 =	vmul.f32 v1, v0;
	v5 =	vmul.f32 $5.000000000e-01, v5  }
0x1c9: {  	v7 =	vmax.f32 v7, $0.0e+00;
	v59 =	vsub.f32 v3, v44;
	v3 =	vadd.f32 v44, v3  }
0x1ca: {  	v44 =	vmul.f32 v10, v53;
	v10 =	vsub.f32 v46, v5;
	v5 =	vadd.f32 v5, v46  }
0x1cb: {  	v57 =	vmax.f32 v59, v48;
	v58 =	vmin.f32 v3, v58;
	v3 =	vsub.f32 v3, v59  }
0x1cc: {  	v61 =	vmax.f32 v10, v61;
	v4 =	vmin.f32 v5, v4;
	v5 =	vsub.f32 v5, v10  }
0x1cd: {  	v8 =	vmax.f32 v8, $0.0e+00;
	v1 =	vsub.f32 v58, v57;
	v4 =	vsub.f32 v4, v61  }
0x1ce: {  	v7 =	vmul.f32 v8, v7;
	v3 =	vmul.f32 v5, v3  }
0x1cf: {  	v0 =	vadd.f32 v44, v0;
	v1 =	vmax.f32 v1, $0.0e+00;
	v4 =	vmax.f32 v4, $0.0e+00  }
0x1d0: {  	v1 =	vmul.f32 v4, v1;
	v3 =	vadd.f32 v3, v44  }
0x1d1: {  	v0 =	vsub.f32 v0, v7  }
0x1d2: {  	v3 =	vsub.f32 v3, v1  }
0x1d3: {  	(erf) = vrcp.f32 v0  }
0x1d4: {  	(erf) = vrcp.f32 v3;
	v3 =	vld [tilespmem:$0x1FE20];
	_ =	sdelay $0x6  }
0x1d5: {  	v0 =	vadd.f32 v33, v42  }
0x1d6: {  	v3 =	vld.idx.msk [tilespmem:v3+s13+$0x0], $0xffff  }
0x1d7: {  	v0 =	vadd.f32 v43, v0;
	_ =	sdelay $0x1  }
0x1d8: {  	v0 =	vadd.f32 v40, v0  }
0x1d9: {  	v8 =	vpop (erf)  }
0x1da: {  	v10 =	vpop (erf);
	v0 =	vadd.f32 v3, v0  }
0x1db: {  	v4 =	vmul.f32 v8, v7;
	v1 =	vmul.f32 v10, v1  }
0x1dc: {  	vm3 =	vlt.f32 v0, $0.0e+00;
	vm5 =	vgt.f32 v0, $0.0e+00  }
0x1dd: {  	vm6 =	vgt.f32 v1, v4;
	vm3 =	vmor vm5, vm3  }
0x1de: {  	v0 =	vsel vm6, $0x410, v52;
	vm7 =	vmand vm3, vm7  }
0x1df: {  	v1 =	vtrunc.f32 v3;
	v42 =	vadd.s32 v45, v0  }
0x1e0: {  	v55 =	vadd.s32 $0x1A0, v45;
	v1 =	vcvt.f32.s32 v1;
	v40 =	vadd.s32 $0xD0, v42  }
0x1e1: {  	v15 =	vsub.f32 v15, v50;
	v43 =	vadd.s32 v0, v55  }
0x1e2: {  	v53 =	vadd.s32 $0x340, v45;
	v1 =	vmul.u32 $0xD0, v1;
	v44 =	vadd.s32 $0x270, v42  }
0x1e3: {  	v7 =	vmul.f32 v15, v15;
	v46 =	vadd.s32 v0, v53  }
0x1e4: {  	v3 =	vsub.f32 v17, v49;
	v33 =	vadd.s32 v1, v45;
	[tilespmem:v42+s16+$0x0] =	vst.idx.msk vm7, v54  }
0x1e5: {  	v0 =	vsub.f32 v13, v51;
	v13 =	vsub.f32 v14, v18;
	[tilespmem:v40+s16+$0x0] =	vst.idx.msk vm7, v32  }
0x1e6: {  	v3 =	vmul.f32 v3, v3;
	v1 =	vadd.f32 v49, v51;
	[tilespmem:v43+s16+$0x0] =	vst.idx.msk vm7, v31  }
0x1e7: {  	vm5 =	vmand vm3, vm8;
	v0 =	vmul.f32 v0, v0;
	v4 =	vmul.f32 v13, v13;
	[tilespmem:v44+s16+$0x0] =	vst.idx.msk vm7, v27  }
0x1e8: {  	v17 =	vsub.f32 v19, v20;
	v14 =	vadd.f32 v50, v18;
	[tilespmem:v46+s16+$0x0] =	vst.idx.msk vm7, v28  }
0x1e9: {  	vm8 =	veq.f32 v1, $0.0e+00;
	v0 =	vadd.f32 v3, v0;
	v1 =	vadd.f32 v7, v4;
	[tilespmem:v33+s17+$0x0] =	vst.idx.msk vm7, v54  }
0x1ea: {  	v3 =	vsub.f32 v16, v6;
	v18 =	vsel vm8, $0x3F800000, v52;
	[tilespmem:v45+s18+$0x0] =	vst.idx.msk vm7, v47;
	vm7 =	veq.f32 v14, $0.0e+00  }
0x1eb: {  	v5 =	vmul.f32 v17, v17;
	v0 =	vmul.f32 v18, v0;
	v19 =	vsel vm7, $0x3F800000, v52  }
0x1ec: {  	v16 =	vadd.f32 v20, v6;
	v3 =	vmul.f32 v3, v3;
	v1 =	vmul.f32 v19, v1  }
0x1ed: {  	vm6 =	vmand vm3, vm0;
	v20 =	vsub.f32 v21, v63;
	[tilespmem:v42+s16+$0x0] =	vst.idx.msk vm5, v54  }
0x1ee: {  	vm7 =	veq.f32 v16, $0.0e+00;
	[tilespmem:v40+s16+$0x0] =	vst.idx.msk vm5, v32;
	v0 =	vadd.f32 v1, v0;
	v1 =	vadd.f32 v5, v3  }
0x1ef: {  	v21 =	vsel vm7, $0x3F800000, v52;
	[tilespmem:v43+s16+$0x0] =	vst.idx.msk vm5, v31;
	v3 =	vsub.f32 v22, v23  }
0x1f0: {  	v4 =	vmul.f32 v20, v20;
	[tilespmem:v44+s16+$0x0] =	vst.idx.msk vm5, v27;
	v1 =	vmul.f32 v21, v1  }
0x1f1: {  	v22 =	vadd.f32 v63, v23;
	[tilespmem:v46+s16+$0x0] =	vst.idx.msk vm5, v28;
	v3 =	vmul.f32 v3, v3  }
0x1f2: {  	v23 =	vsub.f32 v25, v26;
	[tilespmem:v33+s17+$0x0] =	vst.idx.msk vm5, v54;
	v0 =	vadd.f32 v1, v0  }
0x1f3: {  	vm7 =	veq.f32 v22, $0.0e+00;
	[tilespmem:v45+s18+$0x0] =	vst.idx.msk vm5, v47;
	v1 =	vadd.f32 v4, v3;
	v3 =	vsub.f32 v24, v62  }
0x1f4: {  	[tilespmem:v42+s16+$0x0] =	vst.idx.msk vm6, v54;
	v24 =	vsel vm7, $0x3F800000, v52;
	v4 =	vmul.f32 v23, v23  }
0x1f5: {  	v57 =	vld [tilespmem:$0x1F890];
	vm5 =	vmand vm3, vm9;
	[tilespmem:v40+s16+$0x0] =	vst.idx.msk vm6, v32;
	v1 =	vmul.f32 v24, v1;
	v3 =	vmul.f32 v3, v3  }
0x1f6: {  	[tilespmem:v43+s16+$0x0] =	vst.idx.msk vm6, v31  }
0x1f7: {  	[tilespmem:v44+s16+$0x0] =	vst.idx.msk vm6, v27;
	v0 =	vadd.f32 v1, v0;
	v1 =	vadd.f32 v4, v3;
	v3 =	vld [tilespmem:$0x1F860]  }
0x1f8: {  	v59 =	vld [tilespmem:$0x1F8A0];
	[tilespmem:v46+s16+$0x0] =	vst.idx.msk vm6, v28  }
0x1f9: {  	v61 =	vld [tilespmem:$0x1F8B0];
	v7 =	vadd.f32 v19, v18;
	[tilespmem:v33+s17+$0x0] =	vst.idx.msk vm6, v54  }
0x1fa: {  	v58 =	vsub.f32 v57, v30;
	v15 =	vld [tilespmem:$0x1F8C0];
	[tilespmem:v45+s18+$0x0] =	vst.idx.msk vm6, v47  }
0x1fb: {  	v5 =	vadd.f32 v21, v7;
	v25 =	vadd.f32 v26, v62;
	v21 =	vld [tilespmem:$0x1F900];
	[tilespmem:v42+s16+$0x0] =	vst.idx.msk vm5, v54  }
0x1fc: {  	v26 =	vadd.f32 v60, v29;
	vm6 =	vmand vm3, vm10;
	[tilespmem:v40+s16+$0x0] =	vst.idx.msk vm5, v32;
	v3 =	vsub.f32 v3, v29;
	v29 =	vld [tilespmem:$0x1F870]  }
0x1fd: {  	v16 =	vadd.f32 v12, v34;
	v22 =	vld [tilespmem:$0x1F910];
	[tilespmem:v43+s16+$0x0] =	vst.idx.msk vm5, v31  }
0x1fe: {  	v17 =	vld [tilespmem:$0x1F8D0];
	v7 =	vmul.f32 v58, v58;
	v63 =	vadd.f32 v56, v11;
	vm7 =	veq.f32 v25, $0.0e+00;
	[tilespmem:v44+s16+$0x0] =	vst.idx.msk vm5, v27  }
0x1ff: {  	v51 =	vld [tilespmem:$0x1F880];
	v62 =	vsub.f32 v61, v56;
	v5 =	vadd.f32 v24, v5;
	v8 =	vsel vm7, $0x3F800000, v52;
	[tilespmem:v46+s16+$0x0] =	vst.idx.msk vm5, v28  }
0x200: {  	v20 =	vld [tilespmem:$0x1F8F0];
	v61 =	vadd.f32 v38, v37;
	v1 =	vmul.f32 v8, v1;
	[tilespmem:v33+s17+$0x0] =	vst.idx.msk vm5, v54  }
0x201: {  	v19 =	vld [tilespmem:$0x1F8E0];
	vm7 =	veq.f32 v26, $0.0e+00;
	v5 =	vadd.f32 v8, v5;
	[tilespmem:v45+s18+$0x0] =	vst.idx.msk vm5, v47;
	v48 =	vsub.f32 v29, v60  }
0x202: {  	v26 =	vld [tilespmem:$0x1F920];
	v6 =	vsub.f32 v22, v21;
	v0 =	vadd.f32 v1, v0;
	v1 =	vsel vm7, $0x3F800000, v52;
	[tilespmem:v42+s16+$0x0] =	vst.idx.msk vm6, v54  }
0x203: {  	v21 =	vld [tilespmem:$0x1FA50];
	vm7 =	vmand vm3, vm11;
	v3 =	vmul.f32 v3, v3;
	[tilespmem:v40+s16+$0x0] =	vst.idx.msk vm6, v32;
	v49 =	vmul.f32 v48, v48  }
0x204: {  	v50 =	vadd.f32 v1, v5;
	v5 =	vsub.f32 v51, v9;
	v29 =	vld [tilespmem:$0x1F930];
	[tilespmem:v43+s16+$0x0] =	vst.idx.msk vm6, v31  }
0x205: {  	v58 =	vld [tilespmem:$0x1F9A0];
	v13 =	vmul.f32 v62, v62;
	[tilespmem:v44+s16+$0x0] =	vst.idx.msk vm6, v27;
	v3 =	vadd.f32 v49, v3  }
0x206: {  	v56 =	vld [tilespmem:$0x1F990];
	v25 =	vmul.f32 v6, v6;
	v5 =	vmul.f32 v5, v5;
	[tilespmem:v46+s16+$0x0] =	vst.idx.msk vm6, v28  }
0x207: {  	v48 =	vld [tilespmem:$0x1F960];
	[tilespmem:v33+s17+$0x0] =	vst.idx.msk vm6, v54;
	v1 =	vmul.f32 v1, v3;
	v3 =	vadd.f32 v30, v9  }
0x208: {  	v22 =	vadd.f32 v21, v39;
	v5 =	vadd.f32 v7, v5;
	v49 =	vld [tilespmem:$0x1F970];
	[tilespmem:v45+s18+$0x0] =	vst.idx.msk vm6, v47  }
0x209: {  	v62 =	vld [tilespmem:$0x1F9D0];
	v7 =	vsub.f32 v17, v12;
	v6 =	vsub.f32 v29, v26;
	[tilespmem:v42+s16+$0x0] =	vst.idx.msk vm7, v54;
	vm5 =	veq.f32 v3, $0.0e+00  }
0x20a: {  	v12 =	vld [tilespmem:$0x1F9F0];
	v60 =	vsub.f32 v59, v11;
	[tilespmem:v40+s16+$0x0] =	vst.idx.msk vm7, v32;
	v14 =	vsel vm5, $0x3F800000, v52;
	vm5 =	vmand vm3, vm12  }
0x20b: {  	v59 =	vld [tilespmem:$0x1F9B0];
	v18 =	vmul.f32 v7, v7;
	v6 =	vmul.f32 v6, v6;
	[tilespmem:v43+s16+$0x0] =	vst.idx.msk vm7, v31  }
0x20c: {  	vm6 =	veq.f32 v63, $0.0e+00;
	v63 =	vld [tilespmem:$0x1F9E0];
	v3 =	vmul.f32 v60, v60;
	v0 =	vadd.f32 v1, v0;
	[tilespmem:v44+s16+$0x0] =	vst.idx.msk vm7, v27  }
0x20d: {  	v30 =	vld [tilespmem:$0x1F940];
	v9 =	vsub.f32 v49, v48;
	v1 =	vmul.f32 v14, v5;
	[tilespmem:v46+s16+$0x0] =	vst.idx.msk vm7, v28  }
0x20e: {  	v60 =	vld [tilespmem:$0x1F9C0];
	v3 =	vadd.f32 v13, v3;
	v4 =	vadd.f32 v14, v50;
	[tilespmem:v33+s17+$0x0] =	vst.idx.msk vm7, v54  }
0x20f: {  	v49 =	vld [tilespmem:$0x1FAE0];
	v5 =	vsub.f32 v15, v34;
	v0 =	vadd.f32 v1, v0;
	v1 =	vsel vm6, $0x3F800000, v52;
	[tilespmem:v45+s18+$0x0] =	vst.idx.msk vm7, v47  }
0x210: {  	v48 =	vld [tilespmem:$0x1FE40];
	v51 =	vmul.f32 v9, v9;
	vm6 =	veq.f32 v16, $0.0e+00;
	v3 =	vmul.f32 v1, v3;
	[tilespmem:v42+s16+$0x0] =	vst.idx.msk vm5, v54  }
0x211: {  	v15 =	vld [tilespmem:$0x1FA00];
	v9 =	vsub.f32 v12, v63;
	v23 =	vsel vm6, $0x3F800000, v52;
	vm6 =	vmand vm3, vm13;
	[tilespmem:v40+s16+$0x0] =	vst.idx.msk vm5, v32  }
0x212: {  	v63 =	vld [tilespmem:$0x1FB70];
	v0 =	vadd.f32 v3, v0;
	v3 =	vmul.f32 v5, v5;
	[tilespmem:v43+s16+$0x0] =	vst.idx.msk vm5, v31  }
0x213: {  	v34 =	vadd.f32 v35, v36;
	v12 =	vld [tilespmem:$0x1FB80];
	v5 =	vsub.f32 v19, v20;
	[tilespmem:v44+s16+$0x0] =	vst.idx.msk vm5, v27  }
0x214: {  	v16 =	vld [tilespmem:$0x1FA10];
	v1 =	vadd.f32 v1, v4;
	v3 =	vadd.f32 v18, v3;
	[tilespmem:v46+s16+$0x0] =	vst.idx.msk vm5, v28  }
0x215: {  	v24 =	vmul.f32 v5, v5;
	v5 =	vsub.f32 v30, v36;
	v36 =	vld [tilespmem:$0x1F950];
	[tilespmem:v33+s17+$0x0] =	vst.idx.msk vm5, v54  }
0x216: {  	vm7 =	veq.f32 v34, $0.0e+00;
	v14 =	vmul.f32 v9, v9;
	v34 =	vld [tilespmem:$0x1FAA0];
	v3 =	vmul.f32 v23, v3;
	[tilespmem:v45+s18+$0x0] =	vst.idx.msk vm5, v47  }
0x217: {  	v1 =	vadd.f32 v23, v1;
	v4 =	vadd.f32 v25, v24;
	v24 =	vld [tilespmem:$0x1FA70];
	[tilespmem:v42+s16+$0x0] =	vst.idx.msk vm6, v54  }
0x218: {  	v57 =	vsel vm7, $0x3F800000, v52;
	vm5 =	vmand vm3, vm14;
	v0 =	vadd.f32 v3, v0;
	v3 =	vld [tilespmem:$0x1F980];
	[tilespmem:v40+s16+$0x0] =	vst.idx.msk vm6, v32  }
0x219: {  	v1 =	vadd.f32 v57, v1;
	v25 =	vld [tilespmem:$0x1FA80];
	v4 =	vadd.f32 v6, v4;
	[tilespmem:v43+s16+$0x0] =	vst.idx.msk vm6, v31  }
0x21a: {  	vm7 =	veq.f32 v61, $0.0e+00;
	v61 =	vld [tilespmem:$0x1FB50];
	v6 =	vsub.f32 v59, v58;
	v8 =	vsub.f32 v36, v35;
	[tilespmem:v44+s16+$0x0] =	vst.idx.msk vm6, v27  }
0x21b: {  	v5 =	vmul.f32 v5, v5;
	v23 =	vld [tilespmem:$0x1FA60];
	v4 =	vadd.f32 v51, v4;
	[tilespmem:v46+s16+$0x0] =	vst.idx.msk vm6, v28  }
0x21c: {  	v19 =	vld [tilespmem:$0x1FA30];
	v6 =	vmul.f32 v6, v6;
	v50 =	vmul.f32 v8, v8;
	[tilespmem:v33+s17+$0x0] =	vst.idx.msk vm6, v54  }
0x21d: {  	v20 =	vld [tilespmem:$0x1FA40];
	v8 =	vsub.f32 v62, v38;
	v3 =	vsub.f32 v56, v3;
	[tilespmem:v45+s18+$0x0] =	vst.idx.msk vm6, v47  }
0x21e: {  	v18 =	vld [tilespmem:$0x1FA20];
	v9 =	vsub.f32 v25, v24;
	v5 =	vadd.f32 v50, v5;
	[tilespmem:v42+s16+$0x0] =	vst.idx.msk vm5, v54  }
0x21f: {  	v30 =	vld [tilespmem:$0x1FA90];
	v13 =	vmul.f32 v8, v8;
	v3 =	vmul.f32 v3, v3;
	vm6 =	vmand vm3, vm15;
	[tilespmem:v40+s16+$0x0] =	vst.idx.msk vm5, v32  }
0x220: {  	v58 =	vld [tilespmem:$0x1FB30];
	v8 =	vsub.f32 v23, v21;
	v5 =	vmul.f32 v57, v5;
	[tilespmem:v43+s16+$0x0] =	vst.idx.msk vm5, v31  }
0x221: {  	v36 =	vld [tilespmem:$0x1FAB0];
	v29 =	vmul.f32 v9, v9;
	v3 =	vadd.f32 v3, v4;
	[tilespmem:v44+s16+$0x0] =	vst.idx.msk vm5, v27  }
0x222: {  	v51 =	vld [tilespmem:$0x1FB00];
	v4 =	vsub.f32 v60, v37;
	v0 =	vadd.f32 v5, v0;
	[tilespmem:v46+s16+$0x0] =	vst.idx.msk vm5, v28  }
0x223: {  	v62 =	vld [tilespmem:$0x1FB60];
	v5 =	vsub.f32 v16, v15;
	v3 =	vadd.f32 v6, v3;
	[tilespmem:v33+s17+$0x0] =	vst.idx.msk vm5, v54  }
0x224: {  	v24 =	vld [tilespmem:$0x1FBC0];
	v4 =	vmul.f32 v4, v4;
	v6 =	vsub.f32 v19, v18;
	[tilespmem:v45+s18+$0x0] =	vst.idx.msk vm5, v47  }
0x225: {  	v17 =	vsel vm7, $0x3F800000, v52;
	v25 =	vld [tilespmem:$0x1FC00];
	v5 =	vmul.f32 v5, v5;
	v3 =	vadd.f32 v14, v3;
	[tilespmem:v42+s16+$0x0] =	vst.idx.msk vm6, v54  }
0x226: {  	vm7 =	vmand vm3, vm1;
	v37 =	vld [tilespmem:$0x1FAC0];
	v4 =	vadd.f32 v13, v4;
	v6 =	vmul.f32 v6, v6;
	[tilespmem:v40+s16+$0x0] =	vst.idx.msk vm6, v32  }
0x227: {  	v56 =	vld [tilespmem:$0x1FB10];
	v3 =	vadd.f32 v5, v3;
	v5 =	vsub.f32 v20, v39;
	[tilespmem:v43+s16+$0x0] =	vst.idx.msk vm6, v31  }
0x228: {  	v26 =	vmul.f32 v8, v8;
	v57 =	vld [tilespmem:$0x1FB20];
	v4 =	vmul.f32 v17, v4;
	[tilespmem:v44+s16+$0x0] =	vst.idx.msk vm6, v27  }
0x229: {  	v60 =	vld [tilespmem:$0x1FB40];
	v3 =	vadd.f32 v6, v3;
	v5 =	vmul.f32 v5, v5;
	[tilespmem:v46+s16+$0x0] =	vst.idx.msk vm6, v28  }
0x22a: {  	v15 =	vld [tilespmem:$0x1FBB0];
	v0 =	vadd.f32 v4, v0;
	v4 =	vsub.f32 v34, v30;
	[tilespmem:v33+s17+$0x0] =	vst.idx.msk vm6, v54  }
0x22b: {  	v7 =	vsub.f32 v37, v36;
	v39 =	vld [tilespmem:$0x1FAD0];
	v5 =	vadd.f32 v26, v5;
	[tilespmem:v45+s18+$0x0] =	vst.idx.msk vm6, v47;
	vm6 =	veq.f32 v22, $0.0e+00  }
0x22c: {  	v13 =	vld [tilespmem:$0x1FB90];
	v3 =	vadd.f32 v29, v3;
	v4 =	vmul.f32 v4, v4;
	[tilespmem:v42+s16+$0x0] =	vst.idx.msk vm7, v54;
	v35 =	vsel vm6, $0x3F800000, v52  }
0x22d: {  	v1 =	vadd.f32 v17, v1;
	v14 =	vld [tilespmem:$0x1FBA0];
	vm5 =	vmand vm3, vm2;
	[tilespmem:v40+s16+$0x0] =	vst.idx.msk vm7, v32;
	v5 =	vmul.f32 v35, v5  }
0x22e: {  	v38 =	vmul.f32 v7, v7;
	v3 =	vadd.f32 v4, v3;
	v22 =	vld [tilespmem:$0x1FBD0];
	[tilespmem:v43+s16+$0x0] =	vst.idx.msk vm7, v31  }
0x22f: {  	v6 =	vsub.f32 v56, v49;
	[tilespmem:v44+s16+$0x0] =	vst.idx.msk vm7, v27;
	v5 =	vadd.f32 v5, v0;
	v0 =	vld [tilespmem:$0x1FAF0]  }
0x230: {  	v50 =	vadd.f32 v39, v49;
	v3 =	vadd.f32 v38, v3;
	v38 =	vld [tilespmem:$0x1FC10];
	[tilespmem:v46+s16+$0x0] =	vst.idx.msk vm7, v28  }
0x231: {  	v9 =	vsub.f32 v12, v63;
	v37 =	vld [tilespmem:$0x1FC30];
	v8 =	vsub.f32 v60, v39;
	[tilespmem:v33+s17+$0x0] =	vst.idx.msk vm7, v54  }
0x232: {  	v6 =	vmul.f32 v6, v6;
	v29 =	vld [tilespmem:$0x1FC20];
	v4 =	vsub.f32 v58, v57;
	vm6 =	veq.f32 v50, $0.0e+00;
	[tilespmem:v45+s18+$0x0] =	vst.idx.msk vm7, v47  }
0x233: {  	v34 =	vld [tilespmem:$0x1FC90];
	v8 =	vmul.f32 v8, v8;
	v1 =	vadd.f32 v35, v1;
	v59 =	vsel vm6, $0x3F800000, v52;
	[tilespmem:v42+s16+$0x0] =	vst.idx.msk vm5, v54  }
0x234: {  	v35 =	vld [tilespmem:$0x1FC50];
	v7 =	vmul.f32 v48, v59;
	v0 =	vsub.f32 v51, v0;
	[tilespmem:v40+s16+$0x0] =	vst.idx.msk vm5, v32  }
0x235: {  	vm0 =	vcmask $0x3330;
	v50 =	vld [tilespmem:$0x1FCB0];
	v19 =	vadd.f32 v25, v22;
	v20 =	vadd.f32 v38, v24;
	[tilespmem:v43+s16+$0x0] =	vst.idx.msk vm5, v31  }
0x236: {  	v56 =	vld [tilespmem:$0x1FC70];
	v16 =	vadd.f32 v24, v22;
	vm7 =	vmand vm3, vm0;
	v0 =	vmul.f32 v0, v0;
	[tilespmem:v44+s16+$0x0] =	vst.idx.msk vm5, v27  }
0x237: {  	v21 =	vadd.f32 v29, v19;
	v23 =	vadd.f32 v37, v20;
	v51 =	vld [tilespmem:$0x1FC60];
	[tilespmem:v46+s16+$0x0] =	vst.idx.msk vm5, v28  }
0x238: {  	v49 =	vld [tilespmem:$0x1FCC0];
	v0 =	vadd.f32 v0, v3;
	v3 =	vmul.f32 v4, v4;
	[tilespmem:v33+s17+$0x0] =	vst.idx.msk vm5, v54  }
0x239: {  	v18 =	vld [tilespmem:$0x1FBF0];
	vm0 =	vcmask $0x3734;
	v26 =	vadd.f32 v35, v23;
	v4 =	vsub.f32 v62, v61;
	[tilespmem:v45+s18+$0x0] =	vst.idx.msk vm5, v47  }
0x23a: {  	v36 =	vld [tilespmem:$0x1FCA0];
	vm5 =	veq.s32 v13, v47;
	v13 =	vmul.f32 v50, v34;
	v0 =	vadd.f32 v3, v0  }
0x23b: {  	v17 =	vld [tilespmem:$0x1FBE0];
	v3 =	vmul.f32 v4, v4;
	v4 =	vadd.f32 v7, v1;
	v1 =	vadd.f32 v8, v6  }
0x23c: {  	v30 =	vld [tilespmem:$0x1FC40];
	vm6 =	vmand vm3, vm0;
	[tilespmem:v42+s16+$0x0] =	vst.idx.msk vm7, v54;
	v6 =	vsub.f32 v15, v14;
	v8 =	vsub.f32 v56, v51  }
0x23d: {  	v51 =	vld [tilespmem:$0x1FC80];
	v14 =	vmul.f32 v49, v35;
	[tilespmem:v40+s16+$0x0] =	vst.idx.msk vm7, v32;
	v59 =	vshrl.u32 v13, $0x1;
	v15 =	vmul.f32 $5.000000000e-01, v13  }
0x23e: {  	v0 =	vadd.f32 v3, v0;
	v3 =	vmul.f32 v9, v9;
	v1 =	vmul.f32 v1, v7  }
0x23f: {  	[tilespmem:v43+s16+$0x0] =	vst.idx.msk vm7, v31;
	v7 =	vadd.f32 v36, v26;
	v10 =	vsub.s32 $0x5F3759DF, v59;
	v26 =	vmul.f32 v8, v8  }
0x240: {  	[tilespmem:v44+s16+$0x0] =	vst.idx.msk vm7, v27;
	v61 =	vmul.f32 v10, v15;
	v0 =	vadd.f32 v3, v0  }
0x241: {  	vm0 =	vcmask $0x3B38;
	v3 =	vmul.f32 v6, v6;
	v6 =	vsub.f32 v18, v17;
	[tilespmem:v46+s16+$0x0] =	vst.idx.msk vm7, v28  }
0x242: {  	v60 =	vshrl.u32 v14, $0x1;
	[tilespmem:v33+s17+$0x0] =	vst.idx.msk vm7, v54;
	v11 =	vmul.f32 v51, v30;
	v18 =	vmul.f32 v10, v61  }
0x243: {  	v17 =	vmul.f32 $5.000000000e-01, v14;
	v0 =	vadd.f32 v3, v0;
	v3 =	vmul.f32 v6, v6;
	[tilespmem:v45+s18+$0x0] =	vst.idx.msk vm7, v47  }
0x244: {  	vm7 =	veq.f32 v16, $1.000000000e+00;
	v6 =	vadd.f32 v30, v21;
	v16 =	vsub.s32 $0x5F3759DF, v60;
	[tilespmem:v42+s16+$0x0] =	vst.idx.msk vm6, v54  }
0x245: {  	v30 =	vadd.f32 v51, v30;
	vm7 =	vmand vm5, vm7;
	vm5 =	vmand vm3, vm0;
	[tilespmem:v40+s16+$0x0] =	vst.idx.msk vm6, v32  }
0x246: {  	v61 =	vld [tilespmem:$0x1FCF0];
	v57 =	vshrl.u32 v11, $0x1;
	v12 =	vmul.f32 $5.000000000e-01, v11;
	v62 =	vmul.f32 v16, v17;
	[tilespmem:v43+s16+$0x0] =	vst.idx.msk vm6, v31  }
0x247: {  	v60 =	vld [tilespmem:$0x1FCE0];
	v39 =	vsub.f32 $1.500000000e+00, v18;
	v6 =	vadd.f32 v34, v6;
	v9 =	vsub.s32 $0x5F3759DF, v57;
	[tilespmem:v44+s16+$0x0] =	vst.idx.msk vm6, v27  }
0x248: {  	v3 =	vadd.f32 v3, v0;
	vm4 =	vmand vm4, vm7;
	v58 =	vmul.f32 v9, v12;
	[tilespmem:v46+s16+$0x0] =	vst.idx.msk vm6, v28  }
0x249: {  	v0 =	vsel vm4, $0x3F800000, v52;
	v19 =	vmul.f32 v16, v62;
	vm4 =	vlt.f32 v6, $0.0e+00;
	[tilespmem:v33+s17+$0x0] =	vst.idx.msk vm6, v54  }
0x24a: {  	vm7 =	vgt.f32 v6, $0.0e+00;
	v6 =	vmul.f32 v9, v58;
	v58 =	vmul.f32 v10, v39;
	v39 =	vld [tilespmem:$0x1FD00];
	[tilespmem:v45+s18+$0x0] =	vst.idx.msk vm6, v47  }
0x24b: {  	vm0 =	vcmask $0x3F3C;
	vm4 =	vmor vm7, vm4;
	v56 =	vsub.f32 $1.500000000e+00, v19;
	[tilespmem:v42+s16+$0x0] =	vst.idx.msk vm5, v54  }
0x24c: {  	v10 =	vsub.f32 v61, v60;
	v63 =	vsel vm4, $0x3F800000, v52;
	vm4 =	vmand vm3, vm0;
	[tilespmem:v40+s16+$0x0] =	vst.idx.msk vm5, v32  }
0x24d: {  	vm7 =	vgt.f32 v7, $0.0e+00;
	v6 =	vsub.f32 $1.500000000e+00, v6;
	v59 =	vmul.f32 v16, v56;
	v56 =	vld [tilespmem:$0x1FD30];
	[tilespmem:v43+s16+$0x0] =	vst.idx.msk vm5, v31  }
0x24e: {  	v51 =	vld [tilespmem:$0x1FEC0];
	vm6 =	vlt.f32 v7, $0.0e+00;
	v16 =	vmul.f32 v0, v63;
	v63 =	vmul.f32 v10, v10;
	[tilespmem:v44+s16+$0x0] =	vst.idx.msk vm5, v27  }
0x24f: {  	v57 =	vld [tilespmem:$0x1FCD0];
	vm6 =	vmor vm7, vm6;
	v6 =	vmul.f32 v9, v6;
	v19 =	vmul.f32 v39, v36;
	[tilespmem:v46+s16+$0x0] =	vst.idx.msk vm5, v28  }
0x250: {  	v60 =	vld [tilespmem:$0x1FD50];
	v9 =	vadd.f32 v1, v5;
	v1 =	vadd.f32 v26, v3;
	v62 =	vsel vm6, $0x3F800000, v52;
	[tilespmem:v33+s17+$0x0] =	vst.idx.msk vm5, v54  }
0x251: {  	v10 =	vmul.f32 v62, v0;
	v62 =	vld [tilespmem:$0x1FE60];
	v26 =	vshrl.u32 v19, $0x1;
	v21 =	vmul.f32 $5.000000000e-01, v19;
	[tilespmem:v45+s18+$0x0] =	vst.idx.msk vm5, v47  }
0x252: {  	v20 =	vsub.f32 v56, v29;
	v56 =	vld [tilespmem:$0x1FED0];
	v18 =	vsub.s32 $0x5F3759DF, v26;
	[tilespmem:v42+s16+$0x0] =	vst.idx.msk vm4, v54  }
0x253: {  	v42 =	vld [tilespmem:$0x1FD10];
	[tilespmem:v40+s16+$0x0] =	vst.idx.msk vm4, v32;
	v40 =	vmul.f32 v18, v21  }
0x254: {  	[tilespmem:v43+s16+$0x0] =	vst.idx.msk vm4, v31;
	v43 =	vld [tilespmem:$0x1FD20]  }
0x255: {  	v3 =	vmul.f32 v6, v12;
	[tilespmem:v44+s16+$0x0] =	vst.idx.msk vm4, v27;
	v23 =	vmul.f32 v18, v40;
	v40 =	vld [tilespmem:$0x1FE90]  }
0x256: {  	[tilespmem:v46+s16+$0x0] =	vst.idx.msk vm4, v28;
	v46 =	vld [tilespmem:$0x1FFC0]  }
0x257: {  	v3 =	vmul.f32 v3, v6;
	v28 =	vsub.f32 v60, v37;
	v37 =	vld [tilespmem:$0x1FE80];
	[tilespmem:v33+s17+$0x0] =	vst.idx.msk vm4, v54  }
0x258: {  	v60 =	vld [tilespmem:$0x1FEE0];
	[tilespmem:v45+s18+$0x0] =	vst.idx.msk vm4, v47  }
0x259: {  	v3 =	vsub.f32 $1.500000000e+00, v3;
	v31 =	vmul.f32 v58, v15;
	v26 =	vld [tilespmem:$0x2F00]  }
0x25a: {  	v27 =	vld [tilespmem:$0x3310]  }
0x25b: {  	v3 =	vmul.f32 v3, v6;
	v6 =	vmul.f32 v31, v58;
	v29 =	vld [tilespmem:$0x2F10]  }
0x25c: {  	v5 =	vsub.f32 v57, v22;
	v32 =	vmul.f32 v59, v17;
	v31 =	vld.idx.msk [tilespmem:v62+s12+$0x0], $0xffff  }
0x25d: {  	v12 =	vmul.f32 v3, v12;
	v23 =	vsub.f32 $1.500000000e+00, v23;
	v6 =	vsub.f32 $1.500000000e+00, v6;
	v33 =	vld [tilespmem:$0x2F20]  }
0x25e: {  	v22 =	vmul.f32 v32, v59;
	v25 =	vsub.f32 v43, v25;
	v43 =	vadd.f32 v49, v35;
	v35 =	vld [tilespmem:$0x2F40]  }
0x25f: {  	v12 =	vmul.f32 v12, v3;
	v44 =	vmul.f32 v18, v23;
	v62 =	vld [tilespmem:$0x1FEF0]  }
0x260: {  	v20 =	vmul.f32 v20, v20;
	v22 =	vsub.f32 $1.500000000e+00, v22;
	v7 =	vmul.f32 v6, v58;
	v58 =	vld [tilespmem:$0x1FE50]  }
0x261: {  	v12 =	vsub.f32 $1.500000000e+00, v12;
	v6 =	vadd.f32 v63, v1;
	v63 =	vld [tilespmem:$0x1FE70];
	v23 =	vmul.f32 v44, v21  }
0x262: {  	v1 =	vmul.f32 v22, v59;
	v59 =	vld [tilespmem:$0x1FD40];
	v25 =	vmul.f32 v25, v25  }
0x263: {  	v3 =	vmul.f32 v12, v3;
	v12 =	vld [tilespmem:$0x3320];
	v23 =	vmul.f32 v23, v44  }
0x264: {  	v57 =	vmul.f32 v7, v15;
	v20 =	vadd.f32 v20, v25;
	v25 =	vld [tilespmem:$0x3340]  }
0x265: {  	v17 =	vmul.f32 v1, v17;
	v18 =	vld.idx.msk [tilespmem:v46+s12+$0x0], $0xffff;
	v23 =	vsub.f32 $1.500000000e+00, v23  }
0x266: {  	v61 =	vmul.f32 v57, v7;
	v46 =	vld [tilespmem:$0x1FEB0]  }
0x267: {  	v17 =	vmul.f32 v17, v1;
	v8 =	vmul.f32 v23, v44;
	v44 =	vld [tilespmem:$0x1FEA0]  }
0x268: {  	v3 =	vmul.f32 v3, v11;
	v11 =	vsub.f32 $1.500000000e+00, v61;
	v15 =	vld.idx.msk [tilespmem:v58+s12+$0x0], $0xffff  }
0x269: {  	v22 =	vsub.f32 v59, v38;
	v17 =	vsub.f32 $1.500000000e+00, v17;
	v32 =	vld.idx.msk [tilespmem:v63+s12+$0x0], $0xffff  }
0x26a: {  	v28 =	vmul.f32 v28, v28;
	v3 =	vadd.f32 v3, v3;
	v7 =	vmul.f32 v11, v7;
	v11 =	vld [tilespmem:$0x3330]  }
0x26b: {  	v22 =	vmul.f32 v22, v22;
	v1 =	vmul.f32 v17, v1;
	v17 =	vld.idx.msk [tilespmem:v37+s12+$0x0], $0xffff  }
0x26c: {  	v24 =	vsub.f32 v42, v24;
	v30 =	vsub.f32 v30, v3;
	v37 =	vld [tilespmem:$0x1FF10]  }
0x26d: {  	v20 =	vmul.f32 v20, v16;
	v22 =	vadd.f32 v28, v22;
	v42 =	vmul.f32 v8, v21;
	v21 =	vld [tilespmem:$0x2F30]  }
0x26e: {  	v38 =	vadd.f32 v30, v50;
	v7 =	vmul.f32 v7, v13;
	v13 =	vld.idx.msk [tilespmem:v40+s12+$0x0], $0xffff;
	v1 =	vmul.f32 v1, v14  }
0x26f: {  	v14 =	vmul.f32 v42, v8;
	v22 =	vmul.f32 v22, v10;
	v42 =	vld [tilespmem:$0x1FF30]  }
0x270: {  	v23 =	vadd.f32 v38, v34;
	v34 =	vld [tilespmem:$0x1FF00]  }
0x271: {  	v28 =	vadd.f32 v22, v20;
	v20 =	vld.idx.msk [tilespmem:v56+s12+$0x0], $0xffff  }
0x272: {  	v57 =	vadd.f32 v27, v26;
	v22 =	vld [tilespmem:$0x2F50]  }
0x273: {  	v5 =	vmul.f32 v5, v5;
	v58 =	vsub.f32 v31, v29;
	v15 =	vsub.f32 v15, v27;
	v27 =	vld.idx.msk [tilespmem:v60+s12+$0x0], $0xffff  }
0x274: {  	v24 =	vmul.f32 v24, v24;
	v59 =	vsub.f32 v32, v12;
	v12 =	vadd.f32 v12, v29;
	v29 =	vld [tilespmem:$0x2F60]  }
0x275: {  	v7 =	vadd.f32 v7, v7;
	v32 =	vld [tilespmem:$0x3390]  }
0x276: {  	v5 =	vmul.f32 v5, v16;
	v24 =	vmul.f32 v24, v10;
	v1 =	vadd.f32 v1, v1;
	v60 =	vld [tilespmem:$0x1FF60]  }
0x277: {  	v7 =	vsub.f32 v23, v7;
	v23 =	vld.idx.msk [tilespmem:v46+s12+$0x0], $0xffff  }
0x278: {  	v49 =	vsub.f32 v43, v1;
	v1 =	vadd.f32 v24, v5;
	v5 =	vld [tilespmem:$0x3350]  }
0x279: {  	v14 =	vsub.f32 $1.500000000e+00, v14;
	v24 =	vld [tilespmem:$0x3360]  }
0x27a: {  	v30 =	vld.idx.msk [tilespmem:v44+s12+$0x0], $0xffff  }
0x27b: {  	v8 =	vmul.f32 v14, v8;
	v14 =	vld.idx.msk [tilespmem:v51+s12+$0x0], $0xffff  }
0x27c: {  	v18 =	vsub.f32 v18, v26;
	v17 =	vsub.f32 v17, v33;
	v51 =	vld [tilespmem:$0x1FF50]  }
0x27d: {  	v13 =	vsub.f32 v13, v11;
	v11 =	vadd.f32 v11, v33;
	v33 =	vld [tilespmem:$0x2F90]  }
0x27e: {  	v31 =	vld.idx.msk [tilespmem:v37+s12+$0x0], $0xffff  }
0x27f: {  	v18 =	vmul.f32 v18, v18;
	v50 =	vadd.f32 v49, v39;
	v39 =	vld [tilespmem:$0x1FF20]  }
0x280: {  	v15 =	vmul.f32 v15, v15;
	v26 =	vmul.f32 v59, v59;
	v49 =	vld [tilespmem:$0x1FF40]  }
0x281: {  	v37 =	vld [tilespmem:$0x1FF90];
	v8 =	vmul.f32 v8, v19;
	v19 =	vmul.f32 v58, v58  }
0x282: {  	vm4 =	veq.f32 v57, $0.0e+00;
	v15 =	vadd.f32 v15, v18;
	v18 =	vld.idx.msk [tilespmem:v62+s12+$0x0], $0xffff  }
0x283: {  	v61 =	vsel vm4, $0x3F800000, v52;
	v43 =	vadd.f32 v25, v21;
	v63 =	vadd.f32 v26, v19;
	v26 =	vld [tilespmem:$0x3380]  }
0x284: {  	v17 =	vmul.f32 v17, v17;
	v13 =	vmul.f32 v13, v13;
	v23 =	vsub.f32 v23, v25;
	v25 =	vld [tilespmem:$0x2F80]  }
0x285: {  	v4 =	vadd.f32 v61, v4;
	v15 =	vmul.f32 v61, v15;
	v61 =	vld [tilespmem:$0x1FF70]  }
0x286: {  	v3 =	vadd.f32 v10, v16;
	v40 =	vadd.f32 v13, v17;
	v17 =	vld [tilespmem:$0x2FC0]  }
0x287: {  	v7 =	vmul.f32 v7, v16;
	v16 =	vadd.f32 v50, v36;
	v8 =	vadd.f32 v8, v8;
	v19 =	vld.idx.msk [tilespmem:v34+s12+$0x0], $0xffff  }
0x288: {  	v34 =	vld [tilespmem:$0x2FA0]  }
0x289: {  	vm4 =	veq.f32 v12, $0.0e+00;
	v8 =	vsub.f32 v16, v8;
	v16 =	vld [tilespmem:$0x3370]  }
0x28a: {  	v36 =	vsel vm4, $0x3F800000, v52;
	v9 =	vadd.f32 v15, v9;
	v15 =	vld [tilespmem:$0x2F70]  }
0x28b: {  	v59 =	vsub.f32 v27, v22;
	v12 =	vmul.f32 v36, v63;
	v27 =	vld.idx.msk [tilespmem:v60+s12+$0x0], $0xffff  }
0x28c: {  	v20 =	vsub.f32 v20, v5;
	v44 =	vmul.f32 v23, v23;
	v23 =	vld [tilespmem:$0x1FF80]  }
0x28d: {  	v9 =	vadd.f32 v12, v9;
	v12 =	vld.idx.msk [tilespmem:v42+s12+$0x0], $0xffff  }
0x28e: {  	v50 =	vmul.f32 v20, v20;
	v20 =	vld.idx.msk [tilespmem:v51+s12+$0x0], $0xffff  }
0x28f: {  	v7 =	vadd.f32 $0.0e+00, v7;
	vm4 =	veq.f32 v11, $0.0e+00;
	v14 =	vsub.f32 v14, v35;
	v42 =	vld [tilespmem:$0x1FFA0]  }
0x290: {  	v4 =	vadd.f32 v36, v4;
	v46 =	vsel vm4, $0x3F800000, v52;
	vm4 =	veq.f32 v43, $0.0e+00;
	v51 =	vld [tilespmem:$0x1FFE0]  }
0x291: {  	v38 =	vsub.f32 v30, v21;
	v11 =	vmul.f32 v46, v40;
	v14 =	vmul.f32 v14, v14;
	v30 =	vld.idx.msk [tilespmem:v39+s12+$0x0], $0xffff  }
0x292: {  	v56 =	vsel vm4, $0x3F800000, v52;
	v4 =	vadd.f32 v46, v4;
	v8 =	vmul.f32 v8, v10;
	v13 =	vld.idx.msk [tilespmem:v49+s12+$0x0], $0xffff  }
0x293: {  	v10 =	vmul.f32 v38, v38;
	v57 =	vadd.f32 v50, v14;
	v14 =	vld [tilespmem:$0x33A0];
	v9 =	vadd.f32 v11, v9  }
0x294: {  	v11 =	vadd.f32 v56, v4;
	v4 =	vadd.f32 v8, v7;
	v8 =	vld [tilespmem:$0x33B0]  }
0x295: {  	v5 =	vadd.f32 v5, v35;
	v10 =	vadd.f32 v44, v10;
	v44 =	vld [tilespmem:$0x1FFD0]  }
0x296: {  	v35 =	vsub.f32 v19, v29;
	v19 =	vld [tilespmem:$0x33D0]  }
0x297: {  	v22 =	vadd.f32 v24, v22;
	vm4 =	veq.f32 v5, $0.0e+00;
	v36 =	vsub.f32 v31, v16;
	v31 =	vld.idx.msk [tilespmem:v37+s12+$0x0], $0xffff  }
0x298: {  	v18 =	vsub.f32 v18, v24;
	v16 =	vadd.f32 v16, v29;
	v29 =	vld [tilespmem:$0x2FB0];
	v10 =	vmul.f32 v56, v10  }
0x299: {  	v21 =	vmul.f32 v59, v59;
	v58 =	vsel vm4, $0x3F800000, v52;
	vm4 =	veq.f32 v22, $0.0e+00;
	v56 =	vld [tilespmem:$0x1FFF0]  }
0x29a: {  	v24 =	vsel vm4, $0x3F800000, v52;
	v18 =	vmul.f32 v18, v18;
	v9 =	vadd.f32 v10, v9;
	v10 =	vld.idx.msk [tilespmem:v61+s12+$0x0], $0xffff  }
0x29b: {  	v49 =	vadd.s32 $0xA, v41;
	v50 =	vadd.f32 v32, v25;
	v62 =	vadd.f32 v58, v11;
	v11 =	vld.idx.msk [tilespmem:v23+s12+$0x0], $0xffff  }
0x29c: {  	v5 =	vmul.f32 v58, v57;
	v63 =	vadd.f32 v18, v21;
	v57 =	vadd.s32 $0xB, v41;
	v23 =	vld [tilespmem:$0x33C0]  }
0x29d: {  	v40 =	vadd.f32 v26, v15;
	v38 =	vmul.f32 v35, v35;
	v35 =	vadd.s32 $0xD0, v45;
	v61 =	vld.idx.msk [tilespmem:v45+s17+$0x0], $0xffff  }
0x29e: {  	v37 =	vadd.s32 $0x680, v45;
	vm4 =	veq.f32 v16, $0.0e+00;
	v20 =	vsub.f32 v20, v32;
	v16 =	vld.idx.msk [tilespmem:v42+s12+$0x0], $0xffff  }
0x29f: {  	v43 =	vsel vm4, $0x3F800000, v52;
	vm4 =	veq.f32 v40, $0.0e+00;
	v13 =	vsub.f32 v13, v25;
	v21 =	vld.idx.msk [tilespmem:v51+s12+$0x0], $0xffff  }
0x2a0: {  	v40 =	vadd.s32 $0xC, v41;
	v5 =	vadd.f32 v5, v9;
	v9 =	vmul.f32 v24, v63;
	v63 =	vld.idx.msk [tilespmem:v49+s12+$0x0], $0xffff  }
0x2a1: {  	v39 =	vmul.f32 v36, v36;
	v12 =	vsub.f32 v12, v26;
	v32 =	vadd.s32 $0x270, v45;
	v25 =	vld.idx.msk [tilespmem:v57+s12+$0x0], $0xffff  }
0x2a2: {  	v15 =	vsub.f32 v30, v15;
	v60 =	vmul.f32 v20, v20;
	v59 =	vmul.f32 v13, v13;
	v42 =	vld.idx.msk [tilespmem:v35+s17+$0x0], $0xffff  }
0x2a3: {  	v7 =	vadd.f32 v24, v62;
	v18 =	vadd.f32 v39, v38;
	v12 =	vmul.f32 v12, v12;
	v24 =	vld.idx.msk [tilespmem:v44+s12+$0x0], $0xffff  }
0x2a4: {  	v46 =	vsel vm4, $0x3F800000, v52;
	v15 =	vmul.f32 v15, v15;
	v13 =	vadd.f32 v60, v59;
	v60 =	vld.idx.msk [tilespmem:v53+s17+$0x0], $0xffff  }
0x2a5: {  	vm4 =	veq.f32 v50, $0.0e+00;
	v18 =	vmul.f32 v43, v18;
	v5 =	vadd.f32 v9, v5;
	v50 =	vld.idx.msk [tilespmem:v40+s12+$0x0], $0xffff  }
0x2a6: {  	v62 =	vsub.f32 v27, v33;
	v51 =	vadd.s32 $0xE, v41;
	v12 =	vadd.f32 v12, v15;
	v22 =	vld.idx.msk [tilespmem:v56+s12+$0x0], $0xffff  }
0x2a7: {  	v7 =	vadd.f32 v43, v7;
	v43 =	vadd.s32 $0xD, v41;
	v5 =	vadd.f32 v18, v5;
	v18 =	vld.idx.msk [tilespmem:v45+s18+$0x0], $0xffff  }
0x2a8: {  	v57 =	vadd.s32 $0xF, v41;
	v10 =	vsub.f32 v10, v14;
	v58 =	vmul.f32 v46, v12;
	v12 =	vld.idx.msk [tilespmem:v45+s16+$0x0], $0xffff  }
0x2a9: {  	v20 =	vmul.f32 v62, v62;
	v7 =	vadd.f32 v46, v7;
	v15 =	vadd.s32 $0x4E0, v45;
	v46 =	vld.idx.msk [tilespmem:v55+s17+$0x0], $0xffff  }
0x2aa: {  	v44 =	vsel vm4, $0x3F800000, v52;
	v14 =	vadd.f32 v14, v33;
	v56 =	vld.idx.msk [tilespmem:v32+s17+$0x0], $0xffff;
	v10 =	vmul.f32 v10, v10  }
0x2ab: {  	v7 =	vadd.f32 v44, v7;
	v27 =	vsub.f32 v63, v61;
	v61 =	vadd.s32 $0x10, v41;
	v30 =	vld.idx.msk [tilespmem:v51+s12+$0x0], $0xffff  }
0x2ac: {  	vm4 =	veq.f32 v14, $0.0e+00;
	v14 =	vadd.s32 $0x5B0, v45;
	v36 =	vld.idx.msk [tilespmem:v43+s12+$0x0], $0xffff;
	v10 =	vadd.f32 v10, v20  }
0x2ad: {  	v11 =	vsub.f32 v11, v34;
	v13 =	vmul.f32 v44, v13;
	v49 =	vsel vm4, $0x3F800000, v52;
	v43 =	vld.idx.msk [tilespmem:v57+s12+$0x0], $0xffff  }
0x2ae: {  	v44 =	vadd.s32 $0x11, v41;
	v26 =	vadd.f32 v49, v7;
	v10 =	vmul.f32 v49, v10;
	v49 =	vld.idx.msk [tilespmem:v15+s17+$0x0], $0xffff  }
0x2af: {  	v5 =	vadd.f32 v58, v5;
	v20 =	vsub.f32 v50, v46;
	v46 =	vmul.f32 v11, v11;
	v11 =	vld.idx.msk [tilespmem:v55+s16+$0x0], $0xffff  }
0x2b0: {  	v62 =	vadd.f32 v8, v34;
	v33 =	vsub.f32 v25, v42;
	v51 =	vld.idx.msk [tilespmem:v61+s12+$0x0], $0xffff  }
0x2b1: {  	v8 =	vsub.f32 v31, v8;
	v5 =	vadd.f32 v13, v5;
	v57 =	vld.idx.msk [tilespmem:v14+s17+$0x0], $0xffff  }
0x2b2: {  	v58 =	vmul.f32 v27, v27;
	v13 =	vadd.s32 $0x410, v45;
	v59 =	vmul.f32 v33, v33;
	v61 =	vld.idx.msk [tilespmem:v37+s17+$0x0], $0xffff  }
0x2b3: {  	v8 =	vmul.f32 v8, v8;
	v25 =	vadd.f32 v10, v5;
	v10 =	vld.idx.msk [tilespmem:v35+s16+$0x0], $0xffff  }
0x2b4: {  	v55 =	vadd.s32 $0x12, v41;
	v5 =	vadd.f32 v59, v58;
	v42 =	vsub.f32 v36, v56;
	v58 =	vld.idx.msk [tilespmem:v44+s12+$0x0], $0xffff  }
0x2b5: {  	v20 =	vmul.f32 v20, v20;
	v56 =	vadd.f32 v23, v29;
	v29 =	vsub.f32 v16, v29;
	v16 =	vld.idx.msk [tilespmem:v37+s16+$0x0], $0xffff  }
0x2b6: {  	vm4 =	veq.f32 v62, $0.0e+00;
	v27 =	vadd.s32 $0x750, v45;
	v59 =	vadd.s32 $0x13, v41;
	v44 =	vld [tilespmem:$0x1FD80]  }
0x2b7: {  	v9 =	vsub.f32 v30, v60;
	v63 =	vld.idx.msk [tilespmem:v13+s17+$0x0], $0xffff;
	v5 =	vadd.f32 v20, v5;
	v50 =	vmul.f32 v42, v42  }
0x2b8: {  	v40 =	vsel vm4, $0x3F800000, v52;
	v8 =	vadd.f32 v8, v46;
	v20 =	vld.idx.msk [tilespmem:v13+s16+$0x0], $0xffff  }
0x2b9: {  	v9 =	vmul.f32 v9, v9;
	v13 =	vld.idx.msk [tilespmem:v53+s16+$0x0], $0xffff;
	v5 =	vadd.f32 v50, v5;
	v50 =	vadd.s32 $0x14, v41  }
0x2ba: {  	v62 =	vld.idx.msk [tilespmem:v55+s12+$0x0], $0xffff;
	v60 =	vsub.f32 v51, v49;
	v35 =	vsub.f32 v58, v57;
	v58 =	vadd.s32 $0x9C0, v45  }
0x2bb: {  	vm4 =	veq.f32 v56, $0.0e+00;
	v55 =	vadd.s32 $0x8F0, v45;
	v36 =	vld.idx.msk [tilespmem:v59+s12+$0x0], $0xffff;
	v59 =	vadd.s32 $0x16, v41  }
0x2bc: {  	v49 =	vld.idx.msk [tilespmem:v27+s17+$0x0], $0xffff;
	v5 =	vadd.f32 v9, v5;
	v9 =	vsel vm4, $0x3F800000, v52;
	v46 =	vmul.f32 v60, v60  }
0x2bd: {  	vm4 =	veq.s32 v18, v47;
	v18 =	vld.idx.msk [tilespmem:v32+s16+$0x0], $0xffff;
	v60 =	vadd.s32 $0xA90, v45;
	v7 =	vsub.f32 v43, v63  }
0x2be: {  	v6 =	vmul.f32 v0, v6;
	v38 =	vadd.f32 v19, v17;
	v63 =	vadd.s32 $0x820, v45;
	v34 =	vld.idx.msk [tilespmem:v50+s12+$0x0], $0xffff  }
0x2bf: {  	v21 =	vsub.f32 v21, v17;
	v56 =	vadd.s32 $0x15, v41;
	v7 =	vmul.f32 v7, v7;
	v32 =	vld.idx.msk [tilespmem:v58+s17+$0x0], $0xffff  }
0x2c0: {  	v51 =	vadd.f32 v20, v12;
	v31 =	vsub.f32 v62, v61;
	v61 =	vadd.s32 $0x17, v41;
	v50 =	vld.idx.msk [tilespmem:v59+s12+$0x0], $0xffff  }
0x2c1: {  	v33 =	vsub.f32 v36, v49;
	v49 =	vadd.s32 $0x18, v41;
	v5 =	vadd.f32 v7, v5;
	v7 =	vld.idx.msk [tilespmem:v55+s17+$0x0], $0xffff  }
0x2c2: {  	v19 =	vsub.f32 v22, v19;
	v57 =	vadd.f32 v10, v12;
	v53 =	vld.idx.msk [tilespmem:v60+s17+$0x0], $0xffff;
	v55 =	vadd.s32 $0x19, v41  }
0x2c3: {  	v35 =	vmul.f32 v35, v35;
	vm5 =	veq.f32 v51, $1.000000000e+00;
	v51 =	vadd.s32 $0xC30, v45;
	v30 =	vld.idx.msk [tilespmem:v63+s17+$0x0], $0xffff  }
0x2c4: {  	v42 =	vadd.f32 v11, v57;
	v57 =	vadd.s32 $0x1A, v41;
	v63 =	vld.idx.msk [tilespmem:v56+s12+$0x0], $0xffff;
	v5 =	vadd.f32 v46, v5  }
0x2c5: {  	v17 =	vadd.f32 v40, v26;
	v23 =	vsub.f32 v24, v23;
	v29 =	vmul.f32 v29, v29;
	v37 =	vld.idx.msk [tilespmem:v61+s12+$0x0], $0xffff  }
0x2c6: {  	v31 =	vmul.f32 v31, v31;
	v46 =	vadd.s32 $0xB60, v45;
	v5 =	vadd.f32 v35, v5;
	v58 =	vld.idx.msk [tilespmem:v49+s12+$0x0], $0xffff  }
0x2c7: {  	v23 =	vmul.f32 v23, v23;
	v42 =	vadd.f32 v18, v42;
	v60 =	vadd.s32 $0xDD0, v45;
	v61 =	vld.idx.msk [tilespmem:v55+s12+$0x0], $0xffff  }
0x2c8: {  	v56 =	vadd.s32 $0xD00, v45;
	v59 =	vsub.f32 v50, v32;
	v5 =	vadd.f32 v31, v5;
	v31 =	vld.idx.msk [tilespmem:v51+s17+$0x0], $0xffff  }
0x2c9: {  	v62 =	vmul.f32 v33, v33;
	v42 =	vadd.f32 v13, v42;
	v49 =	vadd.s32 $0xEA0, v45;
	v51 =	vld.idx.msk [tilespmem:v57+s12+$0x0], $0xffff  }
0x2ca: {  	v7 =	vsub.f32 v63, v7;
	v63 =	vmul.f32 v59, v59;
	v57 =	vld [tilespmem:$0x1FD60];
	v59 =	vadd.s32 $0x1D, v41  }
0x2cb: {  	vm4 =	vmand vm4, vm5;
	v33 =	vld.idx.msk [tilespmem:v46+s17+$0x0], $0xffff;
	v5 =	vadd.f32 v62, v5;
	v62 =	vadd.s32 $0x1B, v41  }
0x2cc: {  	vm3 =	vmand vm3, vm4;
	vm4 =	vlt.f32 v42, $0.0e+00;
	vm5 =	vgt.f32 v42, $0.0e+00;
	v32 =	vld.idx.msk [tilespmem:v60+s17+$0x0], $0xffff  }
0x2cd: {  	vm4 =	vmor vm5, vm4;
	v30 =	vsub.f32 v34, v30;
	v46 =	vld.idx.msk [tilespmem:v56+s17+$0x0], $0xffff;
	v56 =	vadd.s32 $0xF70, v45  }
0x2ce: {  	vm5 =	veq.f32 v38, $0.0e+00;
	v55 =	vmul.f32 v40, v8;
	v60 =	vsub.f32 v61, v31;
	v61 =	vld.idx.msk [tilespmem:v49+s17+$0x0], $0xffff  }
0x2cf: {  	v39 =	vsel vm5, $0x3F800000, v52;
	v50 =	vsub.f32 v37, v53;
	v30 =	vmul.f32 v30, v30;
	v40 =	vld.idx.msk [tilespmem:v59+s12+$0x0], $0xffff  }
0x2d0: {  	v53 =	vadd.s32 $0x1C, v41;
	v7 =	vmul.f32 v7, v7;
	v24 =	vsub.f32 v58, v33;
	v58 =	vld.idx.msk [tilespmem:v62+s12+$0x0], $0xffff  }
0x2d1: {  	v5 =	vadd.f32 v30, v5;
	v62 =	vmul.f32 v19, v19;
	v19 =	vmul.f32 v48, v39;
	v39 =	vld [tilespmem:$0x1FD70]  }
0x2d2: {  	v23 =	vadd.f32 v23, v29;
	v8 =	vld.idx.msk [tilespmem:v56+s17+$0x0], $0xffff  }
0x2d3: {  	v6 =	vadd.f32 $0.0e+00, v6;
	v5 =	vadd.f32 v7, v5;
	v38 =	vld.idx.msk [tilespmem:v57+s12+$0x0], $0xffff  }
0x2d4: {  	v21 =	vmul.f32 v21, v21;
	v23 =	vmul.f32 v9, v23;
	v7 =	vadd.f32 v55, v25;
	v25 =	vld.idx.msk [tilespmem:v44+s12+$0x0], $0xffff  }
0x2d5: {  	v29 =	vmul.f32 v50, v50;
	v37 =	vsub.f32 v51, v46;
	v46 =	vld [tilespmem:$0x1FD90];
	v5 =	vadd.f32 v63, v5  }
0x2d6: {  	v36 =	vmul.f32 v60, v60;
	v24 =	vmul.f32 v24, v24;
	v63 =	vld.idx.msk [tilespmem:v53+s12+$0x0], $0xffff;
	v21 =	vadd.f32 v62, v21  }
0x2d7: {  	v26 =	vmul.f32 v37, v37;
	v7 =	vadd.f32 v23, v7;
	v5 =	vadd.f32 v29, v5  }
0x2d8: {  	v53 =	vadd.s32 $0x5, v41;
	v41 =	vld.idx.msk [tilespmem:v41+s12+$0x0], $0xffff;
	v21 =	vmul.f32 v21, v19;
	v29 =	vmul.f32 v38, v18  }
0x2d9: {  	v8 =	vsub.f32 v40, v8;
	v34 =	vmul.f32 v25, v13;
	v5 =	vadd.f32 v24, v5;
	v30 =	vld.idx.msk [tilespmem:v39+s12+$0x0], $0xffff  }
0x2da: {  	v22 =	vsub.f32 v58, v32;
	v42 =	vshrl.u32 v29, $0x1;
	v35 =	vmul.f32 $5.000000000e-01, v29  }
0x2db: {  	v45 =	vsub.f32 v63, v61;
	v8 =	vmul.f32 v8, v8;
	v43 =	vsub.s32 $0x5F3759DF, v42  }
0x2dc: {  	v56 =	vshrl.u32 v34, $0x1;
	v7 =	vadd.f32 v21, v7;
	v33 =	vmul.f32 v43, v35  }
0x2dd: {  	v27 =	vld.idx.msk [tilespmem:v27+s16+$0x0], $0xffff;
	v12 =	vsub.f32 v41, v12;
	v18 =	vadd.f32 v38, v18;
	v22 =	vmul.f32 v22, v22  }
0x2de: {  	v5 =	vadd.f32 v36, v5;
	v23 =	vld.idx.msk [tilespmem:v46+s12+$0x0], $0xffff;
	v48 =	vmul.f32 v43, v33;
	v33 =	vmul.f32 v30, v16  }
0x2df: {  	v37 =	vsub.s32 $0x5F3759DF, v56;
	v49 =	vmul.f32 v45, v45;
	v39 =	vmul.f32 $5.000000000e-01, v34  }
0x2e0: {  	v5 =	vadd.f32 v26, v5;
	v51 =	vshrl.u32 v33, $0x1;
	v31 =	vmul.f32 $5.000000000e-01, v33  }
0x2e1: {  	v12 =	vmul.f32 v12, v12;
	v50 =	vsub.f32 $1.500000000e+00, v48;
	v26 =	vsub.s32 $0x5F3759DF, v51  }
0x2e2: {  	v58 =	vmul.f32 v37, v39;
	v5 =	vadd.f32 v22, v5;
	v55 =	vmul.f32 v26, v31  }
0x2e3: {  	v36 =	vsel vm3, $0x3F800000, v52;
	v40 =	vmul.f32 v23, v27;
	v24 =	vmul.f32 v43, v50  }
0x2e4: {  	v60 =	vmul.f32 v37, v58;
	v5 =	vadd.f32 v49, v5;
	v32 =	vmul.f32 v26, v55  }
0x2e5: {  	v15 =	vld.idx.msk [tilespmem:v15+s16+$0x0], $0xffff;
	v59 =	vshrl.u32 v40, $0x1;
	v45 =	vmul.f32 $5.000000000e-01, v40;
	v57 =	vmul.f32 v24, v35  }
0x2e6: {  	v46 =	vld.idx.msk [tilespmem:v53+s12+$0x0], $0xffff;
	v44 =	vsub.s32 $0x5F3759DF, v59;
	v5 =	vadd.f32 v8, v5;
	v32 =	vsub.f32 $1.500000000e+00, v32  }
0x2e7: {  	v61 =	vmul.f32 v44, v45;
	v50 =	vsel vm4, $0x3F800000, v52;
	v42 =	vmul.f32 v57, v24  }
0x2e8: {  	v0 =	vadd.f32 v36, v0;
	v41 =	vmul.f32 v36, v50;
	v62 =	vmul.f32 v26, v32  }
0x2e9: {  	v14 =	vld.idx.msk [tilespmem:v14+s16+$0x0], $0xffff;
	v5 =	vmul.f32 v36, v5;
	v63 =	vsub.f32 $1.500000000e+00, v42;
	v42 =	vsub.f32 $1.500000000e+00, v60  }
0x2ea: {  	v49 =	vadd.f32 v15, v20;
	v43 =	vmul.f32 v44, v61;
	v48 =	vmul.f32 v62, v31  }
0x2eb: {  	v20 =	vsub.f32 v46, v20;
	v24 =	vmul.f32 v63, v24;
	v8 =	vmul.f32 v37, v42  }
0x2ec: {  	v12 =	vmul.f32 v12, v41;
	v22 =	vsub.f32 $1.500000000e+00, v43;
	v26 =	vmul.f32 v48, v62  }
0x2ed: {  	v5 =	vadd.f32 v5, v6;
	v57 =	vld [tilespmem:$0x1FDA0];
	v35 =	vmul.f32 v24, v35;
	v51 =	vmul.f32 v8, v39  }
0x2ee: {  	v22 =	vmul.f32 v44, v22;
	v37 =	vadd.f32 v14, v49;
	v26 =	vsub.f32 $1.500000000e+00, v26  }
0x2ef: {  	v59 =	vld [tilespmem:$0x1FDB0];
	v3 =	vadd.f32 v41, v3;
	v53 =	vmul.f32 v35, v24;
	v55 =	vmul.f32 v51, v8  }
0x2f0: {  	v61 =	vld [tilespmem:$0x1FDC0];
	v56 =	vmul.f32 v22, v45;
	v37 =	vadd.f32 v16, v37;
	v21 =	vmul.f32 v26, v62  }
0x2f1: {  	v32 =	vsub.f32 $1.500000000e+00, v53;
	v35 =	vsub.f32 $1.500000000e+00, v55  }
0x2f2: {  	v1 =	vadd.f32 v12, v1;
	v26 =	vmul.f32 v56, v22;
	v62 =	vld [tilespmem:$0x1FDD0];
	v31 =	vmul.f32 v21, v31  }
0x2f3: {  	v60 =	vadd.f32 v27, v37;
	v58 =	vmul.f32 v32, v24;
	v8 =	vmul.f32 v35, v8  }
0x2f4: {  	v16 =	vadd.f32 v30, v16;
	v26 =	vsub.f32 $1.500000000e+00, v26;
	v31 =	vmul.f32 v31, v21  }
0x2f5: {  	v42 =	vld.idx.msk [tilespmem:v57+s12+$0x0], $0xffff;
	vm3 =	vlt.f32 v60, $0.0e+00;
	v12 =	vmul.f32 v58, v29;
	v63 =	vmul.f32 v8, v39  }
0x2f6: {  	vm4 =	vgt.f32 v60, $0.0e+00;
	v22 =	vmul.f32 v26, v22;
	v39 =	vsub.f32 $1.500000000e+00, v31  }
0x2f7: {  	vm3 =	vmor vm4, vm3;
	v24 =	vld.idx.msk [tilespmem:v59+s12+$0x0], $0xffff;
	v12 =	vadd.f32 v12, v12;
	v43 =	vmul.f32 v63, v8  }
0x2f8: {  	v35 =	vld.idx.msk [tilespmem:v61+s12+$0x0], $0xffff;
	v51 =	vsel vm3, $0x3F800000, v52;
	v46 =	vmul.f32 v22, v45;
	v21 =	vmul.f32 v39, v21  }
0x2f9: {  	v57 =	vmul.f32 v51, v36;
	v12 =	vsub.f32 v18, v12;
	v44 =	vsub.f32 $1.500000000e+00, v43  }
0x2fa: {  	v10 =	vsub.f32 v42, v10;
	v29 =	vld.idx.msk [tilespmem:v62+s12+$0x0], $0xffff;
	v48 =	vmul.f32 v46, v22;
	v21 =	vmul.f32 v21, v33  }
0x2fb: {  	v58 =	vmul.f32 v20, v20;
	v12 =	vadd.f32 v12, v25;
	v8 =	vmul.f32 v44, v8  }
0x2fc: {  	v10 =	vmul.f32 v10, v10;
	v18 =	vsub.f32 $1.500000000e+00, v48;
	v21 =	vadd.f32 v21, v21  }
0x2fd: {  	v11 =	vsub.f32 v24, v11;
	v15 =	vsub.f32 v35, v15;
	v8 =	vmul.f32 v8, v34  }
0x2fe: {  	v12 =	vadd.f32 v12, v13;
	v50 =	vmul.f32 v18, v22;
	v16 =	vsub.f32 v16, v21  }
0x2ff: {  	v11 =	vmul.f32 v11, v11;
	v14 =	vsub.f32 v29, v14;
	v8 =	vadd.f32 v8, v8  }
0x300: {  	v15 =	vmul.f32 v15, v15;
	v55 =	vmul.f32 v50, v40;
	v16 =	vadd.f32 v16, v23  }
0x301: {  	v10 =	vadd.f32 v11, v10;
	v49 =	vmul.f32 v14, v14;
	v8 =	vsub.f32 v12, v8  }
0x302: {  	v59 =	vmul.f32 v58, v57;
	v13 =	vadd.f32 v55, v55;
	v56 =	vadd.f32 v16, v27  }
0x303: {  	v63 =	vadd.f32 v9, v17;
	[tilespmem:$0x4900] =	vst v7;
	v10 =	vmul.f32 v10, v41;
	v53 =	vadd.f32 v49, v15  }
0x304: {  	v1 =	vadd.f32 v59, v1;
	[tilespmem:$0x4910] =	vst v5;
	v8 =	vmul.f32 v8, v41;
	v12 =	vsub.f32 v56, v13  }
0x305: {  	v3 =	vadd.f32 v57, v3;
	[tilespmem:$0x4960] =	vst v0;
	v60 =	vadd.f32 v10, v28;
	v61 =	vmul.f32 v53, v57  }
0x306: {  	[tilespmem:$0x4920] =	vst v1;
	v1 =	vadd.f32 v19, v63;
	v4 =	vadd.f32 v8, v4;
	v62 =	vmul.f32 v12, v57  }
0x307: {  	[tilespmem:$0x4970] =	vst v3;
	v6 =	vadd.f32 v61, v60  }
0x308: {  	s23 =	sadd.s32 $0x1, s23;
	[tilespmem:$0x4950] =	vst v1;
	v4 =	vadd.f32 v62, v4  }
0x309: {  	p0 =	sne.s32 s23, s8;
	[tilespmem:$0x4930] =	vst v6  }
.Ltmp2:
0x30a: {  	[tilespmem:$0x4940] =	vst v4;
	(pc) =	sbr.rel @p0 .LBB2_1-.Ltmp2, $4  }
0x30b: {  	[hbm4b:s7+s1] =	stream.linear.scatter [tilespmem:s21], [sflag:$0x5], $0x80, $0x38;
	[tilespmem:$0x4980] =	vst v63  }
0x30c: {  	_ =	swait.ge [sflag:s22], $0x80  }
0x30d: {  	[sflag:s22] =	ssyncset.done $0x0  }
0x30e: {  	[sflag:s22] =	ssyncadd.s32 $0xFFFFFF80  }
0x30f: {  	_ =	sfence.sel $0x180000  }
0x310: {  	[bflag:$0x0] =	sbarrier.arrive $0xFFFF  }
0x311: {  	p0 =	sne.s32 s2, $0x0;
	_ =	strace $0x90000047  }
0x312: {  	s0 =	sadd.s32 @!p0 $0x100000, s0;
	[bflag:$0x2] =	sbarrier.arrive $0xFFFF  }
0x313: {  	[sflag:s0] =	ssyncadd.tile.s32 @!p0 $0x1;
	_ =	shalt  }
.Lfunc_end2:
_tile_overlayer_lowered:
.L_overlay_start_2:
0x314: {  	(tag) =	ssettag $0x2  }
0x315: {  	s0 =	rddreg [dreg:$0x0];
	s2 =	stileid.u32  }
0x316: {  	s1 =	rddreg [dreg:$0x1];
	p0 =	sne.s32 s2, $0x0  }
0x317: {  	s3 =	rddreg [dreg:$0x2];
	[bflag:$0x3] =	sbarrier.arrive $0xFFFF;
	s2 =	simm.s32 @!p0 $0x1C05  }
0x318: {  	[timem:s3], [sflag:s2] =	dma.local @!p0 [hbm:s0], s1  }
0x319: {  	s0 =	simm.s32 @!p0 $0x5  }
0x31a: {  	_ =	swait.ge @!p0 [sflag:s0], s1  }
0x31b: {  	s1 =	ssub.s32 @!p0 $0x0, s1;
	[sflag:s0] =	ssyncset.done @!p0 $0x0  }
0x31c: {  	[sflag:s0] =	ssyncadd.s32 @!p0 s1  }
0x31d: {  	[bflag:$0x3] =	sbarrier.arrive $0xFFFF  }
0x31e: {  	_ =	shalt  }

</sc_bundles>
